<compile_context>
chip_gen: v7x
topology: tpu7x:2x2x1
jax: 0.10.2.dev20260603
libtpu: 0.0.44.dev20260713+nightly
codegen_flags: <defaults>
</compile_context>

<pallas_src>
import functools

import jax
import jax.numpy as jnp
from jax import lax
from jax.experimental import pallas as pl
from jax.experimental.pallas import tpu as pltpu
from jax.experimental.pallas import tpu_sc as plsc

NUM_NODES = 1000000
MD = 100
TD = 100
RD = 16
B = 100000
E = 200000
W128 = 128
CH = 16
NCH = 7
NPLANES = 15
GB = 800
NGB = E // GB
LB = 10000
NLB = E // LB
SB = 1600
NSB = E // SB
BB = 1000
H3 = 3 * MD


def _p1_body(tab_hbm, lu1_hbm, src_hbm, dst_hbm, t_hbm,
             g_src, g_dst, new_last,
             idx_v, rows_v, lidx_v, lval_v, acc_lu, sem):
    cid = lax.axis_index("c")
    sid = lax.axis_index("s")
    wid = sid * 2 + cid

    @pl.when(sid == 0)
    def _lu():
        def init_step(i, _):
            pltpu.sync_copy(lu1_hbm.at[pl.ds(i * LB, LB)], lidx_v)
            pltpu.sync_copy(lidx_v, acc_lu.at[pl.ds(i * LB, LB)])
            return _
        lax.fori_loop(0, B // LB, init_step, 0)

        def one_dir(idx_hbm):
            def step(k, _):
                base = k * LB
                pltpu.sync_copy(idx_hbm.at[pl.ds(base, LB)], lidx_v)
                pltpu.sync_copy(t_hbm.at[pl.ds(base, LB)], lval_v)
                pltpu.sync_copy(lval_v, acc_lu.at[lidx_v])
                return _
            lax.fori_loop(0, NLB, step, 0)
        one_dir(src_hbm)
        one_dir(dst_hbm)
        half = B // 2

        def out_step(i, _):
            off = cid * half + i * LB
            pltpu.sync_copy(acc_lu.at[pl.ds(off, LB)], lidx_v)
            pltpu.sync_copy(lidx_v, new_last.at[pl.ds(off, LB)])
            return _
        lax.fori_loop(0, half // LB, out_step, 0)

    @pl.when(sid > 0)
    def _gather():
        w = wid - 2

        def step(j, _):
            k = w + 30 * j

            @pl.when(k < 2 * NGB)
            def _do():
                is_src = k < NGB
                base = jnp.where(is_src, k, k - NGB) * GB

                def run(idx_hbm, g_out):
                    pltpu.sync_copy(idx_hbm.at[pl.ds(base, GB)], idx_v)
                    pltpu.async_copy(tab_hbm.at[idx_v], rows_v, sem).wait()
                    pltpu.sync_copy(rows_v, g_out.at[pl.ds(base, GB)])

                @pl.when(is_src)
                def _s():
                    run(src_hbm, g_src)

                @pl.when(jnp.logical_not(is_src))
                def _d():
                    run(dst_hbm, g_dst)
            return _
        lax.fori_loop(0, (2 * NGB + 29) // 30, step, 0)


def _phase1(tab, lu1, src, dst, t):
    f = pl.kernel(
        _p1_body,
        out_type=(
            jax.ShapeDtypeStruct((E, W128), jnp.float32),
            jax.ShapeDtypeStruct((E, W128), jnp.float32),
            jax.ShapeDtypeStruct((B,), jnp.int32),
        ),
        mesh=plsc.VectorSubcoreMesh(core_axis_name="c", subcore_axis_name="s"),
        compiler_params=pltpu.CompilerParams(use_tc_tiling_on_sc=False),
        scratch_types=[
            pltpu.VMEM((GB,), jnp.int32),
            pltpu.VMEM((GB, W128), jnp.float32),
            pltpu.VMEM((LB,), jnp.int32),
            pltpu.VMEM((LB,), jnp.int32),
            pltpu.VMEM_SHARED((B,), jnp.int32),
            pltpu.SemaphoreType.DMA,
        ],
    )
    return f(tab, lu1, src, dst, t)


def _p2_body(t_ref, gs_ref, gd_ref, raw_ref, w_ref, b_ref,
             tsrc_ref, tdst_ref):
    ts = t_ref[...]
    w = w_ref[...]
    b = b_ref[...]
    be = raw_ref.shape[0]
    pad = jnp.zeros((be, W128 - TD - RD - 1), jnp.float32)
    one = jnp.ones((be, 1), jnp.float32)
    raw = raw_ref[...]
    for g_ref, out_ref in ((gs_ref, tsrc_ref), (gd_ref, tdst_ref)):
        lu = g_ref[:, MD:MD + 1]
        enc = (ts - lu) * w + b
        out_ref[...] = jnp.concatenate([enc, one, pad, raw], axis=1)


def _phase2(t_f, g_src, g_dst, raw, w_row, b_row):
    BE = 2000
    grid = E // BE
    return pl.pallas_call(
        _p2_body,
        grid=(grid,),
        in_specs=[
            pl.BlockSpec((BE, 1), lambda i: (i, 0)),
            pl.BlockSpec((BE, W128), lambda i: (i, 0)),
            pl.BlockSpec((BE, W128), lambda i: (i, 0)),
            pl.BlockSpec((BE, RD), lambda i: (i, 0)),
            pl.BlockSpec((1, TD), lambda i: (0, 0)),
            pl.BlockSpec((1, TD), lambda i: (0, 0)),
        ],
        out_specs=[
            pl.BlockSpec((BE, W128), lambda i: (i, 0)),
            pl.BlockSpec((BE, W128), lambda i: (i, 0)),
        ],
        out_shape=[
            jax.ShapeDtypeStruct((E, W128), jnp.float32),
            jax.ShapeDtypeStruct((E, W128), jnp.float32),
        ],
    )(t_f, g_src, g_dst, raw, w_row, b_row)


def _p3_body(g_src, g_dst, t_src, t_dst, src_hbm, dst_hbm, z_hbm,
             acc_out, idx_v, vals_v, acc, sem_i, sem_v):
    cid = lax.axis_index("c")
    sid = lax.axis_index("s")
    zrows = B // 16

    def scatter_batches(val_hbm, col, idx_hbm):
        def step(j, _):
            k = sid + 16 * j

            @pl.when(k < NSB)
            def _do():
                base = k * SB
                ci = pltpu.async_copy(idx_hbm.at[pl.ds(base, SB)], idx_v,
                                      sem_i)
                cv = pltpu.async_copy(
                    val_hbm.at[pl.ds(base, SB), pl.ds(col, CH)], vals_v,
                    sem_v)
                ci.wait()
                cv.wait()
                pltpu.sync_copy(vals_v, acc.at[idx_v], add=True)
            return _
        lax.fori_loop(0, (NSB + 15) // 16, step, 0)

    for p in range(NPLANES):
        @pl.when(cid == (p % 2))
        def _plane(p=p):
            pltpu.sync_copy(z_hbm, acc.at[pl.ds(sid * zrows, zrows)])
            plsc.subcore_barrier()
            if p < NCH:
                scatter_batches(g_dst, p * CH, src_hbm)
                scatter_batches(g_src, p * CH, dst_hbm)
            else:
                scatter_batches(t_src, (p - NCH) * CH, src_hbm)
                scatter_batches(t_dst, (p - NCH) * CH, dst_hbm)
            plsc.subcore_barrier()
            pltpu.sync_copy(acc.at[pl.ds(sid * zrows, zrows)],
                            acc_out.at[p, pl.ds(sid * zrows, zrows)])
            plsc.subcore_barrier()


def _phase3(g_src, g_dst, t_src, t_dst, src, dst, z):
    f = pl.kernel(
        _p3_body,
        out_type=jax.ShapeDtypeStruct((NPLANES, B, CH), jnp.float32),
        mesh=plsc.VectorSubcoreMesh(core_axis_name="c", subcore_axis_name="s"),
        compiler_params=pltpu.CompilerParams(use_tc_tiling_on_sc=False),
        scratch_types=[
            pltpu.VMEM((SB,), jnp.int32),
            pltpu.VMEM((SB, CH), jnp.float32),
            pltpu.VMEM_SHARED((B, CH), jnp.float32),
            pltpu.SemaphoreType.DMA,
            pltpu.SemaphoreType.DMA,
        ],
    )
    return f(g_src, g_dst, t_src, t_dst, src, dst, z)


def _p4_body(acc_ref, mem_ref, w1, w2, w3, w4, whh, bih, bhh, out_ref):
    other = jnp.concatenate(
        [acc_ref[c] for c in range(6)] + [acc_ref[6][:, :4]], axis=1)
    tenc = jnp.concatenate(
        [acc_ref[NCH + c] for c in range(6)] + [acc_ref[NCH + 6][:, :4]],
        axis=1)
    cnt = acc_ref[NCH + 6][:, 4:5]
    raw = acc_ref[NCH + 7]
    h = mem_ref[...]
    m = (cnt >= 0.5).astype(jnp.float32)
    inv = 1.0 / jnp.maximum(cnt, 1.0)

    dot = functools.partial(jnp.dot, preferred_element_type=jnp.float32)
    gi = (dot(h * m, w1[...])
          + (dot(other, w2[...]) + dot(raw, w3[...]) + dot(tenc, w4[...]))
          * inv) + bih[...]
    gh = dot(h, whh[...]) + bhh[...]
    r = jax.nn.sigmoid(gi[:, :MD] + gh[:, :MD])
    z = jax.nn.sigmoid(gi[:, MD:2 * MD] + gh[:, MD:2 * MD])
    n = jnp.tanh(gi[:, 2 * MD:] + r * gh[:, 2 * MD:])
    out_ref[...] = (1.0 - z) * n + z * h


def _phase4(acc, memory, w1, w2, w3, w4, whh, bih, bhh):
    grid = B // BB
    full = lambda shape: pl.BlockSpec(shape, lambda i: tuple(0 for _ in shape))
    return pl.pallas_call(
        _p4_body,
        grid=(grid,),
        in_specs=[
            pl.BlockSpec((NPLANES, BB, CH), lambda i: (0, i, 0)),
            pl.BlockSpec((BB, MD), lambda i: (i, 0)),
            full((MD, H3)), full((MD, H3)), full((RD, H3)), full((TD, H3)),
            full((MD, H3)), full((1, H3)), full((1, H3)),
        ],
        out_specs=pl.BlockSpec((BB, MD), lambda i: (i, 0)),
        out_shape=jax.ShapeDtypeStruct((B, MD), jnp.float32),
    )(acc, memory, w1, w2, w3, w4, whh, bih, bhh)


def kernel(n_id, src, dst, t, raw_msg, memory, last_update,
           lin_w, lin_b, W_ih, W_hh, b_ih, b_hh):
    lu1 = last_update[:B]
    tab = jnp.concatenate(
        [memory[:B], lu1.astype(jnp.float32)[:, None],
         jnp.zeros((B, W128 - MD - 1), jnp.float32)], axis=1)
    g_src, g_dst, new_last = _phase1(tab, lu1, src, dst, t)

    t_f = t.astype(jnp.float32).reshape(E, 1)
    w_row = lin_w.reshape(1, TD)
    b_row = lin_b.reshape(1, TD)
    t_src, t_dst = _phase2(t_f, g_src, g_dst, raw_msg, w_row, b_row)

    z = jnp.zeros((B // 16, CH), jnp.float32)
    acc = _phase3(g_src, g_dst, t_src, t_dst, src, dst, z)

    w1 = W_ih[:, :MD].T
    w2 = W_ih[:, MD:2 * MD].T
    w3 = W_ih[:, 2 * MD:2 * MD + RD].T
    w4 = W_ih[:, 2 * MD + RD:].T
    whh = W_hh.T
    new_mem = _phase4(acc, memory, w1, w2, w3, w4, whh,
                      b_ih.reshape(1, H3), b_hh.reshape(1, H3))
    return new_mem, new_last

# --- scband reference (transcript-rebuilt; emitter-appended) ---
"""Pipeline reference for scband-tgnmemory-30451318129194 (READ-ONLY COPY).

The authoritative reference and input builder live on the scoring server;
editing this copy changes nothing except your own understanding.
"""

import jax, jax.numpy as jnp
import numpy as np

NUM_NODES = 1000000
MEM_DIM = 100
TIME_DIM = 100
RAW_MSG_DIM = 16
N_ID = 100000
E = 200000
MSG_DIM = 2 * MEM_DIM + RAW_MSG_DIM + TIME_DIM  # IdentityMessage: [mem_src, mem_dst, raw_msg, t_enc]


def setup_inputs(seed: int = 0) -> dict:
    key = jax.random.key(seed)
    ks = jax.random.split(key, 12)
    inp = {}
    # forward args (int indices; n_id = arange so assoc[n_id] is identity and all event
    # endpoints < N_ID are guaranteed in-range, matching the torch assoc trick)
    inp['n_id'] = jnp.arange(N_ID, dtype=jnp.int32)
    inp['src'] = jax.random.randint(ks[0], (E,), 0, N_ID, dtype=jnp.int32)
    inp['dst'] = jax.random.randint(ks[1], (E,), 0, N_ID, dtype=jnp.int32)
    inp['t'] = jax.random.randint(ks[2], (E,), 0, 100000, dtype=jnp.int32)
    inp['raw_msg'] = jax.random.normal(ks[3], (E, RAW_MSG_DIM), dtype=jnp.float32)
    # state buffers
    inp['memory'] = jax.random.normal(ks[4], (NUM_NODES, MEM_DIM), dtype=jnp.float32) * 0.1
    inp['last_update'] = jax.random.randint(ks[5], (NUM_NODES,), 0, 50000, dtype=jnp.int32)
    # TimeEncoder params: Linear(1, time_dim)
    inp['lin_w'] = jax.random.normal(ks[6], (TIME_DIM, 1), dtype=jnp.float32)
    inp['lin_b'] = jax.random.normal(ks[7], (TIME_DIM,), dtype=jnp.float32)
    # GRUCell params (torch layout: [3*H, in], gate order r,z,n)
    s = 1.0 / np.sqrt(MEM_DIM)
    inp['W_ih'] = jax.random.uniform(ks[8], (3 * MEM_DIM, MSG_DIM), minval=-s, maxval=s, dtype=jnp.float32)
    inp['W_hh'] = jax.random.uniform(ks[9], (3 * MEM_DIM, MEM_DIM), minval=-s, maxval=s, dtype=jnp.float32)
    inp['b_ih'] = jax.random.uniform(ks[10], (3 * MEM_DIM,), minval=-s, maxval=s, dtype=jnp.float32)
    inp['b_hh'] = jax.random.uniform(ks[11], (3 * MEM_DIM,), minval=-s, maxval=s, dtype=jnp.float32)
    return inp


def reference(n_id, src, dst, t, raw_msg, memory, last_update, lin_w, lin_b, W_ih, W_hh, b_ih, b_hh):
    def time_enc(t_rel):
        # Linear(1, time_dim) then cos
        return jnp.cos(t_rel[:, None] * lin_w[:, 0][None, :] + lin_b[None, :])

    tf = t.astype(jnp.float32)
    # source-direction messages (IdentityMessage: concat)
    t_rel_s = tf - last_update[src].astype(jnp.float32)
    msg_s = jnp.concatenate([memory[src], memory[dst], raw_msg, time_enc(t_rel_s)], axis=1)
    # destination-direction messages (src/dst swapped)
    t_rel_d = tf - last_update[dst].astype(jnp.float32)
    msg_d = jnp.concatenate([memory[dst], memory[src], raw_msg, time_enc(t_rel_d)], axis=1)

    idx = jnp.concatenate([src, dst], axis=0)
    msg = jnp.concatenate([msg_s, msg_d], axis=0)
    t_cat = jnp.concatenate([t, t], axis=0)

    B = n_id.shape[0]
    # MeanAggregator via segment_sum (assoc[idx] == idx since n_id = arange(B))
    seg_sum = jax.ops.segment_sum(msg, idx, num_segments=B)
    cnt = jax.ops.segment_sum(jnp.ones((idx.shape[0],), jnp.float32), idx, num_segments=B)
    aggr = seg_sum / jnp.clip(cnt, 1.0)[:, None]

    # GRUCell update on gathered memory rows
    h = memory[n_id]
    gi = aggr @ W_ih.T + b_ih[None, :]
    gh = h @ W_hh.T + b_hh[None, :]
    i_r, i_z, i_n = jnp.split(gi, 3, axis=1)
    h_r, h_z, h_n = jnp.split(gh, 3, axis=1)
    r = jax.nn.sigmoid(i_r + h_r)
    z = jax.nn.sigmoid(i_z + h_z)
    n = jnp.tanh(i_n + r * h_n)
    new_mem = (1.0 - z) * n + z * h

    # last_update.scatter(0, idx, t)[n_id]
    new_last = last_update.at[idx].set(t_cat)[n_id]
    return new_mem, new_last

if __name__ == "__main__":
    import jax
    _d = setup_inputs()
    print(jax.jit(kernel)(*tuple(_d.values())))

</pallas_src>

<mosaic_0001>
#map = affine_map<(d0, d1) -> (0, 0)>
#map1 = affine_map<(d0, d1) -> (0)>
#map2 = affine_map<(d0, d1) -> (0, 0, 0)>
module attributes {stable_mosaic.version = 14 : i64} {
  func.func @_p3_body(%arg0: i32, %arg1: i32, %arg2: memref<200000x128xf32, #tpu.memory_space<hbm>>, %arg3: memref<200000x128xf32, #tpu.memory_space<hbm>>, %arg4: memref<200000x128xf32, #tpu.memory_space<hbm>>, %arg5: memref<200000x128xf32, #tpu.memory_space<hbm>>, %arg6: memref<200000xi32, #tpu.memory_space<hbm>>, %arg7: memref<200000xi32, #tpu.memory_space<hbm>>, %arg8: memref<6250x16xf32, #tpu.memory_space<hbm>>, %arg9: memref<15x100000x16xf32, #tpu.memory_space<hbm>>, %arg10: memref<1600xi32, #tpu.memory_space<vmem>>, %arg11: memref<1600x16xf32, #tpu.memory_space<vmem>>, %arg12: memref<100000x16xf32, #tpu.memory_space<vmem_shared>>, %arg13: memref<!tpu.dma_semaphore, #tpu.memory_space<semaphore_mem>>, %arg14: memref<!tpu.dma_semaphore, #tpu.memory_space<semaphore_mem>>) attributes {dimension_semantics = [#tpu.dimension_semantics<core_parallel>, #tpu.dimension_semantics<subcore_parallel>], iteration_bounds = array<i64: 2, 16>, scalar_prefetch = 0 : i64, scratch_operands = 5 : i64, tpu.core_type = #tpu.core_type<sc_vector_subcore>, window_params = [{transform_indices = #map}, {transform_indices = #map}, {transform_indices = #map}, {transform_indices = #map}, {transform_indices = #map1}, {transform_indices = #map1}, {transform_indices = #map}, {transform_indices = #map2}]} {
    %eq3A = arith.constant 0 : i32
    %eq3A_0 = arith.cmpi eq, %arg0, %eq3A : i32
    %convert_element_type3A = arith.extui %eq3A_0 : i1 to i32
    %cond3A = arith.constant 0 : i32
    %cond3A_1 = arith.cmpi ne, %convert_element_type3A, %cond3A : i32
    scf.if %cond3A_1 {
      %mul3A = arith.constant 6250 : i32
      %mul3A_72 = arith.muli %arg1, %mul3A : i32
      "tpu.region"() ({
        %run_scoped3A_90 = tpu.sem_alloc : memref<!tpu.dma_semaphore, #tpu.memory_space<semaphore_mem>>
        %dma_start3A = arith.constant 0 : i32
        %dma_start3A_91 = tpu.memref_slice %arg12[%mul3A_72, %dma_start3A] : memref<100000x16xf32, #tpu.memory_space<vmem_shared>> -> memref<6250x16xf32, #tpu.memory_space<vmem_shared>>
        tpu.enqueue_dma source(%arg8 : memref<6250x16xf32, #tpu.memory_space<hbm>>) target(%dma_start3A_91 : memref<6250x16xf32, #tpu.memory_space<vmem_shared>>) target_semaphore(%run_scoped3A_90 : memref<!tpu.dma_semaphore, #tpu.memory_space<semaphore_mem>>)
        %dma_wait3A = arith.constant 0 : i32
        %dma_wait3A_92 = tpu.memref_slice %arg12[%mul3A_72, %dma_wait3A] : memref<100000x16xf32, #tpu.memory_space<vmem_shared>> -> memref<6250x16xf32, #tpu.memory_space<vmem_shared>>
        tpu.wait_dma2 semaphore(%run_scoped3A_90 : memref<!tpu.dma_semaphore, #tpu.memory_space<semaphore_mem>>) src(%arg8 : memref<6250x16xf32, #tpu.memory_space<hbm>>) dst(%dma_wait3A_92 : memref<6250x16xf32, #tpu.memory_space<vmem_shared>>)
        tpu.yield
      }) : () -> ()
      %barrier3A = arith.constant 0 : index
      tpu.barrier barrier_id(%barrier3A)
      %scan3A = arith.constant 0 : i32
      %scan3A_73 = arith.constant 0 : i32
      %scan3A_74 = arith.constant 8 : i32
      %scan3A_75 = arith.addi %scan3A_73, %scan3A_74 : i32
      %scan3A_76 = arith.constant 1 : i32
      scf.for %scan3A_90 = %scan3A_73 to %scan3A_75 step %scan3A_76  : i32 {
        %mul3A_91 = arith.constant 16 : i32
        %mul3A_92 = arith.muli %mul3A_91, %scan3A_90 : i32
        %add3A = arith.addi %arg1, %mul3A_92 : i32
        %lt3A = arith.constant 125 : i32
        %lt3A_93 = arith.cmpi slt, %add3A, %lt3A : i32
        %convert_element_type3A_94 = arith.extui %lt3A_93 : i1 to i32
        %cond3A_95 = arith.constant 0 : i32
        %cond3A_96 = arith.cmpi ne, %convert_element_type3A_94, %cond3A_95 : i32
        scf.if %cond3A_96 {
          %mul3A_97 = arith.constant 1600 : i32
          %mul3A_98 = arith.muli %add3A, %mul3A_97 : i32
          %dma_start3A = tpu.memref_slice %arg6[%mul3A_98] : memref<200000xi32, #tpu.memory_space<hbm>> -> memref<1600xi32, #tpu.memory_space<hbm>>
          %dma_start3A_99 = tpu.memref_slice %arg6[%mul3A_98] : memref<200000xi32, #tpu.memory_space<hbm>> -> memref<1600xi32, #tpu.memory_space<hbm>>
          tpu.enqueue_dma source(%dma_start3A_99 : memref<1600xi32, #tpu.memory_space<hbm>>) target(%arg10 : memref<1600xi32, #tpu.memory_space<vmem>>) target_semaphore(%arg13 : memref<!tpu.dma_semaphore, #tpu.memory_space<semaphore_mem>>)
          %dma_start3A_100 = arith.constant 0 : i32
          %dma_start3A_101 = tpu.memref_slice %arg3[%mul3A_98, %dma_start3A_100] : memref<200000x128xf32, #tpu.memory_space<hbm>> -> memref<1600x16xf32, #tpu.memory_space<hbm>>
          %dma_start3A_102 = arith.constant 0 : i32
          %dma_start3A_103 = tpu.memref_slice %arg3[%mul3A_98, %dma_start3A_102] : memref<200000x128xf32, #tpu.memory_space<hbm>> -> memref<1600x16xf32, #tpu.memory_space<hbm>>
          tpu.enqueue_dma source(%dma_start3A_103 : memref<1600x16xf32, #tpu.memory_space<hbm>>) target(%arg11 : memref<1600x16xf32, #tpu.memory_space<vmem>>) target_semaphore(%arg14 : memref<!tpu.dma_semaphore, #tpu.memory_space<semaphore_mem>>)
          %dma_wait3A = tpu.memref_slice %arg6[%mul3A_98] : memref<200000xi32, #tpu.memory_space<hbm>> -> memref<1600xi32, #tpu.memory_space<hbm>>
          %dma_wait3A_104 = tpu.memref_slice %arg6[%mul3A_98] : memref<200000xi32, #tpu.memory_space<hbm>> -> memref<1600xi32, #tpu.memory_space<hbm>>
          tpu.wait_dma2 semaphore(%arg13 : memref<!tpu.dma_semaphore, #tpu.memory_space<semaphore_mem>>) src(%dma_wait3A_104 : memref<1600xi32, #tpu.memory_space<hbm>>) dst(%arg10 : memref<1600xi32, #tpu.memory_space<vmem>>)
          %dma_wait3A_105 = arith.constant 0 : i32
          %dma_wait3A_106 = tpu.memref_slice %arg3[%mul3A_98, %dma_wait3A_105] : memref<200000x128xf32, #tpu.memory_space<hbm>> -> memref<1600x16xf32, #tpu.memory_space<hbm>>
          %dma_wait3A_107 = arith.constant 0 : i32
          %dma_wait3A_108 = tpu.memref_slice %arg3[%mul3A_98, %dma_wait3A_107] : memref<200000x128xf32, #tpu.memory_space<hbm>> -> memref<1600x16xf32, #tpu.memory_space<hbm>>
          tpu.wait_dma2 semaphore(%arg14 : memref<!tpu.dma_semaphore, #tpu.memory_space<semaphore_mem>>) src(%dma_wait3A_108 : memref<1600x16xf32, #tpu.memory_space<hbm>>) dst(%arg11 : memref<1600x16xf32, #tpu.memory_space<vmem>>)
          "tpu.region"() ({
            %run_scoped3A_109 = tpu.sem_alloc : memref<!tpu.dma_semaphore, #tpu.memory_space<semaphore_mem>>
            %dma_start3A_110 = arith.constant 0 : i32
            %dma_start3A_111 = arith.constant 0 : i32
            %dma_start3A_112 = tpu.memref_slice %arg12[%dma_start3A_110, %dma_start3A_111] : memref<100000x16xf32, #tpu.memory_space<vmem_shared>> -> memref<100000x16xf32, #tpu.memory_space<vmem_shared>>
            tpu.enqueue_indirect_dma source(%arg11 : memref<1600x16xf32, #tpu.memory_space<vmem>>) target(%dma_start3A_112 : memref<100000x16xf32, #tpu.memory_space<vmem_shared>>) offsets(%arg10 : memref<1600xi32, #tpu.memory_space<vmem>>) semaphore(%run_scoped3A_109 : memref<!tpu.dma_semaphore, #tpu.memory_space<semaphore_mem>>) {add = true}
            %dma_wait3A_113 = arith.constant 0 : i32
            %dma_wait3A_114 = arith.constant 0 : i32
            %dma_wait3A_115 = tpu.memref_slice %arg12[%dma_wait3A_113, %dma_wait3A_114] : memref<100000x16xf32, #tpu.memory_space<vmem_shared>> -> memref<100000x16xf32, #tpu.memory_space<vmem_shared>>
            tpu.wait_indirect_dma semaphore(%run_scoped3A_109 : memref<!tpu.dma_semaphore, #tpu.memory_space<semaphore_mem>>) src(%arg11 : memref<1600x16xf32, #tpu.memory_space<vmem>>) dst(%dma_wait3A_115 : memref<100000x16xf32, #tpu.memory_space<vmem_shared>>)
            tpu.yield
          }) : () -> ()
        } else {
        }
      }
      %scan3A_77 = arith.constant 8 : i32
      %scan3A_78 = arith.constant 0 : i32
      %scan3A_79 = arith.constant 0 : i32
      %scan3A_80 = arith.constant 8 : i32
      %scan3A_81 = arith.addi %scan3A_79, %scan3A_80 : i32
      %scan3A_82 = arith.constant 1 : i32
      scf.for %scan3A_90 = %scan3A_79 to %scan3A_81 step %scan3A_82  : i32 {
        %mul3A_91 = arith.constant 16 : i32
        %mul3A_92 = arith.muli %mul3A_91, %scan3A_90 : i32
        %add3A = arith.addi %arg1, %mul3A_92 : i32
        %lt3A = arith.constant 125 : i32
        %lt3A_93 = arith.cmpi slt, %add3A, %lt3A : i32
        %convert_element_type3A_94 = arith.extui %lt3A_93 : i1 to i32
        %cond3A_95 = arith.constant 0 : i32
        %cond3A_96 = arith.cmpi ne, %convert_element_type3A_94, %cond3A_95 : i32
        scf.if %cond3A_96 {
          %mul3A_97 = arith.constant 1600 : i32
          %mul3A_98 = arith.muli %add3A, %mul3A_97 : i32
          %dma_start3A = tpu.memref_slice %arg7[%mul3A_98] : memref<200000xi32, #tpu.memory_space<hbm>> -> memref<1600xi32, #tpu.memory_space<hbm>>
          %dma_start3A_99 = tpu.memref_slice %arg7[%mul3A_98] : memref<200000xi32, #tpu.memory_space<hbm>> -> memref<1600xi32, #tpu.memory_space<hbm>>
          tpu.enqueue_dma source(%dma_start3A_99 : memref<1600xi32, #tpu.memory_space<hbm>>) target(%arg10 : memref<1600xi32, #tpu.memory_space<vmem>>) target_semaphore(%arg13 : memref<!tpu.dma_semaphore, #tpu.memory_space<semaphore_mem>>)
          %dma_start3A_100 = arith.constant 0 : i32
          %dma_start3A_101 = tpu.memref_slice %arg2[%mul3A_98, %dma_start3A_100] : memref<200000x128xf32, #tpu.memory_space<hbm>> -> memref<1600x16xf32, #tpu.memory_space<hbm>>
          %dma_start3A_102 = arith.constant 0 : i32
          %dma_start3A_103 = tpu.memref_slice %arg2[%mul3A_98, %dma_start3A_102] : memref<200000x128xf32, #tpu.memory_space<hbm>> -> memref<1600x16xf32, #tpu.memory_space<hbm>>
          tpu.enqueue_dma source(%dma_start3A_103 : memref<1600x16xf32, #tpu.memory_space<hbm>>) target(%arg11 : memref<1600x16xf32, #tpu.memory_space<vmem>>) target_semaphore(%arg14 : memref<!tpu.dma_semaphore, #tpu.memory_space<semaphore_mem>>)
          %dma_wait3A = tpu.memref_slice %arg7[%mul3A_98] : memref<200000xi32, #tpu.memory_space<hbm>> -> memref<1600xi32, #tpu.memory_space<hbm>>
          %dma_wait3A_104 = tpu.memref_slice %arg7[%mul3A_98] : memref<200000xi32, #tpu.memory_space<hbm>> -> memref<1600xi32, #tpu.memory_space<hbm>>
          tpu.wait_dma2 semaphore(%arg13 : memref<!tpu.dma_semaphore, #tpu.memory_space<semaphore_mem>>) src(%dma_wait3A_104 : memref<1600xi32, #tpu.memory_space<hbm>>) dst(%arg10 : memref<1600xi32, #tpu.memory_space<vmem>>)
          %dma_wait3A_105 = arith.constant 0 : i32
          %dma_wait3A_106 = tpu.memref_slice %arg2[%mul3A_98, %dma_wait3A_105] : memref<200000x128xf32, #tpu.memory_space<hbm>> -> memref<1600x16xf32, #tpu.memory_space<hbm>>
          %dma_wait3A_107 = arith.constant 0 : i32
          %dma_wait3A_108 = tpu.memref_slice %arg2[%mul3A_98, %dma_wait3A_107] : memref<200000x128xf32, #tpu.memory_space<hbm>> -> memref<1600x16xf32, #tpu.memory_space<hbm>>
          tpu.wait_dma2 semaphore(%arg14 : memref<!tpu.dma_semaphore, #tpu.memory_space<semaphore_mem>>) src(%dma_wait3A_108 : memref<1600x16xf32, #tpu.memory_space<hbm>>) dst(%arg11 : memref<1600x16xf32, #tpu.memory_space<vmem>>)
          "tpu.region"() ({
            %run_scoped3A_109 = tpu.sem_alloc : memref<!tpu.dma_semaphore, #tpu.memory_space<semaphore_mem>>
            %dma_start3A_110 = arith.constant 0 : i32
            %dma_start3A_111 = arith.constant 0 : i32
            %dma_start3A_112 = tpu.memref_slice %arg12[%dma_start3A_110, %dma_start3A_111] : memref<100000x16xf32, #tpu.memory_space<vmem_shared>> -> memref<100000x16xf32, #tpu.memory_space<vmem_shared>>
            tpu.enqueue_indirect_dma source(%arg11 : memref<1600x16xf32, #tpu.memory_space<vmem>>) target(%dma_start3A_112 : memref<100000x16xf32, #tpu.memory_space<vmem_shared>>) offsets(%arg10 : memref<1600xi32, #tpu.memory_space<vmem>>) semaphore(%run_scoped3A_109 : memref<!tpu.dma_semaphore, #tpu.memory_space<semaphore_mem>>) {add = true}
            %dma_wait3A_113 = arith.constant 0 : i32
            %dma_wait3A_114 = arith.constant 0 : i32
            %dma_wait3A_115 = tpu.memref_slice %arg12[%dma_wait3A_113, %dma_wait3A_114] : memref<100000x16xf32, #tpu.memory_space<vmem_shared>> -> memref<100000x16xf32, #tpu.memory_space<vmem_shared>>
            tpu.wait_indirect_dma semaphore(%run_scoped3A_109 : memref<!tpu.dma_semaphore, #tpu.memory_space<semaphore_mem>>) src(%arg11 : memref<1600x16xf32, #tpu.memory_space<vmem>>) dst(%dma_wait3A_115 : memref<100000x16xf32, #tpu.memory_space<vmem_shared>>)
            tpu.yield
          }) : () -> ()
        } else {
        }
      }
      %scan3A_83 = arith.constant 8 : i32
      %barrier3A_84 = arith.constant 0 : index
      tpu.barrier barrier_id(%barrier3A_84)
      %mul3A_85 = arith.constant 6250 : i32
      %mul3A_86 = arith.muli %arg1, %mul3A_85 : i32
      %mul3A_87 = arith.constant 6250 : i32
      %mul3A_88 = arith.muli %arg1, %mul3A_87 : i32
      %run_scoped3A = arith.constant 0 : i32
      "tpu.region"() ({
        %run_scoped3A_90 = tpu.sem_alloc : memref<!tpu.dma_semaphore, #tpu.memory_space<semaphore_mem>>
        %dma_start3A = arith.constant 0 : i32
        %dma_start3A_91 = tpu.memref_slice %arg9[%run_scoped3A, %mul3A_88, %dma_start3A] : memref<15x100000x16xf32, #tpu.memory_space<hbm>> -> memref<1x6250x16xf32, #tpu.memory_space<hbm>>
        %dma_start3A_92 = tpu.memref_squeeze %dma_start3A_91 : memref<1x6250x16xf32, #tpu.memory_space<hbm>> -> memref<6250x16xf32, #tpu.memory_space<hbm>>
        %dma_start3A_93 = arith.constant 0 : i32
        %dma_start3A_94 = tpu.memref_slice %arg12[%mul3A_86, %dma_start3A_93] : memref<100000x16xf32, #tpu.memory_space<vmem_shared>> -> memref<6250x16xf32, #tpu.memory_space<vmem_shared>>
        tpu.enqueue_dma source(%dma_start3A_94 : memref<6250x16xf32, #tpu.memory_space<vmem_shared>>) target(%dma_start3A_92 : memref<6250x16xf32, #tpu.memory_space<hbm>>) target_semaphore(%run_scoped3A_90 : memref<!tpu.dma_semaphore, #tpu.memory_space<semaphore_mem>>)
        %dma_wait3A = arith.constant 0 : i32
        %dma_wait3A_95 = tpu.memref_slice %arg9[%run_scoped3A, %mul3A_88, %dma_wait3A] : memref<15x100000x16xf32, #tpu.memory_space<hbm>> -> memref<1x6250x16xf32, #tpu.memory_space<hbm>>
        %dma_wait3A_96 = tpu.memref_squeeze %dma_wait3A_95 : memref<1x6250x16xf32, #tpu.memory_space<hbm>> -> memref<6250x16xf32, #tpu.memory_space<hbm>>
        %dma_wait3A_97 = arith.constant 0 : i32
        %dma_wait3A_98 = tpu.memref_slice %arg12[%mul3A_86, %dma_wait3A_97] : memref<100000x16xf32, #tpu.memory_space<vmem_shared>> -> memref<6250x16xf32, #tpu.memory_space<vmem_shared>>
        tpu.wait_dma2 semaphore(%run_scoped3A_90 : memref<!tpu.dma_semaphore, #tpu.memory_space<semaphore_mem>>) src(%dma_wait3A_98 : memref<6250x16xf32, #tpu.memory_space<vmem_shared>>) dst(%dma_wait3A_96 : memref<6250x16xf32, #tpu.memory_space<hbm>>)
        tpu.yield
      }) : () -> ()
      %barrier3A_89 = arith.constant 0 : index
      tpu.barrier barrier_id(%barrier3A_89)
    } else {
    }
    %eq3A_2 = arith.constant 1 : i32
    %eq3A_3 = arith.cmpi eq, %arg0, %eq3A_2 : i32
    %convert_element_type3A_4 = arith.extui %eq3A_3 : i1 to i32
    %cond3A_5 = arith.constant 0 : i32
    %cond3A_6 = arith.cmpi ne, %convert_element_type3A_4, %cond3A_5 : i32
    scf.if %cond3A_6 {
      %mul3A = arith.constant 6250 : i32
      %mul3A_72 = arith.muli %arg1, %mul3A : i32
      "tpu.region"() ({
        %run_scoped3A_90 = tpu.sem_alloc : memref<!tpu.dma_semaphore, #tpu.memory_space<semaphore_mem>>
        %dma_start3A = arith.constant 0 : i32
        %dma_start3A_91 = tpu.memref_slice %arg12[%mul3A_72, %dma_start3A] : memref<100000x16xf32, #tpu.memory_space<vmem_shared>> -> memref<6250x16xf32, #tpu.memory_space<vmem_shared>>
        tpu.enqueue_dma source(%arg8 : memref<6250x16xf32, #tpu.memory_space<hbm>>) target(%dma_start3A_91 : memref<6250x16xf32, #tpu.memory_space<vmem_shared>>) target_semaphore(%run_scoped3A_90 : memref<!tpu.dma_semaphore, #tpu.memory_space<semaphore_mem>>)
        %dma_wait3A = arith.constant 0 : i32
        %dma_wait3A_92 = tpu.memref_slice %arg12[%mul3A_72, %dma_wait3A] : memref<100000x16xf32, #tpu.memory_space<vmem_shared>> -> memref<6250x16xf32, #tpu.memory_space<vmem_shared>>
        tpu.wait_dma2 semaphore(%run_scoped3A_90 : memref<!tpu.dma_semaphore, #tpu.memory_space<semaphore_mem>>) src(%arg8 : memref<6250x16xf32, #tpu.memory_space<hbm>>) dst(%dma_wait3A_92 : memref<6250x16xf32, #tpu.memory_space<vmem_shared>>)
        tpu.yield
      }) : () -> ()
      %barrier3A = arith.constant 0 : index
      tpu.barrier barrier_id(%barrier3A)
      %scan3A = arith.constant 0 : i32
      %scan3A_73 = arith.constant 0 : i32
      %scan3A_74 = arith.constant 8 : i32
      %scan3A_75 = arith.addi %scan3A_73, %scan3A_74 : i32
      %scan3A_76 = arith.constant 1 : i32
      scf.for %scan3A_90 = %scan3A_73 to %scan3A_75 step %scan3A_76  : i32 {
        %mul3A_91 = arith.constant 16 : i32
        %mul3A_92 = arith.muli %mul3A_91, %scan3A_90 : i32
        %add3A = arith.addi %arg1, %mul3A_92 : i32
        %lt3A = arith.constant 125 : i32
        %lt3A_93 = arith.cmpi slt, %add3A, %lt3A : i32
        %convert_element_type3A_94 = arith.extui %lt3A_93 : i1 to i32
        %cond3A_95 = arith.constant 0 : i32
        %cond3A_96 = arith.cmpi ne, %convert_element_type3A_94, %cond3A_95 : i32
        scf.if %cond3A_96 {
          %mul3A_97 = arith.constant 1600 : i32
          %mul3A_98 = arith.muli %add3A, %mul3A_97 : i32
          %dma_start3A = tpu.memref_slice %arg6[%mul3A_98] : memref<200000xi32, #tpu.memory_space<hbm>> -> memref<1600xi32, #tpu.memory_space<hbm>>
          %dma_start3A_99 = tpu.memref_slice %arg6[%mul3A_98] : memref<200000xi32, #tpu.memory_space<hbm>> -> memref<1600xi32, #tpu.memory_space<hbm>>
          tpu.enqueue_dma source(%dma_start3A_99 : memref<1600xi32, #tpu.memory_space<hbm>>) target(%arg10 : memref<1600xi32, #tpu.memory_space<vmem>>) target_semaphore(%arg13 : memref<!tpu.dma_semaphore, #tpu.memory_space<semaphore_mem>>)
          %dma_start3A_100 = arith.constant 16 : i32
          %dma_start3A_101 = tpu.memref_slice %arg3[%mul3A_98, %dma_start3A_100] : memref<200000x128xf32, #tpu.memory_space<hbm>> -> memref<1600x16xf32, #tpu.memory_space<hbm>>
          %dma_start3A_102 = arith.constant 16 : i32
          %dma_start3A_103 = tpu.memref_slice %arg3[%mul3A_98, %dma_start3A_102] : memref<200000x128xf32, #tpu.memory_space<hbm>> -> memref<1600x16xf32, #tpu.memory_space<hbm>>
          tpu.enqueue_dma source(%dma_start3A_103 : memref<1600x16xf32, #tpu.memory_space<hbm>>) target(%arg11 : memref<1600x16xf32, #tpu.memory_space<vmem>>) target_semaphore(%arg14 : memref<!tpu.dma_semaphore, #tpu.memory_space<semaphore_mem>>)
          %dma_wait3A = tpu.memref_slice %arg6[%mul3A_98] : memref<200000xi32, #tpu.memory_space<hbm>> -> memref<1600xi32, #tpu.memory_space<hbm>>
          %dma_wait3A_104 = tpu.memref_slice %arg6[%mul3A_98] : memref<200000xi32, #tpu.memory_space<hbm>> -> memref<1600xi32, #tpu.memory_space<hbm>>
          tpu.wait_dma2 semaphore(%arg13 : memref<!tpu.dma_semaphore, #tpu.memory_space<semaphore_mem>>) src(%dma_wait3A_104 : memref<1600xi32, #tpu.memory_space<hbm>>) dst(%arg10 : memref<1600xi32, #tpu.memory_space<vmem>>)
          %dma_wait3A_105 = arith.constant 16 : i32
          %dma_wait3A_106 = tpu.memref_slice %arg3[%mul3A_98, %dma_wait3A_105] : memref<200000x128xf32, #tpu.memory_space<hbm>> -> memref<1600x16xf32, #tpu.memory_space<hbm>>
          %dma_wait3A_107 = arith.constant 16 : i32
          %dma_wait3A_108 = tpu.memref_slice %arg3[%mul3A_98, %dma_wait3A_107] : memref<200000x128xf32, #tpu.memory_space<hbm>> -> memref<1600x16xf32, #tpu.memory_space<hbm>>
          tpu.wait_dma2 semaphore(%arg14 : memref<!tpu.dma_semaphore, #tpu.memory_space<semaphore_mem>>) src(%dma_wait3A_108 : memref<1600x16xf32, #tpu.memory_space<hbm>>) dst(%arg11 : memref<1600x16xf32, #tpu.memory_space<vmem>>)
          "tpu.region"() ({
            %run_scoped3A_109 = tpu.sem_alloc : memref<!tpu.dma_semaphore, #tpu.memory_space<semaphore_mem>>
            %dma_start3A_110 = arith.constant 0 : i32
            %dma_start3A_111 = arith.constant 0 : i32
            %dma_start3A_112 = tpu.memref_slice %arg12[%dma_start3A_110, %dma_start3A_111] : memref<100000x16xf32, #tpu.memory_space<vmem_shared>> -> memref<100000x16xf32, #tpu.memory_space<vmem_shared>>
            tpu.enqueue_indirect_dma source(%arg11 : memref<1600x16xf32, #tpu.memory_space<vmem>>) target(%dma_start3A_112 : memref<100000x16xf32, #tpu.memory_space<vmem_shared>>) offsets(%arg10 : memref<1600xi32, #tpu.memory_space<vmem>>) semaphore(%run_scoped3A_109 : memref<!tpu.dma_semaphore, #tpu.memory_space<semaphore_mem>>) {add = true}
            %dma_wait3A_113 = arith.constant 0 : i32
            %dma_wait3A_114 = arith.constant 0 : i32
            %dma_wait3A_115 = tpu.memref_slice %arg12[%dma_wait3A_113, %dma_wait3A_114] : memref<100000x16xf32, #tpu.memory_space<vmem_shared>> -> memref<100000x16xf32, #tpu.memory_space<vmem_shared>>
            tpu.wait_indirect_dma semaphore(%run_scoped3A_109 : memref<!tpu.dma_semaphore, #tpu.memory_space<semaphore_mem>>) src(%arg11 : memref<1600x16xf32, #tpu.memory_space<vmem>>) dst(%dma_wait3A_115 : memref<100000x16xf32, #tpu.memory_space<vmem_shared>>)
            tpu.yield
          }) : () -> ()
        } else {
        }
      }
      %scan3A_77 = arith.constant 8 : i32
      %scan3A_78 = arith.constant 0 : i32
      %scan3A_79 = arith.constant 0 : i32
      %scan3A_80 = arith.constant 8 : i32
      %scan3A_81 = arith.addi %scan3A_79, %scan3A_80 : i32
      %scan3A_82 = arith.constant 1 : i32
      scf.for %scan3A_90 = %scan3A_79 to %scan3A_81 step %scan3A_82  : i32 {
        %mul3A_91 = arith.constant 16 : i32
        %mul3A_92 = arith.muli %mul3A_91, %scan3A_90 : i32
        %add3A = arith.addi %arg1, %mul3A_92 : i32
        %lt3A = arith.constant 125 : i32
        %lt3A_93 = arith.cmpi slt, %add3A, %lt3A : i32
        %convert_element_type3A_94 = arith.extui %lt3A_93 : i1 to i32
        %cond3A_95 = arith.constant 0 : i32
        %cond3A_96 = arith.cmpi ne, %convert_element_type3A_94, %cond3A_95 : i32
        scf.if %cond3A_96 {
          %mul3A_97 = arith.constant 1600 : i32
          %mul3A_98 = arith.muli %add3A, %mul3A_97 : i32
          %dma_start3A = tpu.memref_slice %arg7[%mul3A_98] : memref<200000xi32, #tpu.memory_space<hbm>> -> memref<1600xi32, #tpu.memory_space<hbm>>
          %dma_start3A_99 = tpu.memref_slice %arg7[%mul3A_98] : memref<200000xi32, #tpu.memory_space<hbm>> -> memref<1600xi32, #tpu.memory_space<hbm>>
          tpu.enqueue_dma source(%dma_start3A_99 : memref<1600xi32, #tpu.memory_space<hbm>>) target(%arg10 : memref<1600xi32, #tpu.memory_space<vmem>>) target_semaphore(%arg13 : memref<!tpu.dma_semaphore, #tpu.memory_space<semaphore_mem>>)
          %dma_start3A_100 = arith.constant 16 : i32
          %dma_start3A_101 = tpu.memref_slice %arg2[%mul3A_98, %dma_start3A_100] : memref<200000x128xf32, #tpu.memory_space<hbm>> -> memref<1600x16xf32, #tpu.memory_space<hbm>>
          %dma_start3A_102 = arith.constant 16 : i32
          %dma_start3A_103 = tpu.memref_slice %arg2[%mul3A_98, %dma_start3A_102] : memref<200000x128xf32, #tpu.memory_space<hbm>> -> memref<1600x16xf32, #tpu.memory_space<hbm>>
          tpu.enqueue_dma source(%dma_start3A_103 : memref<1600x16xf32, #tpu.memory_space<hbm>>) target(%arg11 : memref<1600x16xf32, #tpu.memory_space<vmem>>) target_semaphore(%arg14 : memref<!tpu.dma_semaphore, #tpu.memory_space<semaphore_mem>>)
          %dma_wait3A = tpu.memref_slice %arg7[%mul3A_98] : memref<200000xi32, #tpu.memory_space<hbm>> -> memref<1600xi32, #tpu.memory_space<hbm>>
          %dma_wait3A_104 = tpu.memref_slice %arg7[%mul3A_98] : memref<200000xi32, #tpu.memory_space<hbm>> -> memref<1600xi32, #tpu.memory_space<hbm>>
          tpu.wait_dma2 semaphore(%arg13 : memref<!tpu.dma_semaphore, #tpu.memory_space<semaphore_mem>>) src(%dma_wait3A_104 : memref<1600xi32, #tpu.memory_space<hbm>>) dst(%arg10 : memref<1600xi32, #tpu.memory_space<vmem>>)
          %dma_wait3A_105 = arith.constant 16 : i32
          %dma_wait3A_106 = tpu.memref_slice %arg2[%mul3A_98, %dma_wait3A_105] : memref<200000x128xf32, #tpu.memory_space<hbm>> -> memref<1600x16xf32, #tpu.memory_space<hbm>>
          %dma_wait3A_107 = arith.constant 16 : i32
          %dma_wait3A_108 = tpu.memref_slice %arg2[%mul3A_98, %dma_wait3A_107] : memref<200000x128xf32, #tpu.memory_space<hbm>> -> memref<1600x16xf32, #tpu.memory_space<hbm>>
          tpu.wait_dma2 semaphore(%arg14 : memref<!tpu.dma_semaphore, #tpu.memory_space<semaphore_mem>>) src(%dma_wait3A_108 : memref<1600x16xf32, #tpu.memory_space<hbm>>) dst(%arg11 : memref<1600x16xf32, #tpu.memory_space<vmem>>)
          "tpu.region"() ({
            %run_scoped3A_109 = tpu.sem_alloc : memref<!tpu.dma_semaphore, #tpu.memory_space<semaphore_mem>>
            %dma_start3A_110 = arith.constant 0 : i32
            %dma_start3A_111 = arith.constant 0 : i32
            %dma_start3A_112 = tpu.memref_slice %arg12[%dma_start3A_110, %dma_start3A_111] : memref<100000x16xf32, #tpu.memory_space<vmem_shared>> -> memref<100000x16xf32, #tpu.memory_space<vmem_shared>>
            tpu.enqueue_indirect_dma source(%arg11 : memref<1600x16xf32, #tpu.memory_space<vmem>>) target(%dma_start3A_112 : memref<100000x16xf32, #tpu.memory_space<vmem_shared>>) offsets(%arg10 : memref<1600xi32, #tpu.memory_space<vmem>>) semaphore(%run_scoped3A_109 : memref<!tpu.dma_semaphore, #tpu.memory_space<semaphore_mem>>) {add = true}
            %dma_wait3A_113 = arith.constant 0 : i32
            %dma_wait3A_114 = arith.constant 0 : i32
            %dma_wait3A_115 = tpu.memref_slice %arg12[%dma_wait3A_113, %dma_wait3A_114] : memref<100000x16xf32, #tpu.memory_space<vmem_shared>> -> memref<100000x16xf32, #tpu.memory_space<vmem_shared>>
            tpu.wait_indirect_dma semaphore(%run_scoped3A_109 : memref<!tpu.dma_semaphore, #tpu.memory_space<semaphore_mem>>) src(%arg11 : memref<1600x16xf32, #tpu.memory_space<vmem>>) dst(%dma_wait3A_115 : memref<100000x16xf32, #tpu.memory_space<vmem_shared>>)
            tpu.yield
          }) : () -> ()
        } else {
        }
      }
      %scan3A_83 = arith.constant 8 : i32
      %barrier3A_84 = arith.constant 0 : index
      tpu.barrier barrier_id(%barrier3A_84)
      %mul3A_85 = arith.constant 6250 : i32
      %mul3A_86 = arith.muli %arg1, %mul3A_85 : i32
      %mul3A_87 = arith.constant 6250 : i32
      %mul3A_88 = arith.muli %arg1, %mul3A_87 : i32
      %run_scoped3A = arith.constant 1 : i32
      "tpu.region"() ({
        %run_scoped3A_90 = tpu.sem_alloc : memref<!tpu.dma_semaphore, #tpu.memory_space<semaphore_mem>>
        %dma_start3A = arith.constant 0 : i32
        %dma_start3A_91 = tpu.memref_slice %arg9[%run_scoped3A, %mul3A_88, %dma_start3A] : memref<15x100000x16xf32, #tpu.memory_space<hbm>> -> memref<1x6250x16xf32, #tpu.memory_space<hbm>>
        %dma_start3A_92 = tpu.memref_squeeze %dma_start3A_91 : memref<1x6250x16xf32, #tpu.memory_space<hbm>> -> memref<6250x16xf32, #tpu.memory_space<hbm>>
        %dma_start3A_93 = arith.constant 0 : i32
        %dma_start3A_94 = tpu.memref_slice %arg12[%mul3A_86, %dma_start3A_93] : memref<100000x16xf32, #tpu.memory_space<vmem_shared>> -> memref<6250x16xf32, #tpu.memory_space<vmem_shared>>
        tpu.enqueue_dma source(%dma_start3A_94 : memref<6250x16xf32, #tpu.memory_space<vmem_shared>>) target(%dma_start3A_92 : memref<6250x16xf32, #tpu.memory_space<hbm>>) target_semaphore(%run_scoped3A_90 : memref<!tpu.dma_semaphore, #tpu.memory_space<semaphore_mem>>)
        %dma_wait3A = arith.constant 0 : i32
        %dma_wait3A_95 = tpu.memref_slice %arg9[%run_scoped3A, %mul3A_88, %dma_wait3A] : memref<15x100000x16xf32, #tpu.memory_space<hbm>> -> memref<1x6250x16xf32, #tpu.memory_space<hbm>>
        %dma_wait3A_96 = tpu.memref_squeeze %dma_wait3A_95 : memref<1x6250x16xf32, #tpu.memory_space<hbm>> -> memref<6250x16xf32, #tpu.memory_space<hbm>>
        %dma_wait3A_97 = arith.constant 0 : i32
        %dma_wait3A_98 = tpu.memref_slice %arg12[%mul3A_86, %dma_wait3A_97] : memref<100000x16xf32, #tpu.memory_space<vmem_shared>> -> memref<6250x16xf32, #tpu.memory_space<vmem_shared>>
        tpu.wait_dma2 semaphore(%run_scoped3A_90 : memref<!tpu.dma_semaphore, #tpu.memory_space<semaphore_mem>>) src(%dma_wait3A_98 : memref<6250x16xf32, #tpu.memory_space<vmem_shared>>) dst(%dma_wait3A_96 : memref<6250x16xf32, #tpu.memory_space<hbm>>)
        tpu.yield
      }) : () -> ()
      %barrier3A_89 = arith.constant 0 : index
      tpu.barrier barrier_id(%barrier3A_89)
    } else {
    }
    %eq3A_7 = arith.constant 0 : i32
    %eq3A_8 = arith.cmpi eq, %arg0, %eq3A_7 : i32
    %convert_element_type3A_9 = arith.extui %eq3A_8 : i1 to i32
    %cond3A_10 = arith.constant 0 : i32
    %cond3A_11 = arith.cmpi ne, %convert_element_type3A_9, %cond3A_10 : i32
    scf.if %cond3A_11 {
      %mul3A = arith.constant 6250 : i32
      %mul3A_72 = arith.muli %arg1, %mul3A : i32
      "tpu.region"() ({
        %run_scoped3A_90 = tpu.sem_alloc : memref<!tpu.dma_semaphore, #tpu.memory_space<semaphore_mem>>
        %dma_start3A = arith.constant 0 : i32
        %dma_start3A_91 = tpu.memref_slice %arg12[%mul3A_72, %dma_start3A] : memref<100000x16xf32, #tpu.memory_space<vmem_shared>> -> memref<6250x16xf32, #tpu.memory_space<vmem_shared>>
        tpu.enqueue_dma source(%arg8 : memref<6250x16xf32, #tpu.memory_space<hbm>>) target(%dma_start3A_91 : memref<6250x16xf32, #tpu.memory_space<vmem_shared>>) target_semaphore(%run_scoped3A_90 : memref<!tpu.dma_semaphore, #tpu.memory_space<semaphore_mem>>)
        %dma_wait3A = arith.constant 0 : i32
        %dma_wait3A_92 = tpu.memref_slice %arg12[%mul3A_72, %dma_wait3A] : memref<100000x16xf32, #tpu.memory_space<vmem_shared>> -> memref<6250x16xf32, #tpu.memory_space<vmem_shared>>
        tpu.wait_dma2 semaphore(%run_scoped3A_90 : memref<!tpu.dma_semaphore, #tpu.memory_space<semaphore_mem>>) src(%arg8 : memref<6250x16xf32, #tpu.memory_space<hbm>>) dst(%dma_wait3A_92 : memref<6250x16xf32, #tpu.memory_space<vmem_shared>>)
        tpu.yield
      }) : () -> ()
      %barrier3A = arith.constant 0 : index
      tpu.barrier barrier_id(%barrier3A)
      %scan3A = arith.constant 0 : i32
      %scan3A_73 = arith.constant 0 : i32
      %scan3A_74 = arith.constant 8 : i32
      %scan3A_75 = arith.addi %scan3A_73, %scan3A_74 : i32
      %scan3A_76 = arith.constant 1 : i32
      scf.for %scan3A_90 = %scan3A_73 to %scan3A_75 step %scan3A_76  : i32 {
        %mul3A_91 = arith.constant 16 : i32
        %mul3A_92 = arith.muli %mul3A_91, %scan3A_90 : i32
        %add3A = arith.addi %arg1, %mul3A_92 : i32
        %lt3A = arith.constant 125 : i32
        %lt3A_93 = arith.cmpi slt, %add3A, %lt3A : i32
        %convert_element_type3A_94 = arith.extui %lt3A_93 : i1 to i32
        %cond3A_95 = arith.constant 0 : i32
        %cond3A_96 = arith.cmpi ne, %convert_element_type3A_94, %cond3A_95 : i32
        scf.if %cond3A_96 {
          %mul3A_97 = arith.constant 1600 : i32
          %mul3A_98 = arith.muli %add3A, %mul3A_97 : i32
          %dma_start3A = tpu.memref_slice %arg6[%mul3A_98] : memref<200000xi32, #tpu.memory_space<hbm>> -> memref<1600xi32, #tpu.memory_space<hbm>>
          %dma_start3A_99 = tpu.memref_slice %arg6[%mul3A_98] : memref<200000xi32, #tpu.memory_space<hbm>> -> memref<1600xi32, #tpu.memory_space<hbm>>
          tpu.enqueue_dma source(%dma_start3A_99 : memref<1600xi32, #tpu.memory_space<hbm>>) target(%arg10 : memref<1600xi32, #tpu.memory_space<vmem>>) target_semaphore(%arg13 : memref<!tpu.dma_semaphore, #tpu.memory_space<semaphore_mem>>)
          %dma_start3A_100 = arith.constant 32 : i32
          %dma_start3A_101 = tpu.memref_slice %arg3[%mul3A_98, %dma_start3A_100] : memref<200000x128xf32, #tpu.memory_space<hbm>> -> memref<1600x16xf32, #tpu.memory_space<hbm>>
          %dma_start3A_102 = arith.constant 32 : i32
          %dma_start3A_103 = tpu.memref_slice %arg3[%mul3A_98, %dma_start3A_102] : memref<200000x128xf32, #tpu.memory_space<hbm>> -> memref<1600x16xf32, #tpu.memory_space<hbm>>
          tpu.enqueue_dma source(%dma_start3A_103 : memref<1600x16xf32, #tpu.memory_space<hbm>>) target(%arg11 : memref<1600x16xf32, #tpu.memory_space<vmem>>) target_semaphore(%arg14 : memref<!tpu.dma_semaphore, #tpu.memory_space<semaphore_mem>>)
          %dma_wait3A = tpu.memref_slice %arg6[%mul3A_98] : memref<200000xi32, #tpu.memory_space<hbm>> -> memref<1600xi32, #tpu.memory_space<hbm>>
          %dma_wait3A_104 = tpu.memref_slice %arg6[%mul3A_98] : memref<200000xi32, #tpu.memory_space<hbm>> -> memref<1600xi32, #tpu.memory_space<hbm>>
          tpu.wait_dma2 semaphore(%arg13 : memref<!tpu.dma_semaphore, #tpu.memory_space<semaphore_mem>>) src(%dma_wait3A_104 : memref<1600xi32, #tpu.memory_space<hbm>>) dst(%arg10 : memref<1600xi32, #tpu.memory_space<vmem>>)
          %dma_wait3A_105 = arith.constant 32 : i32
          %dma_wait3A_106 = tpu.memref_slice %arg3[%mul3A_98, %dma_wait3A_105] : memref<200000x128xf32, #tpu.memory_space<hbm>> -> memref<1600x16xf32, #tpu.memory_space<hbm>>
          %dma_wait3A_107 = arith.constant 32 : i32
          %dma_wait3A_108 = tpu.memref_slice %arg3[%mul3A_98, %dma_wait3A_107] : memref<200000x128xf32, #tpu.memory_space<hbm>> -> memref<1600x16xf32, #tpu.memory_space<hbm>>
          tpu.wait_dma2 semaphore(%arg14 : memref<!tpu.dma_semaphore, #tpu.memory_space<semaphore_mem>>) src(%dma_wait3A_108 : memref<1600x16xf32, #tpu.memory_space<hbm>>) dst(%arg11 : memref<1600x16xf32, #tpu.memory_space<vmem>>)
          "tpu.region"() ({
            %run_scoped3A_109 = tpu.sem_alloc : memref<!tpu.dma_semaphore, #tpu.memory_space<semaphore_mem>>
            %dma_start3A_110 = arith.constant 0 : i32
            %dma_start3A_111 = arith.constant 0 : i32
            %dma_start3A_112 = tpu.memref_slice %arg12[%dma_start3A_110, %dma_start3A_111] : memref<100000x16xf32, #tpu.memory_space<vmem_shared>> -> memref<100000x16xf32, #tpu.memory_space<vmem_shared>>
            tpu.enqueue_indirect_dma source(%arg11 : memref<1600x16xf32, #tpu.memory_space<vmem>>) target(%dma_start3A_112 : memref<100000x16xf32, #tpu.memory_space<vmem_shared>>) offsets(%arg10 : memref<1600xi32, #tpu.memory_space<vmem>>) semaphore(%run_scoped3A_109 : memref<!tpu.dma_semaphore, #tpu.memory_space<semaphore_mem>>) {add = true}
            %dma_wait3A_113 = arith.constant 0 : i32
            %dma_wait3A_114 = arith.constant 0 : i32
            %dma_wait3A_115 = tpu.memref_slice %arg12[%dma_wait3A_113, %dma_wait3A_114] : memref<100000x16xf32, #tpu.memory_space<vmem_shared>> -> memref<100000x16xf32, #tpu.memory_space<vmem_shared>>
            tpu.wait_indirect_dma semaphore(%run_scoped3A_109 : memref<!tpu.dma_semaphore, #tpu.memory_space<semaphore_mem>>) src(%arg11 : memref<1600x16xf32, #tpu.memory_space<vmem>>) dst(%dma_wait3A_115 : memref<100000x16xf32, #tpu.memory_space<vmem_shared>>)
            tpu.yield
          }) : () -> ()
        } else {
        }
      }
      %scan3A_77 = arith.constant 8 : i32
      %scan3A_78 = arith.constant 0 : i32
      %scan3A_79 = arith.constant 0 : i32
      %scan3A_80 = arith.constant 8 : i32
      %scan3A_81 = arith.addi %scan3A_79, %scan3A_80 : i32
      %scan3A_82 = arith.constant 1 : i32
      scf.for %scan3A_90 = %scan3A_79 to %scan3A_81 step %scan3A_82  : i32 {
        %mul3A_91 = arith.constant 16 : i32
        %mul3A_92 = arith.muli %mul3A_91, %scan3A_90 : i32
        %add3A = arith.addi %arg1, %mul3A_92 : i32
        %lt3A = arith.constant 125 : i32
        %lt3A_93 = arith.cmpi slt, %add3A, %lt3A : i32
        %convert_element_type3A_94 = arith.extui %lt3A_93 : i1 to i32
        %cond3A_95 = arith.constant 0 : i32
        %cond3A_96 = arith.cmpi ne, %convert_element_type3A_94, %cond3A_95 : i32
        scf.if %cond3A_96 {
          %mul3A_97 = arith.constant 1600 : i32
          %mul3A_98 = arith.muli %add3A, %mul3A_97 : i32
          %dma_start3A = tpu.memref_slice %arg7[%mul3A_98] : memref<200000xi32, #tpu.memory_space<hbm>> -> memref<1600xi32, #tpu.memory_space<hbm>>
          %dma_start3A_99 = tpu.memref_slice %arg7[%mul3A_98] : memref<200000xi32, #tpu.memory_space<hbm>> -> memref<1600xi32, #tpu.memory_space<hbm>>
          tpu.enqueue_dma source(%dma_start3A_99 : memref<1600xi32, #tpu.memory_space<hbm>>) target(%arg10 : memref<1600xi32, #tpu.memory_space<vmem>>) target_semaphore(%arg13 : memref<!tpu.dma_semaphore, #tpu.memory_space<semaphore_mem>>)
          %dma_start3A_100 = arith.constant 32 : i32
          %dma_start3A_101 = tpu.memref_slice %arg2[%mul3A_98, %dma_start3A_100] : memref<200000x128xf32, #tpu.memory_space<hbm>> -> memref<1600x16xf32, #tpu.memory_space<hbm>>
          %dma_start3A_102 = arith.constant 32 : i32
          %dma_start3A_103 = tpu.memref_slice %arg2[%mul3A_98, %dma_start3A_102] : memref<200000x128xf32, #tpu.memory_space<hbm>> -> memref<1600x16xf32, #tpu.memory_space<hbm>>
          tpu.enqueue_dma source(%dma_start3A_103 : memref<1600x16xf32, #tpu.memory_space<hbm>>) target(%arg11 : memref<1600x16xf32, #tpu.memory_space<vmem>>) target_semaphore(%arg14 : memref<!tpu.dma_semaphore, #tpu.memory_space<semaphore_mem>>)
          %dma_wait3A = tpu.memref_slice %arg7[%mul3A_98] : memref<200000xi32, #tpu.memory_space<hbm>> -> memref<1600xi32, #tpu.memory_space<hbm>>
          %dma_wait3A_104 = tpu.memref_slice %arg7[%mul3A_98] : memref<200000xi32, #tpu.memory_space<hbm>> -> memref<1600xi32, #tpu.memory_space<hbm>>
          tpu.wait_dma2 semaphore(%arg13 : memref<!tpu.dma_semaphore, #tpu.memory_space<semaphore_mem>>) src(%dma_wait3A_104 : memref<1600xi32, #tpu.memory_space<hbm>>) dst(%arg10 : memref<1600xi32, #tpu.memory_space<vmem>>)
          %dma_wait3A_105 = arith.constant 32 : i32
          %dma_wait3A_106 = tpu.memref_slice %arg2[%mul3A_98, %dma_wait3A_105] : memref<200000x128xf32, #tpu.memory_space<hbm>> -> memref<1600x16xf32, #tpu.memory_space<hbm>>
          %dma_wait3A_107 = arith.constant 32 : i32
          %dma_wait3A_108 = tpu.memref_slice %arg2[%mul3A_98, %dma_wait3A_107] : memref<200000x128xf32, #tpu.memory_space<hbm>> -> memref<1600x16xf32, #tpu.memory_space<hbm>>
          tpu.wait_dma2 semaphore(%arg14 : memref<!tpu.dma_semaphore, #tpu.memory_space<semaphore_mem>>) src(%dma_wait3A_108 : memref<1600x16xf32, #tpu.memory_space<hbm>>) dst(%arg11 : memref<1600x16xf32, #tpu.memory_space<vmem>>)
          "tpu.region"() ({
            %run_scoped3A_109 = tpu.sem_alloc : memref<!tpu.dma_semaphore, #tpu.memory_space<semaphore_mem>>
            %dma_start3A_110 = arith.constant 0 : i32
            %dma_start3A_111 = arith.constant 0 : i32
            %dma_start3A_112 = tpu.memref_slice %arg12[%dma_start3A_110, %dma_start3A_111] : memref<100000x16xf32, #tpu.memory_space<vmem_shared>> -> memref<100000x16xf32, #tpu.memory_space<vmem_shared>>
            tpu.enqueue_indirect_dma source(%arg11 : memref<1600x16xf32, #tpu.memory_space<vmem>>) target(%dma_start3A_112 : memref<100000x16xf32, #tpu.memory_space<vmem_shared>>) offsets(%arg10 : memref<1600xi32, #tpu.memory_space<vmem>>) semaphore(%run_scoped3A_109 : memref<!tpu.dma_semaphore, #tpu.memory_space<semaphore_mem>>) {add = true}
            %dma_wait3A_113 = arith.constant 0 : i32
            %dma_wait3A_114 = arith.constant 0 : i32
            %dma_wait3A_115 = tpu.memref_slice %arg12[%dma_wait3A_113, %dma_wait3A_114] : memref<100000x16xf32, #tpu.memory_space<vmem_shared>> -> memref<100000x16xf32, #tpu.memory_space<vmem_shared>>
            tpu.wait_indirect_dma semaphore(%run_scoped3A_109 : memref<!tpu.dma_semaphore, #tpu.memory_space<semaphore_mem>>) src(%arg11 : memref<1600x16xf32, #tpu.memory_space<vmem>>) dst(%dma_wait3A_115 : memref<100000x16xf32, #tpu.memory_space<vmem_shared>>)
            tpu.yield
          }) : () -> ()
        } else {
        }
      }
      %scan3A_83 = arith.constant 8 : i32
      %barrier3A_84 = arith.constant 0 : index
      tpu.barrier barrier_id(%barrier3A_84)
      %mul3A_85 = arith.constant 6250 : i32
      %mul3A_86 = arith.muli %arg1, %mul3A_85 : i32
      %mul3A_87 = arith.constant 6250 : i32
      %mul3A_88 = arith.muli %arg1, %mul3A_87 : i32
      %run_scoped3A = arith.constant 2 : i32
      "tpu.region"() ({
        %run_scoped3A_90 = tpu.sem_alloc : memref<!tpu.dma_semaphore, #tpu.memory_space<semaphore_mem>>
        %dma_start3A = arith.constant 0 : i32
        %dma_start3A_91 = tpu.memref_slice %arg9[%run_scoped3A, %mul3A_88, %dma_start3A] : memref<15x100000x16xf32, #tpu.memory_space<hbm>> -> memref<1x6250x16xf32, #tpu.memory_space<hbm>>
        %dma_start3A_92 = tpu.memref_squeeze %dma_start3A_91 : memref<1x6250x16xf32, #tpu.memory_space<hbm>> -> memref<6250x16xf32, #tpu.memory_space<hbm>>
        %dma_start3A_93 = arith.constant 0 : i32
        %dma_start3A_94 = tpu.memref_slice %arg12[%mul3A_86, %dma_start3A_93] : memref<100000x16xf32, #tpu.memory_space<vmem_shared>> -> memref<6250x16xf32, #tpu.memory_space<vmem_shared>>
        tpu.enqueue_dma source(%dma_start3A_94 : memref<6250x16xf32, #tpu.memory_space<vmem_shared>>) target(%dma_start3A_92 : memref<6250x16xf32, #tpu.memory_space<hbm>>) target_semaphore(%run_scoped3A_90 : memref<!tpu.dma_semaphore, #tpu.memory_space<semaphore_mem>>)
        %dma_wait3A = arith.constant 0 : i32
        %dma_wait3A_95 = tpu.memref_slice %arg9[%run_scoped3A, %mul3A_88, %dma_wait3A] : memref<15x100000x16xf32, #tpu.memory_space<hbm>> -> memref<1x6250x16xf32, #tpu.memory_space<hbm>>
        %dma_wait3A_96 = tpu.memref_squeeze %dma_wait3A_95 : memref<1x6250x16xf32, #tpu.memory_space<hbm>> -> memref<6250x16xf32, #tpu.memory_space<hbm>>
        %dma_wait3A_97 = arith.constant 0 : i32
        %dma_wait3A_98 = tpu.memref_slice %arg12[%mul3A_86, %dma_wait3A_97] : memref<100000x16xf32, #tpu.memory_space<vmem_shared>> -> memref<6250x16xf32, #tpu.memory_space<vmem_shared>>
        tpu.wait_dma2 semaphore(%run_scoped3A_90 : memref<!tpu.dma_semaphore, #tpu.memory_space<semaphore_mem>>) src(%dma_wait3A_98 : memref<6250x16xf32, #tpu.memory_space<vmem_shared>>) dst(%dma_wait3A_96 : memref<6250x16xf32, #tpu.memory_space<hbm>>)
        tpu.yield
      }) : () -> ()
      %barrier3A_89 = arith.constant 0 : index
      tpu.barrier barrier_id(%barrier3A_89)
    } else {
    }
    %eq3A_12 = arith.constant 1 : i32
    %eq3A_13 = arith.cmpi eq, %arg0, %eq3A_12 : i32
    %convert_element_type3A_14 = arith.extui %eq3A_13 : i1 to i32
    %cond3A_15 = arith.constant 0 : i32
    %cond3A_16 = arith.cmpi ne, %convert_element_type3A_14, %cond3A_15 : i32
    scf.if %cond3A_16 {
      %mul3A = arith.constant 6250 : i32
      %mul3A_72 = arith.muli %arg1, %mul3A : i32
      "tpu.region"() ({
        %run_scoped3A_90 = tpu.sem_alloc : memref<!tpu.dma_semaphore, #tpu.memory_space<semaphore_mem>>
        %dma_start3A = arith.constant 0 : i32
        %dma_start3A_91 = tpu.memref_slice %arg12[%mul3A_72, %dma_start3A] : memref<100000x16xf32, #tpu.memory_space<vmem_shared>> -> memref<6250x16xf32, #tpu.memory_space<vmem_shared>>
        tpu.enqueue_dma source(%arg8 : memref<6250x16xf32, #tpu.memory_space<hbm>>) target(%dma_start3A_91 : memref<6250x16xf32, #tpu.memory_space<vmem_shared>>) target_semaphore(%run_scoped3A_90 : memref<!tpu.dma_semaphore, #tpu.memory_space<semaphore_mem>>)
        %dma_wait3A = arith.constant 0 : i32
        %dma_wait3A_92 = tpu.memref_slice %arg12[%mul3A_72, %dma_wait3A] : memref<100000x16xf32, #tpu.memory_space<vmem_shared>> -> memref<6250x16xf32, #tpu.memory_space<vmem_shared>>
        tpu.wait_dma2 semaphore(%run_scoped3A_90 : memref<!tpu.dma_semaphore, #tpu.memory_space<semaphore_mem>>) src(%arg8 : memref<6250x16xf32, #tpu.memory_space<hbm>>) dst(%dma_wait3A_92 : memref<6250x16xf32, #tpu.memory_space<vmem_shared>>)
        tpu.yield
      }) : () -> ()
      %barrier3A = arith.constant 0 : index
      tpu.barrier barrier_id(%barrier3A)
      %scan3A = arith.constant 0 : i32
      %scan3A_73 = arith.constant 0 : i32
      %scan3A_74 = arith.constant 8 : i32
      %scan3A_75 = arith.addi %scan3A_73, %scan3A_74 : i32
      %scan3A_76 = arith.constant 1 : i32
      scf.for %scan3A_90 = %scan3A_73 to %scan3A_75 step %scan3A_76  : i32 {
        %mul3A_91 = arith.constant 16 : i32
        %mul3A_92 = arith.muli %mul3A_91, %scan3A_90 : i32
        %add3A = arith.addi %arg1, %mul3A_92 : i32
        %lt3A = arith.constant 125 : i32
        %lt3A_93 = arith.cmpi slt, %add3A, %lt3A : i32
        %convert_element_type3A_94 = arith.extui %lt3A_93 : i1 to i32
        %cond3A_95 = arith.constant 0 : i32
        %cond3A_96 = arith.cmpi ne, %convert_element_type3A_94, %cond3A_95 : i32
        scf.if %cond3A_96 {
          %mul3A_97 = arith.constant 1600 : i32
          %mul3A_98 = arith.muli %add3A, %mul3A_97 : i32
          %dma_start3A = tpu.memref_slice %arg6[%mul3A_98] : memref<200000xi32, #tpu.memory_space<hbm>> -> memref<1600xi32, #tpu.memory_space<hbm>>
          %dma_start3A_99 = tpu.memref_slice %arg6[%mul3A_98] : memref<200000xi32, #tpu.memory_space<hbm>> -> memref<1600xi32, #tpu.memory_space<hbm>>
          tpu.enqueue_dma source(%dma_start3A_99 : memref<1600xi32, #tpu.memory_space<hbm>>) target(%arg10 : memref<1600xi32, #tpu.memory_space<vmem>>) target_semaphore(%arg13 : memref<!tpu.dma_semaphore, #tpu.memory_space<semaphore_mem>>)
          %dma_start3A_100 = arith.constant 48 : i32
          %dma_start3A_101 = tpu.memref_slice %arg3[%mul3A_98, %dma_start3A_100] : memref<200000x128xf32, #tpu.memory_space<hbm>> -> memref<1600x16xf32, #tpu.memory_space<hbm>>
          %dma_start3A_102 = arith.constant 48 : i32
          %dma_start3A_103 = tpu.memref_slice %arg3[%mul3A_98, %dma_start3A_102] : memref<200000x128xf32, #tpu.memory_space<hbm>> -> memref<1600x16xf32, #tpu.memory_space<hbm>>
          tpu.enqueue_dma source(%dma_start3A_103 : memref<1600x16xf32, #tpu.memory_space<hbm>>) target(%arg11 : memref<1600x16xf32, #tpu.memory_space<vmem>>) target_semaphore(%arg14 : memref<!tpu.dma_semaphore, #tpu.memory_space<semaphore_mem>>)
          %dma_wait3A = tpu.memref_slice %arg6[%mul3A_98] : memref<200000xi32, #tpu.memory_space<hbm>> -> memref<1600xi32, #tpu.memory_space<hbm>>
          %dma_wait3A_104 = tpu.memref_slice %arg6[%mul3A_98] : memref<200000xi32, #tpu.memory_space<hbm>> -> memref<1600xi32, #tpu.memory_space<hbm>>
          tpu.wait_dma2 semaphore(%arg13 : memref<!tpu.dma_semaphore, #tpu.memory_space<semaphore_mem>>) src(%dma_wait3A_104 : memref<1600xi32, #tpu.memory_space<hbm>>) dst(%arg10 : memref<1600xi32, #tpu.memory_space<vmem>>)
          %dma_wait3A_105 = arith.constant 48 : i32
          %dma_wait3A_106 = tpu.memref_slice %arg3[%mul3A_98, %dma_wait3A_105] : memref<200000x128xf32, #tpu.memory_space<hbm>> -> memref<1600x16xf32, #tpu.memory_space<hbm>>
          %dma_wait3A_107 = arith.constant 48 : i32
          %dma_wait3A_108 = tpu.memref_slice %arg3[%mul3A_98, %dma_wait3A_107] : memref<200000x128xf32, #tpu.memory_space<hbm>> -> memref<1600x16xf32, #tpu.memory_space<hbm>>
          tpu.wait_dma2 semaphore(%arg14 : memref<!tpu.dma_semaphore, #tpu.memory_space<semaphore_mem>>) src(%dma_wait3A_108 : memref<1600x16xf32, #tpu.memory_space<hbm>>) dst(%arg11 : memref<1600x16xf32, #tpu.memory_space<vmem>>)
          "tpu.region"() ({
            %run_scoped3A_109 = tpu.sem_alloc : memref<!tpu.dma_semaphore, #tpu.memory_space<semaphore_mem>>
            %dma_start3A_110 = arith.constant 0 : i32
            %dma_start3A_111 = arith.constant 0 : i32
            %dma_start3A_112 = tpu.memref_slice %arg12[%dma_start3A_110, %dma_start3A_111] : memref<100000x16xf32, #tpu.memory_space<vmem_shared>> -> memref<100000x16xf32, #tpu.memory_space<vmem_shared>>
            tpu.enqueue_indirect_dma source(%arg11 : memref<1600x16xf32, #tpu.memory_space<vmem>>) target(%dma_start3A_112 : memref<100000x16xf32, #tpu.memory_space<vmem_shared>>) offsets(%arg10 : memref<1600xi32, #tpu.memory_space<vmem>>) semaphore(%run_scoped3A_109 : memref<!tpu.dma_semaphore, #tpu.memory_space<semaphore_mem>>) {add = true}
            %dma_wait3A_113 = arith.constant 0 : i32
            %dma_wait3A_114 = arith.constant 0 : i32
            %dma_wait3A_115 = tpu.memref_slice %arg12[%dma_wait3A_113, %dma_wait3A_114] : memref<100000x16xf32, #tpu.memory_space<vmem_shared>> -> memref<100000x16xf32, #tpu.memory_space<vmem_shared>>
            tpu.wait_indirect_dma semaphore(%run_scoped3A_109 : memref<!tpu.dma_semaphore, #tpu.memory_space<semaphore_mem>>) src(%arg11 : memref<1600x16xf32, #tpu.memory_space<vmem>>) dst(%dma_wait3A_115 : memref<100000x16xf32, #tpu.memory_space<vmem_shared>>)
            tpu.yield
          }) : () -> ()
        } else {
        }
      }
      %scan3A_77 = arith.constant 8 : i32
      %scan3A_78 = arith.constant 0 : i32
      %scan3A_79 = arith.constant 0 : i32
      %scan3A_80 = arith.constant 8 : i32
      %scan3A_81 = arith.addi %scan3A_79, %scan3A_80 : i32
      %scan3A_82 = arith.constant 1 : i32
      scf.for %scan3A_90 = %scan3A_79 to %scan3A_81 step %scan3A_82  : i32 {
        %mul3A_91 = arith.constant 16 : i32
        %mul3A_92 = arith.muli %mul3A_91, %scan3A_90 : i32
        %add3A = arith.addi %arg1, %mul3A_92 : i32
        %lt3A = arith.constant 125 : i32
        %lt3A_93 = arith.cmpi slt, %add3A, %lt3A : i32
        %convert_element_type3A_94 = arith.extui %lt3A_93 : i1 to i32
        %cond3A_95 = arith.constant 0 : i32
        %cond3A_96 = arith.cmpi ne, %convert_element_type3A_94, %cond3A_95 : i32
        scf.if %cond3A_96 {
          %mul3A_97 = arith.constant 1600 : i32
          %mul3A_98 = arith.muli %add3A, %mul3A_97 : i32
          %dma_start3A = tpu.memref_slice %arg7[%mul3A_98] : memref<200000xi32, #tpu.memory_space<hbm>> -> memref<1600xi32, #tpu.memory_space<hbm>>
          %dma_start3A_99 = tpu.memref_slice %arg7[%mul3A_98] : memref<200000xi32, #tpu.memory_space<hbm>> -> memref<1600xi32, #tpu.memory_space<hbm>>
          tpu.enqueue_dma source(%dma_start3A_99 : memref<1600xi32, #tpu.memory_space<hbm>>) target(%arg10 : memref<1600xi32, #tpu.memory_space<vmem>>) target_semaphore(%arg13 : memref<!tpu.dma_semaphore, #tpu.memory_space<semaphore_mem>>)
          %dma_start3A_100 = arith.constant 48 : i32
          %dma_start3A_101 = tpu.memref_slice %arg2[%mul3A_98, %dma_start3A_100] : memref<200000x128xf32, #tpu.memory_space<hbm>> -> memref<1600x16xf32, #tpu.memory_space<hbm>>
          %dma_start3A_102 = arith.constant 48 : i32
          %dma_start3A_103 = tpu.memref_slice %arg2[%mul3A_98, %dma_start3A_102] : memref<200000x128xf32, #tpu.memory_space<hbm>> -> memref<1600x16xf32, #tpu.memory_space<hbm>>
          tpu.enqueue_dma source(%dma_start3A_103 : memref<1600x16xf32, #tpu.memory_space<hbm>>) target(%arg11 : memref<1600x16xf32, #tpu.memory_space<vmem>>) target_semaphore(%arg14 : memref<!tpu.dma_semaphore, #tpu.memory_space<semaphore_mem>>)
          %dma_wait3A = tpu.memref_slice %arg7[%mul3A_98] : memref<200000xi32, #tpu.memory_space<hbm>> -> memref<1600xi32, #tpu.memory_space<hbm>>
          %dma_wait3A_104 = tpu.memref_slice %arg7[%mul3A_98] : memref<200000xi32, #tpu.memory_space<hbm>> -> memref<1600xi32, #tpu.memory_space<hbm>>
          tpu.wait_dma2 semaphore(%arg13 : memref<!tpu.dma_semaphore, #tpu.memory_space<semaphore_mem>>) src(%dma_wait3A_104 : memref<1600xi32, #tpu.memory_space<hbm>>) dst(%arg10 : memref<1600xi32, #tpu.memory_space<vmem>>)
          %dma_wait3A_105 = arith.constant 48 : i32
          %dma_wait3A_106 = tpu.memref_slice %arg2[%mul3A_98, %dma_wait3A_105] : memref<200000x128xf32, #tpu.memory_space<hbm>> -> memref<1600x16xf32, #tpu.memory_space<hbm>>
          %dma_wait3A_107 = arith.constant 48 : i32
          %dma_wait3A_108 = tpu.memref_slice %arg2[%mul3A_98, %dma_wait3A_107] : memref<200000x128xf32, #tpu.memory_space<hbm>> -> memref<1600x16xf32, #tpu.memory_space<hbm>>
          tpu.wait_dma2 semaphore(%arg14 : memref<!tpu.dma_semaphore, #tpu.memory_space<semaphore_mem>>) src(%dma_wait3A_108 : memref<1600x16xf32, #tpu.memory_space<hbm>>) dst(%arg11 : memref<1600x16xf32, #tpu.memory_space<vmem>>)
          "tpu.region"() ({
            %run_scoped3A_109 = tpu.sem_alloc : memref<!tpu.dma_semaphore, #tpu.memory_space<semaphore_mem>>
            %dma_start3A_110 = arith.constant 0 : i32
            %dma_start3A_111 = arith.constant 0 : i32
            %dma_start3A_112 = tpu.memref_slice %arg12[%dma_start3A_110, %dma_start3A_111] : memref<100000x16xf32, #tpu.memory_space<vmem_shared>> -> memref<100000x16xf32, #tpu.memory_space<vmem_shared>>
            tpu.enqueue_indirect_dma source(%arg11 : memref<1600x16xf32, #tpu.memory_space<vmem>>) target(%dma_start3A_112 : memref<100000x16xf32, #tpu.memory_space<vmem_shared>>) offsets(%arg10 : memref<1600xi32, #tpu.memory_space<vmem>>) semaphore(%run_scoped3A_109 : memref<!tpu.dma_semaphore, #tpu.memory_space<semaphore_mem>>) {add = true}
            %dma_wait3A_113 = arith.constant 0 : i32
            %dma_wait3A_114 = arith.constant 0 : i32
            %dma_wait3A_115 = tpu.memref_slice %arg12[%dma_wait3A_113, %dma_wait3A_114] : memref<100000x16xf32, #tpu.memory_space<vmem_shared>> -> memref<100000x16xf32, #tpu.memory_space<vmem_shared>>
            tpu.wait_indirect_dma semaphore(%run_scoped3A_109 : memref<!tpu.dma_semaphore, #tpu.memory_space<semaphore_mem>>) src(%arg11 : memref<1600x16xf32, #tpu.memory_space<vmem>>) dst(%dma_wait3A_115 : memref<100000x16xf32, #tpu.memory_space<vmem_shared>>)
            tpu.yield
          }) : () -> ()
        } else {
        }
      }
      %scan3A_83 = arith.constant 8 : i32
      %barrier3A_84 = arith.constant 0 : index
      tpu.barrier barrier_id(%barrier3A_84)
      %mul3A_85 = arith.constant 6250 : i32
      %mul3A_86 = arith.muli %arg1, %mul3A_85 : i32
      %mul3A_87 = arith.constant 6250 : i32
      %mul3A_88 = arith.muli %arg1, %mul3A_87 : i32
      %run_scoped3A = arith.constant 3 : i32
      "tpu.region"() ({
        %run_scoped3A_90 = tpu.sem_alloc : memref<!tpu.dma_semaphore, #tpu.memory_space<semaphore_mem>>
        %dma_start3A = arith.constant 0 : i32
        %dma_start3A_91 = tpu.memref_slice %arg9[%run_scoped3A, %mul3A_88, %dma_start3A] : memref<15x100000x16xf32, #tpu.memory_space<hbm>> -> memref<1x6250x16xf32, #tpu.memory_space<hbm>>
        %dma_start3A_92 = tpu.memref_squeeze %dma_start3A_91 : memref<1x6250x16xf32, #tpu.memory_space<hbm>> -> memref<6250x16xf32, #tpu.memory_space<hbm>>
        %dma_start3A_93 = arith.constant 0 : i32
        %dma_start3A_94 = tpu.memref_slice %arg12[%mul3A_86, %dma_start3A_93] : memref<100000x16xf32, #tpu.memory_space<vmem_shared>> -> memref<6250x16xf32, #tpu.memory_space<vmem_shared>>
        tpu.enqueue_dma source(%dma_start3A_94 : memref<6250x16xf32, #tpu.memory_space<vmem_shared>>) target(%dma_start3A_92 : memref<6250x16xf32, #tpu.memory_space<hbm>>) target_semaphore(%run_scoped3A_90 : memref<!tpu.dma_semaphore, #tpu.memory_space<semaphore_mem>>)
        %dma_wait3A = arith.constant 0 : i32
        %dma_wait3A_95 = tpu.memref_slice %arg9[%run_scoped3A, %mul3A_88, %dma_wait3A] : memref<15x100000x16xf32, #tpu.memory_space<hbm>> -> memref<1x6250x16xf32, #tpu.memory_space<hbm>>
        %dma_wait3A_96 = tpu.memref_squeeze %dma_wait3A_95 : memref<1x6250x16xf32, #tpu.memory_space<hbm>> -> memref<6250x16xf32, #tpu.memory_space<hbm>>
        %dma_wait3A_97 = arith.constant 0 : i32
        %dma_wait3A_98 = tpu.memref_slice %arg12[%mul3A_86, %dma_wait3A_97] : memref<100000x16xf32, #tpu.memory_space<vmem_shared>> -> memref<6250x16xf32, #tpu.memory_space<vmem_shared>>
        tpu.wait_dma2 semaphore(%run_scoped3A_90 : memref<!tpu.dma_semaphore, #tpu.memory_space<semaphore_mem>>) src(%dma_wait3A_98 : memref<6250x16xf32, #tpu.memory_space<vmem_shared>>) dst(%dma_wait3A_96 : memref<6250x16xf32, #tpu.memory_space<hbm>>)
        tpu.yield
      }) : () -> ()
      %barrier3A_89 = arith.constant 0 : index
      tpu.barrier barrier_id(%barrier3A_89)
    } else {
    }
    %eq3A_17 = arith.constant 0 : i32
    %eq3A_18 = arith.cmpi eq, %arg0, %eq3A_17 : i32
    %convert_element_type3A_19 = arith.extui %eq3A_18 : i1 to i32
    %cond3A_20 = arith.constant 0 : i32
    %cond3A_21 = arith.cmpi ne, %convert_element_type3A_19, %cond3A_20 : i32
    scf.if %cond3A_21 {
      %mul3A = arith.constant 6250 : i32
      %mul3A_72 = arith.muli %arg1, %mul3A : i32
      "tpu.region"() ({
        %run_scoped3A_90 = tpu.sem_alloc : memref<!tpu.dma_semaphore, #tpu.memory_space<semaphore_mem>>
        %dma_start3A = arith.constant 0 : i32
        %dma_start3A_91 = tpu.memref_slice %arg12[%mul3A_72, %dma_start3A] : memref<100000x16xf32, #tpu.memory_space<vmem_shared>> -> memref<6250x16xf32, #tpu.memory_space<vmem_shared>>
        tpu.enqueue_dma source(%arg8 : memref<6250x16xf32, #tpu.memory_space<hbm>>) target(%dma_start3A_91 : memref<6250x16xf32, #tpu.memory_space<vmem_shared>>) target_semaphore(%run_scoped3A_90 : memref<!tpu.dma_semaphore, #tpu.memory_space<semaphore_mem>>)
        %dma_wait3A = arith.constant 0 : i32
        %dma_wait3A_92 = tpu.memref_slice %arg12[%mul3A_72, %dma_wait3A] : memref<100000x16xf32, #tpu.memory_space<vmem_shared>> -> memref<6250x16xf32, #tpu.memory_space<vmem_shared>>
        tpu.wait_dma2 semaphore(%run_scoped3A_90 : memref<!tpu.dma_semaphore, #tpu.memory_space<semaphore_mem>>) src(%arg8 : memref<6250x16xf32, #tpu.memory_space<hbm>>) dst(%dma_wait3A_92 : memref<6250x16xf32, #tpu.memory_space<vmem_shared>>)
        tpu.yield
      }) : () -> ()
      %barrier3A = arith.constant 0 : index
      tpu.barrier barrier_id(%barrier3A)
      %scan3A = arith.constant 0 : i32
      %scan3A_73 = arith.constant 0 : i32
      %scan3A_74 = arith.constant 8 : i32
      %scan3A_75 = arith.addi %scan3A_73, %scan3A_74 : i32
      %scan3A_76 = arith.constant 1 : i32
      scf.for %scan3A_90 = %scan3A_73 to %scan3A_75 step %scan3A_76  : i32 {
        %mul3A_91 = arith.constant 16 : i32
        %mul3A_92 = arith.muli %mul3A_91, %scan3A_90 : i32
        %add3A = arith.addi %arg1, %mul3A_92 : i32
        %lt3A = arith.constant 125 : i32
        %lt3A_93 = arith.cmpi slt, %add3A, %lt3A : i32
        %convert_element_type3A_94 = arith.extui %lt3A_93 : i1 to i32
        %cond3A_95 = arith.constant 0 : i32
        %cond3A_96 = arith.cmpi ne, %convert_element_type3A_94, %cond3A_95 : i32
        scf.if %cond3A_96 {
          %mul3A_97 = arith.constant 1600 : i32
          %mul3A_98 = arith.muli %add3A, %mul3A_97 : i32
          %dma_start3A = tpu.memref_slice %arg6[%mul3A_98] : memref<200000xi32, #tpu.memory_space<hbm>> -> memref<1600xi32, #tpu.memory_space<hbm>>
          %dma_start3A_99 = tpu.memref_slice %arg6[%mul3A_98] : memref<200000xi32, #tpu.memory_space<hbm>> -> memref<1600xi32, #tpu.memory_space<hbm>>
          tpu.enqueue_dma source(%dma_start3A_99 : memref<1600xi32, #tpu.memory_space<hbm>>) target(%arg10 : memref<1600xi32, #tpu.memory_space<vmem>>) target_semaphore(%arg13 : memref<!tpu.dma_semaphore, #tpu.memory_space<semaphore_mem>>)
          %dma_start3A_100 = arith.constant 64 : i32
          %dma_start3A_101 = tpu.memref_slice %arg3[%mul3A_98, %dma_start3A_100] : memref<200000x128xf32, #tpu.memory_space<hbm>> -> memref<1600x16xf32, #tpu.memory_space<hbm>>
          %dma_start3A_102 = arith.constant 64 : i32
          %dma_start3A_103 = tpu.memref_slice %arg3[%mul3A_98, %dma_start3A_102] : memref<200000x128xf32, #tpu.memory_space<hbm>> -> memref<1600x16xf32, #tpu.memory_space<hbm>>
          tpu.enqueue_dma source(%dma_start3A_103 : memref<1600x16xf32, #tpu.memory_space<hbm>>) target(%arg11 : memref<1600x16xf32, #tpu.memory_space<vmem>>) target_semaphore(%arg14 : memref<!tpu.dma_semaphore, #tpu.memory_space<semaphore_mem>>)
          %dma_wait3A = tpu.memref_slice %arg6[%mul3A_98] : memref<200000xi32, #tpu.memory_space<hbm>> -> memref<1600xi32, #tpu.memory_space<hbm>>
          %dma_wait3A_104 = tpu.memref_slice %arg6[%mul3A_98] : memref<200000xi32, #tpu.memory_space<hbm>> -> memref<1600xi32, #tpu.memory_space<hbm>>
          tpu.wait_dma2 semaphore(%arg13 : memref<!tpu.dma_semaphore, #tpu.memory_space<semaphore_mem>>) src(%dma_wait3A_104 : memref<1600xi32, #tpu.memory_space<hbm>>) dst(%arg10 : memref<1600xi32, #tpu.memory_space<vmem>>)
          %dma_wait3A_105 = arith.constant 64 : i32
          %dma_wait3A_106 = tpu.memref_slice %arg3[%mul3A_98, %dma_wait3A_105] : memref<200000x128xf32, #tpu.memory_space<hbm>> -> memref<1600x16xf32, #tpu.memory_space<hbm>>
          %dma_wait3A_107 = arith.constant 64 : i32
          %dma_wait3A_108 = tpu.memref_slice %arg3[%mul3A_98, %dma_wait3A_107] : memref<200000x128xf32, #tpu.memory_space<hbm>> -> memref<1600x16xf32, #tpu.memory_space<hbm>>
          tpu.wait_dma2 semaphore(%arg14 : memref<!tpu.dma_semaphore, #tpu.memory_space<semaphore_mem>>) src(%dma_wait3A_108 : memref<1600x16xf32, #tpu.memory_space<hbm>>) dst(%arg11 : memref<1600x16xf32, #tpu.memory_space<vmem>>)
          "tpu.region"() ({
            %run_scoped3A_109 = tpu.sem_alloc : memref<!tpu.dma_semaphore, #tpu.memory_space<semaphore_mem>>
            %dma_start3A_110 = arith.constant 0 : i32
            %dma_start3A_111 = arith.constant 0 : i32
            %dma_start3A_112 = tpu.memref_slice %arg12[%dma_start3A_110, %dma_start3A_111] : memref<100000x16xf32, #tpu.memory_space<vmem_shared>> -> memref<100000x16xf32, #tpu.memory_space<vmem_shared>>
            tpu.enqueue_indirect_dma source(%arg11 : memref<1600x16xf32, #tpu.memory_space<vmem>>) target(%dma_start3A_112 : memref<100000x16xf32, #tpu.memory_space<vmem_shared>>) offsets(%arg10 : memref<1600xi32, #tpu.memory_space<vmem>>) semaphore(%run_scoped3A_109 : memref<!tpu.dma_semaphore, #tpu.memory_space<semaphore_mem>>) {add = true}
            %dma_wait3A_113 = arith.constant 0 : i32
            %dma_wait3A_114 = arith.constant 0 : i32
            %dma_wait3A_115 = tpu.memref_slice %arg12[%dma_wait3A_113, %dma_wait3A_114] : memref<100000x16xf32, #tpu.memory_space<vmem_shared>> -> memref<100000x16xf32, #tpu.memory_space<vmem_shared>>
            tpu.wait_indirect_dma semaphore(%run_scoped3A_109 : memref<!tpu.dma_semaphore, #tpu.memory_space<semaphore_mem>>) src(%arg11 : memref<1600x16xf32, #tpu.memory_space<vmem>>) dst(%dma_wait3A_115 : memref<100000x16xf32, #tpu.memory_space<vmem_shared>>)
            tpu.yield
          }) : () -> ()
        } else {
        }
      }
      %scan3A_77 = arith.constant 8 : i32
      %scan3A_78 = arith.constant 0 : i32
      %scan3A_79 = arith.constant 0 : i32
      %scan3A_80 = arith.constant 8 : i32
      %scan3A_81 = arith.addi %scan3A_79, %scan3A_80 : i32
      %scan3A_82 = arith.constant 1 : i32
      scf.for %scan3A_90 = %scan3A_79 to %scan3A_81 step %scan3A_82  : i32 {
        %mul3A_91 = arith.constant 16 : i32
        %mul3A_92 = arith.muli %mul3A_91, %scan3A_90 : i32
        %add3A = arith.addi %arg1, %mul3A_92 : i32
        %lt3A = arith.constant 125 : i32
        %lt3A_93 = arith.cmpi slt, %add3A, %lt3A : i32
        %convert_element_type3A_94 = arith.extui %lt3A_93 : i1 to i32
        %cond3A_95 = arith.constant 0 : i32
        %cond3A_96 = arith.cmpi ne, %convert_element_type3A_94, %cond3A_95 : i32
        scf.if %cond3A_96 {
          %mul3A_97 = arith.constant 1600 : i32
          %mul3A_98 = arith.muli %add3A, %mul3A_97 : i32
          %dma_start3A = tpu.memref_slice %arg7[%mul3A_98] : memref<200000xi32, #tpu.memory_space<hbm>> -> memref<1600xi32, #tpu.memory_space<hbm>>
          %dma_start3A_99 = tpu.memref_slice %arg7[%mul3A_98] : memref<200000xi32, #tpu.memory_space<hbm>> -> memref<1600xi32, #tpu.memory_space<hbm>>
          tpu.enqueue_dma source(%dma_start3A_99 : memref<1600xi32, #tpu.memory_space<hbm>>) target(%arg10 : memref<1600xi32, #tpu.memory_space<vmem>>) target_semaphore(%arg13 : memref<!tpu.dma_semaphore, #tpu.memory_space<semaphore_mem>>)
          %dma_start3A_100 = arith.constant 64 : i32
          %dma_start3A_101 = tpu.memref_slice %arg2[%mul3A_98, %dma_start3A_100] : memref<200000x128xf32, #tpu.memory_space<hbm>> -> memref<1600x16xf32, #tpu.memory_space<hbm>>
          %dma_start3A_102 = arith.constant 64 : i32
          %dma_start3A_103 = tpu.memref_slice %arg2[%mul3A_98, %dma_start3A_102] : memref<200000x128xf32, #tpu.memory_space<hbm>> -> memref<1600x16xf32, #tpu.memory_space<hbm>>
          tpu.enqueue_dma source(%dma_start3A_103 : memref<1600x16xf32, #tpu.memory_space<hbm>>) target(%arg11 : memref<1600x16xf32, #tpu.memory_space<vmem>>) target_semaphore(%arg14 : memref<!tpu.dma_semaphore, #tpu.memory_space<semaphore_mem>>)
          %dma_wait3A = tpu.memref_slice %arg7[%mul3A_98] : memref<200000xi32, #tpu.memory_space<hbm>> -> memref<1600xi32, #tpu.memory_space<hbm>>
          %dma_wait3A_104 = tpu.memref_slice %arg7[%mul3A_98] : memref<200000xi32, #tpu.memory_space<hbm>> -> memref<1600xi32, #tpu.memory_space<hbm>>
          tpu.wait_dma2 semaphore(%arg13 : memref<!tpu.dma_semaphore, #tpu.memory_space<semaphore_mem>>) src(%dma_wait3A_104 : memref<1600xi32, #tpu.memory_space<hbm>>) dst(%arg10 : memref<1600xi32, #tpu.memory_space<vmem>>)
          %dma_wait3A_105 = arith.constant 64 : i32
          %dma_wait3A_106 = tpu.memref_slice %arg2[%mul3A_98, %dma_wait3A_105] : memref<200000x128xf32, #tpu.memory_space<hbm>> -> memref<1600x16xf32, #tpu.memory_space<hbm>>
          %dma_wait3A_107 = arith.constant 64 : i32
          %dma_wait3A_108 = tpu.memref_slice %arg2[%mul3A_98, %dma_wait3A_107] : memref<200000x128xf32, #tpu.memory_space<hbm>> -> memref<1600x16xf32, #tpu.memory_space<hbm>>
          tpu.wait_dma2 semaphore(%arg14 : memref<!tpu.dma_semaphore, #tpu.memory_space<semaphore_mem>>) src(%dma_wait3A_108 : memref<1600x16xf32, #tpu.memory_space<hbm>>) dst(%arg11 : memref<1600x16xf32, #tpu.memory_space<vmem>>)
          "tpu.region"() ({
            %run_scoped3A_109 = tpu.sem_alloc : memref<!tpu.dma_semaphore, #tpu.memory_space<semaphore_mem>>
            %dma_start3A_110 = arith.constant 0 : i32
            %dma_start3A_111 = arith.constant 0 : i32
            %dma_start3A_112 = tpu.memref_slice %arg12[%dma_start3A_110, %dma_start3A_111] : memref<100000x16xf32, #tpu.memory_space<vmem_shared>> -> memref<100000x16xf32, #tpu.memory_space<vmem_shared>>
            tpu.enqueue_indirect_dma source(%arg11 : memref<1600x16xf32, #tpu.memory_space<vmem>>) target(%dma_start3A_112 : memref<100000x16xf32, #tpu.memory_space<vmem_shared>>) offsets(%arg10 : memref<1600xi32, #tpu.memory_space<vmem>>) semaphore(%run_scoped3A_109 : memref<!tpu.dma_semaphore, #tpu.memory_space<semaphore_mem>>) {add = true}
            %dma_wait3A_113 = arith.constant 0 : i32
            %dma_wait3A_114 = arith.constant 0 : i32
            %dma_wait3A_115 = tpu.memref_slice %arg12[%dma_wait3A_113, %dma_wait3A_114] : memref<100000x16xf32, #tpu.memory_space<vmem_shared>> -> memref<100000x16xf32, #tpu.memory_space<vmem_shared>>
            tpu.wait_indirect_dma semaphore(%run_scoped3A_109 : memref<!tpu.dma_semaphore, #tpu.memory_space<semaphore_mem>>) src(%arg11 : memref<1600x16xf32, #tpu.memory_space<vmem>>) dst(%dma_wait3A_115 : memref<100000x16xf32, #tpu.memory_space<vmem_shared>>)
            tpu.yield
          }) : () -> ()
        } else {
        }
      }
      %scan3A_83 = arith.constant 8 : i32
      %barrier3A_84 = arith.constant 0 : index
      tpu.barrier barrier_id(%barrier3A_84)
      %mul3A_85 = arith.constant 6250 : i32
      %mul3A_86 = arith.muli %arg1, %mul3A_85 : i32
      %mul3A_87 = arith.constant 6250 : i32
      %mul3A_88 = arith.muli %arg1, %mul3A_87 : i32
      %run_scoped3A = arith.constant 4 : i32
      "tpu.region"() ({
        %run_scoped3A_90 = tpu.sem_alloc : memref<!tpu.dma_semaphore, #tpu.memory_space<semaphore_mem>>
        %dma_start3A = arith.constant 0 : i32
        %dma_start3A_91 = tpu.memref_slice %arg9[%run_scoped3A, %mul3A_88, %dma_start3A] : memref<15x100000x16xf32, #tpu.memory_space<hbm>> -> memref<1x6250x16xf32, #tpu.memory_space<hbm>>
        %dma_start3A_92 = tpu.memref_squeeze %dma_start3A_91 : memref<1x6250x16xf32, #tpu.memory_space<hbm>> -> memref<6250x16xf32, #tpu.memory_space<hbm>>
        %dma_start3A_93 = arith.constant 0 : i32
        %dma_start3A_94 = tpu.memref_slice %arg12[%mul3A_86, %dma_start3A_93] : memref<100000x16xf32, #tpu.memory_space<vmem_shared>> -> memref<6250x16xf32, #tpu.memory_space<vmem_shared>>
        tpu.enqueue_dma source(%dma_start3A_94 : memref<6250x16xf32, #tpu.memory_space<vmem_shared>>) target(%dma_start3A_92 : memref<6250x16xf32, #tpu.memory_space<hbm>>) target_semaphore(%run_scoped3A_90 : memref<!tpu.dma_semaphore, #tpu.memory_space<semaphore_mem>>)
        %dma_wait3A = arith.constant 0 : i32
        %dma_wait3A_95 = tpu.memref_slice %arg9[%run_scoped3A, %mul3A_88, %dma_wait3A] : memref<15x100000x16xf32, #tpu.memory_space<hbm>> -> memref<1x6250x16xf32, #tpu.memory_space<hbm>>
        %dma_wait3A_96 = tpu.memref_squeeze %dma_wait3A_95 : memref<1x6250x16xf32, #tpu.memory_space<hbm>> -> memref<6250x16xf32, #tpu.memory_space<hbm>>
        %dma_wait3A_97 = arith.constant 0 : i32
        %dma_wait3A_98 = tpu.memref_slice %arg12[%mul3A_86, %dma_wait3A_97] : memref<100000x16xf32, #tpu.memory_space<vmem_shared>> -> memref<6250x16xf32, #tpu.memory_space<vmem_shared>>
        tpu.wait_dma2 semaphore(%run_scoped3A_90 : memref<!tpu.dma_semaphore, #tpu.memory_space<semaphore_mem>>) src(%dma_wait3A_98 : memref<6250x16xf32, #tpu.memory_space<vmem_shared>>) dst(%dma_wait3A_96 : memref<6250x16xf32, #tpu.memory_space<hbm>>)
        tpu.yield
      }) : () -> ()
      %barrier3A_89 = arith.constant 0 : index
      tpu.barrier barrier_id(%barrier3A_89)
    } else {
    }
    %eq3A_22 = arith.constant 1 : i32
    %eq3A_23 = arith.cmpi eq, %arg0, %eq3A_22 : i32
    %convert_element_type3A_24 = arith.extui %eq3A_23 : i1 to i32
    %cond3A_25 = arith.constant 0 : i32
    %cond3A_26 = arith.cmpi ne, %convert_element_type3A_24, %cond3A_25 : i32
    scf.if %cond3A_26 {
      %mul3A = arith.constant 6250 : i32
      %mul3A_72 = arith.muli %arg1, %mul3A : i32
      "tpu.region"() ({
        %run_scoped3A_90 = tpu.sem_alloc : memref<!tpu.dma_semaphore, #tpu.memory_space<semaphore_mem>>
        %dma_start3A = arith.constant 0 : i32
        %dma_start3A_91 = tpu.memref_slice %arg12[%mul3A_72, %dma_start3A] : memref<100000x16xf32, #tpu.memory_space<vmem_shared>> -> memref<6250x16xf32, #tpu.memory_space<vmem_shared>>
        tpu.enqueue_dma source(%arg8 : memref<6250x16xf32, #tpu.memory_space<hbm>>) target(%dma_start3A_91 : memref<6250x16xf32, #tpu.memory_space<vmem_shared>>) target_semaphore(%run_scoped3A_90 : memref<!tpu.dma_semaphore, #tpu.memory_space<semaphore_mem>>)
        %dma_wait3A = arith.constant 0 : i32
        %dma_wait3A_92 = tpu.memref_slice %arg12[%mul3A_72, %dma_wait3A] : memref<100000x16xf32, #tpu.memory_space<vmem_shared>> -> memref<6250x16xf32, #tpu.memory_space<vmem_shared>>
        tpu.wait_dma2 semaphore(%run_scoped3A_90 : memref<!tpu.dma_semaphore, #tpu.memory_space<semaphore_mem>>) src(%arg8 : memref<6250x16xf32, #tpu.memory_space<hbm>>) dst(%dma_wait3A_92 : memref<6250x16xf32, #tpu.memory_space<vmem_shared>>)
        tpu.yield
      }) : () -> ()
      %barrier3A = arith.constant 0 : index
      tpu.barrier barrier_id(%barrier3A)
      %scan3A = arith.constant 0 : i32
      %scan3A_73 = arith.constant 0 : i32
      %scan3A_74 = arith.constant 8 : i32
      %scan3A_75 = arith.addi %scan3A_73, %scan3A_74 : i32
      %scan3A_76 = arith.constant 1 : i32
      scf.for %scan3A_90 = %scan3A_73 to %scan3A_75 step %scan3A_76  : i32 {
        %mul3A_91 = arith.constant 16 : i32
        %mul3A_92 = arith.muli %mul3A_91, %scan3A_90 : i32
        %add3A = arith.addi %arg1, %mul3A_92 : i32
        %lt3A = arith.constant 125 : i32
        %lt3A_93 = arith.cmpi slt, %add3A, %lt3A : i32
        %convert_element_type3A_94 = arith.extui %lt3A_93 : i1 to i32
        %cond3A_95 = arith.constant 0 : i32
        %cond3A_96 = arith.cmpi ne, %convert_element_type3A_94, %cond3A_95 : i32
        scf.if %cond3A_96 {
          %mul3A_97 = arith.constant 1600 : i32
          %mul3A_98 = arith.muli %add3A, %mul3A_97 : i32
          %dma_start3A = tpu.memref_slice %arg6[%mul3A_98] : memref<200000xi32, #tpu.memory_space<hbm>> -> memref<1600xi32, #tpu.memory_space<hbm>>
          %dma_start3A_99 = tpu.memref_slice %arg6[%mul3A_98] : memref<200000xi32, #tpu.memory_space<hbm>> -> memref<1600xi32, #tpu.memory_space<hbm>>
          tpu.enqueue_dma source(%dma_start3A_99 : memref<1600xi32, #tpu.memory_space<hbm>>) target(%arg10 : memref<1600xi32, #tpu.memory_space<vmem>>) target_semaphore(%arg13 : memref<!tpu.dma_semaphore, #tpu.memory_space<semaphore_mem>>)
          %dma_start3A_100 = arith.constant 80 : i32
          %dma_start3A_101 = tpu.memref_slice %arg3[%mul3A_98, %dma_start3A_100] : memref<200000x128xf32, #tpu.memory_space<hbm>> -> memref<1600x16xf32, #tpu.memory_space<hbm>>
          %dma_start3A_102 = arith.constant 80 : i32
          %dma_start3A_103 = tpu.memref_slice %arg3[%mul3A_98, %dma_start3A_102] : memref<200000x128xf32, #tpu.memory_space<hbm>> -> memref<1600x16xf32, #tpu.memory_space<hbm>>
          tpu.enqueue_dma source(%dma_start3A_103 : memref<1600x16xf32, #tpu.memory_space<hbm>>) target(%arg11 : memref<1600x16xf32, #tpu.memory_space<vmem>>) target_semaphore(%arg14 : memref<!tpu.dma_semaphore, #tpu.memory_space<semaphore_mem>>)
          %dma_wait3A = tpu.memref_slice %arg6[%mul3A_98] : memref<200000xi32, #tpu.memory_space<hbm>> -> memref<1600xi32, #tpu.memory_space<hbm>>
          %dma_wait3A_104 = tpu.memref_slice %arg6[%mul3A_98] : memref<200000xi32, #tpu.memory_space<hbm>> -> memref<1600xi32, #tpu.memory_space<hbm>>
          tpu.wait_dma2 semaphore(%arg13 : memref<!tpu.dma_semaphore, #tpu.memory_space<semaphore_mem>>) src(%dma_wait3A_104 : memref<1600xi32, #tpu.memory_space<hbm>>) dst(%arg10 : memref<1600xi32, #tpu.memory_space<vmem>>)
          %dma_wait3A_105 = arith.constant 80 : i32
          %dma_wait3A_106 = tpu.memref_slice %arg3[%mul3A_98, %dma_wait3A_105] : memref<200000x128xf32, #tpu.memory_space<hbm>> -> memref<1600x16xf32, #tpu.memory_space<hbm>>
          %dma_wait3A_107 = arith.constant 80 : i32
          %dma_wait3A_108 = tpu.memref_slice %arg3[%mul3A_98, %dma_wait3A_107] : memref<200000x128xf32, #tpu.memory_space<hbm>> -> memref<1600x16xf32, #tpu.memory_space<hbm>>
          tpu.wait_dma2 semaphore(%arg14 : memref<!tpu.dma_semaphore, #tpu.memory_space<semaphore_mem>>) src(%dma_wait3A_108 : memref<1600x16xf32, #tpu.memory_space<hbm>>) dst(%arg11 : memref<1600x16xf32, #tpu.memory_space<vmem>>)
          "tpu.region"() ({
            %run_scoped3A_109 = tpu.sem_alloc : memref<!tpu.dma_semaphore, #tpu.memory_space<semaphore_mem>>
            %dma_start3A_110 = arith.constant 0 : i32
            %dma_start3A_111 = arith.constant 0 : i32
            %dma_start3A_112 = tpu.memref_slice %arg12[%dma_start3A_110, %dma_start3A_111] : memref<100000x16xf32, #tpu.memory_space<vmem_shared>> -> memref<100000x16xf32, #tpu.memory_space<vmem_shared>>
            tpu.enqueue_indirect_dma source(%arg11 : memref<1600x16xf32, #tpu.memory_space<vmem>>) target(%dma_start3A_112 : memref<100000x16xf32, #tpu.memory_space<vmem_shared>>) offsets(%arg10 : memref<1600xi32, #tpu.memory_space<vmem>>) semaphore(%run_scoped3A_109 : memref<!tpu.dma_semaphore, #tpu.memory_space<semaphore_mem>>) {add = true}
            %dma_wait3A_113 = arith.constant 0 : i32
            %dma_wait3A_114 = arith.constant 0 : i32
            %dma_wait3A_115 = tpu.memref_slice %arg12[%dma_wait3A_113, %dma_wait3A_114] : memref<100000x16xf32, #tpu.memory_space<vmem_shared>> -> memref<100000x16xf32, #tpu.memory_space<vmem_shared>>
            tpu.wait_indirect_dma semaphore(%run_scoped3A_109 : memref<!tpu.dma_semaphore, #tpu.memory_space<semaphore_mem>>) src(%arg11 : memref<1600x16xf32, #tpu.memory_space<vmem>>) dst(%dma_wait3A_115 : memref<100000x16xf32, #tpu.memory_space<vmem_shared>>)
            tpu.yield
          }) : () -> ()
        } else {
        }
      }
      %scan3A_77 = arith.constant 8 : i32
      %scan3A_78 = arith.constant 0 : i32
      %scan3A_79 = arith.constant 0 : i32
      %scan3A_80 = arith.constant 8 : i32
      %scan3A_81 = arith.addi %scan3A_79, %scan3A_80 : i32
      %scan3A_82 = arith.constant 1 : i32
      scf.for %scan3A_90 = %scan3A_79 to %scan3A_81 step %scan3A_82  : i32 {
        %mul3A_91 = arith.constant 16 : i32
        %mul3A_92 = arith.muli %mul3A_91, %scan3A_90 : i32
        %add3A = arith.addi %arg1, %mul3A_92 : i32
        %lt3A = arith.constant 125 : i32
        %lt3A_93 = arith.cmpi slt, %add3A, %lt3A : i32
        %convert_element_type3A_94 = arith.extui %lt3A_93 : i1 to i32
        %cond3A_95 = arith.constant 0 : i32
        %cond3A_96 = arith.cmpi ne, %convert_element_type3A_94, %cond3A_95 : i32
        scf.if %cond3A_96 {
          %mul3A_97 = arith.constant 1600 : i32
          %mul3A_98 = arith.muli %add3A, %mul3A_97 : i32
          %dma_start3A = tpu.memref_slice %arg7[%mul3A_98] : memref<200000xi32, #tpu.memory_space<hbm>> -> memref<1600xi32, #tpu.memory_space<hbm>>
          %dma_start3A_99 = tpu.memref_slice %arg7[%mul3A_98] : memref<200000xi32, #tpu.memory_space<hbm>> -> memref<1600xi32, #tpu.memory_space<hbm>>
          tpu.enqueue_dma source(%dma_start3A_99 : memref<1600xi32, #tpu.memory_space<hbm>>) target(%arg10 : memref<1600xi32, #tpu.memory_space<vmem>>) target_semaphore(%arg13 : memref<!tpu.dma_semaphore, #tpu.memory_space<semaphore_mem>>)
          %dma_start3A_100 = arith.constant 80 : i32
          %dma_start3A_101 = tpu.memref_slice %arg2[%mul3A_98, %dma_start3A_100] : memref<200000x128xf32, #tpu.memory_space<hbm>> -> memref<1600x16xf32, #tpu.memory_space<hbm>>
          %dma_start3A_102 = arith.constant 80 : i32
          %dma_start3A_103 = tpu.memref_slice %arg2[%mul3A_98, %dma_start3A_102] : memref<200000x128xf32, #tpu.memory_space<hbm>> -> memref<1600x16xf32, #tpu.memory_space<hbm>>
          tpu.enqueue_dma source(%dma_start3A_103 : memref<1600x16xf32, #tpu.memory_space<hbm>>) target(%arg11 : memref<1600x16xf32, #tpu.memory_space<vmem>>) target_semaphore(%arg14 : memref<!tpu.dma_semaphore, #tpu.memory_space<semaphore_mem>>)
          %dma_wait3A = tpu.memref_slice %arg7[%mul3A_98] : memref<200000xi32, #tpu.memory_space<hbm>> -> memref<1600xi32, #tpu.memory_space<hbm>>
          %dma_wait3A_104 = tpu.memref_slice %arg7[%mul3A_98] : memref<200000xi32, #tpu.memory_space<hbm>> -> memref<1600xi32, #tpu.memory_space<hbm>>
          tpu.wait_dma2 semaphore(%arg13 : memref<!tpu.dma_semaphore, #tpu.memory_space<semaphore_mem>>) src(%dma_wait3A_104 : memref<1600xi32, #tpu.memory_space<hbm>>) dst(%arg10 : memref<1600xi32, #tpu.memory_space<vmem>>)
          %dma_wait3A_105 = arith.constant 80 : i32
          %dma_wait3A_106 = tpu.memref_slice %arg2[%mul3A_98, %dma_wait3A_105] : memref<200000x128xf32, #tpu.memory_space<hbm>> -> memref<1600x16xf32, #tpu.memory_space<hbm>>
          %dma_wait3A_107 = arith.constant 80 : i32
          %dma_wait3A_108 = tpu.memref_slice %arg2[%mul3A_98, %dma_wait3A_107] : memref<200000x128xf32, #tpu.memory_space<hbm>> -> memref<1600x16xf32, #tpu.memory_space<hbm>>
          tpu.wait_dma2 semaphore(%arg14 : memref<!tpu.dma_semaphore, #tpu.memory_space<semaphore_mem>>) src(%dma_wait3A_108 : memref<1600x16xf32, #tpu.memory_space<hbm>>) dst(%arg11 : memref<1600x16xf32, #tpu.memory_space<vmem>>)
          "tpu.region"() ({
            %run_scoped3A_109 = tpu.sem_alloc : memref<!tpu.dma_semaphore, #tpu.memory_space<semaphore_mem>>
            %dma_start3A_110 = arith.constant 0 : i32
            %dma_start3A_111 = arith.constant 0 : i32
            %dma_start3A_112 = tpu.memref_slice %arg12[%dma_start3A_110, %dma_start3A_111] : memref<100000x16xf32, #tpu.memory_space<vmem_shared>> -> memref<100000x16xf32, #tpu.memory_space<vmem_shared>>
            tpu.enqueue_indirect_dma source(%arg11 : memref<1600x16xf32, #tpu.memory_space<vmem>>) target(%dma_start3A_112 : memref<100000x16xf32, #tpu.memory_space<vmem_shared>>) offsets(%arg10 : memref<1600xi32, #tpu.memory_space<vmem>>) semaphore(%run_scoped3A_109 : memref<!tpu.dma_semaphore, #tpu.memory_space<semaphore_mem>>) {add = true}
            %dma_wait3A_113 = arith.constant 0 : i32
            %dma_wait3A_114 = arith.constant 0 : i32
            %dma_wait3A_115 = tpu.memref_slice %arg12[%dma_wait3A_113, %dma_wait3A_114] : memref<100000x16xf32, #tpu.memory_space<vmem_shared>> -> memref<100000x16xf32, #tpu.memory_space<vmem_shared>>
            tpu.wait_indirect_dma semaphore(%run_scoped3A_109 : memref<!tpu.dma_semaphore, #tpu.memory_space<semaphore_mem>>) src(%arg11 : memref<1600x16xf32, #tpu.memory_space<vmem>>) dst(%dma_wait3A_115 : memref<100000x16xf32, #tpu.memory_space<vmem_shared>>)
            tpu.yield
          }) : () -> ()
        } else {
        }
      }
      %scan3A_83 = arith.constant 8 : i32
      %barrier3A_84 = arith.constant 0 : index
      tpu.barrier barrier_id(%barrier3A_84)
      %mul3A_85 = arith.constant 6250 : i32
      %mul3A_86 = arith.muli %arg1, %mul3A_85 : i32
      %mul3A_87 = arith.constant 6250 : i32
      %mul3A_88 = arith.muli %arg1, %mul3A_87 : i32
      %run_scoped3A = arith.constant 5 : i32
      "tpu.region"() ({
        %run_scoped3A_90 = tpu.sem_alloc : memref<!tpu.dma_semaphore, #tpu.memory_space<semaphore_mem>>
        %dma_start3A = arith.constant 0 : i32
        %dma_start3A_91 = tpu.memref_slice %arg9[%run_scoped3A, %mul3A_88, %dma_start3A] : memref<15x100000x16xf32, #tpu.memory_space<hbm>> -> memref<1x6250x16xf32, #tpu.memory_space<hbm>>
        %dma_start3A_92 = tpu.memref_squeeze %dma_start3A_91 : memref<1x6250x16xf32, #tpu.memory_space<hbm>> -> memref<6250x16xf32, #tpu.memory_space<hbm>>
        %dma_start3A_93 = arith.constant 0 : i32
        %dma_start3A_94 = tpu.memref_slice %arg12[%mul3A_86, %dma_start3A_93] : memref<100000x16xf32, #tpu.memory_space<vmem_shared>> -> memref<6250x16xf32, #tpu.memory_space<vmem_shared>>
        tpu.enqueue_dma source(%dma_start3A_94 : memref<6250x16xf32, #tpu.memory_space<vmem_shared>>) target(%dma_start3A_92 : memref<6250x16xf32, #tpu.memory_space<hbm>>) target_semaphore(%run_scoped3A_90 : memref<!tpu.dma_semaphore, #tpu.memory_space<semaphore_mem>>)
        %dma_wait3A = arith.constant 0 : i32
        %dma_wait3A_95 = tpu.memref_slice %arg9[%run_scoped3A, %mul3A_88, %dma_wait3A] : memref<15x100000x16xf32, #tpu.memory_space<hbm>> -> memref<1x6250x16xf32, #tpu.memory_space<hbm>>
        %dma_wait3A_96 = tpu.memref_squeeze %dma_wait3A_95 : memref<1x6250x16xf32, #tpu.memory_space<hbm>> -> memref<6250x16xf32, #tpu.memory_space<hbm>>
        %dma_wait3A_97 = arith.constant 0 : i32
        %dma_wait3A_98 = tpu.memref_slice %arg12[%mul3A_86, %dma_wait3A_97] : memref<100000x16xf32, #tpu.memory_space<vmem_shared>> -> memref<6250x16xf32, #tpu.memory_space<vmem_shared>>
        tpu.wait_dma2 semaphore(%run_scoped3A_90 : memref<!tpu.dma_semaphore, #tpu.memory_space<semaphore_mem>>) src(%dma_wait3A_98 : memref<6250x16xf32, #tpu.memory_space<vmem_shared>>) dst(%dma_wait3A_96 : memref<6250x16xf32, #tpu.memory_space<hbm>>)
        tpu.yield
      }) : () -> ()
      %barrier3A_89 = arith.constant 0 : index
      tpu.barrier barrier_id(%barrier3A_89)
    } else {
    }
    %eq3A_27 = arith.constant 0 : i32
    %eq3A_28 = arith.cmpi eq, %arg0, %eq3A_27 : i32
    %convert_element_type3A_29 = arith.extui %eq3A_28 : i1 to i32
    %cond3A_30 = arith.constant 0 : i32
    %cond3A_31 = arith.cmpi ne, %convert_element_type3A_29, %cond3A_30 : i32
    scf.if %cond3A_31 {
      %mul3A = arith.constant 6250 : i32
      %mul3A_72 = arith.muli %arg1, %mul3A : i32
      "tpu.region"() ({
        %run_scoped3A_90 = tpu.sem_alloc : memref<!tpu.dma_semaphore, #tpu.memory_space<semaphore_mem>>
        %dma_start3A = arith.constant 0 : i32
        %dma_start3A_91 = tpu.memref_slice %arg12[%mul3A_72, %dma_start3A] : memref<100000x16xf32, #tpu.memory_space<vmem_shared>> -> memref<6250x16xf32, #tpu.memory_space<vmem_shared>>
        tpu.enqueue_dma source(%arg8 : memref<6250x16xf32, #tpu.memory_space<hbm>>) target(%dma_start3A_91 : memref<6250x16xf32, #tpu.memory_space<vmem_shared>>) target_semaphore(%run_scoped3A_90 : memref<!tpu.dma_semaphore, #tpu.memory_space<semaphore_mem>>)
        %dma_wait3A = arith.constant 0 : i32
        %dma_wait3A_92 = tpu.memref_slice %arg12[%mul3A_72, %dma_wait3A] : memref<100000x16xf32, #tpu.memory_space<vmem_shared>> -> memref<6250x16xf32, #tpu.memory_space<vmem_shared>>
        tpu.wait_dma2 semaphore(%run_scoped3A_90 : memref<!tpu.dma_semaphore, #tpu.memory_space<semaphore_mem>>) src(%arg8 : memref<6250x16xf32, #tpu.memory_space<hbm>>) dst(%dma_wait3A_92 : memref<6250x16xf32, #tpu.memory_space<vmem_shared>>)
        tpu.yield
      }) : () -> ()
      %barrier3A = arith.constant 0 : index
      tpu.barrier barrier_id(%barrier3A)
      %scan3A = arith.constant 0 : i32
      %scan3A_73 = arith.constant 0 : i32
      %scan3A_74 = arith.constant 8 : i32
      %scan3A_75 = arith.addi %scan3A_73, %scan3A_74 : i32
      %scan3A_76 = arith.constant 1 : i32
      scf.for %scan3A_90 = %scan3A_73 to %scan3A_75 step %scan3A_76  : i32 {
        %mul3A_91 = arith.constant 16 : i32
        %mul3A_92 = arith.muli %mul3A_91, %scan3A_90 : i32
        %add3A = arith.addi %arg1, %mul3A_92 : i32
        %lt3A = arith.constant 125 : i32
        %lt3A_93 = arith.cmpi slt, %add3A, %lt3A : i32
        %convert_element_type3A_94 = arith.extui %lt3A_93 : i1 to i32
        %cond3A_95 = arith.constant 0 : i32
        %cond3A_96 = arith.cmpi ne, %convert_element_type3A_94, %cond3A_95 : i32
        scf.if %cond3A_96 {
          %mul3A_97 = arith.constant 1600 : i32
          %mul3A_98 = arith.muli %add3A, %mul3A_97 : i32
          %dma_start3A = tpu.memref_slice %arg6[%mul3A_98] : memref<200000xi32, #tpu.memory_space<hbm>> -> memref<1600xi32, #tpu.memory_space<hbm>>
          %dma_start3A_99 = tpu.memref_slice %arg6[%mul3A_98] : memref<200000xi32, #tpu.memory_space<hbm>> -> memref<1600xi32, #tpu.memory_space<hbm>>
          tpu.enqueue_dma source(%dma_start3A_99 : memref<1600xi32, #tpu.memory_space<hbm>>) target(%arg10 : memref<1600xi32, #tpu.memory_space<vmem>>) target_semaphore(%arg13 : memref<!tpu.dma_semaphore, #tpu.memory_space<semaphore_mem>>)
          %dma_start3A_100 = arith.constant 96 : i32
          %dma_start3A_101 = tpu.memref_slice %arg3[%mul3A_98, %dma_start3A_100] : memref<200000x128xf32, #tpu.memory_space<hbm>> -> memref<1600x16xf32, #tpu.memory_space<hbm>>
          %dma_start3A_102 = arith.constant 96 : i32
          %dma_start3A_103 = tpu.memref_slice %arg3[%mul3A_98, %dma_start3A_102] : memref<200000x128xf32, #tpu.memory_space<hbm>> -> memref<1600x16xf32, #tpu.memory_space<hbm>>
          tpu.enqueue_dma source(%dma_start3A_103 : memref<1600x16xf32, #tpu.memory_space<hbm>>) target(%arg11 : memref<1600x16xf32, #tpu.memory_space<vmem>>) target_semaphore(%arg14 : memref<!tpu.dma_semaphore, #tpu.memory_space<semaphore_mem>>)
          %dma_wait3A = tpu.memref_slice %arg6[%mul3A_98] : memref<200000xi32, #tpu.memory_space<hbm>> -> memref<1600xi32, #tpu.memory_space<hbm>>
          %dma_wait3A_104 = tpu.memref_slice %arg6[%mul3A_98] : memref<200000xi32, #tpu.memory_space<hbm>> -> memref<1600xi32, #tpu.memory_space<hbm>>
          tpu.wait_dma2 semaphore(%arg13 : memref<!tpu.dma_semaphore, #tpu.memory_space<semaphore_mem>>) src(%dma_wait3A_104 : memref<1600xi32, #tpu.memory_space<hbm>>) dst(%arg10 : memref<1600xi32, #tpu.memory_space<vmem>>)
          %dma_wait3A_105 = arith.constant 96 : i32
          %dma_wait3A_106 = tpu.memref_slice %arg3[%mul3A_98, %dma_wait3A_105] : memref<200000x128xf32, #tpu.memory_space<hbm>> -> memref<1600x16xf32, #tpu.memory_space<hbm>>
          %dma_wait3A_107 = arith.constant 96 : i32
          %dma_wait3A_108 = tpu.memref_slice %arg3[%mul3A_98, %dma_wait3A_107] : memref<200000x128xf32, #tpu.memory_space<hbm>> -> memref<1600x16xf32, #tpu.memory_space<hbm>>
          tpu.wait_dma2 semaphore(%arg14 : memref<!tpu.dma_semaphore, #tpu.memory_space<semaphore_mem>>) src(%dma_wait3A_108 : memref<1600x16xf32, #tpu.memory_space<hbm>>) dst(%arg11 : memref<1600x16xf32, #tpu.memory_space<vmem>>)
          "tpu.region"() ({
            %run_scoped3A_109 = tpu.sem_alloc : memref<!tpu.dma_semaphore, #tpu.memory_space<semaphore_mem>>
            %dma_start3A_110 = arith.constant 0 : i32
            %dma_start3A_111 = arith.constant 0 : i32
            %dma_start3A_112 = tpu.memref_slice %arg12[%dma_start3A_110, %dma_start3A_111] : memref<100000x16xf32, #tpu.memory_space<vmem_shared>> -> memref<100000x16xf32, #tpu.memory_space<vmem_shared>>
            tpu.enqueue_indirect_dma source(%arg11 : memref<1600x16xf32, #tpu.memory_space<vmem>>) target(%dma_start3A_112 : memref<100000x16xf32, #tpu.memory_space<vmem_shared>>) offsets(%arg10 : memref<1600xi32, #tpu.memory_space<vmem>>) semaphore(%run_scoped3A_109 : memref<!tpu.dma_semaphore, #tpu.memory_space<semaphore_mem>>) {add = true}
            %dma_wait3A_113 = arith.constant 0 : i32
            %dma_wait3A_114 = arith.constant 0 : i32
            %dma_wait3A_115 = tpu.memref_slice %arg12[%dma_wait3A_113, %dma_wait3A_114] : memref<100000x16xf32, #tpu.memory_space<vmem_shared>> -> memref<100000x16xf32, #tpu.memory_space<vmem_shared>>
            tpu.wait_indirect_dma semaphore(%run_scoped3A_109 : memref<!tpu.dma_semaphore, #tpu.memory_space<semaphore_mem>>) src(%arg11 : memref<1600x16xf32, #tpu.memory_space<vmem>>) dst(%dma_wait3A_115 : memref<100000x16xf32, #tpu.memory_space<vmem_shared>>)
            tpu.yield
          }) : () -> ()
        } else {
        }
      }
      %scan3A_77 = arith.constant 8 : i32
      %scan3A_78 = arith.constant 0 : i32
      %scan3A_79 = arith.constant 0 : i32
      %scan3A_80 = arith.constant 8 : i32
      %scan3A_81 = arith.addi %scan3A_79, %scan3A_80 : i32
      %scan3A_82 = arith.constant 1 : i32
      scf.for %scan3A_90 = %scan3A_79 to %scan3A_81 step %scan3A_82  : i32 {
        %mul3A_91 = arith.constant 16 : i32
        %mul3A_92 = arith.muli %mul3A_91, %scan3A_90 : i32
        %add3A = arith.addi %arg1, %mul3A_92 : i32
        %lt3A = arith.constant 125 : i32
        %lt3A_93 = arith.cmpi slt, %add3A, %lt3A : i32
        %convert_element_type3A_94 = arith.extui %lt3A_93 : i1 to i32
        %cond3A_95 = arith.constant 0 : i32
        %cond3A_96 = arith.cmpi ne, %convert_element_type3A_94, %cond3A_95 : i32
        scf.if %cond3A_96 {
          %mul3A_97 = arith.constant 1600 : i32
          %mul3A_98 = arith.muli %add3A, %mul3A_97 : i32
          %dma_start3A = tpu.memref_slice %arg7[%mul3A_98] : memref<200000xi32, #tpu.memory_space<hbm>> -> memref<1600xi32, #tpu.memory_space<hbm>>
          %dma_start3A_99 = tpu.memref_slice %arg7[%mul3A_98] : memref<200000xi32, #tpu.memory_space<hbm>> -> memref<1600xi32, #tpu.memory_space<hbm>>
          tpu.enqueue_dma source(%dma_start3A_99 : memref<1600xi32, #tpu.memory_space<hbm>>) target(%arg10 : memref<1600xi32, #tpu.memory_space<vmem>>) target_semaphore(%arg13 : memref<!tpu.dma_semaphore, #tpu.memory_space<semaphore_mem>>)
          %dma_start3A_100 = arith.constant 96 : i32
          %dma_start3A_101 = tpu.memref_slice %arg2[%mul3A_98, %dma_start3A_100] : memref<200000x128xf32, #tpu.memory_space<hbm>> -> memref<1600x16xf32, #tpu.memory_space<hbm>>
          %dma_start3A_102 = arith.constant 96 : i32
          %dma_start3A_103 = tpu.memref_slice %arg2[%mul3A_98, %dma_start3A_102] : memref<200000x128xf32, #tpu.memory_space<hbm>> -> memref<1600x16xf32, #tpu.memory_space<hbm>>
          tpu.enqueue_dma source(%dma_start3A_103 : memref<1600x16xf32, #tpu.memory_space<hbm>>) target(%arg11 : memref<1600x16xf32, #tpu.memory_space<vmem>>) target_semaphore(%arg14 : memref<!tpu.dma_semaphore, #tpu.memory_space<semaphore_mem>>)
          %dma_wait3A = tpu.memref_slice %arg7[%mul3A_98] : memref<200000xi32, #tpu.memory_space<hbm>> -> memref<1600xi32, #tpu.memory_space<hbm>>
          %dma_wait3A_104 = tpu.memref_slice %arg7[%mul3A_98] : memref<200000xi32, #tpu.memory_space<hbm>> -> memref<1600xi32, #tpu.memory_space<hbm>>
          tpu.wait_dma2 semaphore(%arg13 : memref<!tpu.dma_semaphore, #tpu.memory_space<semaphore_mem>>) src(%dma_wait3A_104 : memref<1600xi32, #tpu.memory_space<hbm>>) dst(%arg10 : memref<1600xi32, #tpu.memory_space<vmem>>)
          %dma_wait3A_105 = arith.constant 96 : i32
          %dma_wait3A_106 = tpu.memref_slice %arg2[%mul3A_98, %dma_wait3A_105] : memref<200000x128xf32, #tpu.memory_space<hbm>> -> memref<1600x16xf32, #tpu.memory_space<hbm>>
          %dma_wait3A_107 = arith.constant 96 : i32
          %dma_wait3A_108 = tpu.memref_slice %arg2[%mul3A_98, %dma_wait3A_107] : memref<200000x128xf32, #tpu.memory_space<hbm>> -> memref<1600x16xf32, #tpu.memory_space<hbm>>
          tpu.wait_dma2 semaphore(%arg14 : memref<!tpu.dma_semaphore, #tpu.memory_space<semaphore_mem>>) src(%dma_wait3A_108 : memref<1600x16xf32, #tpu.memory_space<hbm>>) dst(%arg11 : memref<1600x16xf32, #tpu.memory_space<vmem>>)
          "tpu.region"() ({
            %run_scoped3A_109 = tpu.sem_alloc : memref<!tpu.dma_semaphore, #tpu.memory_space<semaphore_mem>>
            %dma_start3A_110 = arith.constant 0 : i32
            %dma_start3A_111 = arith.constant 0 : i32
            %dma_start3A_112 = tpu.memref_slice %arg12[%dma_start3A_110, %dma_start3A_111] : memref<100000x16xf32, #tpu.memory_space<vmem_shared>> -> memref<100000x16xf32, #tpu.memory_space<vmem_shared>>
            tpu.enqueue_indirect_dma source(%arg11 : memref<1600x16xf32, #tpu.memory_space<vmem>>) target(%dma_start3A_112 : memref<100000x16xf32, #tpu.memory_space<vmem_shared>>) offsets(%arg10 : memref<1600xi32, #tpu.memory_space<vmem>>) semaphore(%run_scoped3A_109 : memref<!tpu.dma_semaphore, #tpu.memory_space<semaphore_mem>>) {add = true}
            %dma_wait3A_113 = arith.constant 0 : i32
            %dma_wait3A_114 = arith.constant 0 : i32
            %dma_wait3A_115 = tpu.memref_slice %arg12[%dma_wait3A_113, %dma_wait3A_114] : memref<100000x16xf32, #tpu.memory_space<vmem_shared>> -> memref<100000x16xf32, #tpu.memory_space<vmem_shared>>
            tpu.wait_indirect_dma semaphore(%run_scoped3A_109 : memref<!tpu.dma_semaphore, #tpu.memory_space<semaphore_mem>>) src(%arg11 : memref<1600x16xf32, #tpu.memory_space<vmem>>) dst(%dma_wait3A_115 : memref<100000x16xf32, #tpu.memory_space<vmem_shared>>)
            tpu.yield
          }) : () -> ()
        } else {
        }
      }
      %scan3A_83 = arith.constant 8 : i32
      %barrier3A_84 = arith.constant 0 : index
      tpu.barrier barrier_id(%barrier3A_84)
      %mul3A_85 = arith.constant 6250 : i32
      %mul3A_86 = arith.muli %arg1, %mul3A_85 : i32
      %mul3A_87 = arith.constant 6250 : i32
      %mul3A_88 = arith.muli %arg1, %mul3A_87 : i32
      %run_scoped3A = arith.constant 6 : i32
      "tpu.region"() ({
        %run_scoped3A_90 = tpu.sem_alloc : memref<!tpu.dma_semaphore, #tpu.memory_space<semaphore_mem>>
        %dma_start3A = arith.constant 0 : i32
        %dma_start3A_91 = tpu.memref_slice %arg9[%run_scoped3A, %mul3A_88, %dma_start3A] : memref<15x100000x16xf32, #tpu.memory_space<hbm>> -> memref<1x6250x16xf32, #tpu.memory_space<hbm>>
        %dma_start3A_92 = tpu.memref_squeeze %dma_start3A_91 : memref<1x6250x16xf32, #tpu.memory_space<hbm>> -> memref<6250x16xf32, #tpu.memory_space<hbm>>
        %dma_start3A_93 = arith.constant 0 : i32
        %dma_start3A_94 = tpu.memref_slice %arg12[%mul3A_86, %dma_start3A_93] : memref<100000x16xf32, #tpu.memory_space<vmem_shared>> -> memref<6250x16xf32, #tpu.memory_space<vmem_shared>>
        tpu.enqueue_dma source(%dma_start3A_94 : memref<6250x16xf32, #tpu.memory_space<vmem_shared>>) target(%dma_start3A_92 : memref<6250x16xf32, #tpu.memory_space<hbm>>) target_semaphore(%run_scoped3A_90 : memref<!tpu.dma_semaphore, #tpu.memory_space<semaphore_mem>>)
        %dma_wait3A = arith.constant 0 : i32
        %dma_wait3A_95 = tpu.memref_slice %arg9[%run_scoped3A, %mul3A_88, %dma_wait3A] : memref<15x100000x16xf32, #tpu.memory_space<hbm>> -> memref<1x6250x16xf32, #tpu.memory_space<hbm>>
        %dma_wait3A_96 = tpu.memref_squeeze %dma_wait3A_95 : memref<1x6250x16xf32, #tpu.memory_space<hbm>> -> memref<6250x16xf32, #tpu.memory_space<hbm>>
        %dma_wait3A_97 = arith.constant 0 : i32
        %dma_wait3A_98 = tpu.memref_slice %arg12[%mul3A_86, %dma_wait3A_97] : memref<100000x16xf32, #tpu.memory_space<vmem_shared>> -> memref<6250x16xf32, #tpu.memory_space<vmem_shared>>
        tpu.wait_dma2 semaphore(%run_scoped3A_90 : memref<!tpu.dma_semaphore, #tpu.memory_space<semaphore_mem>>) src(%dma_wait3A_98 : memref<6250x16xf32, #tpu.memory_space<vmem_shared>>) dst(%dma_wait3A_96 : memref<6250x16xf32, #tpu.memory_space<hbm>>)
        tpu.yield
      }) : () -> ()
      %barrier3A_89 = arith.constant 0 : index
      tpu.barrier barrier_id(%barrier3A_89)
    } else {
    }
    %eq3A_32 = arith.constant 1 : i32
    %eq3A_33 = arith.cmpi eq, %arg0, %eq3A_32 : i32
    %convert_element_type3A_34 = arith.extui %eq3A_33 : i1 to i32
    %cond3A_35 = arith.constant 0 : i32
    %cond3A_36 = arith.cmpi ne, %convert_element_type3A_34, %cond3A_35 : i32
    scf.if %cond3A_36 {
      %mul3A = arith.constant 6250 : i32
      %mul3A_72 = arith.muli %arg1, %mul3A : i32
      "tpu.region"() ({
        %run_scoped3A_90 = tpu.sem_alloc : memref<!tpu.dma_semaphore, #tpu.memory_space<semaphore_mem>>
        %dma_start3A = arith.constant 0 : i32
        %dma_start3A_91 = tpu.memref_slice %arg12[%mul3A_72, %dma_start3A] : memref<100000x16xf32, #tpu.memory_space<vmem_shared>> -> memref<6250x16xf32, #tpu.memory_space<vmem_shared>>
        tpu.enqueue_dma source(%arg8 : memref<6250x16xf32, #tpu.memory_space<hbm>>) target(%dma_start3A_91 : memref<6250x16xf32, #tpu.memory_space<vmem_shared>>) target_semaphore(%run_scoped3A_90 : memref<!tpu.dma_semaphore, #tpu.memory_space<semaphore_mem>>)
        %dma_wait3A = arith.constant 0 : i32
        %dma_wait3A_92 = tpu.memref_slice %arg12[%mul3A_72, %dma_wait3A] : memref<100000x16xf32, #tpu.memory_space<vmem_shared>> -> memref<6250x16xf32, #tpu.memory_space<vmem_shared>>
        tpu.wait_dma2 semaphore(%run_scoped3A_90 : memref<!tpu.dma_semaphore, #tpu.memory_space<semaphore_mem>>) src(%arg8 : memref<6250x16xf32, #tpu.memory_space<hbm>>) dst(%dma_wait3A_92 : memref<6250x16xf32, #tpu.memory_space<vmem_shared>>)
        tpu.yield
      }) : () -> ()
      %barrier3A = arith.constant 0 : index
      tpu.barrier barrier_id(%barrier3A)
      %scan3A = arith.constant 0 : i32
      %scan3A_73 = arith.constant 0 : i32
      %scan3A_74 = arith.constant 8 : i32
      %scan3A_75 = arith.addi %scan3A_73, %scan3A_74 : i32
      %scan3A_76 = arith.constant 1 : i32
      scf.for %scan3A_90 = %scan3A_73 to %scan3A_75 step %scan3A_76  : i32 {
        %mul3A_91 = arith.constant 16 : i32
        %mul3A_92 = arith.muli %mul3A_91, %scan3A_90 : i32
        %add3A = arith.addi %arg1, %mul3A_92 : i32
        %lt3A = arith.constant 125 : i32
        %lt3A_93 = arith.cmpi slt, %add3A, %lt3A : i32
        %convert_element_type3A_94 = arith.extui %lt3A_93 : i1 to i32
        %cond3A_95 = arith.constant 0 : i32
        %cond3A_96 = arith.cmpi ne, %convert_element_type3A_94, %cond3A_95 : i32
        scf.if %cond3A_96 {
          %mul3A_97 = arith.constant 1600 : i32
          %mul3A_98 = arith.muli %add3A, %mul3A_97 : i32
          %dma_start3A = tpu.memref_slice %arg6[%mul3A_98] : memref<200000xi32, #tpu.memory_space<hbm>> -> memref<1600xi32, #tpu.memory_space<hbm>>
          %dma_start3A_99 = tpu.memref_slice %arg6[%mul3A_98] : memref<200000xi32, #tpu.memory_space<hbm>> -> memref<1600xi32, #tpu.memory_space<hbm>>
          tpu.enqueue_dma source(%dma_start3A_99 : memref<1600xi32, #tpu.memory_space<hbm>>) target(%arg10 : memref<1600xi32, #tpu.memory_space<vmem>>) target_semaphore(%arg13 : memref<!tpu.dma_semaphore, #tpu.memory_space<semaphore_mem>>)
          %dma_start3A_100 = arith.constant 0 : i32
          %dma_start3A_101 = tpu.memref_slice %arg4[%mul3A_98, %dma_start3A_100] : memref<200000x128xf32, #tpu.memory_space<hbm>> -> memref<1600x16xf32, #tpu.memory_space<hbm>>
          %dma_start3A_102 = arith.constant 0 : i32
          %dma_start3A_103 = tpu.memref_slice %arg4[%mul3A_98, %dma_start3A_102] : memref<200000x128xf32, #tpu.memory_space<hbm>> -> memref<1600x16xf32, #tpu.memory_space<hbm>>
          tpu.enqueue_dma source(%dma_start3A_103 : memref<1600x16xf32, #tpu.memory_space<hbm>>) target(%arg11 : memref<1600x16xf32, #tpu.memory_space<vmem>>) target_semaphore(%arg14 : memref<!tpu.dma_semaphore, #tpu.memory_space<semaphore_mem>>)
          %dma_wait3A = tpu.memref_slice %arg6[%mul3A_98] : memref<200000xi32, #tpu.memory_space<hbm>> -> memref<1600xi32, #tpu.memory_space<hbm>>
          %dma_wait3A_104 = tpu.memref_slice %arg6[%mul3A_98] : memref<200000xi32, #tpu.memory_space<hbm>> -> memref<1600xi32, #tpu.memory_space<hbm>>
          tpu.wait_dma2 semaphore(%arg13 : memref<!tpu.dma_semaphore, #tpu.memory_space<semaphore_mem>>) src(%dma_wait3A_104 : memref<1600xi32, #tpu.memory_space<hbm>>) dst(%arg10 : memref<1600xi32, #tpu.memory_space<vmem>>)
          %dma_wait3A_105 = arith.constant 0 : i32
          %dma_wait3A_106 = tpu.memref_slice %arg4[%mul3A_98, %dma_wait3A_105] : memref<200000x128xf32, #tpu.memory_space<hbm>> -> memref<1600x16xf32, #tpu.memory_space<hbm>>
          %dma_wait3A_107 = arith.constant 0 : i32
          %dma_wait3A_108 = tpu.memref_slice %arg4[%mul3A_98, %dma_wait3A_107] : memref<200000x128xf32, #tpu.memory_space<hbm>> -> memref<1600x16xf32, #tpu.memory_space<hbm>>
          tpu.wait_dma2 semaphore(%arg14 : memref<!tpu.dma_semaphore, #tpu.memory_space<semaphore_mem>>) src(%dma_wait3A_108 : memref<1600x16xf32, #tpu.memory_space<hbm>>) dst(%arg11 : memref<1600x16xf32, #tpu.memory_space<vmem>>)
          "tpu.region"() ({
            %run_scoped3A_109 = tpu.sem_alloc : memref<!tpu.dma_semaphore, #tpu.memory_space<semaphore_mem>>
            %dma_start3A_110 = arith.constant 0 : i32
            %dma_start3A_111 = arith.constant 0 : i32
            %dma_start3A_112 = tpu.memref_slice %arg12[%dma_start3A_110, %dma_start3A_111] : memref<100000x16xf32, #tpu.memory_space<vmem_shared>> -> memref<100000x16xf32, #tpu.memory_space<vmem_shared>>
            tpu.enqueue_indirect_dma source(%arg11 : memref<1600x16xf32, #tpu.memory_space<vmem>>) target(%dma_start3A_112 : memref<100000x16xf32, #tpu.memory_space<vmem_shared>>) offsets(%arg10 : memref<1600xi32, #tpu.memory_space<vmem>>) semaphore(%run_scoped3A_109 : memref<!tpu.dma_semaphore, #tpu.memory_space<semaphore_mem>>) {add = true}
            %dma_wait3A_113 = arith.constant 0 : i32
            %dma_wait3A_114 = arith.constant 0 : i32
            %dma_wait3A_115 = tpu.memref_slice %arg12[%dma_wait3A_113, %dma_wait3A_114] : memref<100000x16xf32, #tpu.memory_space<vmem_shared>> -> memref<100000x16xf32, #tpu.memory_space<vmem_shared>>
            tpu.wait_indirect_dma semaphore(%run_scoped3A_109 : memref<!tpu.dma_semaphore, #tpu.memory_space<semaphore_mem>>) src(%arg11 : memref<1600x16xf32, #tpu.memory_space<vmem>>) dst(%dma_wait3A_115 : memref<100000x16xf32, #tpu.memory_space<vmem_shared>>)
            tpu.yield
          }) : () -> ()
        } else {
        }
      }
      %scan3A_77 = arith.constant 8 : i32
      %scan3A_78 = arith.constant 0 : i32
      %scan3A_79 = arith.constant 0 : i32
      %scan3A_80 = arith.constant 8 : i32
      %scan3A_81 = arith.addi %scan3A_79, %scan3A_80 : i32
      %scan3A_82 = arith.constant 1 : i32
      scf.for %scan3A_90 = %scan3A_79 to %scan3A_81 step %scan3A_82  : i32 {
        %mul3A_91 = arith.constant 16 : i32
        %mul3A_92 = arith.muli %mul3A_91, %scan3A_90 : i32
        %add3A = arith.addi %arg1, %mul3A_92 : i32
        %lt3A = arith.constant 125 : i32
        %lt3A_93 = arith.cmpi slt, %add3A, %lt3A : i32
        %convert_element_type3A_94 = arith.extui %lt3A_93 : i1 to i32
        %cond3A_95 = arith.constant 0 : i32
        %cond3A_96 = arith.cmpi ne, %convert_element_type3A_94, %cond3A_95 : i32
        scf.if %cond3A_96 {
          %mul3A_97 = arith.constant 1600 : i32
          %mul3A_98 = arith.muli %add3A, %mul3A_97 : i32
          %dma_start3A = tpu.memref_slice %arg7[%mul3A_98] : memref<200000xi32, #tpu.memory_space<hbm>> -> memref<1600xi32, #tpu.memory_space<hbm>>
          %dma_start3A_99 = tpu.memref_slice %arg7[%mul3A_98] : memref<200000xi32, #tpu.memory_space<hbm>> -> memref<1600xi32, #tpu.memory_space<hbm>>
          tpu.enqueue_dma source(%dma_start3A_99 : memref<1600xi32, #tpu.memory_space<hbm>>) target(%arg10 : memref<1600xi32, #tpu.memory_space<vmem>>) target_semaphore(%arg13 : memref<!tpu.dma_semaphore, #tpu.memory_space<semaphore_mem>>)
          %dma_start3A_100 = arith.constant 0 : i32
          %dma_start3A_101 = tpu.memref_slice %arg5[%mul3A_98, %dma_start3A_100] : memref<200000x128xf32, #tpu.memory_space<hbm>> -> memref<1600x16xf32, #tpu.memory_space<hbm>>
          %dma_start3A_102 = arith.constant 0 : i32
          %dma_start3A_103 = tpu.memref_slice %arg5[%mul3A_98, %dma_start3A_102] : memref<200000x128xf32, #tpu.memory_space<hbm>> -> memref<1600x16xf32, #tpu.memory_space<hbm>>
          tpu.enqueue_dma source(%dma_start3A_103 : memref<1600x16xf32, #tpu.memory_space<hbm>>) target(%arg11 : memref<1600x16xf32, #tpu.memory_space<vmem>>) target_semaphore(%arg14 : memref<!tpu.dma_semaphore, #tpu.memory_space<semaphore_mem>>)
          %dma_wait3A = tpu.memref_slice %arg7[%mul3A_98] : memref<200000xi32, #tpu.memory_space<hbm>> -> memref<1600xi32, #tpu.memory_space<hbm>>
          %dma_wait3A_104 = tpu.memref_slice %arg7[%mul3A_98] : memref<200000xi32, #tpu.memory_space<hbm>> -> memref<1600xi32, #tpu.memory_space<hbm>>
          tpu.wait_dma2 semaphore(%arg13 : memref<!tpu.dma_semaphore, #tpu.memory_space<semaphore_mem>>) src(%dma_wait3A_104 : memref<1600xi32, #tpu.memory_space<hbm>>) dst(%arg10 : memref<1600xi32, #tpu.memory_space<vmem>>)
          %dma_wait3A_105 = arith.constant 0 : i32
          %dma_wait3A_106 = tpu.memref_slice %arg5[%mul3A_98, %dma_wait3A_105] : memref<200000x128xf32, #tpu.memory_space<hbm>> -> memref<1600x16xf32, #tpu.memory_space<hbm>>
          %dma_wait3A_107 = arith.constant 0 : i32
          %dma_wait3A_108 = tpu.memref_slice %arg5[%mul3A_98, %dma_wait3A_107] : memref<200000x128xf32, #tpu.memory_space<hbm>> -> memref<1600x16xf32, #tpu.memory_space<hbm>>
          tpu.wait_dma2 semaphore(%arg14 : memref<!tpu.dma_semaphore, #tpu.memory_space<semaphore_mem>>) src(%dma_wait3A_108 : memref<1600x16xf32, #tpu.memory_space<hbm>>) dst(%arg11 : memref<1600x16xf32, #tpu.memory_space<vmem>>)
          "tpu.region"() ({
            %run_scoped3A_109 = tpu.sem_alloc : memref<!tpu.dma_semaphore, #tpu.memory_space<semaphore_mem>>
            %dma_start3A_110 = arith.constant 0 : i32
            %dma_start3A_111 = arith.constant 0 : i32
            %dma_start3A_112 = tpu.memref_slice %arg12[%dma_start3A_110, %dma_start3A_111] : memref<100000x16xf32, #tpu.memory_space<vmem_shared>> -> memref<100000x16xf32, #tpu.memory_space<vmem_shared>>
            tpu.enqueue_indirect_dma source(%arg11 : memref<1600x16xf32, #tpu.memory_space<vmem>>) target(%dma_start3A_112 : memref<100000x16xf32, #tpu.memory_space<vmem_shared>>) offsets(%arg10 : memref<1600xi32, #tpu.memory_space<vmem>>) semaphore(%run_scoped3A_109 : memref<!tpu.dma_semaphore, #tpu.memory_space<semaphore_mem>>) {add = true}
            %dma_wait3A_113 = arith.constant 0 : i32
            %dma_wait3A_114 = arith.constant 0 : i32
            %dma_wait3A_115 = tpu.memref_slice %arg12[%dma_wait3A_113, %dma_wait3A_114] : memref<100000x16xf32, #tpu.memory_space<vmem_shared>> -> memref<100000x16xf32, #tpu.memory_space<vmem_shared>>
            tpu.wait_indirect_dma semaphore(%run_scoped3A_109 : memref<!tpu.dma_semaphore, #tpu.memory_space<semaphore_mem>>) src(%arg11 : memref<1600x16xf32, #tpu.memory_space<vmem>>) dst(%dma_wait3A_115 : memref<100000x16xf32, #tpu.memory_space<vmem_shared>>)
            tpu.yield
          }) : () -> ()
        } else {
        }
      }
      %scan3A_83 = arith.constant 8 : i32
      %barrier3A_84 = arith.constant 0 : index
      tpu.barrier barrier_id(%barrier3A_84)
      %mul3A_85 = arith.constant 6250 : i32
      %mul3A_86 = arith.muli %arg1, %mul3A_85 : i32
      %mul3A_87 = arith.constant 6250 : i32
      %mul3A_88 = arith.muli %arg1, %mul3A_87 : i32
      %run_scoped3A = arith.constant 7 : i32
      "tpu.region"() ({
        %run_scoped3A_90 = tpu.sem_alloc : memref<!tpu.dma_semaphore, #tpu.memory_space<semaphore_mem>>
        %dma_start3A = arith.constant 0 : i32
        %dma_start3A_91 = tpu.memref_slice %arg9[%run_scoped3A, %mul3A_88, %dma_start3A] : memref<15x100000x16xf32, #tpu.memory_space<hbm>> -> memref<1x6250x16xf32, #tpu.memory_space<hbm>>
        %dma_start3A_92 = tpu.memref_squeeze %dma_start3A_91 : memref<1x6250x16xf32, #tpu.memory_space<hbm>> -> memref<6250x16xf32, #tpu.memory_space<hbm>>
        %dma_start3A_93 = arith.constant 0 : i32
        %dma_start3A_94 = tpu.memref_slice %arg12[%mul3A_86, %dma_start3A_93] : memref<100000x16xf32, #tpu.memory_space<vmem_shared>> -> memref<6250x16xf32, #tpu.memory_space<vmem_shared>>
        tpu.enqueue_dma source(%dma_start3A_94 : memref<6250x16xf32, #tpu.memory_space<vmem_shared>>) target(%dma_start3A_92 : memref<6250x16xf32, #tpu.memory_space<hbm>>) target_semaphore(%run_scoped3A_90 : memref<!tpu.dma_semaphore, #tpu.memory_space<semaphore_mem>>)
        %dma_wait3A = arith.constant 0 : i32
        %dma_wait3A_95 = tpu.memref_slice %arg9[%run_scoped3A, %mul3A_88, %dma_wait3A] : memref<15x100000x16xf32, #tpu.memory_space<hbm>> -> memref<1x6250x16xf32, #tpu.memory_space<hbm>>
        %dma_wait3A_96 = tpu.memref_squeeze %dma_wait3A_95 : memref<1x6250x16xf32, #tpu.memory_space<hbm>> -> memref<6250x16xf32, #tpu.memory_space<hbm>>
        %dma_wait3A_97 = arith.constant 0 : i32
        %dma_wait3A_98 = tpu.memref_slice %arg12[%mul3A_86, %dma_wait3A_97] : memref<100000x16xf32, #tpu.memory_space<vmem_shared>> -> memref<6250x16xf32, #tpu.memory_space<vmem_shared>>
        tpu.wait_dma2 semaphore(%run_scoped3A_90 : memref<!tpu.dma_semaphore, #tpu.memory_space<semaphore_mem>>) src(%dma_wait3A_98 : memref<6250x16xf32, #tpu.memory_space<vmem_shared>>) dst(%dma_wait3A_96 : memref<6250x16xf32, #tpu.memory_space<hbm>>)
        tpu.yield
      }) : () -> ()
      %barrier3A_89 = arith.constant 0 : index
      tpu.barrier barrier_id(%barrier3A_89)
    } else {
    }
    %eq3A_37 = arith.constant 0 : i32
    %eq3A_38 = arith.cmpi eq, %arg0, %eq3A_37 : i32
    %convert_element_type3A_39 = arith.extui %eq3A_38 : i1 to i32
    %cond3A_40 = arith.constant 0 : i32
    %cond3A_41 = arith.cmpi ne, %convert_element_type3A_39, %cond3A_40 : i32
    scf.if %cond3A_41 {
      %mul3A = arith.constant 6250 : i32
      %mul3A_72 = arith.muli %arg1, %mul3A : i32
      "tpu.region"() ({
        %run_scoped3A_90 = tpu.sem_alloc : memref<!tpu.dma_semaphore, #tpu.memory_space<semaphore_mem>>
        %dma_start3A = arith.constant 0 : i32
        %dma_start3A_91 = tpu.memref_slice %arg12[%mul3A_72, %dma_start3A] : memref<100000x16xf32, #tpu.memory_space<vmem_shared>> -> memref<6250x16xf32, #tpu.memory_space<vmem_shared>>
        tpu.enqueue_dma source(%arg8 : memref<6250x16xf32, #tpu.memory_space<hbm>>) target(%dma_start3A_91 : memref<6250x16xf32, #tpu.memory_space<vmem_shared>>) target_semaphore(%run_scoped3A_90 : memref<!tpu.dma_semaphore, #tpu.memory_space<semaphore_mem>>)
        %dma_wait3A = arith.constant 0 : i32
        %dma_wait3A_92 = tpu.memref_slice %arg12[%mul3A_72, %dma_wait3A] : memref<100000x16xf32, #tpu.memory_space<vmem_shared>> -> memref<6250x16xf32, #tpu.memory_space<vmem_shared>>
        tpu.wait_dma2 semaphore(%run_scoped3A_90 : memref<!tpu.dma_semaphore, #tpu.memory_space<semaphore_mem>>) src(%arg8 : memref<6250x16xf32, #tpu.memory_space<hbm>>) dst(%dma_wait3A_92 : memref<6250x16xf32, #tpu.memory_space<vmem_shared>>)
        tpu.yield
      }) : () -> ()
      %barrier3A = arith.constant 0 : index
      tpu.barrier barrier_id(%barrier3A)
      %scan3A = arith.constant 0 : i32
      %scan3A_73 = arith.constant 0 : i32
      %scan3A_74 = arith.constant 8 : i32
      %scan3A_75 = arith.addi %scan3A_73, %scan3A_74 : i32
      %scan3A_76 = arith.constant 1 : i32
      scf.for %scan3A_90 = %scan3A_73 to %scan3A_75 step %scan3A_76  : i32 {
        %mul3A_91 = arith.constant 16 : i32
        %mul3A_92 = arith.muli %mul3A_91, %scan3A_90 : i32
        %add3A = arith.addi %arg1, %mul3A_92 : i32
        %lt3A = arith.constant 125 : i32
        %lt3A_93 = arith.cmpi slt, %add3A, %lt3A : i32
        %convert_element_type3A_94 = arith.extui %lt3A_93 : i1 to i32
        %cond3A_95 = arith.constant 0 : i32
        %cond3A_96 = arith.cmpi ne, %convert_element_type3A_94, %cond3A_95 : i32
        scf.if %cond3A_96 {
          %mul3A_97 = arith.constant 1600 : i32
          %mul3A_98 = arith.muli %add3A, %mul3A_97 : i32
          %dma_start3A = tpu.memref_slice %arg6[%mul3A_98] : memref<200000xi32, #tpu.memory_space<hbm>> -> memref<1600xi32, #tpu.memory_space<hbm>>
          %dma_start3A_99 = tpu.memref_slice %arg6[%mul3A_98] : memref<200000xi32, #tpu.memory_space<hbm>> -> memref<1600xi32, #tpu.memory_space<hbm>>
          tpu.enqueue_dma source(%dma_start3A_99 : memref<1600xi32, #tpu.memory_space<hbm>>) target(%arg10 : memref<1600xi32, #tpu.memory_space<vmem>>) target_semaphore(%arg13 : memref<!tpu.dma_semaphore, #tpu.memory_space<semaphore_mem>>)
          %dma_start3A_100 = arith.constant 16 : i32
          %dma_start3A_101 = tpu.memref_slice %arg4[%mul3A_98, %dma_start3A_100] : memref<200000x128xf32, #tpu.memory_space<hbm>> -> memref<1600x16xf32, #tpu.memory_space<hbm>>
          %dma_start3A_102 = arith.constant 16 : i32
          %dma_start3A_103 = tpu.memref_slice %arg4[%mul3A_98, %dma_start3A_102] : memref<200000x128xf32, #tpu.memory_space<hbm>> -> memref<1600x16xf32, #tpu.memory_space<hbm>>
          tpu.enqueue_dma source(%dma_start3A_103 : memref<1600x16xf32, #tpu.memory_space<hbm>>) target(%arg11 : memref<1600x16xf32, #tpu.memory_space<vmem>>) target_semaphore(%arg14 : memref<!tpu.dma_semaphore, #tpu.memory_space<semaphore_mem>>)
          %dma_wait3A = tpu.memref_slice %arg6[%mul3A_98] : memref<200000xi32, #tpu.memory_space<hbm>> -> memref<1600xi32, #tpu.memory_space<hbm>>
          %dma_wait3A_104 = tpu.memref_slice %arg6[%mul3A_98] : memref<200000xi32, #tpu.memory_space<hbm>> -> memref<1600xi32, #tpu.memory_space<hbm>>
          tpu.wait_dma2 semaphore(%arg13 : memref<!tpu.dma_semaphore, #tpu.memory_space<semaphore_mem>>) src(%dma_wait3A_104 : memref<1600xi32, #tpu.memory_space<hbm>>) dst(%arg10 : memref<1600xi32, #tpu.memory_space<vmem>>)
          %dma_wait3A_105 = arith.constant 16 : i32
          %dma_wait3A_106 = tpu.memref_slice %arg4[%mul3A_98, %dma_wait3A_105] : memref<200000x128xf32, #tpu.memory_space<hbm>> -> memref<1600x16xf32, #tpu.memory_space<hbm>>
          %dma_wait3A_107 = arith.constant 16 : i32
          %dma_wait3A_108 = tpu.memref_slice %arg4[%mul3A_98, %dma_wait3A_107] : memref<200000x128xf32, #tpu.memory_space<hbm>> -> memref<1600x16xf32, #tpu.memory_space<hbm>>
          tpu.wait_dma2 semaphore(%arg14 : memref<!tpu.dma_semaphore, #tpu.memory_space<semaphore_mem>>) src(%dma_wait3A_108 : memref<1600x16xf32, #tpu.memory_space<hbm>>) dst(%arg11 : memref<1600x16xf32, #tpu.memory_space<vmem>>)
          "tpu.region"() ({
            %run_scoped3A_109 = tpu.sem_alloc : memref<!tpu.dma_semaphore, #tpu.memory_space<semaphore_mem>>
            %dma_start3A_110 = arith.constant 0 : i32
            %dma_start3A_111 = arith.constant 0 : i32
            %dma_start3A_112 = tpu.memref_slice %arg12[%dma_start3A_110, %dma_start3A_111] : memref<100000x16xf32, #tpu.memory_space<vmem_shared>> -> memref<100000x16xf32, #tpu.memory_space<vmem_shared>>
            tpu.enqueue_indirect_dma source(%arg11 : memref<1600x16xf32, #tpu.memory_space<vmem>>) target(%dma_start3A_112 : memref<100000x16xf32, #tpu.memory_space<vmem_shared>>) offsets(%arg10 : memref<1600xi32, #tpu.memory_space<vmem>>) semaphore(%run_scoped3A_109 : memref<!tpu.dma_semaphore, #tpu.memory_space<semaphore_mem>>) {add = true}
            %dma_wait3A_113 = arith.constant 0 : i32
            %dma_wait3A_114 = arith.constant 0 : i32
            %dma_wait3A_115 = tpu.memref_slice %arg12[%dma_wait3A_113, %dma_wait3A_114] : memref<100000x16xf32, #tpu.memory_space<vmem_shared>> -> memref<100000x16xf32, #tpu.memory_space<vmem_shared>>
            tpu.wait_indirect_dma semaphore(%run_scoped3A_109 : memref<!tpu.dma_semaphore, #tpu.memory_space<semaphore_mem>>) src(%arg11 : memref<1600x16xf32, #tpu.memory_space<vmem>>) dst(%dma_wait3A_115 : memref<100000x16xf32, #tpu.memory_space<vmem_shared>>)
            tpu.yield
          }) : () -> ()
        } else {
        }
      }
      %scan3A_77 = arith.constant 8 : i32
      %scan3A_78 = arith.constant 0 : i32
      %scan3A_79 = arith.constant 0 : i32
      %scan3A_80 = arith.constant 8 : i32
      %scan3A_81 = arith.addi %scan3A_79, %scan3A_80 : i32
      %scan3A_82 = arith.constant 1 : i32
      scf.for %scan3A_90 = %scan3A_79 to %scan3A_81 step %scan3A_82  : i32 {
        %mul3A_91 = arith.constant 16 : i32
        %mul3A_92 = arith.muli %mul3A_91, %scan3A_90 : i32
        %add3A = arith.addi %arg1, %mul3A_92 : i32
        %lt3A = arith.constant 125 : i32
        %lt3A_93 = arith.cmpi slt, %add3A, %lt3A : i32
        %convert_element_type3A_94 = arith.extui %lt3A_93 : i1 to i32
        %cond3A_95 = arith.constant 0 : i32
        %cond3A_96 = arith.cmpi ne, %convert_element_type3A_94, %cond3A_95 : i32
        scf.if %cond3A_96 {
          %mul3A_97 = arith.constant 1600 : i32
          %mul3A_98 = arith.muli %add3A, %mul3A_97 : i32
          %dma_start3A = tpu.memref_slice %arg7[%mul3A_98] : memref<200000xi32, #tpu.memory_space<hbm>> -> memref<1600xi32, #tpu.memory_space<hbm>>
          %dma_start3A_99 = tpu.memref_slice %arg7[%mul3A_98] : memref<200000xi32, #tpu.memory_space<hbm>> -> memref<1600xi32, #tpu.memory_space<hbm>>
          tpu.enqueue_dma source(%dma_start3A_99 : memref<1600xi32, #tpu.memory_space<hbm>>) target(%arg10 : memref<1600xi32, #tpu.memory_space<vmem>>) target_semaphore(%arg13 : memref<!tpu.dma_semaphore, #tpu.memory_space<semaphore_mem>>)
          %dma_start3A_100 = arith.constant 16 : i32
          %dma_start3A_101 = tpu.memref_slice %arg5[%mul3A_98, %dma_start3A_100] : memref<200000x128xf32, #tpu.memory_space<hbm>> -> memref<1600x16xf32, #tpu.memory_space<hbm>>
          %dma_start3A_102 = arith.constant 16 : i32
          %dma_start3A_103 = tpu.memref_slice %arg5[%mul3A_98, %dma_start3A_102] : memref<200000x128xf32, #tpu.memory_space<hbm>> -> memref<1600x16xf32, #tpu.memory_space<hbm>>
          tpu.enqueue_dma source(%dma_start3A_103 : memref<1600x16xf32, #tpu.memory_space<hbm>>) target(%arg11 : memref<1600x16xf32, #tpu.memory_space<vmem>>) target_semaphore(%arg14 : memref<!tpu.dma_semaphore, #tpu.memory_space<semaphore_mem>>)
          %dma_wait3A = tpu.memref_slice %arg7[%mul3A_98] : memref<200000xi32, #tpu.memory_space<hbm>> -> memref<1600xi32, #tpu.memory_space<hbm>>
          %dma_wait3A_104 = tpu.memref_slice %arg7[%mul3A_98] : memref<200000xi32, #tpu.memory_space<hbm>> -> memref<1600xi32, #tpu.memory_space<hbm>>
          tpu.wait_dma2 semaphore(%arg13 : memref<!tpu.dma_semaphore, #tpu.memory_space<semaphore_mem>>) src(%dma_wait3A_104 : memref<1600xi32, #tpu.memory_space<hbm>>) dst(%arg10 : memref<1600xi32, #tpu.memory_space<vmem>>)
          %dma_wait3A_105 = arith.constant 16 : i32
          %dma_wait3A_106 = tpu.memref_slice %arg5[%mul3A_98, %dma_wait3A_105] : memref<200000x128xf32, #tpu.memory_space<hbm>> -> memref<1600x16xf32, #tpu.memory_space<hbm>>
          %dma_wait3A_107 = arith.constant 16 : i32
          %dma_wait3A_108 = tpu.memref_slice %arg5[%mul3A_98, %dma_wait3A_107] : memref<200000x128xf32, #tpu.memory_space<hbm>> -> memref<1600x16xf32, #tpu.memory_space<hbm>>
          tpu.wait_dma2 semaphore(%arg14 : memref<!tpu.dma_semaphore, #tpu.memory_space<semaphore_mem>>) src(%dma_wait3A_108 : memref<1600x16xf32, #tpu.memory_space<hbm>>) dst(%arg11 : memref<1600x16xf32, #tpu.memory_space<vmem>>)
          "tpu.region"() ({
            %run_scoped3A_109 = tpu.sem_alloc : memref<!tpu.dma_semaphore, #tpu.memory_space<semaphore_mem>>
            %dma_start3A_110 = arith.constant 0 : i32
            %dma_start3A_111 = arith.constant 0 : i32
            %dma_start3A_112 = tpu.memref_slice %arg12[%dma_start3A_110, %dma_start3A_111] : memref<100000x16xf32, #tpu.memory_space<vmem_shared>> -> memref<100000x16xf32, #tpu.memory_space<vmem_shared>>
            tpu.enqueue_indirect_dma source(%arg11 : memref<1600x16xf32, #tpu.memory_space<vmem>>) target(%dma_start3A_112 : memref<100000x16xf32, #tpu.memory_space<vmem_shared>>) offsets(%arg10 : memref<1600xi32, #tpu.memory_space<vmem>>) semaphore(%run_scoped3A_109 : memref<!tpu.dma_semaphore, #tpu.memory_space<semaphore_mem>>) {add = true}
            %dma_wait3A_113 = arith.constant 0 : i32
            %dma_wait3A_114 = arith.constant 0 : i32
            %dma_wait3A_115 = tpu.memref_slice %arg12[%dma_wait3A_113, %dma_wait3A_114] : memref<100000x16xf32, #tpu.memory_space<vmem_shared>> -> memref<100000x16xf32, #tpu.memory_space<vmem_shared>>
            tpu.wait_indirect_dma semaphore(%run_scoped3A_109 : memref<!tpu.dma_semaphore, #tpu.memory_space<semaphore_mem>>) src(%arg11 : memref<1600x16xf32, #tpu.memory_space<vmem>>) dst(%dma_wait3A_115 : memref<100000x16xf32, #tpu.memory_space<vmem_shared>>)
            tpu.yield
          }) : () -> ()
        } else {
        }
      }
      %scan3A_83 = arith.constant 8 : i32
      %barrier3A_84 = arith.constant 0 : index
      tpu.barrier barrier_id(%barrier3A_84)
      %mul3A_85 = arith.constant 6250 : i32
      %mul3A_86 = arith.muli %arg1, %mul3A_85 : i32
      %mul3A_87 = arith.constant 6250 : i32
      %mul3A_88 = arith.muli %arg1, %mul3A_87 : i32
      %run_scoped3A = arith.constant 8 : i32
      "tpu.region"() ({
        %run_scoped3A_90 = tpu.sem_alloc : memref<!tpu.dma_semaphore, #tpu.memory_space<semaphore_mem>>
        %dma_start3A = arith.constant 0 : i32
        %dma_start3A_91 = tpu.memref_slice %arg9[%run_scoped3A, %mul3A_88, %dma_start3A] : memref<15x100000x16xf32, #tpu.memory_space<hbm>> -> memref<1x6250x16xf32, #tpu.memory_space<hbm>>
        %dma_start3A_92 = tpu.memref_squeeze %dma_start3A_91 : memref<1x6250x16xf32, #tpu.memory_space<hbm>> -> memref<6250x16xf32, #tpu.memory_space<hbm>>
        %dma_start3A_93 = arith.constant 0 : i32
        %dma_start3A_94 = tpu.memref_slice %arg12[%mul3A_86, %dma_start3A_93] : memref<100000x16xf32, #tpu.memory_space<vmem_shared>> -> memref<6250x16xf32, #tpu.memory_space<vmem_shared>>
        tpu.enqueue_dma source(%dma_start3A_94 : memref<6250x16xf32, #tpu.memory_space<vmem_shared>>) target(%dma_start3A_92 : memref<6250x16xf32, #tpu.memory_space<hbm>>) target_semaphore(%run_scoped3A_90 : memref<!tpu.dma_semaphore, #tpu.memory_space<semaphore_mem>>)
        %dma_wait3A = arith.constant 0 : i32
        %dma_wait3A_95 = tpu.memref_slice %arg9[%run_scoped3A, %mul3A_88, %dma_wait3A] : memref<15x100000x16xf32, #tpu.memory_space<hbm>> -> memref<1x6250x16xf32, #tpu.memory_space<hbm>>
        %dma_wait3A_96 = tpu.memref_squeeze %dma_wait3A_95 : memref<1x6250x16xf32, #tpu.memory_space<hbm>> -> memref<6250x16xf32, #tpu.memory_space<hbm>>
        %dma_wait3A_97 = arith.constant 0 : i32
        %dma_wait3A_98 = tpu.memref_slice %arg12[%mul3A_86, %dma_wait3A_97] : memref<100000x16xf32, #tpu.memory_space<vmem_shared>> -> memref<6250x16xf32, #tpu.memory_space<vmem_shared>>
        tpu.wait_dma2 semaphore(%run_scoped3A_90 : memref<!tpu.dma_semaphore, #tpu.memory_space<semaphore_mem>>) src(%dma_wait3A_98 : memref<6250x16xf32, #tpu.memory_space<vmem_shared>>) dst(%dma_wait3A_96 : memref<6250x16xf32, #tpu.memory_space<hbm>>)
        tpu.yield
      }) : () -> ()
      %barrier3A_89 = arith.constant 0 : index
      tpu.barrier barrier_id(%barrier3A_89)
    } else {
    }
    %eq3A_42 = arith.constant 1 : i32
    %eq3A_43 = arith.cmpi eq, %arg0, %eq3A_42 : i32
    %convert_element_type3A_44 = arith.extui %eq3A_43 : i1 to i32
    %cond3A_45 = arith.constant 0 : i32
    %cond3A_46 = arith.cmpi ne, %convert_element_type3A_44, %cond3A_45 : i32
    scf.if %cond3A_46 {
      %mul3A = arith.constant 6250 : i32
      %mul3A_72 = arith.muli %arg1, %mul3A : i32
      "tpu.region"() ({
        %run_scoped3A_90 = tpu.sem_alloc : memref<!tpu.dma_semaphore, #tpu.memory_space<semaphore_mem>>
        %dma_start3A = arith.constant 0 : i32
        %dma_start3A_91 = tpu.memref_slice %arg12[%mul3A_72, %dma_start3A] : memref<100000x16xf32, #tpu.memory_space<vmem_shared>> -> memref<6250x16xf32, #tpu.memory_space<vmem_shared>>
        tpu.enqueue_dma source(%arg8 : memref<6250x16xf32, #tpu.memory_space<hbm>>) target(%dma_start3A_91 : memref<6250x16xf32, #tpu.memory_space<vmem_shared>>) target_semaphore(%run_scoped3A_90 : memref<!tpu.dma_semaphore, #tpu.memory_space<semaphore_mem>>)
        %dma_wait3A = arith.constant 0 : i32
        %dma_wait3A_92 = tpu.memref_slice %arg12[%mul3A_72, %dma_wait3A] : memref<100000x16xf32, #tpu.memory_space<vmem_shared>> -> memref<6250x16xf32, #tpu.memory_space<vmem_shared>>
        tpu.wait_dma2 semaphore(%run_scoped3A_90 : memref<!tpu.dma_semaphore, #tpu.memory_space<semaphore_mem>>) src(%arg8 : memref<6250x16xf32, #tpu.memory_space<hbm>>) dst(%dma_wait3A_92 : memref<6250x16xf32, #tpu.memory_space<vmem_shared>>)
        tpu.yield
      }) : () -> ()
      %barrier3A = arith.constant 0 : index
      tpu.barrier barrier_id(%barrier3A)
      %scan3A = arith.constant 0 : i32
      %scan3A_73 = arith.constant 0 : i32
      %scan3A_74 = arith.constant 8 : i32
      %scan3A_75 = arith.addi %scan3A_73, %scan3A_74 : i32
      %scan3A_76 = arith.constant 1 : i32
      scf.for %scan3A_90 = %scan3A_73 to %scan3A_75 step %scan3A_76  : i32 {
        %mul3A_91 = arith.constant 16 : i32
        %mul3A_92 = arith.muli %mul3A_91, %scan3A_90 : i32
        %add3A = arith.addi %arg1, %mul3A_92 : i32
        %lt3A = arith.constant 125 : i32
        %lt3A_93 = arith.cmpi slt, %add3A, %lt3A : i32
        %convert_element_type3A_94 = arith.extui %lt3A_93 : i1 to i32
        %cond3A_95 = arith.constant 0 : i32
        %cond3A_96 = arith.cmpi ne, %convert_element_type3A_94, %cond3A_95 : i32
        scf.if %cond3A_96 {
          %mul3A_97 = arith.constant 1600 : i32
          %mul3A_98 = arith.muli %add3A, %mul3A_97 : i32
          %dma_start3A = tpu.memref_slice %arg6[%mul3A_98] : memref<200000xi32, #tpu.memory_space<hbm>> -> memref<1600xi32, #tpu.memory_space<hbm>>
          %dma_start3A_99 = tpu.memref_slice %arg6[%mul3A_98] : memref<200000xi32, #tpu.memory_space<hbm>> -> memref<1600xi32, #tpu.memory_space<hbm>>
          tpu.enqueue_dma source(%dma_start3A_99 : memref<1600xi32, #tpu.memory_space<hbm>>) target(%arg10 : memref<1600xi32, #tpu.memory_space<vmem>>) target_semaphore(%arg13 : memref<!tpu.dma_semaphore, #tpu.memory_space<semaphore_mem>>)
          %dma_start3A_100 = arith.constant 32 : i32
          %dma_start3A_101 = tpu.memref_slice %arg4[%mul3A_98, %dma_start3A_100] : memref<200000x128xf32, #tpu.memory_space<hbm>> -> memref<1600x16xf32, #tpu.memory_space<hbm>>
          %dma_start3A_102 = arith.constant 32 : i32
          %dma_start3A_103 = tpu.memref_slice %arg4[%mul3A_98, %dma_start3A_102] : memref<200000x128xf32, #tpu.memory_space<hbm>> -> memref<1600x16xf32, #tpu.memory_space<hbm>>
          tpu.enqueue_dma source(%dma_start3A_103 : memref<1600x16xf32, #tpu.memory_space<hbm>>) target(%arg11 : memref<1600x16xf32, #tpu.memory_space<vmem>>) target_semaphore(%arg14 : memref<!tpu.dma_semaphore, #tpu.memory_space<semaphore_mem>>)
          %dma_wait3A = tpu.memref_slice %arg6[%mul3A_98] : memref<200000xi32, #tpu.memory_space<hbm>> -> memref<1600xi32, #tpu.memory_space<hbm>>
          %dma_wait3A_104 = tpu.memref_slice %arg6[%mul3A_98] : memref<200000xi32, #tpu.memory_space<hbm>> -> memref<1600xi32, #tpu.memory_space<hbm>>
          tpu.wait_dma2 semaphore(%arg13 : memref<!tpu.dma_semaphore, #tpu.memory_space<semaphore_mem>>) src(%dma_wait3A_104 : memref<1600xi32, #tpu.memory_space<hbm>>) dst(%arg10 : memref<1600xi32, #tpu.memory_space<vmem>>)
          %dma_wait3A_105 = arith.constant 32 : i32
          %dma_wait3A_106 = tpu.memref_slice %arg4[%mul3A_98, %dma_wait3A_105] : memref<200000x128xf32, #tpu.memory_space<hbm>> -> memref<1600x16xf32, #tpu.memory_space<hbm>>
          %dma_wait3A_107 = arith.constant 32 : i32
          %dma_wait3A_108 = tpu.memref_slice %arg4[%mul3A_98, %dma_wait3A_107] : memref<200000x128xf32, #tpu.memory_space<hbm>> -> memref<1600x16xf32, #tpu.memory_space<hbm>>
          tpu.wait_dma2 semaphore(%arg14 : memref<!tpu.dma_semaphore, #tpu.memory_space<semaphore_mem>>) src(%dma_wait3A_108 : memref<1600x16xf32, #tpu.memory_space<hbm>>) dst(%arg11 : memref<1600x16xf32, #tpu.memory_space<vmem>>)
          "tpu.region"() ({
            %run_scoped3A_109 = tpu.sem_alloc : memref<!tpu.dma_semaphore, #tpu.memory_space<semaphore_mem>>
            %dma_start3A_110 = arith.constant 0 : i32
            %dma_start3A_111 = arith.constant 0 : i32
            %dma_start3A_112 = tpu.memref_slice %arg12[%dma_start3A_110, %dma_start3A_111] : memref<100000x16xf32, #tpu.memory_space<vmem_shared>> -> memref<100000x16xf32, #tpu.memory_space<vmem_shared>>
            tpu.enqueue_indirect_dma source(%arg11 : memref<1600x16xf32, #tpu.memory_space<vmem>>) target(%dma_start3A_112 : memref<100000x16xf32, #tpu.memory_space<vmem_shared>>) offsets(%arg10 : memref<1600xi32, #tpu.memory_space<vmem>>) semaphore(%run_scoped3A_109 : memref<!tpu.dma_semaphore, #tpu.memory_space<semaphore_mem>>) {add = true}
            %dma_wait3A_113 = arith.constant 0 : i32
            %dma_wait3A_114 = arith.constant 0 : i32
            %dma_wait3A_115 = tpu.memref_slice %arg12[%dma_wait3A_113, %dma_wait3A_114] : memref<100000x16xf32, #tpu.memory_space<vmem_shared>> -> memref<100000x16xf32, #tpu.memory_space<vmem_shared>>
            tpu.wait_indirect_dma semaphore(%run_scoped3A_109 : memref<!tpu.dma_semaphore, #tpu.memory_space<semaphore_mem>>) src(%arg11 : memref<1600x16xf32, #tpu.memory_space<vmem>>) dst(%dma_wait3A_115 : memref<100000x16xf32, #tpu.memory_space<vmem_shared>>)
            tpu.yield
          }) : () -> ()
        } else {
        }
      }
      %scan3A_77 = arith.constant 8 : i32
      %scan3A_78 = arith.constant 0 : i32
      %scan3A_79 = arith.constant 0 : i32
      %scan3A_80 = arith.constant 8 : i32
      %scan3A_81 = arith.addi %scan3A_79, %scan3A_80 : i32
      %scan3A_82 = arith.constant 1 : i32
      scf.for %scan3A_90 = %scan3A_79 to %scan3A_81 step %scan3A_82  : i32 {
        %mul3A_91 = arith.constant 16 : i32
        %mul3A_92 = arith.muli %mul3A_91, %scan3A_90 : i32
        %add3A = arith.addi %arg1, %mul3A_92 : i32
        %lt3A = arith.constant 125 : i32
        %lt3A_93 = arith.cmpi slt, %add3A, %lt3A : i32
        %convert_element_type3A_94 = arith.extui %lt3A_93 : i1 to i32
        %cond3A_95 = arith.constant 0 : i32
        %cond3A_96 = arith.cmpi ne, %convert_element_type3A_94, %cond3A_95 : i32
        scf.if %cond3A_96 {
          %mul3A_97 = arith.constant 1600 : i32
          %mul3A_98 = arith.muli %add3A, %mul3A_97 : i32
          %dma_start3A = tpu.memref_slice %arg7[%mul3A_98] : memref<200000xi32, #tpu.memory_space<hbm>> -> memref<1600xi32, #tpu.memory_space<hbm>>
          %dma_start3A_99 = tpu.memref_slice %arg7[%mul3A_98] : memref<200000xi32, #tpu.memory_space<hbm>> -> memref<1600xi32, #tpu.memory_space<hbm>>
          tpu.enqueue_dma source(%dma_start3A_99 : memref<1600xi32, #tpu.memory_space<hbm>>) target(%arg10 : memref<1600xi32, #tpu.memory_space<vmem>>) target_semaphore(%arg13 : memref<!tpu.dma_semaphore, #tpu.memory_space<semaphore_mem>>)
          %dma_start3A_100 = arith.constant 32 : i32
          %dma_start3A_101 = tpu.memref_slice %arg5[%mul3A_98, %dma_start3A_100] : memref<200000x128xf32, #tpu.memory_space<hbm>> -> memref<1600x16xf32, #tpu.memory_space<hbm>>
          %dma_start3A_102 = arith.constant 32 : i32
          %dma_start3A_103 = tpu.memref_slice %arg5[%mul3A_98, %dma_start3A_102] : memref<200000x128xf32, #tpu.memory_space<hbm>> -> memref<1600x16xf32, #tpu.memory_space<hbm>>
          tpu.enqueue_dma source(%dma_start3A_103 : memref<1600x16xf32, #tpu.memory_space<hbm>>) target(%arg11 : memref<1600x16xf32, #tpu.memory_space<vmem>>) target_semaphore(%arg14 : memref<!tpu.dma_semaphore, #tpu.memory_space<semaphore_mem>>)
          %dma_wait3A = tpu.memref_slice %arg7[%mul3A_98] : memref<200000xi32, #tpu.memory_space<hbm>> -> memref<1600xi32, #tpu.memory_space<hbm>>
          %dma_wait3A_104 = tpu.memref_slice %arg7[%mul3A_98] : memref<200000xi32, #tpu.memory_space<hbm>> -> memref<1600xi32, #tpu.memory_space<hbm>>
          tpu.wait_dma2 semaphore(%arg13 : memref<!tpu.dma_semaphore, #tpu.memory_space<semaphore_mem>>) src(%dma_wait3A_104 : memref<1600xi32, #tpu.memory_space<hbm>>) dst(%arg10 : memref<1600xi32, #tpu.memory_space<vmem>>)
          %dma_wait3A_105 = arith.constant 32 : i32
          %dma_wait3A_106 = tpu.memref_slice %arg5[%mul3A_98, %dma_wait3A_105] : memref<200000x128xf32, #tpu.memory_space<hbm>> -> memref<1600x16xf32, #tpu.memory_space<hbm>>
          %dma_wait3A_107 = arith.constant 32 : i32
          %dma_wait3A_108 = tpu.memref_slice %arg5[%mul3A_98, %dma_wait3A_107] : memref<200000x128xf32, #tpu.memory_space<hbm>> -> memref<1600x16xf32, #tpu.memory_space<hbm>>
          tpu.wait_dma2 semaphore(%arg14 : memref<!tpu.dma_semaphore, #tpu.memory_space<semaphore_mem>>) src(%dma_wait3A_108 : memref<1600x16xf32, #tpu.memory_space<hbm>>) dst(%arg11 : memref<1600x16xf32, #tpu.memory_space<vmem>>)
          "tpu.region"() ({
            %run_scoped3A_109 = tpu.sem_alloc : memref<!tpu.dma_semaphore, #tpu.memory_space<semaphore_mem>>
            %dma_start3A_110 = arith.constant 0 : i32
            %dma_start3A_111 = arith.constant 0 : i32
            %dma_start3A_112 = tpu.memref_slice %arg12[%dma_start3A_110, %dma_start3A_111] : memref<100000x16xf32, #tpu.memory_space<vmem_shared>> -> memref<100000x16xf32, #tpu.memory_space<vmem_shared>>
            tpu.enqueue_indirect_dma source(%arg11 : memref<1600x16xf32, #tpu.memory_space<vmem>>) target(%dma_start3A_112 : memref<100000x16xf32, #tpu.memory_space<vmem_shared>>) offsets(%arg10 : memref<1600xi32, #tpu.memory_space<vmem>>) semaphore(%run_scoped3A_109 : memref<!tpu.dma_semaphore, #tpu.memory_space<semaphore_mem>>) {add = true}
            %dma_wait3A_113 = arith.constant 0 : i32
            %dma_wait3A_114 = arith.constant 0 : i32
            %dma_wait3A_115 = tpu.memref_slice %arg12[%dma_wait3A_113, %dma_wait3A_114] : memref<100000x16xf32, #tpu.memory_space<vmem_shared>> -> memref<100000x16xf32, #tpu.memory_space<vmem_shared>>
            tpu.wait_indirect_dma semaphore(%run_scoped3A_109 : memref<!tpu.dma_semaphore, #tpu.memory_space<semaphore_mem>>) src(%arg11 : memref<1600x16xf32, #tpu.memory_space<vmem>>) dst(%dma_wait3A_115 : memref<100000x16xf32, #tpu.memory_space<vmem_shared>>)
            tpu.yield
          }) : () -> ()
        } else {
        }
      }
      %scan3A_83 = arith.constant 8 : i32
      %barrier3A_84 = arith.constant 0 : index
      tpu.barrier barrier_id(%barrier3A_84)
      %mul3A_85 = arith.constant 6250 : i32
      %mul3A_86 = arith.muli %arg1, %mul3A_85 : i32
      %mul3A_87 = arith.constant 6250 : i32
      %mul3A_88 = arith.muli %arg1, %mul3A_87 : i32
      %run_scoped3A = arith.constant 9 : i32
      "tpu.region"() ({
        %run_scoped3A_90 = tpu.sem_alloc : memref<!tpu.dma_semaphore, #tpu.memory_space<semaphore_mem>>
        %dma_start3A = arith.constant 0 : i32
        %dma_start3A_91 = tpu.memref_slice %arg9[%run_scoped3A, %mul3A_88, %dma_start3A] : memref<15x100000x16xf32, #tpu.memory_space<hbm>> -> memref<1x6250x16xf32, #tpu.memory_space<hbm>>
        %dma_start3A_92 = tpu.memref_squeeze %dma_start3A_91 : memref<1x6250x16xf32, #tpu.memory_space<hbm>> -> memref<6250x16xf32, #tpu.memory_space<hbm>>
        %dma_start3A_93 = arith.constant 0 : i32
        %dma_start3A_94 = tpu.memref_slice %arg12[%mul3A_86, %dma_start3A_93] : memref<100000x16xf32, #tpu.memory_space<vmem_shared>> -> memref<6250x16xf32, #tpu.memory_space<vmem_shared>>
        tpu.enqueue_dma source(%dma_start3A_94 : memref<6250x16xf32, #tpu.memory_space<vmem_shared>>) target(%dma_start3A_92 : memref<6250x16xf32, #tpu.memory_space<hbm>>) target_semaphore(%run_scoped3A_90 : memref<!tpu.dma_semaphore, #tpu.memory_space<semaphore_mem>>)
        %dma_wait3A = arith.constant 0 : i32
        %dma_wait3A_95 = tpu.memref_slice %arg9[%run_scoped3A, %mul3A_88, %dma_wait3A] : memref<15x100000x16xf32, #tpu.memory_space<hbm>> -> memref<1x6250x16xf32, #tpu.memory_space<hbm>>
        %dma_wait3A_96 = tpu.memref_squeeze %dma_wait3A_95 : memref<1x6250x16xf32, #tpu.memory_space<hbm>> -> memref<6250x16xf32, #tpu.memory_space<hbm>>
        %dma_wait3A_97 = arith.constant 0 : i32
        %dma_wait3A_98 = tpu.memref_slice %arg12[%mul3A_86, %dma_wait3A_97] : memref<100000x16xf32, #tpu.memory_space<vmem_shared>> -> memref<6250x16xf32, #tpu.memory_space<vmem_shared>>
        tpu.wait_dma2 semaphore(%run_scoped3A_90 : memref<!tpu.dma_semaphore, #tpu.memory_space<semaphore_mem>>) src(%dma_wait3A_98 : memref<6250x16xf32, #tpu.memory_space<vmem_shared>>) dst(%dma_wait3A_96 : memref<6250x16xf32, #tpu.memory_space<hbm>>)
        tpu.yield
      }) : () -> ()
      %barrier3A_89 = arith.constant 0 : index
      tpu.barrier barrier_id(%barrier3A_89)
    } else {
    }
    %eq3A_47 = arith.constant 0 : i32
    %eq3A_48 = arith.cmpi eq, %arg0, %eq3A_47 : i32
    %convert_element_type3A_49 = arith.extui %eq3A_48 : i1 to i32
    %cond3A_50 = arith.constant 0 : i32
    %cond3A_51 = arith.cmpi ne, %convert_element_type3A_49, %cond3A_50 : i32
    scf.if %cond3A_51 {
      %mul3A = arith.constant 6250 : i32
      %mul3A_72 = arith.muli %arg1, %mul3A : i32
      "tpu.region"() ({
        %run_scoped3A_90 = tpu.sem_alloc : memref<!tpu.dma_semaphore, #tpu.memory_space<semaphore_mem>>
        %dma_start3A = arith.constant 0 : i32
        %dma_start3A_91 = tpu.memref_slice %arg12[%mul3A_72, %dma_start3A] : memref<100000x16xf32, #tpu.memory_space<vmem_shared>> -> memref<6250x16xf32, #tpu.memory_space<vmem_shared>>
        tpu.enqueue_dma source(%arg8 : memref<6250x16xf32, #tpu.memory_space<hbm>>) target(%dma_start3A_91 : memref<6250x16xf32, #tpu.memory_space<vmem_shared>>) target_semaphore(%run_scoped3A_90 : memref<!tpu.dma_semaphore, #tpu.memory_space<semaphore_mem>>)
        %dma_wait3A = arith.constant 0 : i32
        %dma_wait3A_92 = tpu.memref_slice %arg12[%mul3A_72, %dma_wait3A] : memref<100000x16xf32, #tpu.memory_space<vmem_shared>> -> memref<6250x16xf32, #tpu.memory_space<vmem_shared>>
        tpu.wait_dma2 semaphore(%run_scoped3A_90 : memref<!tpu.dma_semaphore, #tpu.memory_space<semaphore_mem>>) src(%arg8 : memref<6250x16xf32, #tpu.memory_space<hbm>>) dst(%dma_wait3A_92 : memref<6250x16xf32, #tpu.memory_space<vmem_shared>>)
        tpu.yield
      }) : () -> ()
      %barrier3A = arith.constant 0 : index
      tpu.barrier barrier_id(%barrier3A)
      %scan3A = arith.constant 0 : i32
      %scan3A_73 = arith.constant 0 : i32
      %scan3A_74 = arith.constant 8 : i32
      %scan3A_75 = arith.addi %scan3A_73, %scan3A_74 : i32
      %scan3A_76 = arith.constant 1 : i32
      scf.for %scan3A_90 = %scan3A_73 to %scan3A_75 step %scan3A_76  : i32 {
        %mul3A_91 = arith.constant 16 : i32
        %mul3A_92 = arith.muli %mul3A_91, %scan3A_90 : i32
        %add3A = arith.addi %arg1, %mul3A_92 : i32
        %lt3A = arith.constant 125 : i32
        %lt3A_93 = arith.cmpi slt, %add3A, %lt3A : i32
        %convert_element_type3A_94 = arith.extui %lt3A_93 : i1 to i32
        %cond3A_95 = arith.constant 0 : i32
        %cond3A_96 = arith.cmpi ne, %convert_element_type3A_94, %cond3A_95 : i32
        scf.if %cond3A_96 {
          %mul3A_97 = arith.constant 1600 : i32
          %mul3A_98 = arith.muli %add3A, %mul3A_97 : i32
          %dma_start3A = tpu.memref_slice %arg6[%mul3A_98] : memref<200000xi32, #tpu.memory_space<hbm>> -> memref<1600xi32, #tpu.memory_space<hbm>>
          %dma_start3A_99 = tpu.memref_slice %arg6[%mul3A_98] : memref<200000xi32, #tpu.memory_space<hbm>> -> memref<1600xi32, #tpu.memory_space<hbm>>
          tpu.enqueue_dma source(%dma_start3A_99 : memref<1600xi32, #tpu.memory_space<hbm>>) target(%arg10 : memref<1600xi32, #tpu.memory_space<vmem>>) target_semaphore(%arg13 : memref<!tpu.dma_semaphore, #tpu.memory_space<semaphore_mem>>)
          %dma_start3A_100 = arith.constant 48 : i32
          %dma_start3A_101 = tpu.memref_slice %arg4[%mul3A_98, %dma_start3A_100] : memref<200000x128xf32, #tpu.memory_space<hbm>> -> memref<1600x16xf32, #tpu.memory_space<hbm>>
          %dma_start3A_102 = arith.constant 48 : i32
          %dma_start3A_103 = tpu.memref_slice %arg4[%mul3A_98, %dma_start3A_102] : memref<200000x128xf32, #tpu.memory_space<hbm>> -> memref<1600x16xf32, #tpu.memory_space<hbm>>
          tpu.enqueue_dma source(%dma_start3A_103 : memref<1600x16xf32, #tpu.memory_space<hbm>>) target(%arg11 : memref<1600x16xf32, #tpu.memory_space<vmem>>) target_semaphore(%arg14 : memref<!tpu.dma_semaphore, #tpu.memory_space<semaphore_mem>>)
          %dma_wait3A = tpu.memref_slice %arg6[%mul3A_98] : memref<200000xi32, #tpu.memory_space<hbm>> -> memref<1600xi32, #tpu.memory_space<hbm>>
          %dma_wait3A_104 = tpu.memref_slice %arg6[%mul3A_98] : memref<200000xi32, #tpu.memory_space<hbm>> -> memref<1600xi32, #tpu.memory_space<hbm>>
          tpu.wait_dma2 semaphore(%arg13 : memref<!tpu.dma_semaphore, #tpu.memory_space<semaphore_mem>>) src(%dma_wait3A_104 : memref<1600xi32, #tpu.memory_space<hbm>>) dst(%arg10 : memref<1600xi32, #tpu.memory_space<vmem>>)
          %dma_wait3A_105 = arith.constant 48 : i32
          %dma_wait3A_106 = tpu.memref_slice %arg4[%mul3A_98, %dma_wait3A_105] : memref<200000x128xf32, #tpu.memory_space<hbm>> -> memref<1600x16xf32, #tpu.memory_space<hbm>>
          %dma_wait3A_107 = arith.constant 48 : i32
          %dma_wait3A_108 = tpu.memref_slice %arg4[%mul3A_98, %dma_wait3A_107] : memref<200000x128xf32, #tpu.memory_space<hbm>> -> memref<1600x16xf32, #tpu.memory_space<hbm>>
          tpu.wait_dma2 semaphore(%arg14 : memref<!tpu.dma_semaphore, #tpu.memory_space<semaphore_mem>>) src(%dma_wait3A_108 : memref<1600x16xf32, #tpu.memory_space<hbm>>) dst(%arg11 : memref<1600x16xf32, #tpu.memory_space<vmem>>)
          "tpu.region"() ({
            %run_scoped3A_109 = tpu.sem_alloc : memref<!tpu.dma_semaphore, #tpu.memory_space<semaphore_mem>>
            %dma_start3A_110 = arith.constant 0 : i32
            %dma_start3A_111 = arith.constant 0 : i32
            %dma_start3A_112 = tpu.memref_slice %arg12[%dma_start3A_110, %dma_start3A_111] : memref<100000x16xf32, #tpu.memory_space<vmem_shared>> -> memref<100000x16xf32, #tpu.memory_space<vmem_shared>>
            tpu.enqueue_indirect_dma source(%arg11 : memref<1600x16xf32, #tpu.memory_space<vmem>>) target(%dma_start3A_112 : memref<100000x16xf32, #tpu.memory_space<vmem_shared>>) offsets(%arg10 : memref<1600xi32, #tpu.memory_space<vmem>>) semaphore(%run_scoped3A_109 : memref<!tpu.dma_semaphore, #tpu.memory_space<semaphore_mem>>) {add = true}
            %dma_wait3A_113 = arith.constant 0 : i32
            %dma_wait3A_114 = arith.constant 0 : i32
            %dma_wait3A_115 = tpu.memref_slice %arg12[%dma_wait3A_113, %dma_wait3A_114] : memref<100000x16xf32, #tpu.memory_space<vmem_shared>> -> memref<100000x16xf32, #tpu.memory_space<vmem_shared>>
            tpu.wait_indirect_dma semaphore(%run_scoped3A_109 : memref<!tpu.dma_semaphore, #tpu.memory_space<semaphore_mem>>) src(%arg11 : memref<1600x16xf32, #tpu.memory_space<vmem>>) dst(%dma_wait3A_115 : memref<100000x16xf32, #tpu.memory_space<vmem_shared>>)
            tpu.yield
          }) : () -> ()
        } else {
        }
      }
      %scan3A_77 = arith.constant 8 : i32
      %scan3A_78 = arith.constant 0 : i32
      %scan3A_79 = arith.constant 0 : i32
      %scan3A_80 = arith.constant 8 : i32
      %scan3A_81 = arith.addi %scan3A_79, %scan3A_80 : i32
      %scan3A_82 = arith.constant 1 : i32
      scf.for %scan3A_90 = %scan3A_79 to %scan3A_81 step %scan3A_82  : i32 {
        %mul3A_91 = arith.constant 16 : i32
        %mul3A_92 = arith.muli %mul3A_91, %scan3A_90 : i32
        %add3A = arith.addi %arg1, %mul3A_92 : i32
        %lt3A = arith.constant 125 : i32
        %lt3A_93 = arith.cmpi slt, %add3A, %lt3A : i32
        %convert_element_type3A_94 = arith.extui %lt3A_93 : i1 to i32
        %cond3A_95 = arith.constant 0 : i32
        %cond3A_96 = arith.cmpi ne, %convert_element_type3A_94, %cond3A_95 : i32
        scf.if %cond3A_96 {
          %mul3A_97 = arith.constant 1600 : i32
          %mul3A_98 = arith.muli %add3A, %mul3A_97 : i32
          %dma_start3A = tpu.memref_slice %arg7[%mul3A_98] : memref<200000xi32, #tpu.memory_space<hbm>> -> memref<1600xi32, #tpu.memory_space<hbm>>
          %dma_start3A_99 = tpu.memref_slice %arg7[%mul3A_98] : memref<200000xi32, #tpu.memory_space<hbm>> -> memref<1600xi32, #tpu.memory_space<hbm>>
          tpu.enqueue_dma source(%dma_start3A_99 : memref<1600xi32, #tpu.memory_space<hbm>>) target(%arg10 : memref<1600xi32, #tpu.memory_space<vmem>>) target_semaphore(%arg13 : memref<!tpu.dma_semaphore, #tpu.memory_space<semaphore_mem>>)
          %dma_start3A_100 = arith.constant 48 : i32
          %dma_start3A_101 = tpu.memref_slice %arg5[%mul3A_98, %dma_start3A_100] : memref<200000x128xf32, #tpu.memory_space<hbm>> -> memref<1600x16xf32, #tpu.memory_space<hbm>>
          %dma_start3A_102 = arith.constant 48 : i32
          %dma_start3A_103 = tpu.memref_slice %arg5[%mul3A_98, %dma_start3A_102] : memref<200000x128xf32, #tpu.memory_space<hbm>> -> memref<1600x16xf32, #tpu.memory_space<hbm>>
          tpu.enqueue_dma source(%dma_start3A_103 : memref<1600x16xf32, #tpu.memory_space<hbm>>) target(%arg11 : memref<1600x16xf32, #tpu.memory_space<vmem>>) target_semaphore(%arg14 : memref<!tpu.dma_semaphore, #tpu.memory_space<semaphore_mem>>)
          %dma_wait3A = tpu.memref_slice %arg7[%mul3A_98] : memref<200000xi32, #tpu.memory_space<hbm>> -> memref<1600xi32, #tpu.memory_space<hbm>>
          %dma_wait3A_104 = tpu.memref_slice %arg7[%mul3A_98] : memref<200000xi32, #tpu.memory_space<hbm>> -> memref<1600xi32, #tpu.memory_space<hbm>>
          tpu.wait_dma2 semaphore(%arg13 : memref<!tpu.dma_semaphore, #tpu.memory_space<semaphore_mem>>) src(%dma_wait3A_104 : memref<1600xi32, #tpu.memory_space<hbm>>) dst(%arg10 : memref<1600xi32, #tpu.memory_space<vmem>>)
          %dma_wait3A_105 = arith.constant 48 : i32
          %dma_wait3A_106 = tpu.memref_slice %arg5[%mul3A_98, %dma_wait3A_105] : memref<200000x128xf32, #tpu.memory_space<hbm>> -> memref<1600x16xf32, #tpu.memory_space<hbm>>
          %dma_wait3A_107 = arith.constant 48 : i32
          %dma_wait3A_108 = tpu.memref_slice %arg5[%mul3A_98, %dma_wait3A_107] : memref<200000x128xf32, #tpu.memory_space<hbm>> -> memref<1600x16xf32, #tpu.memory_space<hbm>>
          tpu.wait_dma2 semaphore(%arg14 : memref<!tpu.dma_semaphore, #tpu.memory_space<semaphore_mem>>) src(%dma_wait3A_108 : memref<1600x16xf32, #tpu.memory_space<hbm>>) dst(%arg11 : memref<1600x16xf32, #tpu.memory_space<vmem>>)
          "tpu.region"() ({
            %run_scoped3A_109 = tpu.sem_alloc : memref<!tpu.dma_semaphore, #tpu.memory_space<semaphore_mem>>
            %dma_start3A_110 = arith.constant 0 : i32
            %dma_start3A_111 = arith.constant 0 : i32
            %dma_start3A_112 = tpu.memref_slice %arg12[%dma_start3A_110, %dma_start3A_111] : memref<100000x16xf32, #tpu.memory_space<vmem_shared>> -> memref<100000x16xf32, #tpu.memory_space<vmem_shared>>
            tpu.enqueue_indirect_dma source(%arg11 : memref<1600x16xf32, #tpu.memory_space<vmem>>) target(%dma_start3A_112 : memref<100000x16xf32, #tpu.memory_space<vmem_shared>>) offsets(%arg10 : memref<1600xi32, #tpu.memory_space<vmem>>) semaphore(%run_scoped3A_109 : memref<!tpu.dma_semaphore, #tpu.memory_space<semaphore_mem>>) {add = true}
            %dma_wait3A_113 = arith.constant 0 : i32
            %dma_wait3A_114 = arith.constant 0 : i32
            %dma_wait3A_115 = tpu.memref_slice %arg12[%dma_wait3A_113, %dma_wait3A_114] : memref<100000x16xf32, #tpu.memory_space<vmem_shared>> -> memref<100000x16xf32, #tpu.memory_space<vmem_shared>>
            tpu.wait_indirect_dma semaphore(%run_scoped3A_109 : memref<!tpu.dma_semaphore, #tpu.memory_space<semaphore_mem>>) src(%arg11 : memref<1600x16xf32, #tpu.memory_space<vmem>>) dst(%dma_wait3A_115 : memref<100000x16xf32, #tpu.memory_space<vmem_shared>>)
            tpu.yield
          }) : () -> ()
        } else {
        }
      }
      %scan3A_83 = arith.constant 8 : i32
      %barrier3A_84 = arith.constant 0 : index
      tpu.barrier barrier_id(%barrier3A_84)
      %mul3A_85 = arith.constant 6250 : i32
      %mul3A_86 = arith.muli %arg1, %mul3A_85 : i32
      %mul3A_87 = arith.constant 6250 : i32
      %mul3A_88 = arith.muli %arg1, %mul3A_87 : i32
      %run_scoped3A = arith.constant 10 : i32
      "tpu.region"() ({
        %run_scoped3A_90 = tpu.sem_alloc : memref<!tpu.dma_semaphore, #tpu.memory_space<semaphore_mem>>
        %dma_start3A = arith.constant 0 : i32
        %dma_start3A_91 = tpu.memref_slice %arg9[%run_scoped3A, %mul3A_88, %dma_start3A] : memref<15x100000x16xf32, #tpu.memory_space<hbm>> -> memref<1x6250x16xf32, #tpu.memory_space<hbm>>
        %dma_start3A_92 = tpu.memref_squeeze %dma_start3A_91 : memref<1x6250x16xf32, #tpu.memory_space<hbm>> -> memref<6250x16xf32, #tpu.memory_space<hbm>>
        %dma_start3A_93 = arith.constant 0 : i32
        %dma_start3A_94 = tpu.memref_slice %arg12[%mul3A_86, %dma_start3A_93] : memref<100000x16xf32, #tpu.memory_space<vmem_shared>> -> memref<6250x16xf32, #tpu.memory_space<vmem_shared>>
        tpu.enqueue_dma source(%dma_start3A_94 : memref<6250x16xf32, #tpu.memory_space<vmem_shared>>) target(%dma_start3A_92 : memref<6250x16xf32, #tpu.memory_space<hbm>>) target_semaphore(%run_scoped3A_90 : memref<!tpu.dma_semaphore, #tpu.memory_space<semaphore_mem>>)
        %dma_wait3A = arith.constant 0 : i32
        %dma_wait3A_95 = tpu.memref_slice %arg9[%run_scoped3A, %mul3A_88, %dma_wait3A] : memref<15x100000x16xf32, #tpu.memory_space<hbm>> -> memref<1x6250x16xf32, #tpu.memory_space<hbm>>
        %dma_wait3A_96 = tpu.memref_squeeze %dma_wait3A_95 : memref<1x6250x16xf32, #tpu.memory_space<hbm>> -> memref<6250x16xf32, #tpu.memory_space<hbm>>
        %dma_wait3A_97 = arith.constant 0 : i32
        %dma_wait3A_98 = tpu.memref_slice %arg12[%mul3A_86, %dma_wait3A_97] : memref<100000x16xf32, #tpu.memory_space<vmem_shared>> -> memref<6250x16xf32, #tpu.memory_space<vmem_shared>>
        tpu.wait_dma2 semaphore(%run_scoped3A_90 : memref<!tpu.dma_semaphore, #tpu.memory_space<semaphore_mem>>) src(%dma_wait3A_98 : memref<6250x16xf32, #tpu.memory_space<vmem_shared>>) dst(%dma_wait3A_96 : memref<6250x16xf32, #tpu.memory_space<hbm>>)
        tpu.yield
      }) : () -> ()
      %barrier3A_89 = arith.constant 0 : index
      tpu.barrier barrier_id(%barrier3A_89)
    } else {
    }
    %eq3A_52 = arith.constant 1 : i32
    %eq3A_53 = arith.cmpi eq, %arg0, %eq3A_52 : i32
    %convert_element_type3A_54 = arith.extui %eq3A_53 : i1 to i32
    %cond3A_55 = arith.constant 0 : i32
    %cond3A_56 = arith.cmpi ne, %convert_element_type3A_54, %cond3A_55 : i32
    scf.if %cond3A_56 {
      %mul3A = arith.constant 6250 : i32
      %mul3A_72 = arith.muli %arg1, %mul3A : i32
      "tpu.region"() ({
        %run_scoped3A_90 = tpu.sem_alloc : memref<!tpu.dma_semaphore, #tpu.memory_space<semaphore_mem>>
        %dma_start3A = arith.constant 0 : i32
        %dma_start3A_91 = tpu.memref_slice %arg12[%mul3A_72, %dma_start3A] : memref<100000x16xf32, #tpu.memory_space<vmem_shared>> -> memref<6250x16xf32, #tpu.memory_space<vmem_shared>>
        tpu.enqueue_dma source(%arg8 : memref<6250x16xf32, #tpu.memory_space<hbm>>) target(%dma_start3A_91 : memref<6250x16xf32, #tpu.memory_space<vmem_shared>>) target_semaphore(%run_scoped3A_90 : memref<!tpu.dma_semaphore, #tpu.memory_space<semaphore_mem>>)
        %dma_wait3A = arith.constant 0 : i32
        %dma_wait3A_92 = tpu.memref_slice %arg12[%mul3A_72, %dma_wait3A] : memref<100000x16xf32, #tpu.memory_space<vmem_shared>> -> memref<6250x16xf32, #tpu.memory_space<vmem_shared>>
        tpu.wait_dma2 semaphore(%run_scoped3A_90 : memref<!tpu.dma_semaphore, #tpu.memory_space<semaphore_mem>>) src(%arg8 : memref<6250x16xf32, #tpu.memory_space<hbm>>) dst(%dma_wait3A_92 : memref<6250x16xf32, #tpu.memory_space<vmem_shared>>)
        tpu.yield
      }) : () -> ()
      %barrier3A = arith.constant 0 : index
      tpu.barrier barrier_id(%barrier3A)
      %scan3A = arith.constant 0 : i32
      %scan3A_73 = arith.constant 0 : i32
      %scan3A_74 = arith.constant 8 : i32
      %scan3A_75 = arith.addi %scan3A_73, %scan3A_74 : i32
      %scan3A_76 = arith.constant 1 : i32
      scf.for %scan3A_90 = %scan3A_73 to %scan3A_75 step %scan3A_76  : i32 {
        %mul3A_91 = arith.constant 16 : i32
        %mul3A_92 = arith.muli %mul3A_91, %scan3A_90 : i32
        %add3A = arith.addi %arg1, %mul3A_92 : i32
        %lt3A = arith.constant 125 : i32
        %lt3A_93 = arith.cmpi slt, %add3A, %lt3A : i32
        %convert_element_type3A_94 = arith.extui %lt3A_93 : i1 to i32
        %cond3A_95 = arith.constant 0 : i32
        %cond3A_96 = arith.cmpi ne, %convert_element_type3A_94, %cond3A_95 : i32
        scf.if %cond3A_96 {
          %mul3A_97 = arith.constant 1600 : i32
          %mul3A_98 = arith.muli %add3A, %mul3A_97 : i32
          %dma_start3A = tpu.memref_slice %arg6[%mul3A_98] : memref<200000xi32, #tpu.memory_space<hbm>> -> memref<1600xi32, #tpu.memory_space<hbm>>
          %dma_start3A_99 = tpu.memref_slice %arg6[%mul3A_98] : memref<200000xi32, #tpu.memory_space<hbm>> -> memref<1600xi32, #tpu.memory_space<hbm>>
          tpu.enqueue_dma source(%dma_start3A_99 : memref<1600xi32, #tpu.memory_space<hbm>>) target(%arg10 : memref<1600xi32, #tpu.memory_space<vmem>>) target_semaphore(%arg13 : memref<!tpu.dma_semaphore, #tpu.memory_space<semaphore_mem>>)
          %dma_start3A_100 = arith.constant 64 : i32
          %dma_start3A_101 = tpu.memref_slice %arg4[%mul3A_98, %dma_start3A_100] : memref<200000x128xf32, #tpu.memory_space<hbm>> -> memref<1600x16xf32, #tpu.memory_space<hbm>>
          %dma_start3A_102 = arith.constant 64 : i32
          %dma_start3A_103 = tpu.memref_slice %arg4[%mul3A_98, %dma_start3A_102] : memref<200000x128xf32, #tpu.memory_space<hbm>> -> memref<1600x16xf32, #tpu.memory_space<hbm>>
          tpu.enqueue_dma source(%dma_start3A_103 : memref<1600x16xf32, #tpu.memory_space<hbm>>) target(%arg11 : memref<1600x16xf32, #tpu.memory_space<vmem>>) target_semaphore(%arg14 : memref<!tpu.dma_semaphore, #tpu.memory_space<semaphore_mem>>)
          %dma_wait3A = tpu.memref_slice %arg6[%mul3A_98] : memref<200000xi32, #tpu.memory_space<hbm>> -> memref<1600xi32, #tpu.memory_space<hbm>>
          %dma_wait3A_104 = tpu.memref_slice %arg6[%mul3A_98] : memref<200000xi32, #tpu.memory_space<hbm>> -> memref<1600xi32, #tpu.memory_space<hbm>>
          tpu.wait_dma2 semaphore(%arg13 : memref<!tpu.dma_semaphore, #tpu.memory_space<semaphore_mem>>) src(%dma_wait3A_104 : memref<1600xi32, #tpu.memory_space<hbm>>) dst(%arg10 : memref<1600xi32, #tpu.memory_space<vmem>>)
          %dma_wait3A_105 = arith.constant 64 : i32
          %dma_wait3A_106 = tpu.memref_slice %arg4[%mul3A_98, %dma_wait3A_105] : memref<200000x128xf32, #tpu.memory_space<hbm>> -> memref<1600x16xf32, #tpu.memory_space<hbm>>
          %dma_wait3A_107 = arith.constant 64 : i32
          %dma_wait3A_108 = tpu.memref_slice %arg4[%mul3A_98, %dma_wait3A_107] : memref<200000x128xf32, #tpu.memory_space<hbm>> -> memref<1600x16xf32, #tpu.memory_space<hbm>>
          tpu.wait_dma2 semaphore(%arg14 : memref<!tpu.dma_semaphore, #tpu.memory_space<semaphore_mem>>) src(%dma_wait3A_108 : memref<1600x16xf32, #tpu.memory_space<hbm>>) dst(%arg11 : memref<1600x16xf32, #tpu.memory_space<vmem>>)
          "tpu.region"() ({
            %run_scoped3A_109 = tpu.sem_alloc : memref<!tpu.dma_semaphore, #tpu.memory_space<semaphore_mem>>
            %dma_start3A_110 = arith.constant 0 : i32
            %dma_start3A_111 = arith.constant 0 : i32
            %dma_start3A_112 = tpu.memref_slice %arg12[%dma_start3A_110, %dma_start3A_111] : memref<100000x16xf32, #tpu.memory_space<vmem_shared>> -> memref<100000x16xf32, #tpu.memory_space<vmem_shared>>
            tpu.enqueue_indirect_dma source(%arg11 : memref<1600x16xf32, #tpu.memory_space<vmem>>) target(%dma_start3A_112 : memref<100000x16xf32, #tpu.memory_space<vmem_shared>>) offsets(%arg10 : memref<1600xi32, #tpu.memory_space<vmem>>) semaphore(%run_scoped3A_109 : memref<!tpu.dma_semaphore, #tpu.memory_space<semaphore_mem>>) {add = true}
            %dma_wait3A_113 = arith.constant 0 : i32
            %dma_wait3A_114 = arith.constant 0 : i32
            %dma_wait3A_115 = tpu.memref_slice %arg12[%dma_wait3A_113, %dma_wait3A_114] : memref<100000x16xf32, #tpu.memory_space<vmem_shared>> -> memref<100000x16xf32, #tpu.memory_space<vmem_shared>>
            tpu.wait_indirect_dma semaphore(%run_scoped3A_109 : memref<!tpu.dma_semaphore, #tpu.memory_space<semaphore_mem>>) src(%arg11 : memref<1600x16xf32, #tpu.memory_space<vmem>>) dst(%dma_wait3A_115 : memref<100000x16xf32, #tpu.memory_space<vmem_shared>>)
            tpu.yield
          }) : () -> ()
        } else {
        }
      }
      %scan3A_77 = arith.constant 8 : i32
      %scan3A_78 = arith.constant 0 : i32
      %scan3A_79 = arith.constant 0 : i32
      %scan3A_80 = arith.constant 8 : i32
      %scan3A_81 = arith.addi %scan3A_79, %scan3A_80 : i32
      %scan3A_82 = arith.constant 1 : i32
      scf.for %scan3A_90 = %scan3A_79 to %scan3A_81 step %scan3A_82  : i32 {
        %mul3A_91 = arith.constant 16 : i32
        %mul3A_92 = arith.muli %mul3A_91, %scan3A_90 : i32
        %add3A = arith.addi %arg1, %mul3A_92 : i32
        %lt3A = arith.constant 125 : i32
        %lt3A_93 = arith.cmpi slt, %add3A, %lt3A : i32
        %convert_element_type3A_94 = arith.extui %lt3A_93 : i1 to i32
        %cond3A_95 = arith.constant 0 : i32
        %cond3A_96 = arith.cmpi ne, %convert_element_type3A_94, %cond3A_95 : i32
        scf.if %cond3A_96 {
          %mul3A_97 = arith.constant 1600 : i32
          %mul3A_98 = arith.muli %add3A, %mul3A_97 : i32
          %dma_start3A = tpu.memref_slice %arg7[%mul3A_98] : memref<200000xi32, #tpu.memory_space<hbm>> -> memref<1600xi32, #tpu.memory_space<hbm>>
          %dma_start3A_99 = tpu.memref_slice %arg7[%mul3A_98] : memref<200000xi32, #tpu.memory_space<hbm>> -> memref<1600xi32, #tpu.memory_space<hbm>>
          tpu.enqueue_dma source(%dma_start3A_99 : memref<1600xi32, #tpu.memory_space<hbm>>) target(%arg10 : memref<1600xi32, #tpu.memory_space<vmem>>) target_semaphore(%arg13 : memref<!tpu.dma_semaphore, #tpu.memory_space<semaphore_mem>>)
          %dma_start3A_100 = arith.constant 64 : i32
          %dma_start3A_101 = tpu.memref_slice %arg5[%mul3A_98, %dma_start3A_100] : memref<200000x128xf32, #tpu.memory_space<hbm>> -> memref<1600x16xf32, #tpu.memory_space<hbm>>
          %dma_start3A_102 = arith.constant 64 : i32
          %dma_start3A_103 = tpu.memref_slice %arg5[%mul3A_98, %dma_start3A_102] : memref<200000x128xf32, #tpu.memory_space<hbm>> -> memref<1600x16xf32, #tpu.memory_space<hbm>>
          tpu.enqueue_dma source(%dma_start3A_103 : memref<1600x16xf32, #tpu.memory_space<hbm>>) target(%arg11 : memref<1600x16xf32, #tpu.memory_space<vmem>>) target_semaphore(%arg14 : memref<!tpu.dma_semaphore, #tpu.memory_space<semaphore_mem>>)
          %dma_wait3A = tpu.memref_slice %arg7[%mul3A_98] : memref<200000xi32, #tpu.memory_space<hbm>> -> memref<1600xi32, #tpu.memory_space<hbm>>
          %dma_wait3A_104 = tpu.memref_slice %arg7[%mul3A_98] : memref<200000xi32, #tpu.memory_space<hbm>> -> memref<1600xi32, #tpu.memory_space<hbm>>
          tpu.wait_dma2 semaphore(%arg13 : memref<!tpu.dma_semaphore, #tpu.memory_space<semaphore_mem>>) src(%dma_wait3A_104 : memref<1600xi32, #tpu.memory_space<hbm>>) dst(%arg10 : memref<1600xi32, #tpu.memory_space<vmem>>)
          %dma_wait3A_105 = arith.constant 64 : i32
          %dma_wait3A_106 = tpu.memref_slice %arg5[%mul3A_98, %dma_wait3A_105] : memref<200000x128xf32, #tpu.memory_space<hbm>> -> memref<1600x16xf32, #tpu.memory_space<hbm>>
          %dma_wait3A_107 = arith.constant 64 : i32
          %dma_wait3A_108 = tpu.memref_slice %arg5[%mul3A_98, %dma_wait3A_107] : memref<200000x128xf32, #tpu.memory_space<hbm>> -> memref<1600x16xf32, #tpu.memory_space<hbm>>
          tpu.wait_dma2 semaphore(%arg14 : memref<!tpu.dma_semaphore, #tpu.memory_space<semaphore_mem>>) src(%dma_wait3A_108 : memref<1600x16xf32, #tpu.memory_space<hbm>>) dst(%arg11 : memref<1600x16xf32, #tpu.memory_space<vmem>>)
          "tpu.region"() ({
            %run_scoped3A_109 = tpu.sem_alloc : memref<!tpu.dma_semaphore, #tpu.memory_space<semaphore_mem>>
            %dma_start3A_110 = arith.constant 0 : i32
            %dma_start3A_111 = arith.constant 0 : i32
            %dma_start3A_112 = tpu.memref_slice %arg12[%dma_start3A_110, %dma_start3A_111] : memref<100000x16xf32, #tpu.memory_space<vmem_shared>> -> memref<100000x16xf32, #tpu.memory_space<vmem_shared>>
            tpu.enqueue_indirect_dma source(%arg11 : memref<1600x16xf32, #tpu.memory_space<vmem>>) target(%dma_start3A_112 : memref<100000x16xf32, #tpu.memory_space<vmem_shared>>) offsets(%arg10 : memref<1600xi32, #tpu.memory_space<vmem>>) semaphore(%run_scoped3A_109 : memref<!tpu.dma_semaphore, #tpu.memory_space<semaphore_mem>>) {add = true}
            %dma_wait3A_113 = arith.constant 0 : i32
            %dma_wait3A_114 = arith.constant 0 : i32
            %dma_wait3A_115 = tpu.memref_slice %arg12[%dma_wait3A_113, %dma_wait3A_114] : memref<100000x16xf32, #tpu.memory_space<vmem_shared>> -> memref<100000x16xf32, #tpu.memory_space<vmem_shared>>
            tpu.wait_indirect_dma semaphore(%run_scoped3A_109 : memref<!tpu.dma_semaphore, #tpu.memory_space<semaphore_mem>>) src(%arg11 : memref<1600x16xf32, #tpu.memory_space<vmem>>) dst(%dma_wait3A_115 : memref<100000x16xf32, #tpu.memory_space<vmem_shared>>)
            tpu.yield
          }) : () -> ()
        } else {
        }
      }
      %scan3A_83 = arith.constant 8 : i32
      %barrier3A_84 = arith.constant 0 : index
      tpu.barrier barrier_id(%barrier3A_84)
      %mul3A_85 = arith.constant 6250 : i32
      %mul3A_86 = arith.muli %arg1, %mul3A_85 : i32
      %mul3A_87 = arith.constant 6250 : i32
      %mul3A_88 = arith.muli %arg1, %mul3A_87 : i32
      %run_scoped3A = arith.constant 11 : i32
      "tpu.region"() ({
        %run_scoped3A_90 = tpu.sem_alloc : memref<!tpu.dma_semaphore, #tpu.memory_space<semaphore_mem>>
        %dma_start3A = arith.constant 0 : i32
        %dma_start3A_91 = tpu.memref_slice %arg9[%run_scoped3A, %mul3A_88, %dma_start3A] : memref<15x100000x16xf32, #tpu.memory_space<hbm>> -> memref<1x6250x16xf32, #tpu.memory_space<hbm>>
        %dma_start3A_92 = tpu.memref_squeeze %dma_start3A_91 : memref<1x6250x16xf32, #tpu.memory_space<hbm>> -> memref<6250x16xf32, #tpu.memory_space<hbm>>
        %dma_start3A_93 = arith.constant 0 : i32
        %dma_start3A_94 = tpu.memref_slice %arg12[%mul3A_86, %dma_start3A_93] : memref<100000x16xf32, #tpu.memory_space<vmem_shared>> -> memref<6250x16xf32, #tpu.memory_space<vmem_shared>>
        tpu.enqueue_dma source(%dma_start3A_94 : memref<6250x16xf32, #tpu.memory_space<vmem_shared>>) target(%dma_start3A_92 : memref<6250x16xf32, #tpu.memory_space<hbm>>) target_semaphore(%run_scoped3A_90 : memref<!tpu.dma_semaphore, #tpu.memory_space<semaphore_mem>>)
        %dma_wait3A = arith.constant 0 : i32
        %dma_wait3A_95 = tpu.memref_slice %arg9[%run_scoped3A, %mul3A_88, %dma_wait3A] : memref<15x100000x16xf32, #tpu.memory_space<hbm>> -> memref<1x6250x16xf32, #tpu.memory_space<hbm>>
        %dma_wait3A_96 = tpu.memref_squeeze %dma_wait3A_95 : memref<1x6250x16xf32, #tpu.memory_space<hbm>> -> memref<6250x16xf32, #tpu.memory_space<hbm>>
        %dma_wait3A_97 = arith.constant 0 : i32
        %dma_wait3A_98 = tpu.memref_slice %arg12[%mul3A_86, %dma_wait3A_97] : memref<100000x16xf32, #tpu.memory_space<vmem_shared>> -> memref<6250x16xf32, #tpu.memory_space<vmem_shared>>
        tpu.wait_dma2 semaphore(%run_scoped3A_90 : memref<!tpu.dma_semaphore, #tpu.memory_space<semaphore_mem>>) src(%dma_wait3A_98 : memref<6250x16xf32, #tpu.memory_space<vmem_shared>>) dst(%dma_wait3A_96 : memref<6250x16xf32, #tpu.memory_space<hbm>>)
        tpu.yield
      }) : () -> ()
      %barrier3A_89 = arith.constant 0 : index
      tpu.barrier barrier_id(%barrier3A_89)
    } else {
    }
    %eq3A_57 = arith.constant 0 : i32
    %eq3A_58 = arith.cmpi eq, %arg0, %eq3A_57 : i32
    %convert_element_type3A_59 = arith.extui %eq3A_58 : i1 to i32
    %cond3A_60 = arith.constant 0 : i32
    %cond3A_61 = arith.cmpi ne, %convert_element_type3A_59, %cond3A_60 : i32
    scf.if %cond3A_61 {
      %mul3A = arith.constant 6250 : i32
      %mul3A_72 = arith.muli %arg1, %mul3A : i32
      "tpu.region"() ({
        %run_scoped3A_90 = tpu.sem_alloc : memref<!tpu.dma_semaphore, #tpu.memory_space<semaphore_mem>>
        %dma_start3A = arith.constant 0 : i32
        %dma_start3A_91 = tpu.memref_slice %arg12[%mul3A_72, %dma_start3A] : memref<100000x16xf32, #tpu.memory_space<vmem_shared>> -> memref<6250x16xf32, #tpu.memory_space<vmem_shared>>
        tpu.enqueue_dma source(%arg8 : memref<6250x16xf32, #tpu.memory_space<hbm>>) target(%dma_start3A_91 : memref<6250x16xf32, #tpu.memory_space<vmem_shared>>) target_semaphore(%run_scoped3A_90 : memref<!tpu.dma_semaphore, #tpu.memory_space<semaphore_mem>>)
        %dma_wait3A = arith.constant 0 : i32
        %dma_wait3A_92 = tpu.memref_slice %arg12[%mul3A_72, %dma_wait3A] : memref<100000x16xf32, #tpu.memory_space<vmem_shared>> -> memref<6250x16xf32, #tpu.memory_space<vmem_shared>>
        tpu.wait_dma2 semaphore(%run_scoped3A_90 : memref<!tpu.dma_semaphore, #tpu.memory_space<semaphore_mem>>) src(%arg8 : memref<6250x16xf32, #tpu.memory_space<hbm>>) dst(%dma_wait3A_92 : memref<6250x16xf32, #tpu.memory_space<vmem_shared>>)
        tpu.yield
      }) : () -> ()
      %barrier3A = arith.constant 0 : index
      tpu.barrier barrier_id(%barrier3A)
      %scan3A = arith.constant 0 : i32
      %scan3A_73 = arith.constant 0 : i32
      %scan3A_74 = arith.constant 8 : i32
      %scan3A_75 = arith.addi %scan3A_73, %scan3A_74 : i32
      %scan3A_76 = arith.constant 1 : i32
      scf.for %scan3A_90 = %scan3A_73 to %scan3A_75 step %scan3A_76  : i32 {
        %mul3A_91 = arith.constant 16 : i32
        %mul3A_92 = arith.muli %mul3A_91, %scan3A_90 : i32
        %add3A = arith.addi %arg1, %mul3A_92 : i32
        %lt3A = arith.constant 125 : i32
        %lt3A_93 = arith.cmpi slt, %add3A, %lt3A : i32
        %convert_element_type3A_94 = arith.extui %lt3A_93 : i1 to i32
        %cond3A_95 = arith.constant 0 : i32
        %cond3A_96 = arith.cmpi ne, %convert_element_type3A_94, %cond3A_95 : i32
        scf.if %cond3A_96 {
          %mul3A_97 = arith.constant 1600 : i32
          %mul3A_98 = arith.muli %add3A, %mul3A_97 : i32
          %dma_start3A = tpu.memref_slice %arg6[%mul3A_98] : memref<200000xi32, #tpu.memory_space<hbm>> -> memref<1600xi32, #tpu.memory_space<hbm>>
          %dma_start3A_99 = tpu.memref_slice %arg6[%mul3A_98] : memref<200000xi32, #tpu.memory_space<hbm>> -> memref<1600xi32, #tpu.memory_space<hbm>>
          tpu.enqueue_dma source(%dma_start3A_99 : memref<1600xi32, #tpu.memory_space<hbm>>) target(%arg10 : memref<1600xi32, #tpu.memory_space<vmem>>) target_semaphore(%arg13 : memref<!tpu.dma_semaphore, #tpu.memory_space<semaphore_mem>>)
          %dma_start3A_100 = arith.constant 80 : i32
          %dma_start3A_101 = tpu.memref_slice %arg4[%mul3A_98, %dma_start3A_100] : memref<200000x128xf32, #tpu.memory_space<hbm>> -> memref<1600x16xf32, #tpu.memory_space<hbm>>
          %dma_start3A_102 = arith.constant 80 : i32
          %dma_start3A_103 = tpu.memref_slice %arg4[%mul3A_98, %dma_start3A_102] : memref<200000x128xf32, #tpu.memory_space<hbm>> -> memref<1600x16xf32, #tpu.memory_space<hbm>>
          tpu.enqueue_dma source(%dma_start3A_103 : memref<1600x16xf32, #tpu.memory_space<hbm>>) target(%arg11 : memref<1600x16xf32, #tpu.memory_space<vmem>>) target_semaphore(%arg14 : memref<!tpu.dma_semaphore, #tpu.memory_space<semaphore_mem>>)
          %dma_wait3A = tpu.memref_slice %arg6[%mul3A_98] : memref<200000xi32, #tpu.memory_space<hbm>> -> memref<1600xi32, #tpu.memory_space<hbm>>
          %dma_wait3A_104 = tpu.memref_slice %arg6[%mul3A_98] : memref<200000xi32, #tpu.memory_space<hbm>> -> memref<1600xi32, #tpu.memory_space<hbm>>
          tpu.wait_dma2 semaphore(%arg13 : memref<!tpu.dma_semaphore, #tpu.memory_space<semaphore_mem>>) src(%dma_wait3A_104 : memref<1600xi32, #tpu.memory_space<hbm>>) dst(%arg10 : memref<1600xi32, #tpu.memory_space<vmem>>)
          %dma_wait3A_105 = arith.constant 80 : i32
          %dma_wait3A_106 = tpu.memref_slice %arg4[%mul3A_98, %dma_wait3A_105] : memref<200000x128xf32, #tpu.memory_space<hbm>> -> memref<1600x16xf32, #tpu.memory_space<hbm>>
          %dma_wait3A_107 = arith.constant 80 : i32
          %dma_wait3A_108 = tpu.memref_slice %arg4[%mul3A_98, %dma_wait3A_107] : memref<200000x128xf32, #tpu.memory_space<hbm>> -> memref<1600x16xf32, #tpu.memory_space<hbm>>
          tpu.wait_dma2 semaphore(%arg14 : memref<!tpu.dma_semaphore, #tpu.memory_space<semaphore_mem>>) src(%dma_wait3A_108 : memref<1600x16xf32, #tpu.memory_space<hbm>>) dst(%arg11 : memref<1600x16xf32, #tpu.memory_space<vmem>>)
          "tpu.region"() ({
            %run_scoped3A_109 = tpu.sem_alloc : memref<!tpu.dma_semaphore, #tpu.memory_space<semaphore_mem>>
            %dma_start3A_110 = arith.constant 0 : i32
            %dma_start3A_111 = arith.constant 0 : i32
            %dma_start3A_112 = tpu.memref_slice %arg12[%dma_start3A_110, %dma_start3A_111] : memref<100000x16xf32, #tpu.memory_space<vmem_shared>> -> memref<100000x16xf32, #tpu.memory_space<vmem_shared>>
            tpu.enqueue_indirect_dma source(%arg11 : memref<1600x16xf32, #tpu.memory_space<vmem>>) target(%dma_start3A_112 : memref<100000x16xf32, #tpu.memory_space<vmem_shared>>) offsets(%arg10 : memref<1600xi32, #tpu.memory_space<vmem>>) semaphore(%run_scoped3A_109 : memref<!tpu.dma_semaphore, #tpu.memory_space<semaphore_mem>>) {add = true}
            %dma_wait3A_113 = arith.constant 0 : i32
            %dma_wait3A_114 = arith.constant 0 : i32
            %dma_wait3A_115 = tpu.memref_slice %arg12[%dma_wait3A_113, %dma_wait3A_114] : memref<100000x16xf32, #tpu.memory_space<vmem_shared>> -> memref<100000x16xf32, #tpu.memory_space<vmem_shared>>
            tpu.wait_indirect_dma semaphore(%run_scoped3A_109 : memref<!tpu.dma_semaphore, #tpu.memory_space<semaphore_mem>>) src(%arg11 : memref<1600x16xf32, #tpu.memory_space<vmem>>) dst(%dma_wait3A_115 : memref<100000x16xf32, #tpu.memory_space<vmem_shared>>)
            tpu.yield
          }) : () -> ()
        } else {
        }
      }
      %scan3A_77 = arith.constant 8 : i32
      %scan3A_78 = arith.constant 0 : i32
      %scan3A_79 = arith.constant 0 : i32
      %scan3A_80 = arith.constant 8 : i32
      %scan3A_81 = arith.addi %scan3A_79, %scan3A_80 : i32
      %scan3A_82 = arith.constant 1 : i32
      scf.for %scan3A_90 = %scan3A_79 to %scan3A_81 step %scan3A_82  : i32 {
        %mul3A_91 = arith.constant 16 : i32
        %mul3A_92 = arith.muli %mul3A_91, %scan3A_90 : i32
        %add3A = arith.addi %arg1, %mul3A_92 : i32
        %lt3A = arith.constant 125 : i32
        %lt3A_93 = arith.cmpi slt, %add3A, %lt3A : i32
        %convert_element_type3A_94 = arith.extui %lt3A_93 : i1 to i32
        %cond3A_95 = arith.constant 0 : i32
        %cond3A_96 = arith.cmpi ne, %convert_element_type3A_94, %cond3A_95 : i32
        scf.if %cond3A_96 {
          %mul3A_97 = arith.constant 1600 : i32
          %mul3A_98 = arith.muli %add3A, %mul3A_97 : i32
          %dma_start3A = tpu.memref_slice %arg7[%mul3A_98] : memref<200000xi32, #tpu.memory_space<hbm>> -> memref<1600xi32, #tpu.memory_space<hbm>>
          %dma_start3A_99 = tpu.memref_slice %arg7[%mul3A_98] : memref<200000xi32, #tpu.memory_space<hbm>> -> memref<1600xi32, #tpu.memory_space<hbm>>
          tpu.enqueue_dma source(%dma_start3A_99 : memref<1600xi32, #tpu.memory_space<hbm>>) target(%arg10 : memref<1600xi32, #tpu.memory_space<vmem>>) target_semaphore(%arg13 : memref<!tpu.dma_semaphore, #tpu.memory_space<semaphore_mem>>)
          %dma_start3A_100 = arith.constant 80 : i32
          %dma_start3A_101 = tpu.memref_slice %arg5[%mul3A_98, %dma_start3A_100] : memref<200000x128xf32, #tpu.memory_space<hbm>> -> memref<1600x16xf32, #tpu.memory_space<hbm>>
          %dma_start3A_102 = arith.constant 80 : i32
          %dma_start3A_103 = tpu.memref_slice %arg5[%mul3A_98, %dma_start3A_102] : memref<200000x128xf32, #tpu.memory_space<hbm>> -> memref<1600x16xf32, #tpu.memory_space<hbm>>
          tpu.enqueue_dma source(%dma_start3A_103 : memref<1600x16xf32, #tpu.memory_space<hbm>>) target(%arg11 : memref<1600x16xf32, #tpu.memory_space<vmem>>) target_semaphore(%arg14 : memref<!tpu.dma_semaphore, #tpu.memory_space<semaphore_mem>>)
          %dma_wait3A = tpu.memref_slice %arg7[%mul3A_98] : memref<200000xi32, #tpu.memory_space<hbm>> -> memref<1600xi32, #tpu.memory_space<hbm>>
          %dma_wait3A_104 = tpu.memref_slice %arg7[%mul3A_98] : memref<200000xi32, #tpu.memory_space<hbm>> -> memref<1600xi32, #tpu.memory_space<hbm>>
          tpu.wait_dma2 semaphore(%arg13 : memref<!tpu.dma_semaphore, #tpu.memory_space<semaphore_mem>>) src(%dma_wait3A_104 : memref<1600xi32, #tpu.memory_space<hbm>>) dst(%arg10 : memref<1600xi32, #tpu.memory_space<vmem>>)
          %dma_wait3A_105 = arith.constant 80 : i32
          %dma_wait3A_106 = tpu.memref_slice %arg5[%mul3A_98, %dma_wait3A_105] : memref<200000x128xf32, #tpu.memory_space<hbm>> -> memref<1600x16xf32, #tpu.memory_space<hbm>>
          %dma_wait3A_107 = arith.constant 80 : i32
          %dma_wait3A_108 = tpu.memref_slice %arg5[%mul3A_98, %dma_wait3A_107] : memref<200000x128xf32, #tpu.memory_space<hbm>> -> memref<1600x16xf32, #tpu.memory_space<hbm>>
          tpu.wait_dma2 semaphore(%arg14 : memref<!tpu.dma_semaphore, #tpu.memory_space<semaphore_mem>>) src(%dma_wait3A_108 : memref<1600x16xf32, #tpu.memory_space<hbm>>) dst(%arg11 : memref<1600x16xf32, #tpu.memory_space<vmem>>)
          "tpu.region"() ({
            %run_scoped3A_109 = tpu.sem_alloc : memref<!tpu.dma_semaphore, #tpu.memory_space<semaphore_mem>>
            %dma_start3A_110 = arith.constant 0 : i32
            %dma_start3A_111 = arith.constant 0 : i32
            %dma_start3A_112 = tpu.memref_slice %arg12[%dma_start3A_110, %dma_start3A_111] : memref<100000x16xf32, #tpu.memory_space<vmem_shared>> -> memref<100000x16xf32, #tpu.memory_space<vmem_shared>>
            tpu.enqueue_indirect_dma source(%arg11 : memref<1600x16xf32, #tpu.memory_space<vmem>>) target(%dma_start3A_112 : memref<100000x16xf32, #tpu.memory_space<vmem_shared>>) offsets(%arg10 : memref<1600xi32, #tpu.memory_space<vmem>>) semaphore(%run_scoped3A_109 : memref<!tpu.dma_semaphore, #tpu.memory_space<semaphore_mem>>) {add = true}
            %dma_wait3A_113 = arith.constant 0 : i32
            %dma_wait3A_114 = arith.constant 0 : i32
            %dma_wait3A_115 = tpu.memref_slice %arg12[%dma_wait3A_113, %dma_wait3A_114] : memref<100000x16xf32, #tpu.memory_space<vmem_shared>> -> memref<100000x16xf32, #tpu.memory_space<vmem_shared>>
            tpu.wait_indirect_dma semaphore(%run_scoped3A_109 : memref<!tpu.dma_semaphore, #tpu.memory_space<semaphore_mem>>) src(%arg11 : memref<1600x16xf32, #tpu.memory_space<vmem>>) dst(%dma_wait3A_115 : memref<100000x16xf32, #tpu.memory_space<vmem_shared>>)
            tpu.yield
          }) : () -> ()
        } else {
        }
      }
      %scan3A_83 = arith.constant 8 : i32
      %barrier3A_84 = arith.constant 0 : index
      tpu.barrier barrier_id(%barrier3A_84)
      %mul3A_85 = arith.constant 6250 : i32
      %mul3A_86 = arith.muli %arg1, %mul3A_85 : i32
      %mul3A_87 = arith.constant 6250 : i32
      %mul3A_88 = arith.muli %arg1, %mul3A_87 : i32
      %run_scoped3A = arith.constant 12 : i32
      "tpu.region"() ({
        %run_scoped3A_90 = tpu.sem_alloc : memref<!tpu.dma_semaphore, #tpu.memory_space<semaphore_mem>>
        %dma_start3A = arith.constant 0 : i32
        %dma_start3A_91 = tpu.memref_slice %arg9[%run_scoped3A, %mul3A_88, %dma_start3A] : memref<15x100000x16xf32, #tpu.memory_space<hbm>> -> memref<1x6250x16xf32, #tpu.memory_space<hbm>>
        %dma_start3A_92 = tpu.memref_squeeze %dma_start3A_91 : memref<1x6250x16xf32, #tpu.memory_space<hbm>> -> memref<6250x16xf32, #tpu.memory_space<hbm>>
        %dma_start3A_93 = arith.constant 0 : i32
        %dma_start3A_94 = tpu.memref_slice %arg12[%mul3A_86, %dma_start3A_93] : memref<100000x16xf32, #tpu.memory_space<vmem_shared>> -> memref<6250x16xf32, #tpu.memory_space<vmem_shared>>
        tpu.enqueue_dma source(%dma_start3A_94 : memref<6250x16xf32, #tpu.memory_space<vmem_shared>>) target(%dma_start3A_92 : memref<6250x16xf32, #tpu.memory_space<hbm>>) target_semaphore(%run_scoped3A_90 : memref<!tpu.dma_semaphore, #tpu.memory_space<semaphore_mem>>)
        %dma_wait3A = arith.constant 0 : i32
        %dma_wait3A_95 = tpu.memref_slice %arg9[%run_scoped3A, %mul3A_88, %dma_wait3A] : memref<15x100000x16xf32, #tpu.memory_space<hbm>> -> memref<1x6250x16xf32, #tpu.memory_space<hbm>>
        %dma_wait3A_96 = tpu.memref_squeeze %dma_wait3A_95 : memref<1x6250x16xf32, #tpu.memory_space<hbm>> -> memref<6250x16xf32, #tpu.memory_space<hbm>>
        %dma_wait3A_97 = arith.constant 0 : i32
        %dma_wait3A_98 = tpu.memref_slice %arg12[%mul3A_86, %dma_wait3A_97] : memref<100000x16xf32, #tpu.memory_space<vmem_shared>> -> memref<6250x16xf32, #tpu.memory_space<vmem_shared>>
        tpu.wait_dma2 semaphore(%run_scoped3A_90 : memref<!tpu.dma_semaphore, #tpu.memory_space<semaphore_mem>>) src(%dma_wait3A_98 : memref<6250x16xf32, #tpu.memory_space<vmem_shared>>) dst(%dma_wait3A_96 : memref<6250x16xf32, #tpu.memory_space<hbm>>)
        tpu.yield
      }) : () -> ()
      %barrier3A_89 = arith.constant 0 : index
      tpu.barrier barrier_id(%barrier3A_89)
    } else {
    }
    %eq3A_62 = arith.constant 1 : i32
    %eq3A_63 = arith.cmpi eq, %arg0, %eq3A_62 : i32
    %convert_element_type3A_64 = arith.extui %eq3A_63 : i1 to i32
    %cond3A_65 = arith.constant 0 : i32
    %cond3A_66 = arith.cmpi ne, %convert_element_type3A_64, %cond3A_65 : i32
    scf.if %cond3A_66 {
      %mul3A = arith.constant 6250 : i32
      %mul3A_72 = arith.muli %arg1, %mul3A : i32
      "tpu.region"() ({
        %run_scoped3A_90 = tpu.sem_alloc : memref<!tpu.dma_semaphore, #tpu.memory_space<semaphore_mem>>
        %dma_start3A = arith.constant 0 : i32
        %dma_start3A_91 = tpu.memref_slice %arg12[%mul3A_72, %dma_start3A] : memref<100000x16xf32, #tpu.memory_space<vmem_shared>> -> memref<6250x16xf32, #tpu.memory_space<vmem_shared>>
        tpu.enqueue_dma source(%arg8 : memref<6250x16xf32, #tpu.memory_space<hbm>>) target(%dma_start3A_91 : memref<6250x16xf32, #tpu.memory_space<vmem_shared>>) target_semaphore(%run_scoped3A_90 : memref<!tpu.dma_semaphore, #tpu.memory_space<semaphore_mem>>)
        %dma_wait3A = arith.constant 0 : i32
        %dma_wait3A_92 = tpu.memref_slice %arg12[%mul3A_72, %dma_wait3A] : memref<100000x16xf32, #tpu.memory_space<vmem_shared>> -> memref<6250x16xf32, #tpu.memory_space<vmem_shared>>
        tpu.wait_dma2 semaphore(%run_scoped3A_90 : memref<!tpu.dma_semaphore, #tpu.memory_space<semaphore_mem>>) src(%arg8 : memref<6250x16xf32, #tpu.memory_space<hbm>>) dst(%dma_wait3A_92 : memref<6250x16xf32, #tpu.memory_space<vmem_shared>>)
        tpu.yield
      }) : () -> ()
      %barrier3A = arith.constant 0 : index
      tpu.barrier barrier_id(%barrier3A)
      %scan3A = arith.constant 0 : i32
      %scan3A_73 = arith.constant 0 : i32
      %scan3A_74 = arith.constant 8 : i32
      %scan3A_75 = arith.addi %scan3A_73, %scan3A_74 : i32
      %scan3A_76 = arith.constant 1 : i32
      scf.for %scan3A_90 = %scan3A_73 to %scan3A_75 step %scan3A_76  : i32 {
        %mul3A_91 = arith.constant 16 : i32
        %mul3A_92 = arith.muli %mul3A_91, %scan3A_90 : i32
        %add3A = arith.addi %arg1, %mul3A_92 : i32
        %lt3A = arith.constant 125 : i32
        %lt3A_93 = arith.cmpi slt, %add3A, %lt3A : i32
        %convert_element_type3A_94 = arith.extui %lt3A_93 : i1 to i32
        %cond3A_95 = arith.constant 0 : i32
        %cond3A_96 = arith.cmpi ne, %convert_element_type3A_94, %cond3A_95 : i32
        scf.if %cond3A_96 {
          %mul3A_97 = arith.constant 1600 : i32
          %mul3A_98 = arith.muli %add3A, %mul3A_97 : i32
          %dma_start3A = tpu.memref_slice %arg6[%mul3A_98] : memref<200000xi32, #tpu.memory_space<hbm>> -> memref<1600xi32, #tpu.memory_space<hbm>>
          %dma_start3A_99 = tpu.memref_slice %arg6[%mul3A_98] : memref<200000xi32, #tpu.memory_space<hbm>> -> memref<1600xi32, #tpu.memory_space<hbm>>
          tpu.enqueue_dma source(%dma_start3A_99 : memref<1600xi32, #tpu.memory_space<hbm>>) target(%arg10 : memref<1600xi32, #tpu.memory_space<vmem>>) target_semaphore(%arg13 : memref<!tpu.dma_semaphore, #tpu.memory_space<semaphore_mem>>)
          %dma_start3A_100 = arith.constant 96 : i32
          %dma_start3A_101 = tpu.memref_slice %arg4[%mul3A_98, %dma_start3A_100] : memref<200000x128xf32, #tpu.memory_space<hbm>> -> memref<1600x16xf32, #tpu.memory_space<hbm>>
          %dma_start3A_102 = arith.constant 96 : i32
          %dma_start3A_103 = tpu.memref_slice %arg4[%mul3A_98, %dma_start3A_102] : memref<200000x128xf32, #tpu.memory_space<hbm>> -> memref<1600x16xf32, #tpu.memory_space<hbm>>
          tpu.enqueue_dma source(%dma_start3A_103 : memref<1600x16xf32, #tpu.memory_space<hbm>>) target(%arg11 : memref<1600x16xf32, #tpu.memory_space<vmem>>) target_semaphore(%arg14 : memref<!tpu.dma_semaphore, #tpu.memory_space<semaphore_mem>>)
          %dma_wait3A = tpu.memref_slice %arg6[%mul3A_98] : memref<200000xi32, #tpu.memory_space<hbm>> -> memref<1600xi32, #tpu.memory_space<hbm>>
          %dma_wait3A_104 = tpu.memref_slice %arg6[%mul3A_98] : memref<200000xi32, #tpu.memory_space<hbm>> -> memref<1600xi32, #tpu.memory_space<hbm>>
          tpu.wait_dma2 semaphore(%arg13 : memref<!tpu.dma_semaphore, #tpu.memory_space<semaphore_mem>>) src(%dma_wait3A_104 : memref<1600xi32, #tpu.memory_space<hbm>>) dst(%arg10 : memref<1600xi32, #tpu.memory_space<vmem>>)
          %dma_wait3A_105 = arith.constant 96 : i32
          %dma_wait3A_106 = tpu.memref_slice %arg4[%mul3A_98, %dma_wait3A_105] : memref<200000x128xf32, #tpu.memory_space<hbm>> -> memref<1600x16xf32, #tpu.memory_space<hbm>>
          %dma_wait3A_107 = arith.constant 96 : i32
          %dma_wait3A_108 = tpu.memref_slice %arg4[%mul3A_98, %dma_wait3A_107] : memref<200000x128xf32, #tpu.memory_space<hbm>> -> memref<1600x16xf32, #tpu.memory_space<hbm>>
          tpu.wait_dma2 semaphore(%arg14 : memref<!tpu.dma_semaphore, #tpu.memory_space<semaphore_mem>>) src(%dma_wait3A_108 : memref<1600x16xf32, #tpu.memory_space<hbm>>) dst(%arg11 : memref<1600x16xf32, #tpu.memory_space<vmem>>)
          "tpu.region"() ({
            %run_scoped3A_109 = tpu.sem_alloc : memref<!tpu.dma_semaphore, #tpu.memory_space<semaphore_mem>>
            %dma_start3A_110 = arith.constant 0 : i32
            %dma_start3A_111 = arith.constant 0 : i32
            %dma_start3A_112 = tpu.memref_slice %arg12[%dma_start3A_110, %dma_start3A_111] : memref<100000x16xf32, #tpu.memory_space<vmem_shared>> -> memref<100000x16xf32, #tpu.memory_space<vmem_shared>>
            tpu.enqueue_indirect_dma source(%arg11 : memref<1600x16xf32, #tpu.memory_space<vmem>>) target(%dma_start3A_112 : memref<100000x16xf32, #tpu.memory_space<vmem_shared>>) offsets(%arg10 : memref<1600xi32, #tpu.memory_space<vmem>>) semaphore(%run_scoped3A_109 : memref<!tpu.dma_semaphore, #tpu.memory_space<semaphore_mem>>) {add = true}
            %dma_wait3A_113 = arith.constant 0 : i32
            %dma_wait3A_114 = arith.constant 0 : i32
            %dma_wait3A_115 = tpu.memref_slice %arg12[%dma_wait3A_113, %dma_wait3A_114] : memref<100000x16xf32, #tpu.memory_space<vmem_shared>> -> memref<100000x16xf32, #tpu.memory_space<vmem_shared>>
            tpu.wait_indirect_dma semaphore(%run_scoped3A_109 : memref<!tpu.dma_semaphore, #tpu.memory_space<semaphore_mem>>) src(%arg11 : memref<1600x16xf32, #tpu.memory_space<vmem>>) dst(%dma_wait3A_115 : memref<100000x16xf32, #tpu.memory_space<vmem_shared>>)
            tpu.yield
          }) : () -> ()
        } else {
        }
      }
      %scan3A_77 = arith.constant 8 : i32
      %scan3A_78 = arith.constant 0 : i32
      %scan3A_79 = arith.constant 0 : i32
      %scan3A_80 = arith.constant 8 : i32
      %scan3A_81 = arith.addi %scan3A_79, %scan3A_80 : i32
      %scan3A_82 = arith.constant 1 : i32
      scf.for %scan3A_90 = %scan3A_79 to %scan3A_81 step %scan3A_82  : i32 {
        %mul3A_91 = arith.constant 16 : i32
        %mul3A_92 = arith.muli %mul3A_91, %scan3A_90 : i32
        %add3A = arith.addi %arg1, %mul3A_92 : i32
        %lt3A = arith.constant 125 : i32
        %lt3A_93 = arith.cmpi slt, %add3A, %lt3A : i32
        %convert_element_type3A_94 = arith.extui %lt3A_93 : i1 to i32
        %cond3A_95 = arith.constant 0 : i32
        %cond3A_96 = arith.cmpi ne, %convert_element_type3A_94, %cond3A_95 : i32
        scf.if %cond3A_96 {
          %mul3A_97 = arith.constant 1600 : i32
          %mul3A_98 = arith.muli %add3A, %mul3A_97 : i32
          %dma_start3A = tpu.memref_slice %arg7[%mul3A_98] : memref<200000xi32, #tpu.memory_space<hbm>> -> memref<1600xi32, #tpu.memory_space<hbm>>
          %dma_start3A_99 = tpu.memref_slice %arg7[%mul3A_98] : memref<200000xi32, #tpu.memory_space<hbm>> -> memref<1600xi32, #tpu.memory_space<hbm>>
          tpu.enqueue_dma source(%dma_start3A_99 : memref<1600xi32, #tpu.memory_space<hbm>>) target(%arg10 : memref<1600xi32, #tpu.memory_space<vmem>>) target_semaphore(%arg13 : memref<!tpu.dma_semaphore, #tpu.memory_space<semaphore_mem>>)
          %dma_start3A_100 = arith.constant 96 : i32
          %dma_start3A_101 = tpu.memref_slice %arg5[%mul3A_98, %dma_start3A_100] : memref<200000x128xf32, #tpu.memory_space<hbm>> -> memref<1600x16xf32, #tpu.memory_space<hbm>>
          %dma_start3A_102 = arith.constant 96 : i32
          %dma_start3A_103 = tpu.memref_slice %arg5[%mul3A_98, %dma_start3A_102] : memref<200000x128xf32, #tpu.memory_space<hbm>> -> memref<1600x16xf32, #tpu.memory_space<hbm>>
          tpu.enqueue_dma source(%dma_start3A_103 : memref<1600x16xf32, #tpu.memory_space<hbm>>) target(%arg11 : memref<1600x16xf32, #tpu.memory_space<vmem>>) target_semaphore(%arg14 : memref<!tpu.dma_semaphore, #tpu.memory_space<semaphore_mem>>)
          %dma_wait3A = tpu.memref_slice %arg7[%mul3A_98] : memref<200000xi32, #tpu.memory_space<hbm>> -> memref<1600xi32, #tpu.memory_space<hbm>>
          %dma_wait3A_104 = tpu.memref_slice %arg7[%mul3A_98] : memref<200000xi32, #tpu.memory_space<hbm>> -> memref<1600xi32, #tpu.memory_space<hbm>>
          tpu.wait_dma2 semaphore(%arg13 : memref<!tpu.dma_semaphore, #tpu.memory_space<semaphore_mem>>) src(%dma_wait3A_104 : memref<1600xi32, #tpu.memory_space<hbm>>) dst(%arg10 : memref<1600xi32, #tpu.memory_space<vmem>>)
          %dma_wait3A_105 = arith.constant 96 : i32
          %dma_wait3A_106 = tpu.memref_slice %arg5[%mul3A_98, %dma_wait3A_105] : memref<200000x128xf32, #tpu.memory_space<hbm>> -> memref<1600x16xf32, #tpu.memory_space<hbm>>
          %dma_wait3A_107 = arith.constant 96 : i32
          %dma_wait3A_108 = tpu.memref_slice %arg5[%mul3A_98, %dma_wait3A_107] : memref<200000x128xf32, #tpu.memory_space<hbm>> -> memref<1600x16xf32, #tpu.memory_space<hbm>>
          tpu.wait_dma2 semaphore(%arg14 : memref<!tpu.dma_semaphore, #tpu.memory_space<semaphore_mem>>) src(%dma_wait3A_108 : memref<1600x16xf32, #tpu.memory_space<hbm>>) dst(%arg11 : memref<1600x16xf32, #tpu.memory_space<vmem>>)
          "tpu.region"() ({
            %run_scoped3A_109 = tpu.sem_alloc : memref<!tpu.dma_semaphore, #tpu.memory_space<semaphore_mem>>
            %dma_start3A_110 = arith.constant 0 : i32
            %dma_start3A_111 = arith.constant 0 : i32
            %dma_start3A_112 = tpu.memref_slice %arg12[%dma_start3A_110, %dma_start3A_111] : memref<100000x16xf32, #tpu.memory_space<vmem_shared>> -> memref<100000x16xf32, #tpu.memory_space<vmem_shared>>
            tpu.enqueue_indirect_dma source(%arg11 : memref<1600x16xf32, #tpu.memory_space<vmem>>) target(%dma_start3A_112 : memref<100000x16xf32, #tpu.memory_space<vmem_shared>>) offsets(%arg10 : memref<1600xi32, #tpu.memory_space<vmem>>) semaphore(%run_scoped3A_109 : memref<!tpu.dma_semaphore, #tpu.memory_space<semaphore_mem>>) {add = true}
            %dma_wait3A_113 = arith.constant 0 : i32
            %dma_wait3A_114 = arith.constant 0 : i32
            %dma_wait3A_115 = tpu.memref_slice %arg12[%dma_wait3A_113, %dma_wait3A_114] : memref<100000x16xf32, #tpu.memory_space<vmem_shared>> -> memref<100000x16xf32, #tpu.memory_space<vmem_shared>>
            tpu.wait_indirect_dma semaphore(%run_scoped3A_109 : memref<!tpu.dma_semaphore, #tpu.memory_space<semaphore_mem>>) src(%arg11 : memref<1600x16xf32, #tpu.memory_space<vmem>>) dst(%dma_wait3A_115 : memref<100000x16xf32, #tpu.memory_space<vmem_shared>>)
            tpu.yield
          }) : () -> ()
        } else {
        }
      }
      %scan3A_83 = arith.constant 8 : i32
      %barrier3A_84 = arith.constant 0 : index
      tpu.barrier barrier_id(%barrier3A_84)
      %mul3A_85 = arith.constant 6250 : i32
      %mul3A_86 = arith.muli %arg1, %mul3A_85 : i32
      %mul3A_87 = arith.constant 6250 : i32
      %mul3A_88 = arith.muli %arg1, %mul3A_87 : i32
      %run_scoped3A = arith.constant 13 : i32
      "tpu.region"() ({
        %run_scoped3A_90 = tpu.sem_alloc : memref<!tpu.dma_semaphore, #tpu.memory_space<semaphore_mem>>
        %dma_start3A = arith.constant 0 : i32
        %dma_start3A_91 = tpu.memref_slice %arg9[%run_scoped3A, %mul3A_88, %dma_start3A] : memref<15x100000x16xf32, #tpu.memory_space<hbm>> -> memref<1x6250x16xf32, #tpu.memory_space<hbm>>
        %dma_start3A_92 = tpu.memref_squeeze %dma_start3A_91 : memref<1x6250x16xf32, #tpu.memory_space<hbm>> -> memref<6250x16xf32, #tpu.memory_space<hbm>>
        %dma_start3A_93 = arith.constant 0 : i32
        %dma_start3A_94 = tpu.memref_slice %arg12[%mul3A_86, %dma_start3A_93] : memref<100000x16xf32, #tpu.memory_space<vmem_shared>> -> memref<6250x16xf32, #tpu.memory_space<vmem_shared>>
        tpu.enqueue_dma source(%dma_start3A_94 : memref<6250x16xf32, #tpu.memory_space<vmem_shared>>) target(%dma_start3A_92 : memref<6250x16xf32, #tpu.memory_space<hbm>>) target_semaphore(%run_scoped3A_90 : memref<!tpu.dma_semaphore, #tpu.memory_space<semaphore_mem>>)
        %dma_wait3A = arith.constant 0 : i32
        %dma_wait3A_95 = tpu.memref_slice %arg9[%run_scoped3A, %mul3A_88, %dma_wait3A] : memref<15x100000x16xf32, #tpu.memory_space<hbm>> -> memref<1x6250x16xf32, #tpu.memory_space<hbm>>
        %dma_wait3A_96 = tpu.memref_squeeze %dma_wait3A_95 : memref<1x6250x16xf32, #tpu.memory_space<hbm>> -> memref<6250x16xf32, #tpu.memory_space<hbm>>
        %dma_wait3A_97 = arith.constant 0 : i32
        %dma_wait3A_98 = tpu.memref_slice %arg12[%mul3A_86, %dma_wait3A_97] : memref<100000x16xf32, #tpu.memory_space<vmem_shared>> -> memref<6250x16xf32, #tpu.memory_space<vmem_shared>>
        tpu.wait_dma2 semaphore(%run_scoped3A_90 : memref<!tpu.dma_semaphore, #tpu.memory_space<semaphore_mem>>) src(%dma_wait3A_98 : memref<6250x16xf32, #tpu.memory_space<vmem_shared>>) dst(%dma_wait3A_96 : memref<6250x16xf32, #tpu.memory_space<hbm>>)
        tpu.yield
      }) : () -> ()
      %barrier3A_89 = arith.constant 0 : index
      tpu.barrier barrier_id(%barrier3A_89)
    } else {
    }
    %eq3A_67 = arith.constant 0 : i32
    %eq3A_68 = arith.cmpi eq, %arg0, %eq3A_67 : i32
    %convert_element_type3A_69 = arith.extui %eq3A_68 : i1 to i32
    %cond3A_70 = arith.constant 0 : i32
    %cond3A_71 = arith.cmpi ne, %convert_element_type3A_69, %cond3A_70 : i32
    scf.if %cond3A_71 {
      %mul3A = arith.constant 6250 : i32
      %mul3A_72 = arith.muli %arg1, %mul3A : i32
      "tpu.region"() ({
        %run_scoped3A_90 = tpu.sem_alloc : memref<!tpu.dma_semaphore, #tpu.memory_space<semaphore_mem>>
        %dma_start3A = arith.constant 0 : i32
        %dma_start3A_91 = tpu.memref_slice %arg12[%mul3A_72, %dma_start3A] : memref<100000x16xf32, #tpu.memory_space<vmem_shared>> -> memref<6250x16xf32, #tpu.memory_space<vmem_shared>>
        tpu.enqueue_dma source(%arg8 : memref<6250x16xf32, #tpu.memory_space<hbm>>) target(%dma_start3A_91 : memref<6250x16xf32, #tpu.memory_space<vmem_shared>>) target_semaphore(%run_scoped3A_90 : memref<!tpu.dma_semaphore, #tpu.memory_space<semaphore_mem>>)
        %dma_wait3A = arith.constant 0 : i32
        %dma_wait3A_92 = tpu.memref_slice %arg12[%mul3A_72, %dma_wait3A] : memref<100000x16xf32, #tpu.memory_space<vmem_shared>> -> memref<6250x16xf32, #tpu.memory_space<vmem_shared>>
        tpu.wait_dma2 semaphore(%run_scoped3A_90 : memref<!tpu.dma_semaphore, #tpu.memory_space<semaphore_mem>>) src(%arg8 : memref<6250x16xf32, #tpu.memory_space<hbm>>) dst(%dma_wait3A_92 : memref<6250x16xf32, #tpu.memory_space<vmem_shared>>)
        tpu.yield
      }) : () -> ()
      %barrier3A = arith.constant 0 : index
      tpu.barrier barrier_id(%barrier3A)
      %scan3A = arith.constant 0 : i32
      %scan3A_73 = arith.constant 0 : i32
      %scan3A_74 = arith.constant 8 : i32
      %scan3A_75 = arith.addi %scan3A_73, %scan3A_74 : i32
      %scan3A_76 = arith.constant 1 : i32
      scf.for %scan3A_90 = %scan3A_73 to %scan3A_75 step %scan3A_76  : i32 {
        %mul3A_91 = arith.constant 16 : i32
        %mul3A_92 = arith.muli %mul3A_91, %scan3A_90 : i32
        %add3A = arith.addi %arg1, %mul3A_92 : i32
        %lt3A = arith.constant 125 : i32
        %lt3A_93 = arith.cmpi slt, %add3A, %lt3A : i32
        %convert_element_type3A_94 = arith.extui %lt3A_93 : i1 to i32
        %cond3A_95 = arith.constant 0 : i32
        %cond3A_96 = arith.cmpi ne, %convert_element_type3A_94, %cond3A_95 : i32
        scf.if %cond3A_96 {
          %mul3A_97 = arith.constant 1600 : i32
          %mul3A_98 = arith.muli %add3A, %mul3A_97 : i32
          %dma_start3A = tpu.memref_slice %arg6[%mul3A_98] : memref<200000xi32, #tpu.memory_space<hbm>> -> memref<1600xi32, #tpu.memory_space<hbm>>
          %dma_start3A_99 = tpu.memref_slice %arg6[%mul3A_98] : memref<200000xi32, #tpu.memory_space<hbm>> -> memref<1600xi32, #tpu.memory_space<hbm>>
          tpu.enqueue_dma source(%dma_start3A_99 : memref<1600xi32, #tpu.memory_space<hbm>>) target(%arg10 : memref<1600xi32, #tpu.memory_space<vmem>>) target_semaphore(%arg13 : memref<!tpu.dma_semaphore, #tpu.memory_space<semaphore_mem>>)
          %dma_start3A_100 = arith.constant 112 : i32
          %dma_start3A_101 = tpu.memref_slice %arg4[%mul3A_98, %dma_start3A_100] : memref<200000x128xf32, #tpu.memory_space<hbm>> -> memref<1600x16xf32, #tpu.memory_space<hbm>>
          %dma_start3A_102 = arith.constant 112 : i32
          %dma_start3A_103 = tpu.memref_slice %arg4[%mul3A_98, %dma_start3A_102] : memref<200000x128xf32, #tpu.memory_space<hbm>> -> memref<1600x16xf32, #tpu.memory_space<hbm>>
          tpu.enqueue_dma source(%dma_start3A_103 : memref<1600x16xf32, #tpu.memory_space<hbm>>) target(%arg11 : memref<1600x16xf32, #tpu.memory_space<vmem>>) target_semaphore(%arg14 : memref<!tpu.dma_semaphore, #tpu.memory_space<semaphore_mem>>)
          %dma_wait3A = tpu.memref_slice %arg6[%mul3A_98] : memref<200000xi32, #tpu.memory_space<hbm>> -> memref<1600xi32, #tpu.memory_space<hbm>>
          %dma_wait3A_104 = tpu.memref_slice %arg6[%mul3A_98] : memref<200000xi32, #tpu.memory_space<hbm>> -> memref<1600xi32, #tpu.memory_space<hbm>>
          tpu.wait_dma2 semaphore(%arg13 : memref<!tpu.dma_semaphore, #tpu.memory_space<semaphore_mem>>) src(%dma_wait3A_104 : memref<1600xi32, #tpu.memory_space<hbm>>) dst(%arg10 : memref<1600xi32, #tpu.memory_space<vmem>>)
          %dma_wait3A_105 = arith.constant 112 : i32
          %dma_wait3A_106 = tpu.memref_slice %arg4[%mul3A_98, %dma_wait3A_105] : memref<200000x128xf32, #tpu.memory_space<hbm>> -> memref<1600x16xf32, #tpu.memory_space<hbm>>
          %dma_wait3A_107 = arith.constant 112 : i32
          %dma_wait3A_108 = tpu.memref_slice %arg4[%mul3A_98, %dma_wait3A_107] : memref<200000x128xf32, #tpu.memory_space<hbm>> -> memref<1600x16xf32, #tpu.memory_space<hbm>>
          tpu.wait_dma2 semaphore(%arg14 : memref<!tpu.dma_semaphore, #tpu.memory_space<semaphore_mem>>) src(%dma_wait3A_108 : memref<1600x16xf32, #tpu.memory_space<hbm>>) dst(%arg11 : memref<1600x16xf32, #tpu.memory_space<vmem>>)
          "tpu.region"() ({
            %run_scoped3A_109 = tpu.sem_alloc : memref<!tpu.dma_semaphore, #tpu.memory_space<semaphore_mem>>
            %dma_start3A_110 = arith.constant 0 : i32
            %dma_start3A_111 = arith.constant 0 : i32
            %dma_start3A_112 = tpu.memref_slice %arg12[%dma_start3A_110, %dma_start3A_111] : memref<100000x16xf32, #tpu.memory_space<vmem_shared>> -> memref<100000x16xf32, #tpu.memory_space<vmem_shared>>
            tpu.enqueue_indirect_dma source(%arg11 : memref<1600x16xf32, #tpu.memory_space<vmem>>) target(%dma_start3A_112 : memref<100000x16xf32, #tpu.memory_space<vmem_shared>>) offsets(%arg10 : memref<1600xi32, #tpu.memory_space<vmem>>) semaphore(%run_scoped3A_109 : memref<!tpu.dma_semaphore, #tpu.memory_space<semaphore_mem>>) {add = true}
            %dma_wait3A_113 = arith.constant 0 : i32
            %dma_wait3A_114 = arith.constant 0 : i32
            %dma_wait3A_115 = tpu.memref_slice %arg12[%dma_wait3A_113, %dma_wait3A_114] : memref<100000x16xf32, #tpu.memory_space<vmem_shared>> -> memref<100000x16xf32, #tpu.memory_space<vmem_shared>>
            tpu.wait_indirect_dma semaphore(%run_scoped3A_109 : memref<!tpu.dma_semaphore, #tpu.memory_space<semaphore_mem>>) src(%arg11 : memref<1600x16xf32, #tpu.memory_space<vmem>>) dst(%dma_wait3A_115 : memref<100000x16xf32, #tpu.memory_space<vmem_shared>>)
            tpu.yield
          }) : () -> ()
        } else {
        }
      }
      %scan3A_77 = arith.constant 8 : i32
      %scan3A_78 = arith.constant 0 : i32
      %scan3A_79 = arith.constant 0 : i32
      %scan3A_80 = arith.constant 8 : i32
      %scan3A_81 = arith.addi %scan3A_79, %scan3A_80 : i32
      %scan3A_82 = arith.constant 1 : i32
      scf.for %scan3A_90 = %scan3A_79 to %scan3A_81 step %scan3A_82  : i32 {
        %mul3A_91 = arith.constant 16 : i32
        %mul3A_92 = arith.muli %mul3A_91, %scan3A_90 : i32
        %add3A = arith.addi %arg1, %mul3A_92 : i32
        %lt3A = arith.constant 125 : i32
        %lt3A_93 = arith.cmpi slt, %add3A, %lt3A : i32
        %convert_element_type3A_94 = arith.extui %lt3A_93 : i1 to i32
        %cond3A_95 = arith.constant 0 : i32
        %cond3A_96 = arith.cmpi ne, %convert_element_type3A_94, %cond3A_95 : i32
        scf.if %cond3A_96 {
          %mul3A_97 = arith.constant 1600 : i32
          %mul3A_98 = arith.muli %add3A, %mul3A_97 : i32
          %dma_start3A = tpu.memref_slice %arg7[%mul3A_98] : memref<200000xi32, #tpu.memory_space<hbm>> -> memref<1600xi32, #tpu.memory_space<hbm>>
          %dma_start3A_99 = tpu.memref_slice %arg7[%mul3A_98] : memref<200000xi32, #tpu.memory_space<hbm>> -> memref<1600xi32, #tpu.memory_space<hbm>>
          tpu.enqueue_dma source(%dma_start3A_99 : memref<1600xi32, #tpu.memory_space<hbm>>) target(%arg10 : memref<1600xi32, #tpu.memory_space<vmem>>) target_semaphore(%arg13 : memref<!tpu.dma_semaphore, #tpu.memory_space<semaphore_mem>>)
          %dma_start3A_100 = arith.constant 112 : i32
          %dma_start3A_101 = tpu.memref_slice %arg5[%mul3A_98, %dma_start3A_100] : memref<200000x128xf32, #tpu.memory_space<hbm>> -> memref<1600x16xf32, #tpu.memory_space<hbm>>
          %dma_start3A_102 = arith.constant 112 : i32
          %dma_start3A_103 = tpu.memref_slice %arg5[%mul3A_98, %dma_start3A_102] : memref<200000x128xf32, #tpu.memory_space<hbm>> -> memref<1600x16xf32, #tpu.memory_space<hbm>>
          tpu.enqueue_dma source(%dma_start3A_103 : memref<1600x16xf32, #tpu.memory_space<hbm>>) target(%arg11 : memref<1600x16xf32, #tpu.memory_space<vmem>>) target_semaphore(%arg14 : memref<!tpu.dma_semaphore, #tpu.memory_space<semaphore_mem>>)
          %dma_wait3A = tpu.memref_slice %arg7[%mul3A_98] : memref<200000xi32, #tpu.memory_space<hbm>> -> memref<1600xi32, #tpu.memory_space<hbm>>
          %dma_wait3A_104 = tpu.memref_slice %arg7[%mul3A_98] : memref<200000xi32, #tpu.memory_space<hbm>> -> memref<1600xi32, #tpu.memory_space<hbm>>
          tpu.wait_dma2 semaphore(%arg13 : memref<!tpu.dma_semaphore, #tpu.memory_space<semaphore_mem>>) src(%dma_wait3A_104 : memref<1600xi32, #tpu.memory_space<hbm>>) dst(%arg10 : memref<1600xi32, #tpu.memory_space<vmem>>)
          %dma_wait3A_105 = arith.constant 112 : i32
          %dma_wait3A_106 = tpu.memref_slice %arg5[%mul3A_98, %dma_wait3A_105] : memref<200000x128xf32, #tpu.memory_space<hbm>> -> memref<1600x16xf32, #tpu.memory_space<hbm>>
          %dma_wait3A_107 = arith.constant 112 : i32
          %dma_wait3A_108 = tpu.memref_slice %arg5[%mul3A_98, %dma_wait3A_107] : memref<200000x128xf32, #tpu.memory_space<hbm>> -> memref<1600x16xf32, #tpu.memory_space<hbm>>
          tpu.wait_dma2 semaphore(%arg14 : memref<!tpu.dma_semaphore, #tpu.memory_space<semaphore_mem>>) src(%dma_wait3A_108 : memref<1600x16xf32, #tpu.memory_space<hbm>>) dst(%arg11 : memref<1600x16xf32, #tpu.memory_space<vmem>>)
          "tpu.region"() ({
            %run_scoped3A_109 = tpu.sem_alloc : memref<!tpu.dma_semaphore, #tpu.memory_space<semaphore_mem>>
            %dma_start3A_110 = arith.constant 0 : i32
            %dma_start3A_111 = arith.constant 0 : i32
            %dma_start3A_112 = tpu.memref_slice %arg12[%dma_start3A_110, %dma_start3A_111] : memref<100000x16xf32, #tpu.memory_space<vmem_shared>> -> memref<100000x16xf32, #tpu.memory_space<vmem_shared>>
            tpu.enqueue_indirect_dma source(%arg11 : memref<1600x16xf32, #tpu.memory_space<vmem>>) target(%dma_start3A_112 : memref<100000x16xf32, #tpu.memory_space<vmem_shared>>) offsets(%arg10 : memref<1600xi32, #tpu.memory_space<vmem>>) semaphore(%run_scoped3A_109 : memref<!tpu.dma_semaphore, #tpu.memory_space<semaphore_mem>>) {add = true}
            %dma_wait3A_113 = arith.constant 0 : i32
            %dma_wait3A_114 = arith.constant 0 : i32
            %dma_wait3A_115 = tpu.memref_slice %arg12[%dma_wait3A_113, %dma_wait3A_114] : memref<100000x16xf32, #tpu.memory_space<vmem_shared>> -> memref<100000x16xf32, #tpu.memory_space<vmem_shared>>
            tpu.wait_indirect_dma semaphore(%run_scoped3A_109 : memref<!tpu.dma_semaphore, #tpu.memory_space<semaphore_mem>>) src(%arg11 : memref<1600x16xf32, #tpu.memory_space<vmem>>) dst(%dma_wait3A_115 : memref<100000x16xf32, #tpu.memory_space<vmem_shared>>)
            tpu.yield
          }) : () -> ()
        } else {
        }
      }
      %scan3A_83 = arith.constant 8 : i32
      %barrier3A_84 = arith.constant 0 : index
      tpu.barrier barrier_id(%barrier3A_84)
      %mul3A_85 = arith.constant 6250 : i32
      %mul3A_86 = arith.muli %arg1, %mul3A_85 : i32
      %mul3A_87 = arith.constant 6250 : i32
      %mul3A_88 = arith.muli %arg1, %mul3A_87 : i32
      %run_scoped3A = arith.constant 14 : i32
      "tpu.region"() ({
        %run_scoped3A_90 = tpu.sem_alloc : memref<!tpu.dma_semaphore, #tpu.memory_space<semaphore_mem>>
        %dma_start3A = arith.constant 0 : i32
        %dma_start3A_91 = tpu.memref_slice %arg9[%run_scoped3A, %mul3A_88, %dma_start3A] : memref<15x100000x16xf32, #tpu.memory_space<hbm>> -> memref<1x6250x16xf32, #tpu.memory_space<hbm>>
        %dma_start3A_92 = tpu.memref_squeeze %dma_start3A_91 : memref<1x6250x16xf32, #tpu.memory_space<hbm>> -> memref<6250x16xf32, #tpu.memory_space<hbm>>
        %dma_start3A_93 = arith.constant 0 : i32
        %dma_start3A_94 = tpu.memref_slice %arg12[%mul3A_86, %dma_start3A_93] : memref<100000x16xf32, #tpu.memory_space<vmem_shared>> -> memref<6250x16xf32, #tpu.memory_space<vmem_shared>>
        tpu.enqueue_dma source(%dma_start3A_94 : memref<6250x16xf32, #tpu.memory_space<vmem_shared>>) target(%dma_start3A_92 : memref<6250x16xf32, #tpu.memory_space<hbm>>) target_semaphore(%run_scoped3A_90 : memref<!tpu.dma_semaphore, #tpu.memory_space<semaphore_mem>>)
        %dma_wait3A = arith.constant 0 : i32
        %dma_wait3A_95 = tpu.memref_slice %arg9[%run_scoped3A, %mul3A_88, %dma_wait3A] : memref<15x100000x16xf32, #tpu.memory_space<hbm>> -> memref<1x6250x16xf32, #tpu.memory_space<hbm>>
        %dma_wait3A_96 = tpu.memref_squeeze %dma_wait3A_95 : memref<1x6250x16xf32, #tpu.memory_space<hbm>> -> memref<6250x16xf32, #tpu.memory_space<hbm>>
        %dma_wait3A_97 = arith.constant 0 : i32
        %dma_wait3A_98 = tpu.memref_slice %arg12[%mul3A_86, %dma_wait3A_97] : memref<100000x16xf32, #tpu.memory_space<vmem_shared>> -> memref<6250x16xf32, #tpu.memory_space<vmem_shared>>
        tpu.wait_dma2 semaphore(%run_scoped3A_90 : memref<!tpu.dma_semaphore, #tpu.memory_space<semaphore_mem>>) src(%dma_wait3A_98 : memref<6250x16xf32, #tpu.memory_space<vmem_shared>>) dst(%dma_wait3A_96 : memref<6250x16xf32, #tpu.memory_space<hbm>>)
        tpu.yield
      }) : () -> ()
      %barrier3A_89 = arith.constant 0 : index
      tpu.barrier barrier_id(%barrier3A_89)
    } else {
    }
    return
  }
}

#map = affine_map<(d0, d1) -> (0, 0)>
#map1 = affine_map<(d0, d1) -> (0)>
module attributes {stable_mosaic.version = 14 : i64} {
  func.func @_p1_body(%arg0: i32, %arg1: i32, %arg2: memref<100000x128xf32, #tpu.memory_space<hbm>>, %arg3: memref<100000xi32, #tpu.memory_space<hbm>>, %arg4: memref<200000xi32, #tpu.memory_space<hbm>>, %arg5: memref<200000xi32, #tpu.memory_space<hbm>>, %arg6: memref<200000xi32, #tpu.memory_space<hbm>>, %arg7: memref<200000x128xf32, #tpu.memory_space<hbm>>, %arg8: memref<200000x128xf32, #tpu.memory_space<hbm>>, %arg9: memref<100000xi32, #tpu.memory_space<hbm>>, %arg10: memref<800xi32, #tpu.memory_space<vmem>>, %arg11: memref<800x128xf32, #tpu.memory_space<vmem>>, %arg12: memref<10000xi32, #tpu.memory_space<vmem>>, %arg13: memref<10000xi32, #tpu.memory_space<vmem>>, %arg14: memref<100000xi32, #tpu.memory_space<vmem_shared>>, %arg15: memref<!tpu.dma_semaphore, #tpu.memory_space<semaphore_mem>>) attributes {dimension_semantics = [#tpu.dimension_semantics<core_parallel>, #tpu.dimension_semantics<subcore_parallel>], iteration_bounds = array<i64: 2, 16>, scalar_prefetch = 0 : i64, scratch_operands = 6 : i64, tpu.core_type = #tpu.core_type<sc_vector_subcore>, window_params = [{transform_indices = #map}, {transform_indices = #map1}, {transform_indices = #map1}, {transform_indices = #map1}, {transform_indices = #map1}, {transform_indices = #map}, {transform_indices = #map}, {transform_indices = #map1}]} {
    %mul3A = arith.constant 2 : i32
    %mul3A_0 = arith.muli %arg1, %mul3A : i32
    %add3A = arith.addi %mul3A_0, %arg0 : i32
    %eq3A = arith.constant 0 : i32
    %eq3A_1 = arith.cmpi eq, %arg1, %eq3A : i32
    %convert_element_type3A = arith.extui %eq3A_1 : i1 to i32
    %cond3A = arith.constant 0 : i32
    %cond3A_2 = arith.cmpi ne, %convert_element_type3A, %cond3A : i32
    scf.if %cond3A_2 {
      %scan3A = arith.constant 0 : i32
      %scan3A_7 = arith.constant 0 : i32
      %scan3A_8 = arith.constant 10 : i32
      %scan3A_9 = arith.addi %scan3A_7, %scan3A_8 : i32
      %scan3A_10 = arith.constant 1 : i32
      scf.for %scan3A_30 = %scan3A_7 to %scan3A_9 step %scan3A_10  : i32 {
        %mul3A_31 = arith.constant 10000 : i32
        %mul3A_32 = arith.muli %scan3A_30, %mul3A_31 : i32
        "tpu.region"() ({
          %run_scoped3A = tpu.sem_alloc : memref<!tpu.dma_semaphore, #tpu.memory_space<semaphore_mem>>
          %dma_start3A = tpu.memref_slice %arg3[%mul3A_32] : memref<100000xi32, #tpu.memory_space<hbm>> -> memref<10000xi32, #tpu.memory_space<hbm>>
          %dma_start3A_35 = tpu.memref_slice %arg3[%mul3A_32] : memref<100000xi32, #tpu.memory_space<hbm>> -> memref<10000xi32, #tpu.memory_space<hbm>>
          tpu.enqueue_dma source(%dma_start3A_35 : memref<10000xi32, #tpu.memory_space<hbm>>) target(%arg12 : memref<10000xi32, #tpu.memory_space<vmem>>) target_semaphore(%run_scoped3A : memref<!tpu.dma_semaphore, #tpu.memory_space<semaphore_mem>>)
          %dma_wait3A = tpu.memref_slice %arg3[%mul3A_32] : memref<100000xi32, #tpu.memory_space<hbm>> -> memref<10000xi32, #tpu.memory_space<hbm>>
          %dma_wait3A_36 = tpu.memref_slice %arg3[%mul3A_32] : memref<100000xi32, #tpu.memory_space<hbm>> -> memref<10000xi32, #tpu.memory_space<hbm>>
          tpu.wait_dma2 semaphore(%run_scoped3A : memref<!tpu.dma_semaphore, #tpu.memory_space<semaphore_mem>>) src(%dma_wait3A_36 : memref<10000xi32, #tpu.memory_space<hbm>>) dst(%arg12 : memref<10000xi32, #tpu.memory_space<vmem>>)
          tpu.yield
        }) : () -> ()
        %mul3A_33 = arith.constant 10000 : i32
        %mul3A_34 = arith.muli %scan3A_30, %mul3A_33 : i32
        "tpu.region"() ({
          %run_scoped3A = tpu.sem_alloc : memref<!tpu.dma_semaphore, #tpu.memory_space<semaphore_mem>>
          %dma_start3A = tpu.memref_slice %arg14[%mul3A_34] : memref<100000xi32, #tpu.memory_space<vmem_shared>> -> memref<10000xi32, #tpu.memory_space<vmem_shared>>
          %dma_start3A_35 = tpu.memref_slice %arg14[%mul3A_34] : memref<100000xi32, #tpu.memory_space<vmem_shared>> -> memref<10000xi32, #tpu.memory_space<vmem_shared>>
          tpu.enqueue_dma source(%arg12 : memref<10000xi32, #tpu.memory_space<vmem>>) target(%dma_start3A_35 : memref<10000xi32, #tpu.memory_space<vmem_shared>>) target_semaphore(%run_scoped3A : memref<!tpu.dma_semaphore, #tpu.memory_space<semaphore_mem>>)
          %dma_wait3A = tpu.memref_slice %arg14[%mul3A_34] : memref<100000xi32, #tpu.memory_space<vmem_shared>> -> memref<10000xi32, #tpu.memory_space<vmem_shared>>
          %dma_wait3A_36 = tpu.memref_slice %arg14[%mul3A_34] : memref<100000xi32, #tpu.memory_space<vmem_shared>> -> memref<10000xi32, #tpu.memory_space<vmem_shared>>
          tpu.wait_dma2 semaphore(%run_scoped3A : memref<!tpu.dma_semaphore, #tpu.memory_space<semaphore_mem>>) src(%arg12 : memref<10000xi32, #tpu.memory_space<vmem>>) dst(%dma_wait3A_36 : memref<10000xi32, #tpu.memory_space<vmem_shared>>)
          tpu.yield
        }) : () -> ()
      }
      %scan3A_11 = arith.constant 10 : i32
      %scan3A_12 = arith.constant 0 : i32
      %scan3A_13 = arith.constant 0 : i32
      %scan3A_14 = arith.constant 20 : i32
      %scan3A_15 = arith.addi %scan3A_13, %scan3A_14 : i32
      %scan3A_16 = arith.constant 1 : i32
      scf.for %scan3A_30 = %scan3A_13 to %scan3A_15 step %scan3A_16  : i32 {
        %mul3A_31 = arith.constant 10000 : i32
        %mul3A_32 = arith.muli %scan3A_30, %mul3A_31 : i32
        "tpu.region"() ({
          %run_scoped3A = tpu.sem_alloc : memref<!tpu.dma_semaphore, #tpu.memory_space<semaphore_mem>>
          %dma_start3A = tpu.memref_slice %arg4[%mul3A_32] : memref<200000xi32, #tpu.memory_space<hbm>> -> memref<10000xi32, #tpu.memory_space<hbm>>
          %dma_start3A_33 = tpu.memref_slice %arg4[%mul3A_32] : memref<200000xi32, #tpu.memory_space<hbm>> -> memref<10000xi32, #tpu.memory_space<hbm>>
          tpu.enqueue_dma source(%dma_start3A_33 : memref<10000xi32, #tpu.memory_space<hbm>>) target(%arg12 : memref<10000xi32, #tpu.memory_space<vmem>>) target_semaphore(%run_scoped3A : memref<!tpu.dma_semaphore, #tpu.memory_space<semaphore_mem>>)
          %dma_wait3A = tpu.memref_slice %arg4[%mul3A_32] : memref<200000xi32, #tpu.memory_space<hbm>> -> memref<10000xi32, #tpu.memory_space<hbm>>
          %dma_wait3A_34 = tpu.memref_slice %arg4[%mul3A_32] : memref<200000xi32, #tpu.memory_space<hbm>> -> memref<10000xi32, #tpu.memory_space<hbm>>
          tpu.wait_dma2 semaphore(%run_scoped3A : memref<!tpu.dma_semaphore, #tpu.memory_space<semaphore_mem>>) src(%dma_wait3A_34 : memref<10000xi32, #tpu.memory_space<hbm>>) dst(%arg12 : memref<10000xi32, #tpu.memory_space<vmem>>)
          tpu.yield
        }) : () -> ()
        "tpu.region"() ({
          %run_scoped3A = tpu.sem_alloc : memref<!tpu.dma_semaphore, #tpu.memory_space<semaphore_mem>>
          %dma_start3A = tpu.memref_slice %arg6[%mul3A_32] : memref<200000xi32, #tpu.memory_space<hbm>> -> memref<10000xi32, #tpu.memory_space<hbm>>
          %dma_start3A_33 = tpu.memref_slice %arg6[%mul3A_32] : memref<200000xi32, #tpu.memory_space<hbm>> -> memref<10000xi32, #tpu.memory_space<hbm>>
          tpu.enqueue_dma source(%dma_start3A_33 : memref<10000xi32, #tpu.memory_space<hbm>>) target(%arg13 : memref<10000xi32, #tpu.memory_space<vmem>>) target_semaphore(%run_scoped3A : memref<!tpu.dma_semaphore, #tpu.memory_space<semaphore_mem>>)
          %dma_wait3A = tpu.memref_slice %arg6[%mul3A_32] : memref<200000xi32, #tpu.memory_space<hbm>> -> memref<10000xi32, #tpu.memory_space<hbm>>
          %dma_wait3A_34 = tpu.memref_slice %arg6[%mul3A_32] : memref<200000xi32, #tpu.memory_space<hbm>> -> memref<10000xi32, #tpu.memory_space<hbm>>
          tpu.wait_dma2 semaphore(%run_scoped3A : memref<!tpu.dma_semaphore, #tpu.memory_space<semaphore_mem>>) src(%dma_wait3A_34 : memref<10000xi32, #tpu.memory_space<hbm>>) dst(%arg13 : memref<10000xi32, #tpu.memory_space<vmem>>)
          tpu.yield
        }) : () -> ()
        "tpu.region"() ({
          %run_scoped3A = tpu.sem_alloc : memref<!tpu.dma_semaphore, #tpu.memory_space<semaphore_mem>>
          %dma_start3A = arith.constant 0 : i32
          %dma_start3A_33 = tpu.memref_slice %arg14[%dma_start3A] : memref<100000xi32, #tpu.memory_space<vmem_shared>> -> memref<100000xi32, #tpu.memory_space<vmem_shared>>
          tpu.enqueue_indirect_dma source(%arg13 : memref<10000xi32, #tpu.memory_space<vmem>>) target(%dma_start3A_33 : memref<100000xi32, #tpu.memory_space<vmem_shared>>) offsets(%arg12 : memref<10000xi32, #tpu.memory_space<vmem>>) semaphore(%run_scoped3A : memref<!tpu.dma_semaphore, #tpu.memory_space<semaphore_mem>>)
          %dma_wait3A = arith.constant 0 : i32
          %dma_wait3A_34 = tpu.memref_slice %arg14[%dma_wait3A] : memref<100000xi32, #tpu.memory_space<vmem_shared>> -> memref<100000xi32, #tpu.memory_space<vmem_shared>>
          tpu.wait_indirect_dma semaphore(%run_scoped3A : memref<!tpu.dma_semaphore, #tpu.memory_space<semaphore_mem>>) src(%arg13 : memref<10000xi32, #tpu.memory_space<vmem>>) dst(%dma_wait3A_34 : memref<100000xi32, #tpu.memory_space<vmem_shared>>)
          tpu.yield
        }) : () -> ()
      }
      %scan3A_17 = arith.constant 20 : i32
      %scan3A_18 = arith.constant 0 : i32
      %scan3A_19 = arith.constant 0 : i32
      %scan3A_20 = arith.constant 20 : i32
      %scan3A_21 = arith.addi %scan3A_19, %scan3A_20 : i32
      %scan3A_22 = arith.constant 1 : i32
      scf.for %scan3A_30 = %scan3A_19 to %scan3A_21 step %scan3A_22  : i32 {
        %mul3A_31 = arith.constant 10000 : i32
        %mul3A_32 = arith.muli %scan3A_30, %mul3A_31 : i32
        "tpu.region"() ({
          %run_scoped3A = tpu.sem_alloc : memref<!tpu.dma_semaphore, #tpu.memory_space<semaphore_mem>>
          %dma_start3A = tpu.memref_slice %arg5[%mul3A_32] : memref<200000xi32, #tpu.memory_space<hbm>> -> memref<10000xi32, #tpu.memory_space<hbm>>
          %dma_start3A_33 = tpu.memref_slice %arg5[%mul3A_32] : memref<200000xi32, #tpu.memory_space<hbm>> -> memref<10000xi32, #tpu.memory_space<hbm>>
          tpu.enqueue_dma source(%dma_start3A_33 : memref<10000xi32, #tpu.memory_space<hbm>>) target(%arg12 : memref<10000xi32, #tpu.memory_space<vmem>>) target_semaphore(%run_scoped3A : memref<!tpu.dma_semaphore, #tpu.memory_space<semaphore_mem>>)
          %dma_wait3A = tpu.memref_slice %arg5[%mul3A_32] : memref<200000xi32, #tpu.memory_space<hbm>> -> memref<10000xi32, #tpu.memory_space<hbm>>
          %dma_wait3A_34 = tpu.memref_slice %arg5[%mul3A_32] : memref<200000xi32, #tpu.memory_space<hbm>> -> memref<10000xi32, #tpu.memory_space<hbm>>
          tpu.wait_dma2 semaphore(%run_scoped3A : memref<!tpu.dma_semaphore, #tpu.memory_space<semaphore_mem>>) src(%dma_wait3A_34 : memref<10000xi32, #tpu.memory_space<hbm>>) dst(%arg12 : memref<10000xi32, #tpu.memory_space<vmem>>)
          tpu.yield
        }) : () -> ()
        "tpu.region"() ({
          %run_scoped3A = tpu.sem_alloc : memref<!tpu.dma_semaphore, #tpu.memory_space<semaphore_mem>>
          %dma_start3A = tpu.memref_slice %arg6[%mul3A_32] : memref<200000xi32, #tpu.memory_space<hbm>> -> memref<10000xi32, #tpu.memory_space<hbm>>
          %dma_start3A_33 = tpu.memref_slice %arg6[%mul3A_32] : memref<200000xi32, #tpu.memory_space<hbm>> -> memref<10000xi32, #tpu.memory_space<hbm>>
          tpu.enqueue_dma source(%dma_start3A_33 : memref<10000xi32, #tpu.memory_space<hbm>>) target(%arg13 : memref<10000xi32, #tpu.memory_space<vmem>>) target_semaphore(%run_scoped3A : memref<!tpu.dma_semaphore, #tpu.memory_space<semaphore_mem>>)
          %dma_wait3A = tpu.memref_slice %arg6[%mul3A_32] : memref<200000xi32, #tpu.memory_space<hbm>> -> memref<10000xi32, #tpu.memory_space<hbm>>
          %dma_wait3A_34 = tpu.memref_slice %arg6[%mul3A_32] : memref<200000xi32, #tpu.memory_space<hbm>> -> memref<10000xi32, #tpu.memory_space<hbm>>
          tpu.wait_dma2 semaphore(%run_scoped3A : memref<!tpu.dma_semaphore, #tpu.memory_space<semaphore_mem>>) src(%dma_wait3A_34 : memref<10000xi32, #tpu.memory_space<hbm>>) dst(%arg13 : memref<10000xi32, #tpu.memory_space<vmem>>)
          tpu.yield
        }) : () -> ()
        "tpu.region"() ({
          %run_scoped3A = tpu.sem_alloc : memref<!tpu.dma_semaphore, #tpu.memory_space<semaphore_mem>>
          %dma_start3A = arith.constant 0 : i32
          %dma_start3A_33 = tpu.memref_slice %arg14[%dma_start3A] : memref<100000xi32, #tpu.memory_space<vmem_shared>> -> memref<100000xi32, #tpu.memory_space<vmem_shared>>
          tpu.enqueue_indirect_dma source(%arg13 : memref<10000xi32, #tpu.memory_space<vmem>>) target(%dma_start3A_33 : memref<100000xi32, #tpu.memory_space<vmem_shared>>) offsets(%arg12 : memref<10000xi32, #tpu.memory_space<vmem>>) semaphore(%run_scoped3A : memref<!tpu.dma_semaphore, #tpu.memory_space<semaphore_mem>>)
          %dma_wait3A = arith.constant 0 : i32
          %dma_wait3A_34 = tpu.memref_slice %arg14[%dma_wait3A] : memref<100000xi32, #tpu.memory_space<vmem_shared>> -> memref<100000xi32, #tpu.memory_space<vmem_shared>>
          tpu.wait_indirect_dma semaphore(%run_scoped3A : memref<!tpu.dma_semaphore, #tpu.memory_space<semaphore_mem>>) src(%arg13 : memref<10000xi32, #tpu.memory_space<vmem>>) dst(%dma_wait3A_34 : memref<100000xi32, #tpu.memory_space<vmem_shared>>)
          tpu.yield
        }) : () -> ()
      }
      %scan3A_23 = arith.constant 20 : i32
      %scan3A_24 = arith.constant 0 : i32
      %scan3A_25 = arith.constant 0 : i32
      %scan3A_26 = arith.constant 5 : i32
      %scan3A_27 = arith.addi %scan3A_25, %scan3A_26 : i32
      %scan3A_28 = arith.constant 1 : i32
      scf.for %scan3A_30 = %scan3A_25 to %scan3A_27 step %scan3A_28  : i32 {
        %mul3A_31 = arith.constant 50000 : i32
        %mul3A_32 = arith.muli %arg0, %mul3A_31 : i32
        %mul3A_33 = arith.constant 10000 : i32
        %mul3A_34 = arith.muli %scan3A_30, %mul3A_33 : i32
        %add3A_35 = arith.addi %mul3A_32, %mul3A_34 : i32
        "tpu.region"() ({
          %run_scoped3A = tpu.sem_alloc : memref<!tpu.dma_semaphore, #tpu.memory_space<semaphore_mem>>
          %dma_start3A = tpu.memref_slice %arg14[%add3A_35] : memref<100000xi32, #tpu.memory_space<vmem_shared>> -> memref<10000xi32, #tpu.memory_space<vmem_shared>>
          %dma_start3A_36 = tpu.memref_slice %arg14[%add3A_35] : memref<100000xi32, #tpu.memory_space<vmem_shared>> -> memref<10000xi32, #tpu.memory_space<vmem_shared>>
          tpu.enqueue_dma source(%dma_start3A_36 : memref<10000xi32, #tpu.memory_space<vmem_shared>>) target(%arg12 : memref<10000xi32, #tpu.memory_space<vmem>>) target_semaphore(%run_scoped3A : memref<!tpu.dma_semaphore, #tpu.memory_space<semaphore_mem>>)
          %dma_wait3A = tpu.memref_slice %arg14[%add3A_35] : memref<100000xi32, #tpu.memory_space<vmem_shared>> -> memref<10000xi32, #tpu.memory_space<vmem_shared>>
          %dma_wait3A_37 = tpu.memref_slice %arg14[%add3A_35] : memref<100000xi32, #tpu.memory_space<vmem_shared>> -> memref<10000xi32, #tpu.memory_space<vmem_shared>>
          tpu.wait_dma2 semaphore(%run_scoped3A : memref<!tpu.dma_semaphore, #tpu.memory_space<semaphore_mem>>) src(%dma_wait3A_37 : memref<10000xi32, #tpu.memory_space<vmem_shared>>) dst(%arg12 : memref<10000xi32, #tpu.memory_space<vmem>>)
          tpu.yield
        }) : () -> ()
        "tpu.region"() ({
          %run_scoped3A = tpu.sem_alloc : memref<!tpu.dma_semaphore, #tpu.memory_space<semaphore_mem>>
          %dma_start3A = tpu.memref_slice %arg9[%add3A_35] : memref<100000xi32, #tpu.memory_space<hbm>> -> memref<10000xi32, #tpu.memory_space<hbm>>
          %dma_start3A_36 = tpu.memref_slice %arg9[%add3A_35] : memref<100000xi32, #tpu.memory_space<hbm>> -> memref<10000xi32, #tpu.memory_space<hbm>>
          tpu.enqueue_dma source(%arg12 : memref<10000xi32, #tpu.memory_space<vmem>>) target(%dma_start3A_36 : memref<10000xi32, #tpu.memory_space<hbm>>) target_semaphore(%run_scoped3A : memref<!tpu.dma_semaphore, #tpu.memory_space<semaphore_mem>>)
          %dma_wait3A = tpu.memref_slice %arg9[%add3A_35] : memref<100000xi32, #tpu.memory_space<hbm>> -> memref<10000xi32, #tpu.memory_space<hbm>>
          %dma_wait3A_37 = tpu.memref_slice %arg9[%add3A_35] : memref<100000xi32, #tpu.memory_space<hbm>> -> memref<10000xi32, #tpu.memory_space<hbm>>
          tpu.wait_dma2 semaphore(%run_scoped3A : memref<!tpu.dma_semaphore, #tpu.memory_space<semaphore_mem>>) src(%arg12 : memref<10000xi32, #tpu.memory_space<vmem>>) dst(%dma_wait3A_37 : memref<10000xi32, #tpu.memory_space<hbm>>)
          tpu.yield
        }) : () -> ()
      }
      %scan3A_29 = arith.constant 5 : i32
    } else {
    }
    %gt3A = arith.constant 0 : i32
    %gt3A_3 = arith.cmpi sgt, %arg1, %gt3A : i32
    %convert_element_type3A_4 = arith.extui %gt3A_3 : i1 to i32
    %cond3A_5 = arith.constant 0 : i32
    %cond3A_6 = arith.cmpi ne, %convert_element_type3A_4, %cond3A_5 : i32
    scf.if %cond3A_6 {
      %sub3A = arith.constant 2 : i32
      %sub3A_7 = arith.subi %add3A, %sub3A : i32
      %scan3A = arith.constant 0 : i32
      %scan3A_8 = arith.constant 0 : i32
      %scan3A_9 = arith.constant 17 : i32
      %scan3A_10 = arith.addi %scan3A_8, %scan3A_9 : i32
      %scan3A_11 = arith.constant 1 : i32
      scf.for %scan3A_13 = %scan3A_8 to %scan3A_10 step %scan3A_11  : i32 {
        %mul3A_14 = arith.constant 30 : i32
        %mul3A_15 = arith.muli %mul3A_14, %scan3A_13 : i32
        %add3A_16 = arith.addi %sub3A_7, %mul3A_15 : i32
        %lt3A = arith.constant 500 : i32
        %lt3A_17 = arith.cmpi slt, %add3A_16, %lt3A : i32
        %convert_element_type3A_18 = arith.extui %lt3A_17 : i1 to i32
        %cond3A_19 = arith.constant 0 : i32
        %cond3A_20 = arith.cmpi ne, %convert_element_type3A_18, %cond3A_19 : i32
        scf.if %cond3A_20 {
          %lt3A_21 = arith.constant 250 : i32
          %lt3A_22 = arith.cmpi slt, %add3A_16, %lt3A_21 : i32
          %sub3A_23 = arith.constant 250 : i32
          %sub3A_24 = arith.subi %add3A_16, %sub3A_23 : i32
          %select_n3A = arith.select %lt3A_22, %add3A_16, %sub3A_24 : i32
          %mul3A_25 = arith.constant 800 : i32
          %mul3A_26 = arith.muli %select_n3A, %mul3A_25 : i32
          %convert_element_type3A_27 = arith.extui %lt3A_22 : i1 to i32
          %cond3A_28 = arith.constant 0 : i32
          %cond3A_29 = arith.cmpi ne, %convert_element_type3A_27, %cond3A_28 : i32
          scf.if %cond3A_29 {
            "tpu.region"() ({
              %run_scoped3A = tpu.sem_alloc : memref<!tpu.dma_semaphore, #tpu.memory_space<semaphore_mem>>
              %dma_start3A_38 = tpu.memref_slice %arg4[%mul3A_26] : memref<200000xi32, #tpu.memory_space<hbm>> -> memref<800xi32, #tpu.memory_space<hbm>>
              %dma_start3A_39 = tpu.memref_slice %arg4[%mul3A_26] : memref<200000xi32, #tpu.memory_space<hbm>> -> memref<800xi32, #tpu.memory_space<hbm>>
              tpu.enqueue_dma source(%dma_start3A_39 : memref<800xi32, #tpu.memory_space<hbm>>) target(%arg10 : memref<800xi32, #tpu.memory_space<vmem>>) target_semaphore(%run_scoped3A : memref<!tpu.dma_semaphore, #tpu.memory_space<semaphore_mem>>)
              %dma_wait3A_40 = tpu.memref_slice %arg4[%mul3A_26] : memref<200000xi32, #tpu.memory_space<hbm>> -> memref<800xi32, #tpu.memory_space<hbm>>
              %dma_wait3A_41 = tpu.memref_slice %arg4[%mul3A_26] : memref<200000xi32, #tpu.memory_space<hbm>> -> memref<800xi32, #tpu.memory_space<hbm>>
              tpu.wait_dma2 semaphore(%run_scoped3A : memref<!tpu.dma_semaphore, #tpu.memory_space<semaphore_mem>>) src(%dma_wait3A_41 : memref<800xi32, #tpu.memory_space<hbm>>) dst(%arg10 : memref<800xi32, #tpu.memory_space<vmem>>)
              tpu.yield
            }) : () -> ()
            %dma_start3A = arith.constant 0 : i32
            %dma_start3A_34 = arith.constant 0 : i32
            %dma_start3A_35 = tpu.memref_slice %arg2[%dma_start3A, %dma_start3A_34] : memref<100000x128xf32, #tpu.memory_space<hbm>> -> memref<100000x128xf32, #tpu.memory_space<hbm>>
            tpu.enqueue_indirect_dma source(%dma_start3A_35 : memref<100000x128xf32, #tpu.memory_space<hbm>>) target(%arg11 : memref<800x128xf32, #tpu.memory_space<vmem>>) offsets(%arg10 : memref<800xi32, #tpu.memory_space<vmem>>) semaphore(%arg15 : memref<!tpu.dma_semaphore, #tpu.memory_space<semaphore_mem>>)
            %dma_wait3A = arith.constant 0 : i32
            %dma_wait3A_36 = arith.constant 0 : i32
            %dma_wait3A_37 = tpu.memref_slice %arg2[%dma_wait3A, %dma_wait3A_36] : memref<100000x128xf32, #tpu.memory_space<hbm>> -> memref<100000x128xf32, #tpu.memory_space<hbm>>
            tpu.wait_indirect_dma semaphore(%arg15 : memref<!tpu.dma_semaphore, #tpu.memory_space<semaphore_mem>>) src(%dma_wait3A_37 : memref<100000x128xf32, #tpu.memory_space<hbm>>) dst(%arg11 : memref<800x128xf32, #tpu.memory_space<vmem>>)
            "tpu.region"() ({
              %run_scoped3A = tpu.sem_alloc : memref<!tpu.dma_semaphore, #tpu.memory_space<semaphore_mem>>
              %dma_start3A_38 = arith.constant 0 : i32
              %dma_start3A_39 = tpu.memref_slice %arg7[%mul3A_26, %dma_start3A_38] : memref<200000x128xf32, #tpu.memory_space<hbm>> -> memref<800x128xf32, #tpu.memory_space<hbm>>
              %dma_start3A_40 = arith.constant 0 : i32
              %dma_start3A_41 = tpu.memref_slice %arg7[%mul3A_26, %dma_start3A_40] : memref<200000x128xf32, #tpu.memory_space<hbm>> -> memref<800x128xf32, #tpu.memory_space<hbm>>
              tpu.enqueue_dma source(%arg11 : memref<800x128xf32, #tpu.memory_space<vmem>>) target(%dma_start3A_41 : memref<800x128xf32, #tpu.memory_space<hbm>>) target_semaphore(%run_scoped3A : memref<!tpu.dma_semaphore, #tpu.memory_space<semaphore_mem>>)
              %dma_wait3A_42 = arith.constant 0 : i32
              %dma_wait3A_43 = tpu.memref_slice %arg7[%mul3A_26, %dma_wait3A_42] : memref<200000x128xf32, #tpu.memory_space<hbm>> -> memref<800x128xf32, #tpu.memory_space<hbm>>
              %dma_wait3A_44 = arith.constant 0 : i32
              %dma_wait3A_45 = tpu.memref_slice %arg7[%mul3A_26, %dma_wait3A_44] : memref<200000x128xf32, #tpu.memory_space<hbm>> -> memref<800x128xf32, #tpu.memory_space<hbm>>
              tpu.wait_dma2 semaphore(%run_scoped3A : memref<!tpu.dma_semaphore, #tpu.memory_space<semaphore_mem>>) src(%arg11 : memref<800x128xf32, #tpu.memory_space<vmem>>) dst(%dma_wait3A_45 : memref<800x128xf32, #tpu.memory_space<hbm>>)
              tpu.yield
            }) : () -> ()
          } else {
          }
          %not3A = arith.constant true
          %not3A_30 = arith.xori %lt3A_22, %not3A : i1
          %convert_element_type3A_31 = arith.extui %not3A_30 : i1 to i32
          %cond3A_32 = arith.constant 0 : i32
          %cond3A_33 = arith.cmpi ne, %convert_element_type3A_31, %cond3A_32 : i32
          scf.if %cond3A_33 {
            "tpu.region"() ({
              %run_scoped3A = tpu.sem_alloc : memref<!tpu.dma_semaphore, #tpu.memory_space<semaphore_mem>>
              %dma_start3A_38 = tpu.memref_slice %arg5[%mul3A_26] : memref<200000xi32, #tpu.memory_space<hbm>> -> memref<800xi32, #tpu.memory_space<hbm>>
              %dma_start3A_39 = tpu.memref_slice %arg5[%mul3A_26] : memref<200000xi32, #tpu.memory_space<hbm>> -> memref<800xi32, #tpu.memory_space<hbm>>
              tpu.enqueue_dma source(%dma_start3A_39 : memref<800xi32, #tpu.memory_space<hbm>>) target(%arg10 : memref<800xi32, #tpu.memory_space<vmem>>) target_semaphore(%run_scoped3A : memref<!tpu.dma_semaphore, #tpu.memory_space<semaphore_mem>>)
              %dma_wait3A_40 = tpu.memref_slice %arg5[%mul3A_26] : memref<200000xi32, #tpu.memory_space<hbm>> -> memref<800xi32, #tpu.memory_space<hbm>>
              %dma_wait3A_41 = tpu.memref_slice %arg5[%mul3A_26] : memref<200000xi32, #tpu.memory_space<hbm>> -> memref<800xi32, #tpu.memory_space<hbm>>
              tpu.wait_dma2 semaphore(%run_scoped3A : memref<!tpu.dma_semaphore, #tpu.memory_space<semaphore_mem>>) src(%dma_wait3A_41 : memref<800xi32, #tpu.memory_space<hbm>>) dst(%arg10 : memref<800xi32, #tpu.memory_space<vmem>>)
              tpu.yield
            }) : () -> ()
            %dma_start3A = arith.constant 0 : i32
            %dma_start3A_34 = arith.constant 0 : i32
            %dma_start3A_35 = tpu.memref_slice %arg2[%dma_start3A, %dma_start3A_34] : memref<100000x128xf32, #tpu.memory_space<hbm>> -> memref<100000x128xf32, #tpu.memory_space<hbm>>
            tpu.enqueue_indirect_dma source(%dma_start3A_35 : memref<100000x128xf32, #tpu.memory_space<hbm>>) target(%arg11 : memref<800x128xf32, #tpu.memory_space<vmem>>) offsets(%arg10 : memref<800xi32, #tpu.memory_space<vmem>>) semaphore(%arg15 : memref<!tpu.dma_semaphore, #tpu.memory_space<semaphore_mem>>)
            %dma_wait3A = arith.constant 0 : i32
            %dma_wait3A_36 = arith.constant 0 : i32
            %dma_wait3A_37 = tpu.memref_slice %arg2[%dma_wait3A, %dma_wait3A_36] : memref<100000x128xf32, #tpu.memory_space<hbm>> -> memref<100000x128xf32, #tpu.memory_space<hbm>>
            tpu.wait_indirect_dma semaphore(%arg15 : memref<!tpu.dma_semaphore, #tpu.memory_space<semaphore_mem>>) src(%dma_wait3A_37 : memref<100000x128xf32, #tpu.memory_space<hbm>>) dst(%arg11 : memref<800x128xf32, #tpu.memory_space<vmem>>)
            "tpu.region"() ({
              %run_scoped3A = tpu.sem_alloc : memref<!tpu.dma_semaphore, #tpu.memory_space<semaphore_mem>>
              %dma_start3A_38 = arith.constant 0 : i32
              %dma_start3A_39 = tpu.memref_slice %arg8[%mul3A_26, %dma_start3A_38] : memref<200000x128xf32, #tpu.memory_space<hbm>> -> memref<800x128xf32, #tpu.memory_space<hbm>>
              %dma_start3A_40 = arith.constant 0 : i32
              %dma_start3A_41 = tpu.memref_slice %arg8[%mul3A_26, %dma_start3A_40] : memref<200000x128xf32, #tpu.memory_space<hbm>> -> memref<800x128xf32, #tpu.memory_space<hbm>>
              tpu.enqueue_dma source(%arg11 : memref<800x128xf32, #tpu.memory_space<vmem>>) target(%dma_start3A_41 : memref<800x128xf32, #tpu.memory_space<hbm>>) target_semaphore(%run_scoped3A : memref<!tpu.dma_semaphore, #tpu.memory_space<semaphore_mem>>)
              %dma_wait3A_42 = arith.constant 0 : i32
              %dma_wait3A_43 = tpu.memref_slice %arg8[%mul3A_26, %dma_wait3A_42] : memref<200000x128xf32, #tpu.memory_space<hbm>> -> memref<800x128xf32, #tpu.memory_space<hbm>>
              %dma_wait3A_44 = arith.constant 0 : i32
              %dma_wait3A_45 = tpu.memref_slice %arg8[%mul3A_26, %dma_wait3A_44] : memref<200000x128xf32, #tpu.memory_space<hbm>> -> memref<800x128xf32, #tpu.memory_space<hbm>>
              tpu.wait_dma2 semaphore(%run_scoped3A : memref<!tpu.dma_semaphore, #tpu.memory_space<semaphore_mem>>) src(%arg11 : memref<800x128xf32, #tpu.memory_space<vmem>>) dst(%dma_wait3A_45 : memref<800x128xf32, #tpu.memory_space<hbm>>)
              tpu.yield
            }) : () -> ()
          } else {
          }
        } else {
        }
      }
      %scan3A_12 = arith.constant 17 : i32
    } else {
    }
    return
  }
}

module attributes {stable_mosaic.version = 14 : i64} {
  func.func @_p2_body(%arg0: i32, %arg1: memref<2000x1xf32, #tpu.memory_space<vmem>>, %arg2: memref<2000x128xf32, #tpu.memory_space<vmem>>, %arg3: memref<2000x128xf32, #tpu.memory_space<vmem>>, %arg4: memref<2000x16xf32, #tpu.memory_space<vmem>>, %arg5: memref<1x100xf32, #tpu.memory_space<vmem>>, %arg6: memref<1x100xf32, #tpu.memory_space<vmem>>, %arg7: memref<2000x128xf32, #tpu.memory_space<vmem>>, %arg8: memref<2000x128xf32, #tpu.memory_space<vmem>>) attributes {dimension_semantics = [#tpu.dimension_semantics<arbitrary>], iteration_bounds = array<i64: 100>, scalar_prefetch = 0 : i64, scratch_operands = 0 : i64, tpu.core_type = #tpu.core_type<tc>, window_params = [{transform_indices = @transform_0, window_bounds = array<i64: 2000, 1>}, {transform_indices = @transform_1, window_bounds = array<i64: 2000, 128>}, {transform_indices = @transform_2, window_bounds = array<i64: 2000, 128>}, {transform_indices = @transform_3, window_bounds = array<i64: 2000, 16>}, {pipeline_mode = #tpu.pipeline_mode<synchronous>, transform_indices = @transform_4, window_bounds = array<i64: 1, 100>}, {pipeline_mode = #tpu.pipeline_mode<synchronous>, transform_indices = @transform_5, window_bounds = array<i64: 1, 100>}, {transform_indices = @transform_6, window_bounds = array<i64: 2000, 128>}, {transform_indices = @transform_7, window_bounds = array<i64: 2000, 128>}]} {
    %get3A = arith.constant 0 : index
    %get3A_0 = arith.constant 0 : index
    %get3A_1 = vector.load %arg1[%get3A, %get3A_0] : memref<2000x1xf32, #tpu.memory_space<vmem>>, vector<2000x1xf32>
    %get3A_2 = arith.constant 0 : index
    %get3A_3 = arith.constant 0 : index
    %get3A_4 = vector.load %arg5[%get3A_2, %get3A_3] : memref<1x100xf32, #tpu.memory_space<vmem>>, vector<1x100xf32>
    %get3A_5 = arith.constant 0 : index
    %get3A_6 = arith.constant 0 : index
    %get3A_7 = vector.load %arg6[%get3A_5, %get3A_6] : memref<1x100xf32, #tpu.memory_space<vmem>>, vector<1x100xf32>
    %broadcast_in_dim3A = arith.constant 0.000000e+00 : f32
    %broadcast_in_dim3A_8 = vector.broadcast %broadcast_in_dim3A : f32 to vector<2000x11xf32>
    %broadcast_in_dim3A_9 = arith.constant 1.000000e+00 : f32
    %broadcast_in_dim3A_10 = vector.broadcast %broadcast_in_dim3A_9 : f32 to vector<2000x1xf32>
    %get3A_11 = arith.constant 0 : index
    %get3A_12 = arith.constant 0 : index
    %get3A_13 = vector.load %arg4[%get3A_11, %get3A_12] : memref<2000x16xf32, #tpu.memory_space<vmem>>, vector<2000x16xf32>
    %get3A_14 = arith.constant 0 : index
    %get3A_15 = arith.constant 100 : index
    %get3A_16 = vector.load %arg2[%get3A_14, %get3A_15] : memref<2000x128xf32, #tpu.memory_space<vmem>>, vector<2000x1xf32>
    %sub3A = arith.subf %get3A_1, %get3A_16 : vector<2000x1xf32>
    %mul3A = vector.broadcast %sub3A : vector<2000x1xf32> to vector<2000x100xf32>
    %mul3A_17 = vector.broadcast %get3A_4 : vector<1x100xf32> to vector<2000x100xf32>
    %mul3A_18 = arith.mulf %mul3A, %mul3A_17 : vector<2000x100xf32>
    %add3A = vector.broadcast %get3A_7 : vector<1x100xf32> to vector<2000x100xf32>
    %add3A_19 = arith.addf %mul3A_18, %add3A : vector<2000x100xf32>
    %concatenate3A = tpu.concatenate %add3A_19, %broadcast_in_dim3A_10, %broadcast_in_dim3A_8, %get3A_13 in 1 : vector<2000x100xf32>, vector<2000x1xf32>, vector<2000x11xf32>, vector<2000x16xf32> -> vector<2000x128xf32>
    %swap3A = arith.constant 0 : index
    %swap3A_20 = arith.constant 0 : index
    %swap3A_21 = vector.load %arg7[%swap3A, %swap3A_20] : memref<2000x128xf32, #tpu.memory_space<vmem>>, vector<2000x128xf32>
    tpu.vector_store %arg7[%swap3A, %swap3A_20], %concatenate3A {strides = array<i32>} : memref<2000x128xf32, #tpu.memory_space<vmem>>, vector<2000x128xf32>,
    %get3A_22 = arith.constant 0 : index
    %get3A_23 = arith.constant 100 : index
    %get3A_24 = vector.load %arg3[%get3A_22, %get3A_23] : memref<2000x128xf32, #tpu.memory_space<vmem>>, vector<2000x1xf32>
    %sub3A_25 = arith.subf %get3A_1, %get3A_24 : vector<2000x1xf32>
    %mul3A_26 = vector.broadcast %sub3A_25 : vector<2000x1xf32> to vector<2000x100xf32>
    %mul3A_27 = vector.broadcast %get3A_4 : vector<1x100xf32> to vector<2000x100xf32>
    %mul3A_28 = arith.mulf %mul3A_26, %mul3A_27 : vector<2000x100xf32>
    %add3A_29 = vector.broadcast %get3A_7 : vector<1x100xf32> to vector<2000x100xf32>
    %add3A_30 = arith.addf %mul3A_28, %add3A_29 : vector<2000x100xf32>
    %concatenate3A_31 = tpu.concatenate %add3A_30, %broadcast_in_dim3A_10, %broadcast_in_dim3A_8, %get3A_13 in 1 : vector<2000x100xf32>, vector<2000x1xf32>, vector<2000x11xf32>, vector<2000x16xf32> -> vector<2000x128xf32>
    %swap3A_32 = arith.constant 0 : index
    %swap3A_33 = arith.constant 0 : index
    %swap3A_34 = vector.load %arg8[%swap3A_32, %swap3A_33] : memref<2000x128xf32, #tpu.memory_space<vmem>>, vector<2000x128xf32>
    tpu.vector_store %arg8[%swap3A_32, %swap3A_33], %concatenate3A_31 {strides = array<i32>} : memref<2000x128xf32, #tpu.memory_space<vmem>>, vector<2000x128xf32>,
    return
  }
  func.func @transform_0(%arg0: i32) -> (i32, i32) {
    %c0_i32 = arith.constant 0 : i32
    %c0_i32_0 = arith.constant 0 : i32
    return %arg0, %c0_i32 : i32, i32
  }
  func.func @transform_1(%arg0: i32) -> (i32, i32) {
    %c0_i32 = arith.constant 0 : i32
    %c0_i32_0 = arith.constant 0 : i32
    return %arg0, %c0_i32 : i32, i32
  }
  func.func @transform_2(%arg0: i32) -> (i32, i32) {
    %c0_i32 = arith.constant 0 : i32
    %c0_i32_0 = arith.constant 0 : i32
    return %arg0, %c0_i32 : i32, i32
  }
  func.func @transform_3(%arg0: i32) -> (i32, i32) {
    %c0_i32 = arith.constant 0 : i32
    %c0_i32_0 = arith.constant 0 : i32
    return %arg0, %c0_i32 : i32, i32
  }
  func.func @transform_4(%arg0: i32) -> (i32, i32) {
    %c0_i32 = arith.constant 0 : i32
    %c0_i32_0 = arith.constant 0 : i32
    %c0_i32_1 = arith.constant 0 : i32
    return %c0_i32, %c0_i32_0 : i32, i32
  }
  func.func @transform_5(%arg0: i32) -> (i32, i32) {
    %c0_i32 = arith.constant 0 : i32
    %c0_i32_0 = arith.constant 0 : i32
    %c0_i32_1 = arith.constant 0 : i32
    return %c0_i32, %c0_i32_0 : i32, i32
  }
  func.func @transform_6(%arg0: i32) -> (i32, i32) {
    %c0_i32 = arith.constant 0 : i32
    %c0_i32_0 = arith.constant 0 : i32
    return %arg0, %c0_i32 : i32, i32
  }
  func.func @transform_7(%arg0: i32) -> (i32, i32) {
    %c0_i32 = arith.constant 0 : i32
    %c0_i32_0 = arith.constant 0 : i32
    return %arg0, %c0_i32 : i32, i32
  }
}

module attributes {stable_mosaic.version = 14 : i64} {
  func.func @_p4_body(%arg0: i32, %arg1: memref<15x1000x16xf32, #tpu.memory_space<vmem>>, %arg2: memref<1000x100xf32, #tpu.memory_space<vmem>>, %arg3: memref<100x300xf32, #tpu.memory_space<vmem>>, %arg4: memref<100x300xf32, #tpu.memory_space<vmem>>, %arg5: memref<16x300xf32, #tpu.memory_space<vmem>>, %arg6: memref<100x300xf32, #tpu.memory_space<vmem>>, %arg7: memref<100x300xf32, #tpu.memory_space<vmem>>, %arg8: memref<1x300xf32, #tpu.memory_space<vmem>>, %arg9: memref<1x300xf32, #tpu.memory_space<vmem>>, %arg10: memref<1000x100xf32, #tpu.memory_space<vmem>>) attributes {dimension_semantics = [#tpu.dimension_semantics<arbitrary>], iteration_bounds = array<i64: 100>, scalar_prefetch = 0 : i64, scratch_operands = 0 : i64, tpu.core_type = #tpu.core_type<tc>, window_params = [{transform_indices = @transform_0, window_bounds = array<i64: 15, 1000, 16>}, {transform_indices = @transform_1, window_bounds = array<i64: 1000, 100>}, {pipeline_mode = #tpu.pipeline_mode<synchronous>, transform_indices = @transform_2, window_bounds = array<i64: 100, 300>}, {pipeline_mode = #tpu.pipeline_mode<synchronous>, transform_indices = @transform_3, window_bounds = array<i64: 100, 300>}, {pipeline_mode = #tpu.pipeline_mode<synchronous>, transform_indices = @transform_4, window_bounds = array<i64: 16, 300>}, {pipeline_mode = #tpu.pipeline_mode<synchronous>, transform_indices = @transform_5, window_bounds = array<i64: 100, 300>}, {pipeline_mode = #tpu.pipeline_mode<synchronous>, transform_indices = @transform_6, window_bounds = array<i64: 100, 300>}, {pipeline_mode = #tpu.pipeline_mode<synchronous>, transform_indices = @transform_7, window_bounds = array<i64: 1, 300>}, {pipeline_mode = #tpu.pipeline_mode<synchronous>, transform_indices = @transform_8, window_bounds = array<i64: 1, 300>}, {transform_indices = @transform_9, window_bounds = array<i64: 1000, 100>}]} {
    %get3A = arith.constant 0 : index
    %get3A_0 = arith.constant 0 : index
    %get3A_1 = arith.constant 0 : index
    %get3A_2 = vector.load %arg1[%get3A, %get3A_0, %get3A_1] : memref<15x1000x16xf32, #tpu.memory_space<vmem>>, vector<1x1000x16xf32>
    %get3A_3 = vector.shape_cast %get3A_2 : vector<1x1000x16xf32> to vector<1000x16xf32>
    %get3A_4 = arith.constant 1 : index
    %get3A_5 = arith.constant 0 : index
    %get3A_6 = arith.constant 0 : index
    %get3A_7 = vector.load %arg1[%get3A_4, %get3A_5, %get3A_6] : memref<15x1000x16xf32, #tpu.memory_space<vmem>>, vector<1x1000x16xf32>
    %get3A_8 = vector.shape_cast %get3A_7 : vector<1x1000x16xf32> to vector<1000x16xf32>
    %get3A_9 = arith.constant 2 : index
    %get3A_10 = arith.constant 0 : index
    %get3A_11 = arith.constant 0 : index
    %get3A_12 = vector.load %arg1[%get3A_9, %get3A_10, %get3A_11] : memref<15x1000x16xf32, #tpu.memory_space<vmem>>, vector<1x1000x16xf32>
    %get3A_13 = vector.shape_cast %get3A_12 : vector<1x1000x16xf32> to vector<1000x16xf32>
    %get3A_14 = arith.constant 3 : index
    %get3A_15 = arith.constant 0 : index
    %get3A_16 = arith.constant 0 : index
    %get3A_17 = vector.load %arg1[%get3A_14, %get3A_15, %get3A_16] : memref<15x1000x16xf32, #tpu.memory_space<vmem>>, vector<1x1000x16xf32>
    %get3A_18 = vector.shape_cast %get3A_17 : vector<1x1000x16xf32> to vector<1000x16xf32>
    %get3A_19 = arith.constant 4 : index
    %get3A_20 = arith.constant 0 : index
    %get3A_21 = arith.constant 0 : index
    %get3A_22 = vector.load %arg1[%get3A_19, %get3A_20, %get3A_21] : memref<15x1000x16xf32, #tpu.memory_space<vmem>>, vector<1x1000x16xf32>
    %get3A_23 = vector.shape_cast %get3A_22 : vector<1x1000x16xf32> to vector<1000x16xf32>
    %get3A_24 = arith.constant 5 : index
    %get3A_25 = arith.constant 0 : index
    %get3A_26 = arith.constant 0 : index
    %get3A_27 = vector.load %arg1[%get3A_24, %get3A_25, %get3A_26] : memref<15x1000x16xf32, #tpu.memory_space<vmem>>, vector<1x1000x16xf32>
    %get3A_28 = vector.shape_cast %get3A_27 : vector<1x1000x16xf32> to vector<1000x16xf32>
    %get3A_29 = arith.constant 6 : index
    %get3A_30 = arith.constant 0 : index
    %get3A_31 = arith.constant 0 : index
    %get3A_32 = vector.load %arg1[%get3A_29, %get3A_30, %get3A_31] : memref<15x1000x16xf32, #tpu.memory_space<vmem>>, vector<1x1000x16xf32>
    %get3A_33 = vector.shape_cast %get3A_32 : vector<1x1000x16xf32> to vector<1000x16xf32>
    %slice3A = vector.extract_strided_slice %get3A_33 {offsets = [0, 0], sizes = [1000, 4], strides = [1, 1]} : vector<1000x16xf32> to vector<1000x4xf32>
    %concatenate3A = tpu.concatenate %get3A_3, %get3A_8, %get3A_13, %get3A_18, %get3A_23, %get3A_28, %slice3A in 1 : vector<1000x16xf32>, vector<1000x16xf32>, vector<1000x16xf32>, vector<1000x16xf32>, vector<1000x16xf32>, vector<1000x16xf32>, vector<1000x4xf32> -> vector<1000x100xf32>
    %get3A_34 = arith.constant 7 : index
    %get3A_35 = arith.constant 0 : index
    %get3A_36 = arith.constant 0 : index
    %get3A_37 = vector.load %arg1[%get3A_34, %get3A_35, %get3A_36] : memref<15x1000x16xf32, #tpu.memory_space<vmem>>, vector<1x1000x16xf32>
    %get3A_38 = vector.shape_cast %get3A_37 : vector<1x1000x16xf32> to vector<1000x16xf32>
    %get3A_39 = arith.constant 8 : index
    %get3A_40 = arith.constant 0 : index
    %get3A_41 = arith.constant 0 : index
    %get3A_42 = vector.load %arg1[%get3A_39, %get3A_40, %get3A_41] : memref<15x1000x16xf32, #tpu.memory_space<vmem>>, vector<1x1000x16xf32>
    %get3A_43 = vector.shape_cast %get3A_42 : vector<1x1000x16xf32> to vector<1000x16xf32>
    %get3A_44 = arith.constant 9 : index
    %get3A_45 = arith.constant 0 : index
    %get3A_46 = arith.constant 0 : index
    %get3A_47 = vector.load %arg1[%get3A_44, %get3A_45, %get3A_46] : memref<15x1000x16xf32, #tpu.memory_space<vmem>>, vector<1x1000x16xf32>
    %get3A_48 = vector.shape_cast %get3A_47 : vector<1x1000x16xf32> to vector<1000x16xf32>
    %get3A_49 = arith.constant 10 : index
    %get3A_50 = arith.constant 0 : index
    %get3A_51 = arith.constant 0 : index
    %get3A_52 = vector.load %arg1[%get3A_49, %get3A_50, %get3A_51] : memref<15x1000x16xf32, #tpu.memory_space<vmem>>, vector<1x1000x16xf32>
    %get3A_53 = vector.shape_cast %get3A_52 : vector<1x1000x16xf32> to vector<1000x16xf32>
    %get3A_54 = arith.constant 11 : index
    %get3A_55 = arith.constant 0 : index
    %get3A_56 = arith.constant 0 : index
    %get3A_57 = vector.load %arg1[%get3A_54, %get3A_55, %get3A_56] : memref<15x1000x16xf32, #tpu.memory_space<vmem>>, vector<1x1000x16xf32>
    %get3A_58 = vector.shape_cast %get3A_57 : vector<1x1000x16xf32> to vector<1000x16xf32>
    %get3A_59 = arith.constant 12 : index
    %get3A_60 = arith.constant 0 : index
    %get3A_61 = arith.constant 0 : index
    %get3A_62 = vector.load %arg1[%get3A_59, %get3A_60, %get3A_61] : memref<15x1000x16xf32, #tpu.memory_space<vmem>>, vector<1x1000x16xf32>
    %get3A_63 = vector.shape_cast %get3A_62 : vector<1x1000x16xf32> to vector<1000x16xf32>
    %get3A_64 = arith.constant 13 : index
    %get3A_65 = arith.constant 0 : index
    %get3A_66 = arith.constant 0 : index
    %get3A_67 = vector.load %arg1[%get3A_64, %get3A_65, %get3A_66] : memref<15x1000x16xf32, #tpu.memory_space<vmem>>, vector<1x1000x16xf32>
    %get3A_68 = vector.shape_cast %get3A_67 : vector<1x1000x16xf32> to vector<1000x16xf32>
    %slice3A_69 = vector.extract_strided_slice %get3A_68 {offsets = [0, 0], sizes = [1000, 4], strides = [1, 1]} : vector<1000x16xf32> to vector<1000x4xf32>
    %concatenate3A_70 = tpu.concatenate %get3A_38, %get3A_43, %get3A_48, %get3A_53, %get3A_58, %get3A_63, %slice3A_69 in 1 : vector<1000x16xf32>, vector<1000x16xf32>, vector<1000x16xf32>, vector<1000x16xf32>, vector<1000x16xf32>, vector<1000x16xf32>, vector<1000x4xf32> -> vector<1000x100xf32>
    %get3A_71 = arith.constant 13 : index
    %get3A_72 = arith.constant 0 : index
    %get3A_73 = arith.constant 0 : index
    %get3A_74 = vector.load %arg1[%get3A_71, %get3A_72, %get3A_73] : memref<15x1000x16xf32, #tpu.memory_space<vmem>>, vector<1x1000x16xf32>
    %get3A_75 = vector.shape_cast %get3A_74 : vector<1x1000x16xf32> to vector<1000x16xf32>
    %slice3A_76 = vector.extract_strided_slice %get3A_75 {offsets = [0, 4], sizes = [1000, 1], strides = [1, 1]} : vector<1000x16xf32> to vector<1000x1xf32>
    %get3A_77 = arith.constant 14 : index
    %get3A_78 = arith.constant 0 : index
    %get3A_79 = arith.constant 0 : index
    %get3A_80 = vector.load %arg1[%get3A_77, %get3A_78, %get3A_79] : memref<15x1000x16xf32, #tpu.memory_space<vmem>>, vector<1x1000x16xf32>
    %get3A_81 = vector.shape_cast %get3A_80 : vector<1x1000x16xf32> to vector<1000x16xf32>
    %get3A_82 = arith.constant 0 : index
    %get3A_83 = arith.constant 0 : index
    %get3A_84 = vector.load %arg2[%get3A_82, %get3A_83] : memref<1000x100xf32, #tpu.memory_space<vmem>>, vector<1000x100xf32>
    %ge3A = arith.constant 5.000000e-01 : f32
    %ge3A_85 = vector.broadcast %ge3A : f32 to vector<1000x1xf32>
    %ge3A_86 = arith.cmpf oge, %slice3A_76, %ge3A_85 : vector<1000x1xf32>
    %convert_element_type3A = arith.extui %ge3A_86 : vector<1000x1xi1> to vector<1000x1xi32>
    %convert_element_type3A_87 = arith.sitofp %convert_element_type3A : vector<1000x1xi32> to vector<1000x1xf32>
    %max3A = arith.constant 1.000000e+00 : f32
    %max3A_88 = vector.broadcast %max3A : f32 to vector<1000x1xf32>
    %max3A_89 = arith.maximumf %slice3A_76, %max3A_88 : vector<1000x1xf32>
    %div3A = arith.constant 1.000000e+00 : f32
    %div3A_90 = vector.broadcast %div3A : f32 to vector<1000x1xf32>
    %div3A_91 = arith.divf %div3A_90, %max3A_89 : vector<1000x1xf32>
    %mul3A = vector.broadcast %convert_element_type3A_87 : vector<1000x1xf32> to vector<1000x100xf32>
    %mul3A_92 = arith.mulf %get3A_84, %mul3A : vector<1000x100xf32>
    %get3A_93 = arith.constant 0 : index
    %get3A_94 = arith.constant 0 : index
    %get3A_95 = vector.load %arg3[%get3A_93, %get3A_94] : memref<100x300xf32, #tpu.memory_space<vmem>>, vector<100x300xf32>
    %dot_general3A = arith.constant dense<0.000000e+00> : vector<1000x300xf32>
    %dot_general3A_96 = tpu.matmul %mul3A_92, %get3A_95, %dot_general3A {dimension_numbers = #tpu.dot_dimension_numbers<[1], [0], [0], [1], [0, 0, 1, 1], [], []>, transpose_lhs_hint = false} : vector<1000x100xf32>, vector<100x300xf32>, vector<1000x300xf32> -> vector<1000x300xf32>
    %get3A_97 = arith.constant 0 : index
    %get3A_98 = arith.constant 0 : index
    %get3A_99 = vector.load %arg4[%get3A_97, %get3A_98] : memref<100x300xf32, #tpu.memory_space<vmem>>, vector<100x300xf32>
    %dot_general3A_100 = arith.constant dense<0.000000e+00> : vector<1000x300xf32>
    %dot_general3A_101 = tpu.matmul %concatenate3A, %get3A_99, %dot_general3A_100 {dimension_numbers = #tpu.dot_dimension_numbers<[1], [0], [0], [1], [0, 0, 1, 1], [], []>, transpose_lhs_hint = false} : vector<1000x100xf32>, vector<100x300xf32>, vector<1000x300xf32> -> vector<1000x300xf32>
    %get3A_102 = arith.constant 0 : index
    %get3A_103 = arith.constant 0 : index
    %get3A_104 = vector.load %arg5[%get3A_102, %get3A_103] : memref<16x300xf32, #tpu.memory_space<vmem>>, vector<16x300xf32>
    %dot_general3A_105 = arith.constant dense<0.000000e+00> : vector<1000x300xf32>
    %dot_general3A_106 = tpu.matmul %get3A_81, %get3A_104, %dot_general3A_105 {dimension_numbers = #tpu.dot_dimension_numbers<[1], [0], [0], [1], [0, 0, 1, 1], [], []>, transpose_lhs_hint = false} : vector<1000x16xf32>, vector<16x300xf32>, vector<1000x300xf32> -> vector<1000x300xf32>
    %add3A = arith.addf %dot_general3A_101, %dot_general3A_106 : vector<1000x300xf32>
    %get3A_107 = arith.constant 0 : index
    %get3A_108 = arith.constant 0 : index
    %get3A_109 = vector.load %arg6[%get3A_107, %get3A_108] : memref<100x300xf32, #tpu.memory_space<vmem>>, vector<100x300xf32>
    %dot_general3A_110 = arith.constant dense<0.000000e+00> : vector<1000x300xf32>
    %dot_general3A_111 = tpu.matmul %concatenate3A_70, %get3A_109, %dot_general3A_110 {dimension_numbers = #tpu.dot_dimension_numbers<[1], [0], [0], [1], [0, 0, 1, 1], [], []>, transpose_lhs_hint = false} : vector<1000x100xf32>, vector<100x300xf32>, vector<1000x300xf32> -> vector<1000x300xf32>
    %add3A_112 = arith.addf %add3A, %dot_general3A_111 : vector<1000x300xf32>
    %mul3A_113 = vector.broadcast %div3A_91 : vector<1000x1xf32> to vector<1000x300xf32>
    %mul3A_114 = arith.mulf %add3A_112, %mul3A_113 : vector<1000x300xf32>
    %add3A_115 = arith.addf %dot_general3A_96, %mul3A_114 : vector<1000x300xf32>
    %get3A_116 = arith.constant 0 : index
    %get3A_117 = arith.constant 0 : index
    %get3A_118 = vector.load %arg8[%get3A_116, %get3A_117] : memref<1x300xf32, #tpu.memory_space<vmem>>, vector<1x300xf32>
    %add3A_119 = vector.broadcast %get3A_118 : vector<1x300xf32> to vector<1000x300xf32>
    %add3A_120 = arith.addf %add3A_115, %add3A_119 : vector<1000x300xf32>
    %get3A_121 = arith.constant 0 : index
    %get3A_122 = arith.constant 0 : index
    %get3A_123 = vector.load %arg7[%get3A_121, %get3A_122] : memref<100x300xf32, #tpu.memory_space<vmem>>, vector<100x300xf32>
    %dot_general3A_124 = arith.constant dense<0.000000e+00> : vector<1000x300xf32>
    %dot_general3A_125 = tpu.matmul %get3A_84, %get3A_123, %dot_general3A_124 {dimension_numbers = #tpu.dot_dimension_numbers<[1], [0], [0], [1], [0, 0, 1, 1], [], []>, transpose_lhs_hint = false} : vector<1000x100xf32>, vector<100x300xf32>, vector<1000x300xf32> -> vector<1000x300xf32>
    %get3A_126 = arith.constant 0 : index
    %get3A_127 = arith.constant 0 : index
    %get3A_128 = vector.load %arg9[%get3A_126, %get3A_127] : memref<1x300xf32, #tpu.memory_space<vmem>>, vector<1x300xf32>
    %add3A_129 = vector.broadcast %get3A_128 : vector<1x300xf32> to vector<1000x300xf32>
    %add3A_130 = arith.addf %dot_general3A_125, %add3A_129 : vector<1000x300xf32>
    %slice3A_131 = vector.extract_strided_slice %add3A_120 {offsets = [0, 0], sizes = [1000, 100], strides = [1, 1]} : vector<1000x300xf32> to vector<1000x100xf32>
    %slice3A_132 = vector.extract_strided_slice %add3A_130 {offsets = [0, 0], sizes = [1000, 100], strides = [1, 1]} : vector<1000x300xf32> to vector<1000x100xf32>
    %add3A_133 = arith.addf %slice3A_131, %slice3A_132 : vector<1000x100xf32>
    %logistic3A = arith.negf %add3A_133 : vector<1000x100xf32>
    %logistic3A_134 = math.exp %logistic3A : vector<1000x100xf32>
    %logistic3A_135 = arith.constant 1.000000e+00 : f32
    %logistic3A_136 = vector.broadcast %logistic3A_135 : f32 to vector<1000x100xf32>
    %logistic3A_137 = arith.addf %logistic3A_136, %logistic3A_134 : vector<1000x100xf32>
    %logistic3A_138 = arith.divf %logistic3A_136, %logistic3A_137 : vector<1000x100xf32>
    %slice3A_139 = vector.extract_strided_slice %add3A_120 {offsets = [0, 100], sizes = [1000, 100], strides = [1, 1]} : vector<1000x300xf32> to vector<1000x100xf32>
    %slice3A_140 = vector.extract_strided_slice %add3A_130 {offsets = [0, 100], sizes = [1000, 100], strides = [1, 1]} : vector<1000x300xf32> to vector<1000x100xf32>
    %add3A_141 = arith.addf %slice3A_139, %slice3A_140 : vector<1000x100xf32>
    %logistic3A_142 = arith.negf %add3A_141 : vector<1000x100xf32>
    %logistic3A_143 = math.exp %logistic3A_142 : vector<1000x100xf32>
    %logistic3A_144 = arith.constant 1.000000e+00 : f32
    %logistic3A_145 = vector.broadcast %logistic3A_144 : f32 to vector<1000x100xf32>
    %logistic3A_146 = arith.addf %logistic3A_145, %logistic3A_143 : vector<1000x100xf32>
    %logistic3A_147 = arith.divf %logistic3A_145, %logistic3A_146 : vector<1000x100xf32>
    %slice3A_148 = vector.extract_strided_slice %add3A_120 {offsets = [0, 200], sizes = [1000, 100], strides = [1, 1]} : vector<1000x300xf32> to vector<1000x100xf32>
    %slice3A_149 = vector.extract_strided_slice %add3A_130 {offsets = [0, 200], sizes = [1000, 100], strides = [1, 1]} : vector<1000x300xf32> to vector<1000x100xf32>
    %mul3A_150 = arith.mulf %logistic3A_138, %slice3A_149 : vector<1000x100xf32>
    %add3A_151 = arith.addf %slice3A_148, %mul3A_150 : vector<1000x100xf32>
    %tanh3A = math.tanh %add3A_151 : vector<1000x100xf32>
    %sub3A = arith.constant 1.000000e+00 : f32
    %sub3A_152 = vector.broadcast %sub3A : f32 to vector<1000x100xf32>
    %sub3A_153 = arith.subf %sub3A_152, %logistic3A_147 : vector<1000x100xf32>
    %mul3A_154 = arith.mulf %sub3A_153, %tanh3A : vector<1000x100xf32>
    %mul3A_155 = arith.mulf %logistic3A_147, %get3A_84 : vector<1000x100xf32>
    %add3A_156 = arith.addf %mul3A_154, %mul3A_155 : vector<1000x100xf32>
    %swap3A = arith.constant 0 : index
    %swap3A_157 = arith.constant 0 : index
    %swap3A_158 = vector.load %arg10[%swap3A, %swap3A_157] : memref<1000x100xf32, #tpu.memory_space<vmem>>, vector<1000x100xf32>
    tpu.vector_store %arg10[%swap3A, %swap3A_157], %add3A_156 {strides = array<i32>} : memref<1000x100xf32, #tpu.memory_space<vmem>>, vector<1000x100xf32>,
    return
  }
  func.func @transform_0(%arg0: i32) -> (i32, i32, i32) {
    %c0_i32 = arith.constant 0 : i32
    %c0_i32_0 = arith.constant 0 : i32
    %c0_i32_1 = arith.constant 0 : i32
    return %c0_i32, %arg0, %c0_i32_0 : i32, i32, i32
  }
  func.func @transform_1(%arg0: i32) -> (i32, i32) {
    %c0_i32 = arith.constant 0 : i32
    %c0_i32_0 = arith.constant 0 : i32
    return %arg0, %c0_i32 : i32, i32
  }
  func.func @transform_2(%arg0: i32) -> (i32, i32) {
    %c0_i32 = arith.constant 0 : i32
    %c0_i32_0 = arith.constant 0 : i32
    %c0_i32_1 = arith.constant 0 : i32
    return %c0_i32, %c0_i32_0 : i32, i32
  }
  func.func @transform_3(%arg0: i32) -> (i32, i32) {
    %c0_i32 = arith.constant 0 : i32
    %c0_i32_0 = arith.constant 0 : i32
    %c0_i32_1 = arith.constant 0 : i32
    return %c0_i32, %c0_i32_0 : i32, i32
  }
  func.func @transform_4(%arg0: i32) -> (i32, i32) {
    %c0_i32 = arith.constant 0 : i32
    %c0_i32_0 = arith.constant 0 : i32
    %c0_i32_1 = arith.constant 0 : i32
    return %c0_i32, %c0_i32_0 : i32, i32
  }
  func.func @transform_5(%arg0: i32) -> (i32, i32) {
    %c0_i32 = arith.constant 0 : i32
    %c0_i32_0 = arith.constant 0 : i32
    %c0_i32_1 = arith.constant 0 : i32
    return %c0_i32, %c0_i32_0 : i32, i32
  }
  func.func @transform_6(%arg0: i32) -> (i32, i32) {
    %c0_i32 = arith.constant 0 : i32
    %c0_i32_0 = arith.constant 0 : i32
    %c0_i32_1 = arith.constant 0 : i32
    return %c0_i32, %c0_i32_0 : i32, i32
  }
  func.func @transform_7(%arg0: i32) -> (i32, i32) {
    %c0_i32 = arith.constant 0 : i32
    %c0_i32_0 = arith.constant 0 : i32
    %c0_i32_1 = arith.constant 0 : i32
    return %c0_i32, %c0_i32_0 : i32, i32
  }
  func.func @transform_8(%arg0: i32) -> (i32, i32) {
    %c0_i32 = arith.constant 0 : i32
    %c0_i32_0 = arith.constant 0 : i32
    %c0_i32_1 = arith.constant 0 : i32
    return %c0_i32, %c0_i32_0 : i32, i32
  }
  func.func @transform_9(%arg0: i32) -> (i32, i32) {
    %c0_i32 = arith.constant 0 : i32
    %c0_i32_0 = arith.constant 0 : i32
    return %arg0, %c0_i32 : i32, i32
  }
}

</mosaic_0001>

<sc_bundles>
// kernel: kernel.6.cloned.1.call-start
scs
__scs_entry_jumppad:
0x0: {  	(pc) =	sbr.rel $0x88, $3  }
0x1: {  	(tag) =	ssettag $0x0;
	lr =	simm.s32 $0x1  }
0x2: {  	[smem:$0x3F95] =	sst lr;
	_ =	strace $0xD0000000  }
0x3: {  	_ = 	snop  }
0x4: {  	_ = 	snop  }
0x5: {  	_ = 	snop  }
0x6: {  	_ = 	snop  }
0x7: {  	_ = 	snop  }
__scs_overlays_trampoline_lowered:
0x8: {  	[smem:$0x3FA4] =	sst s0  }
0x9: {  	[smem:$0x3FA5] =	sst s1  }
0xa: {  	[smem:$0x3FA6] =	sst s2  }
0xb: {  	[smem:$0x3FA7] =	sst s3  }
0xc: {  	[smem:$0x3FA8] =	sst s4  }
0xd: {  	[smem:$0x3FA9] =	sst s5  }
0xe: {  	[smem:$0x3FAA] =	sst s6  }
0xf: {  	[smem:$0x3FAB] =	sst s7  }
0x10: {  	[smem:$0x3FAC] =	sst s8  }
0x11: {  	[smem:$0x3FAD] =	sst s9;
	s0 =	simm.s32 @!p0 $0x0  }
0x12: {  	s1 =	sld [smem:$0x3F93];
	s0 =	simm.s32 @p0 $0x1  }
0x13: {  	[smem:$0x3FAE] =	sst s0;
	s0 =	simm.s32 @!p1 $0x0  }
0x14: {  	s2 =	sld [smem:$0x3F92];
	s0 =	simm.s32 @p1 $0x1  }
0x15: {  	[smem:$0x3FAF] =	sst s0;
	s0 =	simm.s32 @!p2 $0x0  }
0x16: {  	s3 =	sld [smem:$0x3FDB];
	s0 =	simm.s32 @p2 $0x1  }
0x17: {  	s4 =	simm.s32 $0x1BF5;
	[smem:$0x3FB1] =	sst s0  }
0x18: {  	s0 =	sld [smem:$0x3F94];
	_ =	swait.ge [sflag:s4], $0x0  }
0x19: {  	s7 =	sld [smem:$0x3F95]  }
0x1a: {  	s8 =	sadd.s32 $0xFFFFE003, lr  }
0x1b: {  	s9 =	sadd.s32 $0xFFFFFEF7, lr;
	s5 =	simm.s32 $0xFFFFFFFF;
	p2 =	slt.u32 s8, $0xFFFFF086  }
0x1c: {  	p1 =	slt.u32 s9, $0xF7A;
	s5 =	simm.s32 @!p2 $0x0  }
0x1d: {  	s5 =	simm.s32 @p1 $0x1;
	p0 =	seq.s32 s7, s2  }
0x1e: {  	s7 =	smul.u32 @!p0 $0xF7A, s2;
	p2 =	seq.s32 @!p0 s5, $0x0  }
0x1f: {  	s9 =	smul.u32 $0xF7A, s1;
	s8 =	simm.s32 @!p0 $0x1BF5;
	p2 =	por !p2, p0  }
0x20: {  	[sflag:s8] =	ssyncset.s32 @!p0 $0xFFFFF086;
	s6 =	sadd.s32 @!p0 s3, s7;
	s7 =	simm.s32 @!p0 $0x108  }
0x21: {  	s3 =	sadd.s32 s3, s9;
	s6 =	sadd.s32 @!p0 $0x88, s6;
	s7 =	simm.s32 @p2 $0x1082  }
0x22: {  	[simem:s7], [sflag:s8] =	dma.local @!p0 [hbm:s6], $0xF7A  }
0x23: {  	s9 =	sor.u32 $0xD0000000, s2;
	s6 =	simm.s32 $0x108;
	_ =	swait.ge @!p0 [sflag:s8], $0x0  }
0x24: {  	s3 =	sadd.s32 $0x88, s3;
	s6 =	simm.s32 @!p1 $0x1082;
	[sflag:s4] =	ssyncset.s32 $0xFFFFF086  }
0x25: {  	[simem:s6], [sflag:s4] =	dma.local [hbm:s3], $0xF7A  }
0x26: {  	[smem:$0x3F95] =	sst s1;
	(tag) =	ssettag s2;
	_ =	strace s9  }
0x27: {  	s1 =	sld [smem:$0x3FA5]  }
0x28: {  	s2 =	sld [smem:$0x3FA6]  }
0x29: {  	s4 =	sld [smem:$0x3FA8]  }
0x2a: {  	p0 =	seq.s32 s5, $0x0;
	s5 =	sld [smem:$0x3FA9]  }
0x2b: {  	s6 =	sld [smem:$0x3FAA]  }
0x2c: {  	s7 =	sld [smem:$0x3FAB]  }
0x2d: {  	s3 =	simm.s32 $0x108;
	s8 =	sld [smem:$0x3FAC]  }
0x2e: {  	s3 =	simm.s32 @!p0 $0x1082;
	s9 =	sld [smem:$0x3FAD]  }
0x2f: {  	lr =	sadd.s32 s0, s3;
	s0 =	sld [smem:$0x3FA4]  }
0x30: {  	s3 =	sld [smem:$0x3FA7]  }
0x31: {  	[smem:$0x3FB0] =	sst s10  }
0x32: {  	s10 =	sld [smem:$0x3FAE];
	_ =	sdelay $0x3  }
0x33: {  	p0 =	seq.s32 s10, $0x1;
	s10 =	sld [smem:$0x3FB0];
	_ =	sdelay $0x3  }
0x34: {  	[smem:$0x3FB0] =	sst s10  }
0x35: {  	s10 =	sld [smem:$0x3FAF];
	_ =	sdelay $0x3  }
0x36: {  	p1 =	seq.s32 s10, $0x1;
	s10 =	sld [smem:$0x3FB0];
	_ =	sdelay $0x3  }
0x37: {  	[smem:$0x3FB0] =	sst s10  }
0x38: {  	s10 =	sld [smem:$0x3FB1]  }
0x39: {  	_ = 	snop;
	(pc) =	sbr.ind lr, $3  }
0x3a: {  	_ = 	snop  }
0x3b: {  	_ = 	snop  }
0x3c: {  	p2 =	seq.s32 s10, $0x1;
	s10 =	sld [smem:$0x3FB0]  }
0x3d: {  	_ =	shalt  }
0x3e: {  	_ =	shalt  }
0x3f: {  	_ =	shalt  }
0x40: {  	_ =	shalt  }
0x41: {  	_ =	shalt  }
0x42: {  	_ =	shalt  }
0x43: {  	_ =	shalt  }
0x44: {  	_ =	shalt  }
0x45: {  	_ =	shalt  }
0x46: {  	_ =	shalt  }
0x47: {  	_ =	shalt  }
0x48: {  	_ =	shalt  }
0x49: {  	_ =	shalt  }
0x4a: {  	_ =	shalt  }
0x4b: {  	_ =	shalt  }
0x4c: {  	_ =	shalt  }
0x4d: {  	_ =	shalt  }
0x4e: {  	_ =	shalt  }
0x4f: {  	_ =	shalt  }
0x50: {  	_ =	shalt  }
0x51: {  	_ =	shalt  }
0x52: {  	_ =	shalt  }
0x53: {  	_ =	shalt  }
0x54: {  	_ =	shalt  }
0x55: {  	_ =	shalt  }
0x56: {  	_ =	shalt  }
0x57: {  	_ =	shalt  }
0x58: {  	_ =	shalt  }
0x59: {  	_ =	shalt  }
0x5a: {  	_ =	shalt  }
0x5b: {  	_ =	shalt  }
0x5c: {  	_ =	shalt  }
0x5d: {  	_ =	shalt  }
0x5e: {  	_ =	shalt  }
0x5f: {  	_ =	shalt  }
0x60: {  	_ =	shalt  }
0x61: {  	_ =	shalt  }
0x62: {  	_ =	shalt  }
0x63: {  	_ =	shalt  }
0x64: {  	_ =	shalt  }
0x65: {  	_ =	shalt  }
0x66: {  	_ =	shalt  }
0x67: {  	_ =	shalt  }
0x68: {  	_ =	shalt  }
0x69: {  	_ =	shalt  }
0x6a: {  	_ =	shalt  }
0x6b: {  	_ =	shalt  }
0x6c: {  	_ =	shalt  }
0x6d: {  	_ =	shalt  }
0x6e: {  	_ =	shalt  }
0x6f: {  	_ =	shalt  }
0x70: {  	_ =	shalt  }
0x71: {  	_ =	shalt  }
0x72: {  	_ =	shalt  }
0x73: {  	_ =	shalt  }
0x74: {  	_ =	shalt  }
0x75: {  	_ =	shalt  }
0x76: {  	_ =	shalt  }
0x77: {  	_ =	shalt  }
0x78: {  	_ =	shalt  }
0x79: {  	_ =	shalt  }
0x7a: {  	_ =	shalt  }
0x7b: {  	_ =	shalt  }
0x7c: {  	_ =	shalt  }
0x7d: {  	_ =	shalt  }
0x7e: {  	_ =	shalt  }
0x7f: {  	_ =	shalt  }
0x80: {  	_ =	shalt  }
0x81: {  	_ =	shalt  }
0x82: {  	_ =	shalt  }
0x83: {  	_ =	shalt  }
0x84: {  	_ =	shalt  }
0x85: {  	_ =	shalt  }
0x86: {  	_ =	shalt  }
0x87: {  	_ =	shalt  }
.Lfunc_end0:
.L_simem_size_0:
called_computation_lowered:
.L_overlay_start_0:
0x88: {  	s2 =	sld [smem:$0x3FD9]  }
0x89: {  	s3 =	sld [smem:$0x3FFE];
	_ =	sdelay $0x1  }
0x8a: {  	s1 =	srdreg.scid  }
0x8b: {  	s0 =	sand.u32 $0x1, s1  }
0x8c: {  	s14 =	sshll.u32 s0, $0xA;
	s2 =	sadd.s32 s3, s2  }
0x8d: {  	s2 =	sadd.s32 s2, s14  }
0x8e: {  	[smem:$0x3FBC] =	sst s2  }
0x8f: {  	_ = 	snop  }
0x90: {  	s2 =	sld [smem:$0x3FD0]  }
0x91: {  	s15 =	sld [smem:$0x3FC9]  }
0x92: {  	s4 =	sld [smem:$0x3FC8]  }
0x93: {  	s6 =	simm.s32 $0xA;
	s7 =	simm.s32 $0x10;
	s5 =	sld [smem:$0x3FC7]  }
0x94: {  	[smem:s7], [sflag:s6] =	dma.local [hbm:s2], $0x1  }
0x95: {  	_ =	swait.eq [sflag:s6], $0x1  }
0x96: {  	[sflag:s6] =	ssyncset.done $0x0  }
0x97: {  	s16 =	sld [smem:$0x10];
	[sflag:s6] =	ssyncadd.s32 $0xFFFFFFFF  }
0x98: {  	s17 =	sld [smem:$0x11];
	(tm) =	ssettm $0x1  }
0x99: {  	s18 =	sld [smem:$0x3FFB];
	_ =	sdelay $0x3  }
0x9a: {  	_ =	strace s18  }
0x9b: {  	s7 =	sld [smem:$0x3FFC];
	_ =	sdelay $0x3  }
0x9c: {  	_ =	strace s7  }
0x9d: {  	s7 =	sld [smem:$0x3FFD];
	_ =	sdelay $0x3  }
0x9e: {  	_ =	strace s7  }
0x9f: {  	_ =	strace $0x8FFFFFFF  }
0xa0: {  	s19 =	sld [smem:$0x3FDB];
	_ =	sdelay $0x1  }
0xa1: {  	s8 =	simm.s32 $_scs_section_size  }
0xa2: {  	s9 =	simm.s32 $_size__tile_overlayer_lowered;
	s10 =	simm.s32 $_tile_overlayer_lowered  }
0xa3: {  	s22 =	simm.s32 $0x1BFF;
	s21 =	sshll.u32 s10, $0x1;
	s7 =	sadd.s32 s8, s19  }
0xa4: {  	s11 =	simm.s32 $0x0;
	s20 =	sshll.u32 s9, $0x1;
	s9 =	sadd.s32 s21, s7  }
0xa5: {  	[timem:s11], [sflag:s22] =	dma.local [hbm:s9], s20  }
0xa6: {  	_ =	swait.ge [sflag:s22], s20  }
0xa7: {  	s8 =	ssub.s32 $0x0, s20;
	[sflag:s22] =	ssyncset.done $0x0  }
0xa8: {  	[sflag:s22] =	ssyncadd.s32 s8;
	_ =	sdelay $0x1  }
0xa9: {  	s23 =	simm.s32 $0x1B8B  }
0xaa: {  	_ =	swait.ge [sflag:s23], $0x1  }
0xab: {  	[sflag:s23] =	ssyncset.done $0x0  }
0xac: {  	s25 =	simm.s32 $0x1B8E;
	s24 =	sld [smem:$0x3FFE];
	[sflag:s23] =	ssyncadd.s32 $0xFFFFFFFF  }
0xad: {  	s26 =	simm.s32 $execute0_lowered;
	[smem:$0x3FD2] =	sst s25  }
0xae: {  	s9 =	sshll.u32 s26, $0x1;
	_ =	strace $0x80000046;
	[dreg:$0x1] =	wrdreg $0xFFFFFFFF  }
0xaf: {  	s28 =	simm.s32 $_size_execute0_lowered;
	s7 =	sadd.s32 s7, s9;
	[dreg:$0x0] =	wrdreg $0x0  }
0xb0: {  	s9 =	sshll.u32 s28, $0x1;
	[dreg:$0x2] =	wrdreg s7  }
0xb1: {  	[dreg:$0x3] =	wrdreg s9  }
0xb2: {  	[dreg:$0x4] =	wrdreg $0xC0  }
0xb3: {  	_ =	task [dreg:s11], $0x5FFFF  }
0xb4: {  	[dreg:$0x1] =	wrdreg $0xFFFFFFFF  }
0xb5: {  	[dreg:$0x0] =	wrdreg $0x60  }
0xb6: {  	[dreg:$0x2] =	wrdreg s24  }
0xb7: {  	[dreg:$0x3] =	wrdreg s16  }
0xb8: {  	[dreg:$0x4] =	wrdreg s15  }
0xb9: {  	[dreg:$0x5] =	wrdreg s4  }
0xba: {  	[dreg:$0x6] =	wrdreg s5  }
0xbb: {  	[dreg:$0x7] =	wrdreg s17  }
0xbc: {  	[dreg:$0x8] =	wrdreg $0x1E1400  }
0xbd: {  	[dreg:$0x9] =	wrdreg $0x9  }
0xbe: {  	_ =	task.clear_ibuf [dreg:s11], $0xAFFFF;
	_ =	strace $0x90000046  }
0xbf: {  	s29 =	simm.s32 $0x9;
	_ =	strace $0x80000048  }
0xc0: {  	_ =	swait.ge [sflag:s29], $0x1  }
0xc1: {  	[sflag:s29] =	ssyncadd.s32 $0xFFFFFFFF  }
0xc2: {  	_ =	strace $0x90000048  }
0xc3: {  	_ =	sfence  }
0xc4: {  	s30 =	sld [smem:$0x0];
	_ =	sdelay $0x2  }
0xc5: {  	s31 =	sshll.u32 s1, $0xD;
	s1 =	sshrl.u32 s1, $0x2  }
0xc6: {  	s3 =	sand.u32 $0x4000, s31;
	s1 =	sadd.s32 s1, s30  }
0xc7: {  	s0 =	sor.u32 s3, s0;
	s1 =	sshll.u32 s1, $0x11  }
0xc8: {  	s0 =	sor.u32 s1, s0  }
0xc9: {  	s0 =	sadd.s32 $0x8F2B, s0  }
0xca: {  	[sflag:s0] =	ssyncadd.remote.s32 $0x1  }
0xcb: {  	_ =	sfence.sel $0xFFFF  }
0xcc: {  	[dreg:$0x0] =	wrdreg $0xFFFFFFFF;
	(pc) =	sbr.abs _section_cstart, $3  }
0xcd: {  	[dreg:$0x1] =	wrdreg $0xFFFFFFFF  }
0xce: {  	_ =	task.clear_ibuf [dreg:s11], $0x2FFFF;
	_ =	strace $0x9FFFFFFF  }
0xcf: {  	(tm) =	ssettm $0x7FFFFFFF  }
tec
execute0_lowered:
.L_overlay_start_1:
0x0: {  	(tag) =	ssettag $0x1  }
0x1: {  	s0 =	rddreg [dreg:$0x0]  }
0x2: {  	s22 =	rddreg [dreg:$0x1]  }
0x3: {  	s2 =	rddreg [dreg:$0x2]  }
0x4: {  	s3 =	rddreg [dreg:$0x3]  }
0x5: {  	s4 =	rddreg [dreg:$0x4]  }
0x6: {  	s1 =	rddreg [dreg:$0x5]  }
0x7: {  	s5 =	rddreg [dreg:$0x6];
	s8 =	srdreg.scid;
	s6 =	simm.s32 $0x0  }
0x8: {  	s9 =	stileid.u32;
	s7 =	sand.u32 $0x1, s8;
	[smem:$0x7FF] =	sst s6  }
0x9: {  	s10 =	smul.u32 $0x6400, s9;
	s15 =	sshll.u32 s9, $0x1;
	s8 =	sor.u32 $0xFFFFFFFE, s8  }
0xa: {  	s16 =	smul.u32 $0x32000, s9;
	s30 =	sadd.s32 $0x4E2, s22;
	s31 =	sadd.s32 $0x2710, s5  }
0xb: {  	p0 =	sne.s32 s9, $0x0;
	s11 =	ssub.s32 $0x2, s7;
	_ =	strace $0x80000047  }
0xc: {  	s17 =	smul.u32 $0xC350, s7;
	s7 =	sadd.s32 $0x1253600, s0;
	[dreg:$0xd] =	wrdreg s30  }
0xd: {  	s28 =	smul.u32 $0x19000, s8;
	[dreg:$0xe] =	wrdreg s31;
	s30 =	sadd.s32 $0x222E, s22  }
0xe: {  	s29 =	smul.u32 $0x3200, s8;
	s31 =	sadd.s32 $0x11170, s5;
	[dreg:$0x1e] =	wrdreg s30  }
0xf: {  	s12 =	sshrl.u32 s11, $0x1;
	s10 =	sadd.s32 s10, s0;
	[dreg:$0x1f] =	wrdreg s31  }
0x10: {  	s11 =	ssub.s32 s11, s12;
	s18 =	sadd.s32 $0x2710, s17;
	s13 =	sshrl.u32 s17, $0x3  }
0x11: {  	s19 =	sadd.s32 $0x4E20, s17;
	s20 =	sadd.s32 $0x7530, s17;
	s9 =	sadd.s32 s17, s5  }
0x12: {  	s16 =	sadd.s32 s28, s16;
	s28 =	sadd.s32 $0x1D4C, s22;
	[dreg:$0x10] =	wrdreg s9  }
0x13: {  	s21 =	sadd.s32 $0x9C40, s17;
	s13 =	sadd.s32 s1, s13;
	[dreg:$0x1c] =	wrdreg s28  }
0x14: {  	s14 =	sshrl.u32 s18, $0x3;
	s12 =	sadd.s32 s20, s5;
	[dreg:$0x8] =	wrdreg s13  }
0x15: {  	s24 =	sshrl.u32 s19, $0x3;
	s17 =	sadd.s32 s21, s5;
	[dreg:$0x13] =	wrdreg s12  }
0x16: {  	s25 =	sshrl.u32 s20, $0x3;
	s20 =	sadd.s32 $0x7530, s5;
	[dreg:$0x14] =	wrdreg s17  }
0x17: {  	s26 =	sshrl.u32 s21, $0x3;
	s21 =	sadd.s32 $0x1388, s22;
	[dreg:$0x17] =	wrdreg s20  }
0x18: {  	s23 =	sadd.s32 s1, s14;
	s13 =	sadd.s32 s1, s24;
	[dreg:$0x18] =	wrdreg s21  }
0x19: {  	s14 =	sadd.s32 s15, s8;
	s15 =	smax.u32 s11, $0x1;
	[dreg:$0x9] =	wrdreg s23  }
0x1a: {  	s8 =	sadd.s32 $0x9C4, s22;
	s11 =	sadd.s32 s19, s5;
	[dreg:$0xa] =	wrdreg s13  }
0x1b: {  	s19 =	sadd.s32 $0xEA6, s22;
	s24 =	sadd.s32 $0x186A, s22;
	[dreg:$0xf] =	wrdreg s8  }
0x1c: {  	s12 =	sadd.s32 $0x2710, s22;
	s17 =	sadd.s32 $0x13880, s5;
	[dreg:$0x12] =	wrdreg s11  }
0x1d: {  	s20 =	simm.s32 $0x19320;
	s21 =	simm.s32 $0x2;
	[dreg:$0x16] =	wrdreg s19  }
0x1e: {  	s13 =	sadd.s32 s1, s25;
	s1 =	sadd.s32 s1, s26;
	[dreg:$0x1a] =	wrdreg s24  }
0x1f: {  	s23 =	sadd.s32 $0x9C40, s5;
	s26 =	sadd.s32 $0xC350, s5;
	[dreg:$0xb] =	wrdreg s13  }
0x20: {  	s19 =	sadd.s32 $0x15F90, s5;
	s24 =	simm.s32 $0x0;
	[dreg:$0xc] =	wrdreg s1  }
0x21: {  	s13 =	sadd.s32 $0xF46200, s0;
	s0 =	sadd.s32 s29, s10;
	[dreg:$0x19] =	wrdreg s23  }
.Ltmp0:
0x22: {  	s10 =	sadd.s32 s18, s5;
	[dreg:$0x1b] =	wrdreg s26;
	(pc) =	sbr.rel .LBB2_1-.Ltmp0, $4  }
0x23: {  	s1 =	simm.s32 @!p0 $0x0;
	s18 =	sadd.s32 $0x4E20, s5;
	[dreg:$0x11] =	wrdreg s10  }
0x24: {  	s29 =	sadd.s32 $0xEA60, s5;
	s23 =	simm.s32 $0x2710;
	[dreg:$0x15] =	wrdreg s18  }
0x25: {  	s1 =	simm.s32 @p0 $0x1;
	s25 =	sadd.s32 $0x13DA000, s0;
	[dreg:$0x1d] =	wrdreg s29  }
0x26: {  	s18 =	sadd.s32 $0x2BF2, s22;
	s22 =	simm.s32 $0x1BA30;
	[smem:$0x7FD] =	sst s1  }
.LBB2_10:
0x27: {  	s24 =	sadd.s32 $0x1, s24  }
0x28: {  	p0 =	sne.s32 s24, s15  }
.Ltmp1:
0x29: {  	_ = 	snop;
	(pc) =	sbr.rel @!p0 .LBB2_11-.Ltmp1, $1  }
0x2a: {  	_ =	sdelay $0x3  }
.LBB2_1:
0x2b: {  	s0 =	sld [smem:$0x7FD];
	_ =	sdelay $0x2  }
0x2c: {  	p0 =	seq.s32 s0, $0x1  }
.Ltmp2:
0x2d: {  	_ = 	snop;
	(pc) =	sbr.rel @!p0 .LBB2_2-.Ltmp2, $1  }
0x2e: {  	_ =	sdelay $0x3  }
0x2f: {  	p1 =	sgt.s32 s14, $0x1F3  }
0x30: {  	p2 =	slt.s32 @!p1 s14, $0xFA  }
0x31: {  	s1 =	smov.u32 s14;
	s0 =	sadd.s32 @!p1 $0xFFFFFF06, s14;
	p2 =	por !p2, p1  }
0x32: {  	s1 =	smov.u32 @p2 s0  }
0x33: {  	s0 =	smul.u32 @!p1 $0x320, s1  }
0x34: {  	s26 =	simm.s32 $0xFFD50800;
	p2 =	sgt.s32 @!p1 s14, $0xF9  }
0x35: {  	s29 =	simm.s32 $0xFFDAE400;
	p4 =	por !p2, p1;
	s0 =	sshrl.u32 @!p1 s0, $0x3  }
0x36: {  	s8 =	simm.s32 @!p4 $0x0;
	s9 =	simm.s32 @!p4 $0x3;
	s1 =	sadd.s32 @!p4 s3, s0  }
0x37: {  	[tilespmem:s8], [sflag:$0x3] =	stream.linear.gather @!p4 [hbm4b:s1+s8], $0x320, $0x38;
	[tilespmem:$0x1F9B0] =	vst v63  }
0x38: {  	s28 =	sadd.s32 $0x2EE000, s16;
	s30 =	sadd.s32 $0x1E, s14;
	_ =	swait.ge @!p4 [sflag:s9], $0x320  }
0x39: {  	s11 =	smov.u32 s30;
	s31 =	simm.s32 @!p4 $0x2;
	[sflag:s9] =	ssyncset.done @!p4 $0x0  }
0x3a: {  	s1 =	simm.s32 @!p4 $0x320;
	[sflag:s9] =	ssyncadd.s32 @!p4 $0xFFFFFCE0;
	s9 =	simm.s32 @!p4 $0x1  }
0x3b: {  	[tilespmem:s1], [sflag:$0x1] =	stream.indirect.gather @!p4 [hbm4b:s7+s1], $0x80, s8, s1, $0xb8;
	[tilespmem:$0x1F9B0] =	vst v63  }
0x3c: {  	p1 =	por p1, p1;
	s31 =	simm.s32 @p4 $0x3;
	_ =	swait.ge @!p4 [sflag:s9], $0x19000  }
0x3d: {  	p5 =	por p2, p1;
	p2 =	sgt.s32 s30, $0x1F3;
	[sflag:s9] =	ssyncset.done @!p4 $0x0  }
0x3e: {  	s0 =	sadd.s32 @!p5 s2, s0;
	s8 =	simm.s32 @!p5 $0x0;
	[sflag:s9] =	ssyncadd.s32 @!p4 $0xFFFE7000  }
0x3f: {  	[tilespmem:s8], [sflag:$0x3] =	stream.linear.gather @!p5 [hbm4b:s0+s8], $0x320, $0x38;
	[tilespmem:$0x1F9B0] =	vst v63  }
0x40: {  	s10 =	simm.s32 @!p5 $0x1;
	p6 =	slt.s32 @!p2 s30, $0xFA;
	s0 =	simm.s32 @!p5 $0x3  }
0x41: {  	p3 =	sgt.s32 @!p2 s30, $0xF9;
	p6 =	por !p6, p2;
	_ =	swait.ge @!p5 [sflag:s0], $0x320  }
0x42: {  	s1 =	sadd.s32 @!p4 $0xFFCF2C00, s25;
	s9 =	sshrl.u32 @!p5 s16, $0x3;
	[sflag:s0] =	ssyncset.done @!p5 $0x0  }
0x43: {  	s9 =	sadd.s32 @!p5 s13, s9;
	[sflag:s0] =	ssyncadd.s32 @!p5 $0xFFFFFCE0;
	s0 =	simm.s32 @!p5 $0x320  }
0x44: {  	[tilespmem:s0], [sflag:$0x1] =	stream.indirect.gather @!p5 [hbm4b:s7+s0], $0x80, s8, s0, $0xb8;
	[tilespmem:$0x1F9B0] =	vst v63  }
0x45: {  	s1 =	smov.u32 @p4 s9;
	s8 =	sadd.s32 @!p2 $0xFFFFFF06, s30;
	_ =	swait.ge @!p5 [sflag:s10], $0x19000  }
0x46: {  	s9 =	simm.s32 @!p1 $0x0;
	s11 =	smov.u32 @p6 s8;
	[sflag:s10] =	ssyncset.done @!p5 $0x0  }
0x47: {  	s0 =	simm.s32 @!p1 $0x320;
	s8 =	smul.u32 @!p2 $0x320, s11;
	[sflag:s10] =	ssyncadd.s32 @!p5 $0xFFFE7000  }
.LBB2_8:
0x48: {  	[hbm4b:s1+s9] =	stream.linear.scatter @!p1 [tilespmem:s0], [sflag:s31], $0x19000, $0x38;
	[tilespmem:$0x1F9B0] =	vst v63  }
0x49: {  	s0 =	smov.u32 s26;
	s26 =	smov.u32 s29;
	s1 =	smov.u32 s28  }
0x4a: {  	p4 =	por !p3, p2;
	s8 =	sshrl.u32 @!p2 s8, $0x3;
	_ =	swait.ge @!p1 [sflag:s31], $0x19000  }
0x4b: {  	s9 =	sadd.s32 @!p4 s3, s8;
	[sflag:s31] =	ssyncset.done @!p1 $0x0  }
0x4c: {  	s10 =	simm.s32 @!p4 $0x0;
	s11 =	simm.s32 @!p4 $0x3;
	[sflag:s31] =	ssyncadd.s32 @!p1 $0xFFFE7000  }
0x4d: {  	[tilespmem:s10], [sflag:$0x3] =	stream.linear.gather @!p4 [hbm4b:s9+s10], $0x320, $0x38;
	[tilespmem:$0x1F9B0] =	vst v63  }
0x4e: {  	s29 =	sadd.s32 $0x5DC00, s29;
	p1 =	por p2, p2;
	_ =	swait.ge @!p4 [sflag:s11], $0x320  }
0x4f: {  	p5 =	sne.s32 s29, $0x32C800;
	[sflag:s11] =	ssyncset.done @!p4 $0x0  }
0x50: {  	s9 =	simm.s32 @!p4 $0x320;
	[sflag:s11] =	ssyncadd.s32 @!p4 $0xFFFFFCE0;
	s11 =	simm.s32 @!p4 $0x1  }
0x51: {  	[tilespmem:s9], [sflag:$0x1] =	stream.indirect.gather @!p4 [hbm4b:s7+s9], $0x80, s10, s9, $0xb8;
	[tilespmem:$0x1F9B0] =	vst v63  }
0x52: {  	_ =	swait.ge @!p4 [sflag:s11], $0x19000  }
0x53: {  	s28 =	sadd.s32 $0x2EE000, s28;
	p6 =	por p3, p1;
	[sflag:s11] =	ssyncset.done @!p4 $0x0  }
0x54: {  	s8 =	sadd.s32 @!p6 s2, s8;
	s9 =	simm.s32 @!p6 $0x0;
	[sflag:s11] =	ssyncadd.s32 @!p4 $0xFFFE7000  }
0x55: {  	[tilespmem:s9], [sflag:$0x3] =	stream.linear.gather @!p6 [hbm4b:s8+s9], $0x320, $0x38;
	[tilespmem:$0x1F9B0] =	vst v63  }
0x56: {  	s30 =	sadd.s32 $0x1E, s30;
	s10 =	sshrl.u32 @!p6 s1, $0x3;
	s8 =	simm.s32 @!p6 $0x3  }
0x57: {  	s1 =	sadd.s32 @!p4 s0, s25;
	s0 =	sadd.s32 @!p6 s13, s10;
	_ =	swait.ge @!p6 [sflag:s8], $0x320  }
0x58: {  	p2 =	sgt.s32 s30, $0x1F3;
	s1 =	smov.u32 @p4 s0;
	[sflag:s8] =	ssyncset.done @!p6 $0x0  }
0x59: {  	s10 =	simm.s32 @!p6 $0x1;
	s0 =	simm.s32 @!p6 $0x320;
	[sflag:s8] =	ssyncadd.s32 @!p6 $0xFFFFFCE0  }
0x5a: {  	[tilespmem:s0], [sflag:$0x1] =	stream.indirect.gather @!p6 [hbm4b:s7+s0], $0x80, s9, s0, $0xb8;
	[tilespmem:$0x1F9B0] =	vst v63  }
.Ltmp3:
0x5b: {  	s31 =	simm.s32 @!p4 $0x2;
	p0 =	slt.s32 @!p2 s30, $0xFA;
	(pc) =	sbr.rel @p5 .LBB2_8-.Ltmp3, $4  }
0x5c: {  	p3 =	sgt.s32 @!p2 s30, $0xF9;
	p0 =	por !p0, p2;
	s8 =	sadd.s32 @!p2 $0xFFFFFF06, s30  }
0x5d: {  	s11 =	smov.u32 s30;
	s0 =	simm.s32 @!p1 $0x320;
	_ =	swait.ge @!p6 [sflag:s10], $0x19000  }
0x5e: {  	s11 =	smov.u32 @p0 s8;
	s9 =	simm.s32 @!p1 $0x0;
	[sflag:s10] =	ssyncset.done @!p6 $0x0  }
0x5f: {  	s31 =	simm.s32 @p4 $0x3;
	s8 =	smul.u32 @!p2 $0x320, s11;
	[sflag:s10] =	ssyncadd.s32 @!p6 $0xFFFE7000  }
0x60: {  	[hbm4b:s1+s9] =	stream.linear.scatter @!p1 [tilespmem:s0], [sflag:s31], $0x19000, $0x38;
	[tilespmem:$0x1F9B0] =	vst v63  }
0x61: {  	p4 =	por !p3, p2;
	_ =	swait.ge @!p1 [sflag:s31], $0x19000  }
0x62: {  	s0 =	sshrl.u32 @!p2 s8, $0x3;
	s8 =	simm.s32 @!p4 $0x0;
	[sflag:s31] =	ssyncset.done @!p1 $0x0  }
0x63: {  	s9 =	simm.s32 @!p4 $0x3;
	s1 =	sadd.s32 @!p4 s3, s0;
	[sflag:s31] =	ssyncadd.s32 @!p1 $0xFFFE7000  }
0x64: {  	[tilespmem:s8], [sflag:$0x3] =	stream.linear.gather @!p4 [hbm4b:s1+s8], $0x320, $0x38;
	[tilespmem:$0x1F9B0] =	vst v63  }
0x65: {  	_ =	swait.ge @!p4 [sflag:s9], $0x320  }
0x66: {  	[sflag:s9] =	ssyncset.done @!p4 $0x0  }
0x67: {  	s1 =	simm.s32 @!p4 $0x320;
	[sflag:s9] =	ssyncadd.s32 @!p4 $0xFFFFFCE0;
	s9 =	simm.s32 @!p4 $0x1  }
0x68: {  	[tilespmem:s1], [sflag:$0x1] =	stream.indirect.gather @!p4 [hbm4b:s7+s1], $0x80, s8, s1, $0xb8;
	[tilespmem:$0x1F9B0] =	vst v63  }
0x69: {  	p1 =	por p2, p2;
	_ =	swait.ge @!p4 [sflag:s9], $0x19000  }
0x6a: {  	p2 =	por p3, p1;
	[sflag:s9] =	ssyncset.done @!p4 $0x0  }
0x6b: {  	s0 =	sadd.s32 @!p2 s2, s0;
	s1 =	simm.s32 @!p2 $0x0;
	[sflag:s9] =	ssyncadd.s32 @!p4 $0xFFFE7000  }
0x6c: {  	[tilespmem:s1], [sflag:$0x3] =	stream.linear.gather @!p2 [hbm4b:s0+s1], $0x320, $0x38;
	[tilespmem:$0x1F9B0] =	vst v63  }
0x6d: {  	s0 =	simm.s32 @!p2 $0x3  }
0x6e: {  	s8 =	simm.s32 @!p4 $0x2;
	_ =	swait.ge @!p2 [sflag:s0], $0x320  }
0x6f: {  	s10 =	simm.s32 @!p2 $0x1;
	s8 =	simm.s32 @p4 $0x3;
	[sflag:s0] =	ssyncset.done @!p2 $0x0  }
0x70: {  	s9 =	sshrl.u32 @!p2 s28, $0x3;
	[sflag:s0] =	ssyncadd.s32 @!p2 $0xFFFFFCE0;
	s0 =	simm.s32 @!p2 $0x320  }
0x71: {  	[tilespmem:s0], [sflag:$0x1] =	stream.indirect.gather @!p2 [hbm4b:s7+s0], $0x80, s1, s0, $0xb8;
	[tilespmem:$0x1F9B0] =	vst v63  }
0x72: {  	s0 =	sadd.s32 @!p4 s26, s25;
	s1 =	sadd.s32 @!p2 s13, s9;
	_ =	swait.ge @!p2 [sflag:s10], $0x19000  }
0x73: {  	s9 =	simm.s32 @!p1 $0x0;
	s0 =	smov.u32 @p4 s1;
	[sflag:s10] =	ssyncset.done @!p2 $0x0  }
.Ltmp4:
0x74: {  	s1 =	simm.s32 @!p1 $0x320;
	[sflag:s10] =	ssyncadd.s32 @!p2 $0xFFFE7000;
	(pc) =	sbr.rel .LBB2_10-.Ltmp4, $4  }
0x75: {  	[hbm4b:s0+s9] =	stream.linear.scatter @!p1 [tilespmem:s1], [sflag:s8], $0x19000, $0x38;
	[tilespmem:$0x1F9B0] =	vst v63  }
0x76: {  	_ =	swait.ge @!p1 [sflag:s8], $0x19000  }
0x77: {  	[sflag:s8] =	ssyncset.done @!p1 $0x0  }
0x78: {  	[sflag:s8] =	ssyncadd.s32 @!p1 $0xFFFE7000  }
.LBB2_2:
0x79: {  	s26 =	simm.s32 $0x0;
	s0 =	rddreg [dreg:$0x1]  }
0x7a: {  	[tilespmem:s20], [sflag:$0x2] =	stream.linear.gather [hbm4b:s0+s26], $0x2710, $0x38;
	[tilespmem:$0x1F9B0] =	vst v63  }
0x7b: {  	_ =	swait.ge [sflag:s21], $0x2710  }
0x7c: {  	[sflag:s21] =	ssyncset.done $0x0  }
0x7d: {  	[sflag:s21] =	ssyncadd.s32 $0xFFFFD8F0  }
0x7e: {  	[spmem:s5] =	stream.linear.scatter [tilespmem:s20], [sflag:$0x2], $0x2710, $0x38;
	[tilespmem:$0x1F9B0] =	vst v63  }
0x7f: {  	_ =	swait.ge [sflag:s21], $0x2710  }
0x80: {  	[sflag:s21] =	ssyncset.done $0x0  }
0x81: {  	s31 =	rddreg [dreg:$0xd];
	[sflag:s21] =	ssyncadd.s32 $0xFFFFD8F0  }
0x82: {  	[tilespmem:s20], [sflag:$0x2] =	stream.linear.gather [hbm4b:s31+s26], $0x2710, $0x38;
	[tilespmem:$0x1F9B0] =	vst v63  }
0x83: {  	_ =	swait.ge [sflag:s21], $0x2710  }
0x84: {  	[sflag:s21] =	ssyncset.done $0x0  }
0x85: {  	s1 =	rddreg [dreg:$0xe];
	[sflag:s21] =	ssyncadd.s32 $0xFFFFD8F0  }
0x86: {  	[spmem:s1] =	stream.linear.scatter [tilespmem:s20], [sflag:$0x2], $0x2710, $0x38;
	[tilespmem:$0x1F9B0] =	vst v63  }
0x87: {  	_ =	swait.ge [sflag:s21], $0x2710  }
0x88: {  	[sflag:s21] =	ssyncset.done $0x0  }
0x89: {  	s8 =	rddreg [dreg:$0xf];
	[sflag:s21] =	ssyncadd.s32 $0xFFFFD8F0  }
0x8a: {  	[tilespmem:s20], [sflag:$0x2] =	stream.linear.gather [hbm4b:s8+s26], $0x2710, $0x38;
	[tilespmem:$0x1F9B0] =	vst v63  }
0x8b: {  	_ =	swait.ge [sflag:s21], $0x2710  }
0x8c: {  	[sflag:s21] =	ssyncset.done $0x0  }
0x8d: {  	s9 =	rddreg [dreg:$0x15];
	[sflag:s21] =	ssyncadd.s32 $0xFFFFD8F0  }
0x8e: {  	[spmem:s9] =	stream.linear.scatter [tilespmem:s20], [sflag:$0x2], $0x2710, $0x38;
	[tilespmem:$0x1F9B0] =	vst v63  }
0x8f: {  	_ =	swait.ge [sflag:s21], $0x2710  }
0x90: {  	[sflag:s21] =	ssyncset.done $0x0  }
0x91: {  	s10 =	rddreg [dreg:$0x16];
	[sflag:s21] =	ssyncadd.s32 $0xFFFFD8F0  }
0x92: {  	[tilespmem:s20], [sflag:$0x2] =	stream.linear.gather [hbm4b:s10+s26], $0x2710, $0x38;
	[tilespmem:$0x1F9B0] =	vst v63  }
0x93: {  	_ =	swait.ge [sflag:s21], $0x2710  }
0x94: {  	[sflag:s21] =	ssyncset.done $0x0  }
0x95: {  	s11 =	rddreg [dreg:$0x17];
	[sflag:s21] =	ssyncadd.s32 $0xFFFFD8F0  }
0x96: {  	[spmem:s11] =	stream.linear.scatter [tilespmem:s20], [sflag:$0x2], $0x2710, $0x38;
	[tilespmem:$0x1F9B0] =	vst v63  }
0x97: {  	_ =	swait.ge [sflag:s21], $0x2710  }
0x98: {  	[sflag:s21] =	ssyncset.done $0x0  }
0x99: {  	s30 =	rddreg [dreg:$0x18];
	[sflag:s21] =	ssyncadd.s32 $0xFFFFD8F0  }
0x9a: {  	[tilespmem:s20], [sflag:$0x2] =	stream.linear.gather [hbm4b:s30+s26], $0x2710, $0x38;
	[tilespmem:$0x1F9B0] =	vst v63  }
0x9b: {  	_ =	swait.ge [sflag:s21], $0x2710  }
0x9c: {  	[sflag:s21] =	ssyncset.done $0x0  }
0x9d: {  	s31 =	rddreg [dreg:$0x19];
	[sflag:s21] =	ssyncadd.s32 $0xFFFFD8F0  }
0x9e: {  	[spmem:s31] =	stream.linear.scatter [tilespmem:s20], [sflag:$0x2], $0x2710, $0x38;
	[tilespmem:$0x1F9B0] =	vst v63  }
0x9f: {  	_ =	swait.ge [sflag:s21], $0x2710  }
0xa0: {  	[sflag:s21] =	ssyncset.done $0x0  }
0xa1: {  	s1 =	rddreg [dreg:$0x1a];
	[sflag:s21] =	ssyncadd.s32 $0xFFFFD8F0  }
0xa2: {  	[tilespmem:s20], [sflag:$0x2] =	stream.linear.gather [hbm4b:s1+s26], $0x2710, $0x38;
	[tilespmem:$0x1F9B0] =	vst v63  }
0xa3: {  	_ =	swait.ge [sflag:s21], $0x2710  }
0xa4: {  	[sflag:s21] =	ssyncset.done $0x0  }
0xa5: {  	s8 =	rddreg [dreg:$0x1b];
	[sflag:s21] =	ssyncadd.s32 $0xFFFFD8F0  }
0xa6: {  	[spmem:s8] =	stream.linear.scatter [tilespmem:s20], [sflag:$0x2], $0x2710, $0x38;
	[tilespmem:$0x1F9B0] =	vst v63  }
0xa7: {  	_ =	swait.ge [sflag:s21], $0x2710  }
0xa8: {  	[sflag:s21] =	ssyncset.done $0x0  }
0xa9: {  	s9 =	rddreg [dreg:$0x1c];
	[sflag:s21] =	ssyncadd.s32 $0xFFFFD8F0  }
0xaa: {  	[tilespmem:s20], [sflag:$0x2] =	stream.linear.gather [hbm4b:s9+s26], $0x2710, $0x38;
	[tilespmem:$0x1F9B0] =	vst v63  }
0xab: {  	_ =	swait.ge [sflag:s21], $0x2710  }
0xac: {  	[sflag:s21] =	ssyncset.done $0x0  }
0xad: {  	s10 =	rddreg [dreg:$0x1d];
	[sflag:s21] =	ssyncadd.s32 $0xFFFFD8F0  }
0xae: {  	[spmem:s10] =	stream.linear.scatter [tilespmem:s20], [sflag:$0x2], $0x2710, $0x38;
	[tilespmem:$0x1F9B0] =	vst v63  }
0xaf: {  	_ =	swait.ge [sflag:s21], $0x2710  }
0xb0: {  	[sflag:s21] =	ssyncset.done $0x0  }
0xb1: {  	s11 =	rddreg [dreg:$0x1e];
	[sflag:s21] =	ssyncadd.s32 $0xFFFFD8F0  }
0xb2: {  	[tilespmem:s20], [sflag:$0x2] =	stream.linear.gather [hbm4b:s11+s26], $0x2710, $0x38;
	[tilespmem:$0x1F9B0] =	vst v63  }
0xb3: {  	_ =	swait.ge [sflag:s21], $0x2710  }
0xb4: {  	[sflag:s21] =	ssyncset.done $0x0  }
0xb5: {  	s30 =	rddreg [dreg:$0x1f];
	[sflag:s21] =	ssyncadd.s32 $0xFFFFD8F0  }
0xb6: {  	[spmem:s30] =	stream.linear.scatter [tilespmem:s20], [sflag:$0x2], $0x2710, $0x38;
	[tilespmem:$0x1F9B0] =	vst v63  }
0xb7: {  	_ =	swait.ge [sflag:s21], $0x2710  }
0xb8: {  	[sflag:s21] =	ssyncset.done $0x0  }
0xb9: {  	[sflag:s21] =	ssyncadd.s32 $0xFFFFD8F0  }
0xba: {  	[tilespmem:s20], [sflag:$0x2] =	stream.linear.gather [hbm4b:s12+s26], $0x2710, $0x38;
	[tilespmem:$0x1F9B0] =	vst v63  }
0xbb: {  	_ =	swait.ge [sflag:s21], $0x2710  }
0xbc: {  	[sflag:s21] =	ssyncset.done $0x0  }
0xbd: {  	[sflag:s21] =	ssyncadd.s32 $0xFFFFD8F0  }
0xbe: {  	[spmem:s17] =	stream.linear.scatter [tilespmem:s20], [sflag:$0x2], $0x2710, $0x38;
	[tilespmem:$0x1F9B0] =	vst v63  }
0xbf: {  	_ =	swait.ge [sflag:s21], $0x2710  }
0xc0: {  	[sflag:s21] =	ssyncset.done $0x0  }
0xc1: {  	[sflag:s21] =	ssyncadd.s32 $0xFFFFD8F0  }
0xc2: {  	[tilespmem:s20], [sflag:$0x2] =	stream.linear.gather [hbm4b:s18+s26], $0x2710, $0x38;
	[tilespmem:$0x1F9B0] =	vst v63  }
0xc3: {  	_ =	swait.ge [sflag:s21], $0x2710  }
0xc4: {  	[sflag:s21] =	ssyncset.done $0x0  }
0xc5: {  	[sflag:s21] =	ssyncadd.s32 $0xFFFFD8F0  }
0xc6: {  	[spmem:s19] =	stream.linear.scatter [tilespmem:s20], [sflag:$0x2], $0x2710, $0x38;
	[tilespmem:$0x1F9B0] =	vst v63  }
0xc7: {  	_ =	swait.ge [sflag:s21], $0x2710  }
0xc8: {  	[sflag:s21] =	ssyncset.done $0x0  }
0xc9: {  	s31 =	sadd.s32 $0x0, s2;
	[sflag:s21] =	ssyncadd.s32 $0xFFFFD8F0  }
0xca: {  	[tilespmem:s20], [sflag:$0x2] =	stream.linear.gather [hbm4b:s31+s26], $0x2710, $0x38;
	[tilespmem:$0x1F9B0] =	vst v63  }
0xcb: {  	_ =	swait.ge [sflag:s21], $0x2710  }
0xcc: {  	[sflag:s21] =	ssyncset.done $0x0  }
0xcd: {  	s29 =	sadd.s32 $0x0, s4;
	[sflag:s21] =	ssyncadd.s32 $0xFFFFD8F0  }
0xce: {  	[tilespmem:s22], [sflag:$0x2] =	stream.linear.gather [hbm4b:s29+s26], $0x2710, $0x38;
	[tilespmem:$0x1F9B0] =	vst v63  }
0xcf: {  	_ =	swait.ge [sflag:s21], $0x2710  }
0xd0: {  	[sflag:s21] =	ssyncset.done $0x0  }
0xd1: {  	[sflag:s21] =	ssyncadd.s32 $0xFFFFD8F0  }
0xd2: {  	[spmem:s5] =	stream.indirect.scatter [tilespmem:s22], [sflag:$0x2], $0x1, s20, s23, $0xb8;
	[tilespmem:$0x1F9B0] =	vst v63  }
0xd3: {  	s28 =	simm.s32 $0x4E2;
	_ =	swait.ge [sflag:s21], $0x2710  }
0xd4: {  	s0 =	simm.s32 $0x9C4;
	s1 =	simm.s32 $0x4E2;
	[sflag:s21] =	ssyncset.done $0x0  }
.LBB2_3:
0xd5: {  	s8 =	sadd.s32 s1, s2  }
0xd6: {  	[sflag:s21] =	ssyncadd.s32 $0xFFFFD8F0;
	s9 =	smov.u32 s0;
	s30 =	sadd.s32 $0x4E2, s0  }
0xd7: {  	[tilespmem:s20], [sflag:$0x2] =	stream.linear.gather [hbm4b:s8+s26], $0x2710, $0x38;
	[tilespmem:$0x1F9B0] =	vst v63  }
0xd8: {  	p1 =	seq.s32 s0, $0x5CC6;
	_ =	swait.ge [sflag:s21], $0x2710  }
0xd9: {  	[sflag:s21] =	ssyncset.done $0x0  }
0xda: {  	s0 =	sadd.s32 s1, s4;
	s1 =	smov.u32 s9;
	[sflag:s21] =	ssyncadd.s32 $0xFFFFD8F0  }
0xdb: {  	[tilespmem:s22], [sflag:$0x2] =	stream.linear.gather [hbm4b:s0+s26], $0x2710, $0x38;
	[tilespmem:$0x1F9B0] =	vst v63  }
0xdc: {  	_ =	swait.ge [sflag:s21], $0x2710  }
.Ltmp5:
0xdd: {  	[sflag:s21] =	ssyncset.done $0x0;
	(pc) =	sbr.rel @!p1 .LBB2_3-.Ltmp5, $4  }
0xde: {  	[sflag:s21] =	ssyncadd.s32 $0xFFFFD8F0  }
0xdf: {  	[spmem:s5] =	stream.indirect.scatter [tilespmem:s22], [sflag:$0x2], $0x1, s20, s23, $0xb8;
	[tilespmem:$0x1F9B0] =	vst v63  }
0xe0: {  	_ =	swait.ge [sflag:s21], $0x2710  }
0xe1: {  	s0 =	smov.u32 s30;
	[sflag:s21] =	ssyncset.done $0x0  }
0xe2: {  	s0 =	sadd.s32 s1, s2;
	[sflag:s21] =	ssyncadd.s32 $0xFFFFD8F0  }
0xe3: {  	[tilespmem:s20], [sflag:$0x2] =	stream.linear.gather [hbm4b:s0+s26], $0x2710, $0x38;
	[tilespmem:$0x1F9B0] =	vst v63  }
0xe4: {  	_ =	swait.ge [sflag:s21], $0x2710  }
0xe5: {  	[sflag:s21] =	ssyncset.done $0x0  }
0xe6: {  	s30 =	sadd.s32 s1, s4;
	[sflag:s21] =	ssyncadd.s32 $0xFFFFD8F0  }
0xe7: {  	[tilespmem:s22], [sflag:$0x2] =	stream.linear.gather [hbm4b:s30+s26], $0x2710, $0x38;
	[tilespmem:$0x1F9B0] =	vst v63  }
0xe8: {  	_ =	swait.ge [sflag:s21], $0x2710  }
0xe9: {  	[sflag:s21] =	ssyncset.done $0x0  }
0xea: {  	[sflag:s21] =	ssyncadd.s32 $0xFFFFD8F0  }
0xeb: {  	[spmem:s5] =	stream.indirect.scatter [tilespmem:s22], [sflag:$0x2], $0x1, s20, s23, $0xb8;
	[tilespmem:$0x1F9B0] =	vst v63  }
0xec: {  	_ =	swait.ge [sflag:s21], $0x2710  }
0xed: {  	[sflag:s21] =	ssyncset.done $0x0  }
0xee: {  	s31 =	sadd.s32 $0x0, s3;
	[sflag:s21] =	ssyncadd.s32 $0xFFFFD8F0  }
0xef: {  	[tilespmem:s20], [sflag:$0x2] =	stream.linear.gather [hbm4b:s31+s6], $0x2710, $0x38;
	[tilespmem:$0x1F9B0] =	vst v63  }
0xf0: {  	_ =	swait.ge [sflag:s21], $0x2710  }
0xf1: {  	[sflag:s21] =	ssyncset.done $0x0  }
0xf2: {  	[sflag:s21] =	ssyncadd.s32 $0xFFFFD8F0  }
0xf3: {  	[tilespmem:s22], [sflag:$0x2] =	stream.linear.gather [hbm4b:s29+s6], $0x2710, $0x38;
	[tilespmem:$0x1F9B0] =	vst v63  }
0xf4: {  	_ =	swait.ge [sflag:s21], $0x2710  }
0xf5: {  	[sflag:s21] =	ssyncset.done $0x0  }
0xf6: {  	[sflag:s21] =	ssyncadd.s32 $0xFFFFD8F0  }
0xf7: {  	[spmem:s5] =	stream.indirect.scatter [tilespmem:s22], [sflag:$0x2], $0x1, s20, s23, $0xb8;
	[tilespmem:$0x1F9B0] =	vst v63  }
0xf8: {  	_ =	swait.ge [sflag:s21], $0x2710  }
0xf9: {  	s0 =	simm.s32 $0x9C4;
	[sflag:s21] =	ssyncset.done $0x0  }
.LBB2_5:
0xfa: {  	s1 =	sadd.s32 s28, s3  }
0xfb: {  	[sflag:s21] =	ssyncadd.s32 $0xFFFFD8F0;
	s8 =	smov.u32 s0;
	s9 =	sadd.s32 $0x4E2, s0  }
0xfc: {  	[tilespmem:s20], [sflag:$0x2] =	stream.linear.gather [hbm4b:s1+s6], $0x2710, $0x38;
	[tilespmem:$0x1F9B0] =	vst v63  }
0xfd: {  	p1 =	seq.s32 s0, $0x5CC6;
	_ =	swait.ge [sflag:s21], $0x2710  }
0xfe: {  	[sflag:s21] =	ssyncset.done $0x0  }
0xff: {  	s0 =	sadd.s32 s28, s4;
	s28 =	smov.u32 s8;
	[sflag:s21] =	ssyncadd.s32 $0xFFFFD8F0  }
0x100: {  	[tilespmem:s22], [sflag:$0x2] =	stream.linear.gather [hbm4b:s0+s6], $0x2710, $0x38;
	[tilespmem:$0x1F9B0] =	vst v63  }
0x101: {  	_ =	swait.ge [sflag:s21], $0x2710  }
.Ltmp6:
0x102: {  	[sflag:s21] =	ssyncset.done $0x0;
	(pc) =	sbr.rel @!p1 .LBB2_5-.Ltmp6, $4  }
0x103: {  	[sflag:s21] =	ssyncadd.s32 $0xFFFFD8F0  }
0x104: {  	[spmem:s5] =	stream.indirect.scatter [tilespmem:s22], [sflag:$0x2], $0x1, s20, s23, $0xb8;
	[tilespmem:$0x1F9B0] =	vst v63  }
0x105: {  	_ =	swait.ge [sflag:s21], $0x2710  }
0x106: {  	s0 =	smov.u32 s9;
	[sflag:s21] =	ssyncset.done $0x0  }
0x107: {  	s0 =	sadd.s32 s28, s3;
	[sflag:s21] =	ssyncadd.s32 $0xFFFFD8F0  }
0x108: {  	[tilespmem:s20], [sflag:$0x2] =	stream.linear.gather [hbm4b:s0+s6], $0x2710, $0x38;
	[tilespmem:$0x1F9B0] =	vst v63  }
0x109: {  	_ =	swait.ge [sflag:s21], $0x2710  }
0x10a: {  	[sflag:s21] =	ssyncset.done $0x0  }
0x10b: {  	s31 =	sadd.s32 s28, s4;
	[sflag:s21] =	ssyncadd.s32 $0xFFFFD8F0  }
0x10c: {  	[tilespmem:s22], [sflag:$0x2] =	stream.linear.gather [hbm4b:s31+s6], $0x2710, $0x38;
	[tilespmem:$0x1F9B0] =	vst v63  }
0x10d: {  	_ =	swait.ge [sflag:s21], $0x2710  }
0x10e: {  	[sflag:s21] =	ssyncset.done $0x0  }
0x10f: {  	[sflag:s21] =	ssyncadd.s32 $0xFFFFD8F0  }
0x110: {  	[spmem:s5] =	stream.indirect.scatter [tilespmem:s22], [sflag:$0x2], $0x1, s20, s23, $0xb8;
	[tilespmem:$0x1F9B0] =	vst v63  }
0x111: {  	_ =	swait.ge [sflag:s21], $0x2710  }
0x112: {  	[sflag:s21] =	ssyncset.done $0x0  }
0x113: {  	s1 =	rddreg [dreg:$0x10];
	[sflag:s21] =	ssyncadd.s32 $0xFFFFD8F0  }
0x114: {  	[tilespmem:s20], [sflag:$0x2] =	stream.linear.gather [spmem:s1], $0x2710, $0x38;
	[tilespmem:$0x1F9B0] =	vst v63  }
0x115: {  	_ =	swait.ge [sflag:s21], $0x2710  }
0x116: {  	[sflag:s21] =	ssyncset.done $0x0  }
0x117: {  	s8 =	rddreg [dreg:$0x8];
	[sflag:s21] =	ssyncadd.s32 $0xFFFFD8F0  }
0x118: {  	[hbm4b:s8+s6] =	stream.linear.scatter [tilespmem:s20], [sflag:$0x2], $0x2710, $0x38;
	[tilespmem:$0x1F9B0] =	vst v63  }
0x119: {  	_ =	swait.ge [sflag:s21], $0x2710  }
0x11a: {  	[sflag:s21] =	ssyncset.done $0x0  }
0x11b: {  	s9 =	rddreg [dreg:$0x11];
	[sflag:s21] =	ssyncadd.s32 $0xFFFFD8F0  }
0x11c: {  	[tilespmem:s20], [sflag:$0x2] =	stream.linear.gather [spmem:s9], $0x2710, $0x38;
	[tilespmem:$0x1F9B0] =	vst v63  }
0x11d: {  	_ =	swait.ge [sflag:s21], $0x2710  }
0x11e: {  	[sflag:s21] =	ssyncset.done $0x0  }
0x11f: {  	s10 =	rddreg [dreg:$0x9];
	[sflag:s21] =	ssyncadd.s32 $0xFFFFD8F0  }
0x120: {  	[hbm4b:s10+s6] =	stream.linear.scatter [tilespmem:s20], [sflag:$0x2], $0x2710, $0x38;
	[tilespmem:$0x1F9B0] =	vst v63  }
0x121: {  	_ =	swait.ge [sflag:s21], $0x2710  }
0x122: {  	[sflag:s21] =	ssyncset.done $0x0  }
0x123: {  	s11 =	rddreg [dreg:$0x12];
	[sflag:s21] =	ssyncadd.s32 $0xFFFFD8F0  }
0x124: {  	[tilespmem:s20], [sflag:$0x2] =	stream.linear.gather [spmem:s11], $0x2710, $0x38;
	[tilespmem:$0x1F9B0] =	vst v63  }
0x125: {  	_ =	swait.ge [sflag:s21], $0x2710  }
0x126: {  	[sflag:s21] =	ssyncset.done $0x0  }
0x127: {  	s26 =	rddreg [dreg:$0xa];
	[sflag:s21] =	ssyncadd.s32 $0xFFFFD8F0  }
0x128: {  	[hbm4b:s26+s6] =	stream.linear.scatter [tilespmem:s20], [sflag:$0x2], $0x2710, $0x38;
	[tilespmem:$0x1F9B0] =	vst v63  }
0x129: {  	_ =	swait.ge [sflag:s21], $0x2710  }
0x12a: {  	[sflag:s21] =	ssyncset.done $0x0  }
0x12b: {  	s28 =	rddreg [dreg:$0x13];
	[sflag:s21] =	ssyncadd.s32 $0xFFFFD8F0  }
0x12c: {  	[tilespmem:s20], [sflag:$0x2] =	stream.linear.gather [spmem:s28], $0x2710, $0x38;
	[tilespmem:$0x1F9B0] =	vst v63  }
0x12d: {  	_ =	swait.ge [sflag:s21], $0x2710  }
0x12e: {  	[sflag:s21] =	ssyncset.done $0x0  }
0x12f: {  	s29 =	rddreg [dreg:$0xb];
	[sflag:s21] =	ssyncadd.s32 $0xFFFFD8F0  }
0x130: {  	[hbm4b:s29+s6] =	stream.linear.scatter [tilespmem:s20], [sflag:$0x2], $0x2710, $0x38;
	[tilespmem:$0x1F9B0] =	vst v63  }
0x131: {  	_ =	swait.ge [sflag:s21], $0x2710  }
0x132: {  	[sflag:s21] =	ssyncset.done $0x0  }
0x133: {  	s30 =	rddreg [dreg:$0x14];
	[sflag:s21] =	ssyncadd.s32 $0xFFFFD8F0  }
0x134: {  	[tilespmem:s20], [sflag:$0x2] =	stream.linear.gather [spmem:s30], $0x2710, $0x38;
	[tilespmem:$0x1F9B0] =	vst v63  }
0x135: {  	_ =	swait.ge [sflag:s21], $0x2710  }
0x136: {  	[sflag:s21] =	ssyncset.done $0x0  }
.Ltmp7:
0x137: {  	s31 =	rddreg [dreg:$0xc];
	[sflag:s21] =	ssyncadd.s32 $0xFFFFD8F0;
	(pc) =	sbr.rel .LBB2_10-.Ltmp7, $4  }
0x138: {  	[hbm4b:s31+s6] =	stream.linear.scatter [tilespmem:s20], [sflag:$0x2], $0x2710, $0x38;
	[tilespmem:$0x1F9B0] =	vst v63  }
0x139: {  	_ =	swait.ge [sflag:s21], $0x2710  }
0x13a: {  	[sflag:s21] =	ssyncset.done $0x0  }
0x13b: {  	[sflag:s21] =	ssyncadd.s32 $0xFFFFD8F0  }
.LBB2_11:
0x13c: {  	_ =	sfence.sel $0x180000  }
0x13d: {  	[bflag:$0x0] =	sbarrier.arrive $0xFFFF  }
0x13e: {  	_ =	strace $0x90000047  }
0x13f: {  	[bflag:$0x2] =	sbarrier.arrive $0xFFFF  }
0x140: {  	s1 =	sld [smem:$0x7FD];
	_ =	sdelay $0x2  }
0x141: {  	s0 =	rddreg [dreg:$0x7];
	p0 =	seq.s32 s1, $0x1  }
0x142: {  	s0 =	sadd.s32 @!p0 $0x100000, s0  }
0x143: {  	[sflag:s0] =	ssyncadd.tile.s32 @!p0 $0x1;
	_ =	shalt  }
.Lfunc_end2:
_tile_overlayer_lowered:
.L_overlay_start_2:
0x144: {  	(tag) =	ssettag $0x2  }
0x145: {  	s0 =	rddreg [dreg:$0x0];
	s2 =	stileid.u32  }
0x146: {  	s1 =	rddreg [dreg:$0x1];
	p0 =	sne.s32 s2, $0x0  }
0x147: {  	s3 =	rddreg [dreg:$0x2];
	[bflag:$0x3] =	sbarrier.arrive $0xFFFF;
	s2 =	simm.s32 @!p0 $0x1C02  }
0x148: {  	[timem:s3], [sflag:s2] =	dma.local @!p0 [hbm:s0], s1  }
0x149: {  	s0 =	simm.s32 @!p0 $0x2  }
0x14a: {  	_ =	swait.ge @!p0 [sflag:s0], s1  }
0x14b: {  	s1 =	ssub.s32 @!p0 $0x0, s1;
	[sflag:s0] =	ssyncset.done @!p0 $0x0  }
0x14c: {  	[sflag:s0] =	ssyncadd.s32 @!p0 s1  }
0x14d: {  	[bflag:$0x3] =	sbarrier.arrive $0xFFFF  }
0x14e: {  	_ =	shalt  }

// kernel: kernel.9.cloned.1.call-start
scs
__scs_entry_jumppad:
0x0: {  	(pc) =	sbr.rel $0x88, $3  }
0x1: {  	(tag) =	ssettag $0x0;
	lr =	simm.s32 $0x1  }
0x2: {  	[smem:$0x3F95] =	sst lr;
	_ =	strace $0xD0000000  }
0x3: {  	_ = 	snop  }
0x4: {  	_ = 	snop  }
0x5: {  	_ = 	snop  }
0x6: {  	_ = 	snop  }
0x7: {  	_ = 	snop  }
__scs_overlays_trampoline_lowered:
0x8: {  	[smem:$0x3FA4] =	sst s0  }
0x9: {  	[smem:$0x3FA5] =	sst s1  }
0xa: {  	[smem:$0x3FA6] =	sst s2  }
0xb: {  	[smem:$0x3FA7] =	sst s3  }
0xc: {  	[smem:$0x3FA8] =	sst s4  }
0xd: {  	[smem:$0x3FA9] =	sst s5  }
0xe: {  	[smem:$0x3FAA] =	sst s6  }
0xf: {  	[smem:$0x3FAB] =	sst s7  }
0x10: {  	[smem:$0x3FAC] =	sst s8  }
0x11: {  	[smem:$0x3FAD] =	sst s9;
	s0 =	simm.s32 @!p0 $0x0  }
0x12: {  	s1 =	sld [smem:$0x3F93];
	s0 =	simm.s32 @p0 $0x1  }
0x13: {  	[smem:$0x3FAE] =	sst s0;
	s0 =	simm.s32 @!p1 $0x0  }
0x14: {  	s2 =	sld [smem:$0x3F92];
	s0 =	simm.s32 @p1 $0x1  }
0x15: {  	[smem:$0x3FAF] =	sst s0;
	s0 =	simm.s32 @!p2 $0x0  }
0x16: {  	s3 =	sld [smem:$0x3FDB];
	s0 =	simm.s32 @p2 $0x1  }
0x17: {  	s4 =	simm.s32 $0x1BF5;
	[smem:$0x3FB1] =	sst s0  }
0x18: {  	s0 =	sld [smem:$0x3F94];
	_ =	swait.ge [sflag:s4], $0x0  }
0x19: {  	s7 =	sld [smem:$0x3F95]  }
0x1a: {  	s8 =	sadd.s32 $0xFFFFE003, lr  }
0x1b: {  	s9 =	sadd.s32 $0xFFFFFEF7, lr;
	s5 =	simm.s32 $0xFFFFFFFF;
	p2 =	slt.u32 s8, $0xFFFFF086  }
0x1c: {  	p1 =	slt.u32 s9, $0xF7A;
	s5 =	simm.s32 @!p2 $0x0  }
0x1d: {  	s5 =	simm.s32 @p1 $0x1;
	p0 =	seq.s32 s7, s2  }
0x1e: {  	s7 =	smul.u32 @!p0 $0xF7A, s2;
	p2 =	seq.s32 @!p0 s5, $0x0  }
0x1f: {  	s9 =	smul.u32 $0xF7A, s1;
	s8 =	simm.s32 @!p0 $0x1BF5;
	p2 =	por !p2, p0  }
0x20: {  	[sflag:s8] =	ssyncset.s32 @!p0 $0xFFFFF086;
	s6 =	sadd.s32 @!p0 s3, s7;
	s7 =	simm.s32 @!p0 $0x108  }
0x21: {  	s3 =	sadd.s32 s3, s9;
	s6 =	sadd.s32 @!p0 $0x88, s6;
	s7 =	simm.s32 @p2 $0x1082  }
0x22: {  	[simem:s7], [sflag:s8] =	dma.local @!p0 [hbm:s6], $0xF7A  }
0x23: {  	s9 =	sor.u32 $0xD0000000, s2;
	s6 =	simm.s32 $0x108;
	_ =	swait.ge @!p0 [sflag:s8], $0x0  }
0x24: {  	s3 =	sadd.s32 $0x88, s3;
	s6 =	simm.s32 @!p1 $0x1082;
	[sflag:s4] =	ssyncset.s32 $0xFFFFF086  }
0x25: {  	[simem:s6], [sflag:s4] =	dma.local [hbm:s3], $0xF7A  }
0x26: {  	[smem:$0x3F95] =	sst s1;
	(tag) =	ssettag s2;
	_ =	strace s9  }
0x27: {  	s1 =	sld [smem:$0x3FA5]  }
0x28: {  	s2 =	sld [smem:$0x3FA6]  }
0x29: {  	s4 =	sld [smem:$0x3FA8]  }
0x2a: {  	p0 =	seq.s32 s5, $0x0;
	s5 =	sld [smem:$0x3FA9]  }
0x2b: {  	s6 =	sld [smem:$0x3FAA]  }
0x2c: {  	s7 =	sld [smem:$0x3FAB]  }
0x2d: {  	s3 =	simm.s32 $0x108;
	s8 =	sld [smem:$0x3FAC]  }
0x2e: {  	s3 =	simm.s32 @!p0 $0x1082;
	s9 =	sld [smem:$0x3FAD]  }
0x2f: {  	lr =	sadd.s32 s0, s3;
	s0 =	sld [smem:$0x3FA4]  }
0x30: {  	s3 =	sld [smem:$0x3FA7]  }
0x31: {  	[smem:$0x3FB0] =	sst s10  }
0x32: {  	s10 =	sld [smem:$0x3FAE];
	_ =	sdelay $0x3  }
0x33: {  	p0 =	seq.s32 s10, $0x1;
	s10 =	sld [smem:$0x3FB0];
	_ =	sdelay $0x3  }
0x34: {  	[smem:$0x3FB0] =	sst s10  }
0x35: {  	s10 =	sld [smem:$0x3FAF];
	_ =	sdelay $0x3  }
0x36: {  	p1 =	seq.s32 s10, $0x1;
	s10 =	sld [smem:$0x3FB0];
	_ =	sdelay $0x3  }
0x37: {  	[smem:$0x3FB0] =	sst s10  }
0x38: {  	s10 =	sld [smem:$0x3FB1]  }
0x39: {  	_ = 	snop;
	(pc) =	sbr.ind lr, $3  }
0x3a: {  	_ = 	snop  }
0x3b: {  	_ = 	snop  }
0x3c: {  	p2 =	seq.s32 s10, $0x1;
	s10 =	sld [smem:$0x3FB0]  }
0x3d: {  	_ =	shalt  }
0x3e: {  	_ =	shalt  }
0x3f: {  	_ =	shalt  }
0x40: {  	_ =	shalt  }
0x41: {  	_ =	shalt  }
0x42: {  	_ =	shalt  }
0x43: {  	_ =	shalt  }
0x44: {  	_ =	shalt  }
0x45: {  	_ =	shalt  }
0x46: {  	_ =	shalt  }
0x47: {  	_ =	shalt  }
0x48: {  	_ =	shalt  }
0x49: {  	_ =	shalt  }
0x4a: {  	_ =	shalt  }
0x4b: {  	_ =	shalt  }
0x4c: {  	_ =	shalt  }
0x4d: {  	_ =	shalt  }
0x4e: {  	_ =	shalt  }
0x4f: {  	_ =	shalt  }
0x50: {  	_ =	shalt  }
0x51: {  	_ =	shalt  }
0x52: {  	_ =	shalt  }
0x53: {  	_ =	shalt  }
0x54: {  	_ =	shalt  }
0x55: {  	_ =	shalt  }
0x56: {  	_ =	shalt  }
0x57: {  	_ =	shalt  }
0x58: {  	_ =	shalt  }
0x59: {  	_ =	shalt  }
0x5a: {  	_ =	shalt  }
0x5b: {  	_ =	shalt  }
0x5c: {  	_ =	shalt  }
0x5d: {  	_ =	shalt  }
0x5e: {  	_ =	shalt  }
0x5f: {  	_ =	shalt  }
0x60: {  	_ =	shalt  }
0x61: {  	_ =	shalt  }
0x62: {  	_ =	shalt  }
0x63: {  	_ =	shalt  }
0x64: {  	_ =	shalt  }
0x65: {  	_ =	shalt  }
0x66: {  	_ =	shalt  }
0x67: {  	_ =	shalt  }
0x68: {  	_ =	shalt  }
0x69: {  	_ =	shalt  }
0x6a: {  	_ =	shalt  }
0x6b: {  	_ =	shalt  }
0x6c: {  	_ =	shalt  }
0x6d: {  	_ =	shalt  }
0x6e: {  	_ =	shalt  }
0x6f: {  	_ =	shalt  }
0x70: {  	_ =	shalt  }
0x71: {  	_ =	shalt  }
0x72: {  	_ =	shalt  }
0x73: {  	_ =	shalt  }
0x74: {  	_ =	shalt  }
0x75: {  	_ =	shalt  }
0x76: {  	_ =	shalt  }
0x77: {  	_ =	shalt  }
0x78: {  	_ =	shalt  }
0x79: {  	_ =	shalt  }
0x7a: {  	_ =	shalt  }
0x7b: {  	_ =	shalt  }
0x7c: {  	_ =	shalt  }
0x7d: {  	_ =	shalt  }
0x7e: {  	_ =	shalt  }
0x7f: {  	_ =	shalt  }
0x80: {  	_ =	shalt  }
0x81: {  	_ =	shalt  }
0x82: {  	_ =	shalt  }
0x83: {  	_ =	shalt  }
0x84: {  	_ =	shalt  }
0x85: {  	_ =	shalt  }
0x86: {  	_ =	shalt  }
0x87: {  	_ =	shalt  }
.Lfunc_end0:
.L_simem_size_0:
called_computation.1_lowered:
.L_overlay_start_0:
0x88: {  	s2 =	sld [smem:$0x3FD9]  }
0x89: {  	s3 =	sld [smem:$0x3FFE];
	_ =	sdelay $0x1  }
0x8a: {  	s1 =	srdreg.scid  }
0x8b: {  	s0 =	sand.u32 $0x1, s1  }
0x8c: {  	s14 =	sshll.u32 s0, $0xA;
	s2 =	sadd.s32 s3, s2  }
0x8d: {  	s2 =	sadd.s32 s2, s14  }
0x8e: {  	[smem:$0x3FBC] =	sst s2  }
0x8f: {  	_ = 	snop  }
0x90: {  	s2 =	sld [smem:$0x3FD0];
	_ =	sdelay $0x1  }
0x91: {  	s15 =	sld [smem:$0x3FC9]  }
0x92: {  	s5 =	simm.s32 $0xA;
	s6 =	simm.s32 $0x10;
	s4 =	sld [smem:$0x3FC8]  }
0x93: {  	[smem:s6], [sflag:s5] =	dma.local [hbm:s2], $0x1  }
0x94: {  	_ =	swait.eq [sflag:s5], $0x1  }
0x95: {  	[sflag:s5] =	ssyncset.done $0x0  }
0x96: {  	[sflag:s5] =	ssyncadd.s32 $0xFFFFFFFF  }
0x97: {  	s16 =	sld [smem:$0x10];
	(tm) =	ssettm $0x1  }
0x98: {  	s17 =	sld [smem:$0x3FFB];
	_ =	sdelay $0x3  }
0x99: {  	_ =	strace s17  }
0x9a: {  	s5 =	sld [smem:$0x3FFC];
	_ =	sdelay $0x3  }
0x9b: {  	_ =	strace s5  }
0x9c: {  	s5 =	sld [smem:$0x3FFD];
	_ =	sdelay $0x3  }
0x9d: {  	_ =	strace s5  }
0x9e: {  	_ =	strace $0x8FFFFFFF  }
0x9f: {  	s18 =	sld [smem:$0x3FDB];
	_ =	sdelay $0x1  }
0xa0: {  	s19 =	simm.s32 $_scs_section_size  }
0xa1: {  	s7 =	simm.s32 $_size__tile_overlayer_lowered;
	s8 =	simm.s32 $_tile_overlayer_lowered  }
0xa2: {  	s22 =	simm.s32 $0x1BFF;
	s21 =	sshll.u32 s8, $0x1;
	s5 =	sadd.s32 s19, s18  }
0xa3: {  	s9 =	simm.s32 $0x0;
	s20 =	sshll.u32 s7, $0x1;
	s7 =	sadd.s32 s21, s5  }
0xa4: {  	[timem:s9], [sflag:s22] =	dma.local [hbm:s7], s20  }
0xa5: {  	_ =	swait.ge [sflag:s22], s20  }
0xa6: {  	s6 =	ssub.s32 $0x0, s20;
	[sflag:s22] =	ssyncset.done $0x0  }
0xa7: {  	[sflag:s22] =	ssyncadd.s32 s6;
	_ =	sdelay $0x1  }
0xa8: {  	s23 =	simm.s32 $0x1B8B  }
0xa9: {  	_ =	swait.ge [sflag:s23], $0x1  }
0xaa: {  	[sflag:s23] =	ssyncset.done $0x0  }
0xab: {  	s25 =	simm.s32 $0x1B8E;
	s24 =	sld [smem:$0x3FFE];
	[sflag:s23] =	ssyncadd.s32 $0xFFFFFFFF  }
0xac: {  	s26 =	simm.s32 $execute0_lowered;
	[smem:$0x3FD2] =	sst s25  }
0xad: {  	s7 =	sshll.u32 s26, $0x1;
	_ =	strace $0x80000049;
	[dreg:$0x1] =	wrdreg $0xFFFFFFFF  }
0xae: {  	s28 =	simm.s32 $_size_execute0_lowered;
	s5 =	sadd.s32 s5, s7;
	[dreg:$0x0] =	wrdreg $0x0  }
0xaf: {  	s7 =	sshll.u32 s28, $0x1;
	[dreg:$0x2] =	wrdreg s5  }
0xb0: {  	[dreg:$0x3] =	wrdreg s7  }
0xb1: {  	[dreg:$0x4] =	wrdreg $0xC0  }
0xb2: {  	_ =	task [dreg:s9], $0x5FFFF  }
0xb3: {  	[dreg:$0x1] =	wrdreg $0xFFFFFFFF  }
0xb4: {  	[dreg:$0x0] =	wrdreg $0x60  }
0xb5: {  	[dreg:$0x2] =	wrdreg s24  }
0xb6: {  	[dreg:$0x3] =	wrdreg s15  }
0xb7: {  	[dreg:$0x4] =	wrdreg s4  }
0xb8: {  	[dreg:$0x5] =	wrdreg s16  }
0xb9: {  	[dreg:$0x6] =	wrdreg $0x6A400  }
0xba: {  	[dreg:$0x7] =	wrdreg $0x9  }
0xbb: {  	_ =	task.clear_ibuf [dreg:s9], $0x8FFFF;
	_ =	strace $0x90000049  }
0xbc: {  	s29 =	simm.s32 $0x9;
	_ =	strace $0x8000004B  }
0xbd: {  	_ =	swait.ge [sflag:s29], $0x1  }
0xbe: {  	[sflag:s29] =	ssyncadd.s32 $0xFFFFFFFF  }
0xbf: {  	_ =	strace $0x9000004B  }
0xc0: {  	_ =	sfence  }
0xc1: {  	s30 =	sld [smem:$0x0];
	_ =	sdelay $0x2  }
0xc2: {  	s31 =	sshll.u32 s1, $0xD;
	s1 =	sshrl.u32 s1, $0x2  }
0xc3: {  	s3 =	sand.u32 $0x4000, s31;
	s1 =	sadd.s32 s1, s30  }
0xc4: {  	s0 =	sor.u32 s3, s0;
	s1 =	sshll.u32 s1, $0x11  }
0xc5: {  	s0 =	sor.u32 s1, s0  }
0xc6: {  	s0 =	sadd.s32 $0x8F2B, s0  }
0xc7: {  	[sflag:s0] =	ssyncadd.remote.s32 $0x1  }
0xc8: {  	_ =	sfence.sel $0xFFFF  }
0xc9: {  	[dreg:$0x0] =	wrdreg $0xFFFFFFFF;
	(pc) =	sbr.abs _section_cstart, $3  }
0xca: {  	[dreg:$0x1] =	wrdreg $0xFFFFFFFF  }
0xcb: {  	_ =	task.clear_ibuf [dreg:s9], $0x2FFFF;
	_ =	strace $0x9FFFFFFF  }
0xcc: {  	(tm) =	ssettm $0x7FFFFFFF  }
0xcd: {  	_ =	shalt  }
tec
execute0_lowered:
.L_overlay_start_1:
0x0: {  	(tag) =	ssettag $0x1  }
0x1: {  	s1 =	rddreg [dreg:$0x0];
	s0 =	stileid.u32  }
0x2: {  	s5 =	rddreg [dreg:$0x1];
	s7 =	smul.u32 $0x186A0, s0  }
0x3: {  	s6 =	rddreg [dreg:$0x2]  }
0x4: {  	s2 =	rddreg [dreg:$0x3];
	s8 =	sshrl.u32 s7, $0x3  }
0x5: {  	s3 =	rddreg [dreg:$0x4];
	s4 =	simm.s32 $0x0;
	s8 =	sadd.s32 s8, s1  }
0x6: {  	[smem:$0x7FF] =	sst s4;
	s10 =	sadd.s32 $0x1718140, s8  }
0x7: {  	_ =	strace $0x8000004A;
	s25 =	sadd.s32 $0x16E7400, s8;
	[dreg:$0x6] =	wrdreg s10  }
0x8: {  	s26 =	sadd.s32 $0x1748E80, s8;
	[dreg:$0x7] =	wrdreg s25  }
0x9: {  	s31 =	sadd.s32 $0x1779BC0, s8;
	[dreg:$0x8] =	wrdreg s26  }
0xa: {  	s11 =	sadd.s32 $0x17AA900, s8;
	[dreg:$0x9] =	wrdreg s31  }
0xb: {  	s12 =	sadd.s32 $0x17DB640, s8;
	[dreg:$0xa] =	wrdreg s11  }
0xc: {  	s13 =	sadd.s32 $0x180C380, s8;
	[dreg:$0xb] =	wrdreg s12  }
0xd: {  	s14 =	sadd.s32 $0x183D0C0, s8;
	[dreg:$0xc] =	wrdreg s13  }
0xe: {  	s15 =	sadd.s32 $0x186DE00, s8;
	[dreg:$0xd] =	wrdreg s14  }
0xf: {  	s16 =	sadd.s32 $0x189EB40, s8;
	[dreg:$0xe] =	wrdreg s15  }
0x10: {  	s17 =	sadd.s32 $0x18CF880, s8;
	[dreg:$0xf] =	wrdreg s16  }
0x11: {  	s18 =	sadd.s32 $0x19005C0, s8;
	[dreg:$0x10] =	wrdreg s17  }
0x12: {  	s9 =	smul.u32 $0x6400, s0;
	s19 =	sadd.s32 $0x1931300, s8;
	[dreg:$0x11] =	wrdreg s18  }
0x13: {  	s20 =	sadd.s32 $0x1962040, s8;
	[dreg:$0x12] =	wrdreg s19  }
0x14: {  	s1 =	sadd.s32 s9, s1;
	s8 =	sadd.s32 $0x1992D80, s8;
	[dreg:$0x13] =	wrdreg s20  }
0x15: {  	s22 =	sadd.s32 $0x13DA002, s1;
	[dreg:$0x14] =	wrdreg s8  }
0x16: {  	s23 =	sadd.s32 $0xF46200, s1;
	[dreg:$0x15] =	wrdreg s22  }
0x17: {  	s24 =	sadd.s32 $0xF46202, s1;
	[dreg:$0x16] =	wrdreg s23  }
0x18: {  	s30 =	simm.s32 $0x3;
	[dreg:$0x17] =	wrdreg s24;
	s26 =	sadd.s32 $0x13DA006, s1  }
0x19: {  	s21 =	sshll.u32 s0, $0x6;
	s31 =	sadd.s32 $0xF46206, s1;
	[dreg:$0x18] =	wrdreg s26  }
0x1a: {  	s28 =	sadd.s32 $0x1D01C0E, s1;
	s10 =	sadd.s32 $0x13DA00A, s1;
	[dreg:$0x19] =	wrdreg s31  }
0x1b: {  	s29 =	sadd.s32 $0x200F00E, s1;
	s11 =	sadd.s32 $0xF4620A, s1;
	[dreg:$0x1a] =	wrdreg s10  }
0x1c: {  	s20 =	sor.u32 $0x1C03, s21;
	s12 =	sadd.s32 $0x13DA000, s1;
	[dreg:$0x1b] =	wrdreg s11  }
0x1d: {  	s13 =	sadd.s32 $0x1D01C00, s1;
	s17 =	sadd.s32 $0x13DA004, s1;
	[dreg:$0x1c] =	wrdreg s12  }
0x1e: {  	s18 =	sadd.s32 $0xF46204, s1;
	s21 =	sadd.s32 $0xF46208, s1;
	[dreg:$0x1d] =	wrdreg s13  }
0x1f: {  	s8 =	smul.u32 $0xC8, s0;
	s22 =	sadd.s32 $0x13DA00C, s1;
	[smem:$0x7F6] =	sst s18  }
0x20: {  	s25 =	srdreg.scid;
	s23 =	sadd.s32 $0xF4620C, s1;
	[smem:$0x7F8] =	sst s21  }
0x21: {  	s15 =	sadd.s32 $0x200F000, s1;
	s11 =	sadd.s32 $0x13DA008, s1;
	[smem:$0x7F9] =	sst s22  }
0x22: {  	s14 =	sand.u32 $0x1, s25;
	[smem:$0x7FA] =	sst s23;
	s25 =	sadd.s32 $0x1D01C02, s1  }
0x23: {  	[dreg:$0x1e] =	wrdreg s15;
	s26 =	sadd.s32 $0x200F002, s1;
	s15 =	sadd.s32 $0x1D01C04, s1  }
0x24: {  	[dreg:$0x1f] =	wrdreg s17;
	s17 =	sadd.s32 $0x200F004, s1;
	s18 =	sadd.s32 $0x200F006, s1  }
0x25: {  	s31 =	sadd.s32 s7, s3;
	s22 =	sadd.s32 $0x1D01C0A, s1;
	[smem:$0x7F7] =	sst s11  }
0x26: {  	s23 =	sadd.s32 $0x200F00A, s1;
	s16 =	ssub.s32 $0x2, s14;
	[smem:$0x7FB] =	sst s25  }
.Ltmp0:
0x27: {  	s10 =	sadd.s32 s8, s5;
	[smem:$0x7FC] =	sst s26;
	(pc) =	sbr.rel .LBB2_1-.Ltmp0, $4  }
0x28: {  	s13 =	sadd.s32 s8, s6;
	p0 =	sne.s32 s14, $0x0;
	p1 =	seq.s32 s14, $0x0  }
0x29: {  	s14 =	sadd.s32 $0x200F008, s1;
	[smem:$0x7FD] =	sst s31;
	s19 =	sshrl.u32 s16, $0x1  }
0x2a: {  	s25 =	sadd.s32 $0x1D01C0C, s1;
	s26 =	sadd.s32 $0x200F00C, s1;
	s24 =	ssub.s32 s16, s19  }
0x2b: {  	s19 =	sadd.s32 $0x1D01C06, s1;
	s16 =	sadd.s32 $0x1D01C08, s1;
	s24 =	smax.u32 s24, $0x1  }
.LBB2_69:
0x2c: {  	s6 =	simm.s32 @!p3 $0x0;
	s8 =	simm.s32 @!p3 $0x1;
	[sflag:s7] =	ssyncadd.s32 @!p2 $0xFFFF9C00  }
0x2d: {  	[tilespmem:s6], [sflag:$0x1] =	stream.linear.gather @!p3 [hbm4b:s1+s6], $0x640, $0x38;
	[tilespmem:$0x1F0E0] =	vst v63  }
0x2e: {  	s7 =	simm.s32 @!p3 $0x80;
	s9 =	simm.s32 @!p3 $0x640;
	s1 =	simm.s32 @!p3 $0x10  }
0x2f: {  	[tilespmem:s9], [sflag:$0x2] =	stream.strided.gather @!p3 [hbm4b:s5+s1], $0x6400, s7, s1, $0x38;
	[tilespmem:$0x1F0E0] =	vst v63  }
0x30: {  	_ =	swait.ge @!p3 [sflag:s8], $0x640  }
0x31: {  	p2 =	por p3, p3;
	[sflag:s8] =	ssyncset.done @!p3 $0x0  }
0x32: {  	s1 =	simm.s32 @!p2 $0x2;
	[sflag:s8] =	ssyncadd.s32 @!p2 $0xFFFFF9C0  }
0x33: {  	_ =	swait.ge @!p2 [sflag:s1], $0x6400  }
0x34: {  	[sflag:s1] =	ssyncset.done @!p2 $0x0  }
0x35: {  	[sflag:s1] =	ssyncadd.s32 @!p2 $0xFFFF9C00;
	s1 =	simm.s32 @!p2 $0x3  }
0x36: {  	[spmem:s3] =	stream.indirect.scatter.add.f32 @!p2 [tilespmem:s9], [sflag:$0x3], $0x10, s6, s9, $0xb8;
	[tilespmem:$0x1F0E0] =	vst v63  }
0x37: {  	_ =	swait.ge @!p2 [sflag:s1], $0x6400  }
0x38: {  	[sflag:s1] =	ssyncset.done @!p2 $0x0  }
0x39: {  	[sflag:s1] =	ssyncadd.s32 @!p2 $0xFFFF9C00  }
0x3a: {  	[bflag:$0x0] =	sbarrier.arrive $0xFFFF  }
0x3b: {  	s21 =	rddreg [dreg:$0x14]  }
0x3c: {  	[hbm:s21], [sflag:s20] =	dma.local [spmem:s31], $0x30D4  }
0x3d: {  	_ =	swait.ge [sflag:s30], $0x30D4  }
0x3e: {  	[sflag:s30] =	ssyncset.done $0x0  }
0x3f: {  	[sflag:s30] =	ssyncadd.s32 $0xFFFFCF2C  }
0x40: {  	[bflag:$0x0] =	sbarrier.arrive $0xFFFF  }
.LBB2_70:
0x41: {  	s4 =	sadd.s32 $0x1, s4  }
0x42: {  	p2 =	sne.s32 s4, s24  }
.Ltmp1:
0x43: {  	_ = 	snop;
	(pc) =	sbr.rel @!p2 .LBB2_71-.Ltmp1, $1  }
0x44: {  	_ =	sdelay $0x3  }
.LBB2_1:
0x45: {  	s1 =	sld [smem:$0x7FD];
	_ =	sdelay $0x2  }
0x46: {  	s31 =	sshrl.u32 s1, $0x3  }
0x47: {  	[spmem:s31], [sflag:s20] =	dma.local [hbm:s2], $0x30D4  }
.Ltmp2:
0x48: {  	_ =	swait.ge [sflag:s30], $0x30D4;
	(pc) =	sbr.rel @p0 .LBB2_23-.Ltmp2, $4  }
0x49: {  	[sflag:s30] =	ssyncset.done $0x0  }
0x4a: {  	[sflag:s30] =	ssyncadd.s32 $0xFFFFCF2C  }
0x4b: {  	s21 =	sadd.s32 $0x0, s0;
	[bflag:$0x0] =	sbarrier.arrive $0xFFFF  }
0x4c: {  	p2 =	sgt.u32 s21, $0x7C  }
0x4d: {  	s1 =	simm.s32 @!p2 $0x0;
	s5 =	simm.s32 @!p2 $0x1;
	s6 =	simm.s32 @!p2 $0x10  }
0x4e: {  	[tilespmem:s1], [sflag:$0x1] =	stream.linear.gather @!p2 [hbm4b:s10+s1], $0x640, $0x38;
	[tilespmem:$0x1F0E0] =	vst v63  }
0x4f: {  	s7 =	simm.s32 @!p2 $0x80;
	s8 =	simm.s32 @!p2 $0x640;
	s9 =	rddreg [dreg:$0x1c]  }
0x50: {  	[tilespmem:s8], [sflag:$0x2] =	stream.strided.gather @!p2 [hbm4b:s9+s6], $0x6400, s7, s6, $0x38;
	[tilespmem:$0x1F0E0] =	vst v63  }
0x51: {  	_ =	swait.ge @!p2 [sflag:s5], $0x640  }
0x52: {  	[sflag:s5] =	ssyncset.done @!p2 $0x0;
	p2 =	por p2, p2  }
0x53: {  	[sflag:s5] =	ssyncadd.s32 @!p2 $0xFFFFF9C0;
	s6 =	simm.s32 @!p2 $0x2  }
0x54: {  	_ =	swait.ge @!p2 [sflag:s6], $0x6400  }
0x55: {  	[sflag:s6] =	ssyncset.done @!p2 $0x0  }
0x56: {  	s21 =	sadd.s32 $0x10, s0;
	s7 =	simm.s32 @!p2 $0x3;
	[sflag:s6] =	ssyncadd.s32 @!p2 $0xFFFF9C00  }
0x57: {  	[spmem:s3] =	stream.indirect.scatter.add.f32 @!p2 [tilespmem:s8], [sflag:$0x3], $0x10, s1, s8, $0xb8;
	[tilespmem:$0x1F0E0] =	vst v63  }
0x58: {  	p3 =	sgt.u32 s21, $0x7C;
	s5 =	simm.s32 $0x20;
	_ =	swait.ge @!p2 [sflag:s7], $0x6400  }
0x59: {  	s6 =	sadd.s32 $0xC80, s10;
	s1 =	sadd.s32 $0x64000, s9;
	[sflag:s7] =	ssyncset.done @!p2 $0x0  }
.LBB2_3:
0x5a: {  	s8 =	simm.s32 @!p3 $0x0;
	s9 =	simm.s32 @!p3 $0x1;
	[sflag:s7] =	ssyncadd.s32 @!p2 $0xFFFF9C00  }
0x5b: {  	[tilespmem:s8], [sflag:$0x1] =	stream.linear.gather @!p3 [hbm4b:s6+s8], $0x640, $0x38;
	[tilespmem:$0x1F0E0] =	vst v63  }
0x5c: {  	s7 =	simm.s32 @!p3 $0x10;
	s11 =	simm.s32 @!p3 $0x80;
	s12 =	simm.s32 @!p3 $0x640  }
0x5d: {  	[tilespmem:s12], [sflag:$0x2] =	stream.strided.gather @!p3 [hbm4b:s1+s7], $0x6400, s11, s7, $0x38;
	[tilespmem:$0x1F0E0] =	vst v63  }
0x5e: {  	s11 =	smov.u32 s5;
	s5 =	sadd.s32 $0x10, s5;
	_ =	swait.ge @!p3 [sflag:s9], $0x640  }
0x5f: {  	p2 =	por p3, p3;
	p4 =	sne.s32 s5, $0x80;
	[sflag:s9] =	ssyncset.done @!p3 $0x0  }
0x60: {  	s7 =	simm.s32 @!p2 $0x2;
	[sflag:s9] =	ssyncadd.s32 @!p2 $0xFFFFF9C0  }
0x61: {  	_ =	swait.ge @!p2 [sflag:s7], $0x6400  }
.Ltmp3:
0x62: {  	[sflag:s7] =	ssyncset.done @!p2 $0x0;
	(pc) =	sbr.rel @p4 .LBB2_3-.Ltmp3, $4  }
0x63: {  	[sflag:s7] =	ssyncadd.s32 @!p2 $0xFFFF9C00;
	s7 =	simm.s32 @!p2 $0x3  }
0x64: {  	[spmem:s3] =	stream.indirect.scatter.add.f32 @!p2 [tilespmem:s12], [sflag:$0x3], $0x10, s8, s12, $0xb8;
	[tilespmem:$0x1F0E0] =	vst v63  }
0x65: {  	s1 =	sadd.s32 $0x64000, s1;
	s8 =	sadd.s32 s11, s0;
	_ =	swait.ge @!p2 [sflag:s7], $0x6400  }
0x66: {  	s6 =	sadd.s32 $0xC80, s6;
	p3 =	sgt.u32 s8, $0x7C;
	[sflag:s7] =	ssyncset.done @!p2 $0x0  }
0x67: {  	s5 =	simm.s32 @!p3 $0x0;
	s8 =	simm.s32 @!p3 $0x1;
	[sflag:s7] =	ssyncadd.s32 @!p2 $0xFFFF9C00  }
0x68: {  	[tilespmem:s5], [sflag:$0x1] =	stream.linear.gather @!p3 [hbm4b:s6+s5], $0x640, $0x38;
	[tilespmem:$0x1F0E0] =	vst v63  }
0x69: {  	s7 =	simm.s32 @!p3 $0x80;
	s9 =	simm.s32 @!p3 $0x640;
	s6 =	simm.s32 @!p3 $0x10  }
0x6a: {  	[tilespmem:s9], [sflag:$0x2] =	stream.strided.gather @!p3 [hbm4b:s1+s6], $0x6400, s7, s6, $0x38;
	[tilespmem:$0x1F0E0] =	vst v63  }
0x6b: {  	_ =	swait.ge @!p3 [sflag:s8], $0x640  }
0x6c: {  	p2 =	por p3, p3;
	[sflag:s8] =	ssyncset.done @!p3 $0x0  }
0x6d: {  	s1 =	simm.s32 @!p2 $0x2;
	[sflag:s8] =	ssyncadd.s32 @!p2 $0xFFFFF9C0  }
0x6e: {  	_ =	swait.ge @!p2 [sflag:s1], $0x6400  }
0x6f: {  	[sflag:s1] =	ssyncset.done @!p2 $0x0  }
0x70: {  	s12 =	sadd.s32 $0x0, s0;
	[sflag:s1] =	ssyncadd.s32 @!p2 $0xFFFF9C00;
	s1 =	simm.s32 @!p2 $0x3  }
0x71: {  	[spmem:s3] =	stream.indirect.scatter.add.f32 @!p2 [tilespmem:s9], [sflag:$0x3], $0x10, s5, s9, $0xb8;
	[tilespmem:$0x1F0E0] =	vst v63  }
0x72: {  	p3 =	sgt.u32 s12, $0x7C;
	_ =	swait.ge @!p2 [sflag:s1], $0x6400  }
0x73: {  	s6 =	simm.s32 @!p3 $0x10;
	[sflag:s1] =	ssyncset.done @!p2 $0x0  }
0x74: {  	s7 =	simm.s32 @!p3 $0x80;
	[sflag:s1] =	ssyncadd.s32 @!p2 $0xFFFF9C00;
	s1 =	simm.s32 @!p3 $0x0  }
0x75: {  	[tilespmem:s1], [sflag:$0x1] =	stream.linear.gather @!p3 [hbm4b:s13+s1], $0x640, $0x38;
	[tilespmem:$0x1F0E0] =	vst v63  }
0x76: {  	s8 =	simm.s32 @!p3 $0x640;
	s5 =	simm.s32 @!p3 $0x1;
	s9 =	rddreg [dreg:$0x16]  }
0x77: {  	[tilespmem:s8], [sflag:$0x2] =	stream.strided.gather @!p3 [hbm4b:s9+s6], $0x6400, s7, s6, $0x38;
	[tilespmem:$0x1F0E0] =	vst v63  }
0x78: {  	_ =	swait.ge @!p3 [sflag:s5], $0x640  }
0x79: {  	p2 =	por p3, p3;
	[sflag:s5] =	ssyncset.done @!p3 $0x0  }
0x7a: {  	s6 =	simm.s32 @!p2 $0x2;
	[sflag:s5] =	ssyncadd.s32 @!p2 $0xFFFFF9C0  }
0x7b: {  	_ =	swait.ge @!p2 [sflag:s6], $0x6400  }
0x7c: {  	[sflag:s6] =	ssyncset.done @!p2 $0x0  }
0x7d: {  	s21 =	sadd.s32 $0x10, s0;
	s7 =	simm.s32 @!p2 $0x3;
	[sflag:s6] =	ssyncadd.s32 @!p2 $0xFFFF9C00  }
0x7e: {  	[spmem:s3] =	stream.indirect.scatter.add.f32 @!p2 [tilespmem:s8], [sflag:$0x3], $0x10, s1, s8, $0xb8;
	[tilespmem:$0x1F0E0] =	vst v63  }
0x7f: {  	p3 =	sgt.u32 s21, $0x7C;
	s5 =	simm.s32 $0x20;
	_ =	swait.ge @!p2 [sflag:s7], $0x6400  }
0x80: {  	s6 =	sadd.s32 $0xC80, s13;
	s1 =	sadd.s32 $0x64000, s9;
	[sflag:s7] =	ssyncset.done @!p2 $0x0  }
.LBB2_5:
0x81: {  	s8 =	simm.s32 @!p3 $0x0;
	s9 =	simm.s32 @!p3 $0x1;
	[sflag:s7] =	ssyncadd.s32 @!p2 $0xFFFF9C00  }
0x82: {  	[tilespmem:s8], [sflag:$0x1] =	stream.linear.gather @!p3 [hbm4b:s6+s8], $0x640, $0x38;
	[tilespmem:$0x1F0E0] =	vst v63  }
0x83: {  	s7 =	simm.s32 @!p3 $0x10;
	s11 =	simm.s32 @!p3 $0x80;
	s12 =	simm.s32 @!p3 $0x640  }
0x84: {  	[tilespmem:s12], [sflag:$0x2] =	stream.strided.gather @!p3 [hbm4b:s1+s7], $0x6400, s11, s7, $0x38;
	[tilespmem:$0x1F0E0] =	vst v63  }
0x85: {  	s11 =	smov.u32 s5;
	s5 =	sadd.s32 $0x10, s5;
	_ =	swait.ge @!p3 [sflag:s9], $0x640  }
0x86: {  	p2 =	por p3, p3;
	p4 =	sne.s32 s5, $0x80;
	[sflag:s9] =	ssyncset.done @!p3 $0x0  }
0x87: {  	s7 =	simm.s32 @!p2 $0x2;
	[sflag:s9] =	ssyncadd.s32 @!p2 $0xFFFFF9C0  }
0x88: {  	_ =	swait.ge @!p2 [sflag:s7], $0x6400  }
.Ltmp4:
0x89: {  	[sflag:s7] =	ssyncset.done @!p2 $0x0;
	(pc) =	sbr.rel @p4 .LBB2_5-.Ltmp4, $4  }
0x8a: {  	[sflag:s7] =	ssyncadd.s32 @!p2 $0xFFFF9C00;
	s7 =	simm.s32 @!p2 $0x3  }
0x8b: {  	[spmem:s3] =	stream.indirect.scatter.add.f32 @!p2 [tilespmem:s12], [sflag:$0x3], $0x10, s8, s12, $0xb8;
	[tilespmem:$0x1F0E0] =	vst v63  }
0x8c: {  	s1 =	sadd.s32 $0x64000, s1;
	s8 =	sadd.s32 s11, s0;
	_ =	swait.ge @!p2 [sflag:s7], $0x6400  }
0x8d: {  	s6 =	sadd.s32 $0xC80, s6;
	p3 =	sgt.u32 s8, $0x7C;
	[sflag:s7] =	ssyncset.done @!p2 $0x0  }
0x8e: {  	s5 =	simm.s32 @!p3 $0x0;
	s8 =	simm.s32 @!p3 $0x1;
	[sflag:s7] =	ssyncadd.s32 @!p2 $0xFFFF9C00  }
0x8f: {  	[tilespmem:s5], [sflag:$0x1] =	stream.linear.gather @!p3 [hbm4b:s6+s5], $0x640, $0x38;
	[tilespmem:$0x1F0E0] =	vst v63  }
0x90: {  	s7 =	simm.s32 @!p3 $0x80;
	s9 =	simm.s32 @!p3 $0x640;
	s6 =	simm.s32 @!p3 $0x10  }
0x91: {  	[tilespmem:s9], [sflag:$0x2] =	stream.strided.gather @!p3 [hbm4b:s1+s6], $0x6400, s7, s6, $0x38;
	[tilespmem:$0x1F0E0] =	vst v63  }
0x92: {  	_ =	swait.ge @!p3 [sflag:s8], $0x640  }
0x93: {  	p2 =	por p3, p3;
	[sflag:s8] =	ssyncset.done @!p3 $0x0  }
0x94: {  	s1 =	simm.s32 @!p2 $0x2;
	[sflag:s8] =	ssyncadd.s32 @!p2 $0xFFFFF9C0  }
0x95: {  	_ =	swait.ge @!p2 [sflag:s1], $0x6400  }
0x96: {  	[sflag:s1] =	ssyncset.done @!p2 $0x0  }
0x97: {  	[sflag:s1] =	ssyncadd.s32 @!p2 $0xFFFF9C00;
	s1 =	simm.s32 @!p2 $0x3  }
0x98: {  	[spmem:s3] =	stream.indirect.scatter.add.f32 @!p2 [tilespmem:s9], [sflag:$0x3], $0x10, s5, s9, $0xb8;
	[tilespmem:$0x1F0E0] =	vst v63  }
0x99: {  	_ =	swait.ge @!p2 [sflag:s1], $0x6400  }
0x9a: {  	[sflag:s1] =	ssyncset.done @!p2 $0x0  }
0x9b: {  	[sflag:s1] =	ssyncadd.s32 @!p2 $0xFFFF9C00  }
0x9c: {  	[bflag:$0x0] =	sbarrier.arrive $0xFFFF  }
0x9d: {  	s12 =	rddreg [dreg:$0x7]  }
0x9e: {  	[hbm:s12], [sflag:s20] =	dma.local [spmem:s31], $0x30D4  }
0x9f: {  	_ =	swait.ge [sflag:s30], $0x30D4  }
0xa0: {  	[sflag:s30] =	ssyncset.done $0x0  }
0xa1: {  	[sflag:s30] =	ssyncadd.s32 $0xFFFFCF2C  }
0xa2: {  	[bflag:$0x0] =	sbarrier.arrive $0xFFFF  }
0xa3: {  	[spmem:s31], [sflag:s20] =	dma.local [hbm:s2], $0x30D4  }
0xa4: {  	s21 =	sadd.s32 $0x0, s0;
	_ =	swait.ge [sflag:s30], $0x30D4  }
0xa5: {  	p2 =	sgt.u32 s21, $0x7C;
	[sflag:s30] =	ssyncset.done $0x0  }
0xa6: {  	s1 =	simm.s32 @!p2 $0x0;
	[sflag:s30] =	ssyncadd.s32 $0xFFFFCF2C  }
0xa7: {  	s5 =	simm.s32 @!p2 $0x1;
	s6 =	simm.s32 @!p2 $0x10;
	[bflag:$0x0] =	sbarrier.arrive $0xFFFF  }
0xa8: {  	[tilespmem:s1], [sflag:$0x1] =	stream.linear.gather @!p2 [hbm4b:s10+s1], $0x640, $0x38;
	[tilespmem:$0x1F0E0] =	vst v63  }
0xa9: {  	s7 =	simm.s32 @!p2 $0x80;
	s9 =	simm.s32 @!p2 $0x640;
	s11 =	rddreg [dreg:$0x1f]  }
0xaa: {  	[tilespmem:s9], [sflag:$0x2] =	stream.strided.gather @!p2 [hbm4b:s11+s6], $0x6400, s7, s6, $0x38;
	[tilespmem:$0x1F0E0] =	vst v63  }
0xab: {  	_ =	swait.ge @!p2 [sflag:s5], $0x640  }
0xac: {  	p3 =	por p2, p2;
	[sflag:s5] =	ssyncset.done @!p2 $0x0  }
0xad: {  	[sflag:s5] =	ssyncadd.s32 @!p3 $0xFFFFF9C0;
	s5 =	simm.s32 @!p3 $0x2  }
0xae: {  	_ =	swait.ge @!p3 [sflag:s5], $0x6400  }
0xaf: {  	[sflag:s5] =	ssyncset.done @!p3 $0x0  }
0xb0: {  	s8 =	simm.s32 @!p3 $0x3;
	s6 =	simm.s32 $0x20;
	[sflag:s5] =	ssyncadd.s32 @!p3 $0xFFFF9C00  }
0xb1: {  	[spmem:s3] =	stream.indirect.scatter.add.f32 @!p3 [tilespmem:s9], [sflag:$0x3], $0x10, s1, s9, $0xb8;
	[tilespmem:$0x1F0E0] =	vst v63  }
0xb2: {  	s7 =	sadd.s32 $0xC80, s10;
	s1 =	sadd.s32 $0x10, s0;
	_ =	swait.ge @!p3 [sflag:s8], $0x6400  }
0xb3: {  	s5 =	sadd.s32 $0x64000, s11;
	p4 =	sgt.u32 s1, $0x7C;
	[sflag:s8] =	ssyncset.done @!p3 $0x0  }
.LBB2_7:
0xb4: {  	s9 =	simm.s32 @!p4 $0x0;
	s11 =	simm.s32 @!p4 $0x1;
	[sflag:s8] =	ssyncadd.s32 @!p3 $0xFFFF9C00  }
0xb5: {  	[tilespmem:s9], [sflag:$0x1] =	stream.linear.gather @!p4 [hbm4b:s7+s9], $0x640, $0x38;
	[tilespmem:$0x1F0E0] =	vst v63  }
0xb6: {  	s8 =	simm.s32 @!p4 $0x10;
	s12 =	simm.s32 @!p4 $0x80;
	s21 =	simm.s32 @!p4 $0x640  }
0xb7: {  	[tilespmem:s21], [sflag:$0x2] =	stream.strided.gather @!p4 [hbm4b:s5+s8], $0x6400, s12, s8, $0x38;
	[tilespmem:$0x1F0E0] =	vst v63  }
0xb8: {  	s12 =	smov.u32 s6;
	s6 =	sadd.s32 $0x10, s6;
	_ =	swait.ge @!p4 [sflag:s11], $0x640  }
0xb9: {  	p3 =	por p4, p4;
	p5 =	sne.s32 s6, $0x80;
	[sflag:s11] =	ssyncset.done @!p4 $0x0  }
0xba: {  	s8 =	simm.s32 @!p3 $0x2;
	[sflag:s11] =	ssyncadd.s32 @!p3 $0xFFFFF9C0  }
0xbb: {  	_ =	swait.ge @!p3 [sflag:s8], $0x6400  }
.Ltmp5:
0xbc: {  	[sflag:s8] =	ssyncset.done @!p3 $0x0;
	(pc) =	sbr.rel @p5 .LBB2_7-.Ltmp5, $4  }
0xbd: {  	[sflag:s8] =	ssyncadd.s32 @!p3 $0xFFFF9C00;
	s8 =	simm.s32 @!p3 $0x3  }
0xbe: {  	[spmem:s3] =	stream.indirect.scatter.add.f32 @!p3 [tilespmem:s21], [sflag:$0x3], $0x10, s9, s21, $0xb8;
	[tilespmem:$0x1F0E0] =	vst v63  }
0xbf: {  	s5 =	sadd.s32 $0x64000, s5;
	s9 =	sadd.s32 s12, s0;
	_ =	swait.ge @!p3 [sflag:s8], $0x6400  }
0xc0: {  	s7 =	sadd.s32 $0xC80, s7;
	p4 =	sgt.u32 s9, $0x7C;
	[sflag:s8] =	ssyncset.done @!p3 $0x0  }
0xc1: {  	s6 =	simm.s32 @!p4 $0x0;
	s9 =	simm.s32 @!p4 $0x1;
	[sflag:s8] =	ssyncadd.s32 @!p3 $0xFFFF9C00  }
0xc2: {  	[tilespmem:s6], [sflag:$0x1] =	stream.linear.gather @!p4 [hbm4b:s7+s6], $0x640, $0x38;
	[tilespmem:$0x1F0E0] =	vst v63  }
0xc3: {  	s8 =	simm.s32 @!p4 $0x80;
	s11 =	simm.s32 @!p4 $0x640;
	s7 =	simm.s32 @!p4 $0x10  }
0xc4: {  	[tilespmem:s11], [sflag:$0x2] =	stream.strided.gather @!p4 [hbm4b:s5+s7], $0x6400, s8, s7, $0x38;
	[tilespmem:$0x1F0E0] =	vst v63  }
0xc5: {  	_ =	swait.ge @!p4 [sflag:s9], $0x640  }
0xc6: {  	p3 =	por p4, p4;
	[sflag:s9] =	ssyncset.done @!p4 $0x0  }
0xc7: {  	s5 =	simm.s32 @!p3 $0x2;
	[sflag:s9] =	ssyncadd.s32 @!p3 $0xFFFFF9C0  }
0xc8: {  	_ =	swait.ge @!p3 [sflag:s5], $0x6400  }
0xc9: {  	[sflag:s5] =	ssyncset.done @!p3 $0x0  }
0xca: {  	[sflag:s5] =	ssyncadd.s32 @!p3 $0xFFFF9C00;
	s5 =	simm.s32 @!p3 $0x3  }
0xcb: {  	[spmem:s3] =	stream.indirect.scatter.add.f32 @!p3 [tilespmem:s11], [sflag:$0x3], $0x10, s6, s11, $0xb8;
	[tilespmem:$0x1F0E0] =	vst v63  }
0xcc: {  	_ =	swait.ge @!p3 [sflag:s5], $0x6400  }
0xcd: {  	s7 =	simm.s32 @!p2 $0x10;
	[sflag:s5] =	ssyncset.done @!p3 $0x0  }
0xce: {  	s11 =	sld [smem:$0x7F6];
	[sflag:s5] =	ssyncadd.s32 @!p3 $0xFFFF9C00;
	s5 =	simm.s32 @!p2 $0x0  }
0xcf: {  	[tilespmem:s5], [sflag:$0x1] =	stream.linear.gather @!p2 [hbm4b:s13+s5], $0x640, $0x38;
	[tilespmem:$0x1F0E0] =	vst v63  }
0xd0: {  	s8 =	simm.s32 @!p2 $0x80;
	s9 =	simm.s32 @!p2 $0x640;
	s6 =	simm.s32 @!p2 $0x1  }
0xd1: {  	[tilespmem:s9], [sflag:$0x2] =	stream.strided.gather @!p2 [hbm4b:s11+s7], $0x6400, s8, s7, $0x38;
	[tilespmem:$0x1F0E0] =	vst v63  }
0xd2: {  	_ =	swait.ge @!p2 [sflag:s6], $0x640  }
0xd3: {  	[sflag:s6] =	ssyncset.done @!p2 $0x0;
	p2 =	por p2, p2  }
0xd4: {  	[sflag:s6] =	ssyncadd.s32 @!p2 $0xFFFFF9C0;
	s6 =	simm.s32 @!p2 $0x2  }
0xd5: {  	_ =	swait.ge @!p2 [sflag:s6], $0x6400  }
0xd6: {  	[sflag:s6] =	ssyncset.done @!p2 $0x0  }
0xd7: {  	s7 =	simm.s32 @!p2 $0x3;
	[sflag:s6] =	ssyncadd.s32 @!p2 $0xFFFF9C00  }
0xd8: {  	[spmem:s3] =	stream.indirect.scatter.add.f32 @!p2 [tilespmem:s9], [sflag:$0x3], $0x10, s5, s9, $0xb8;
	[tilespmem:$0x1F0E0] =	vst v63  }
0xd9: {  	p3 =	sgt.u32 s1, $0x7C;
	s1 =	sadd.s32 $0xC80, s13;
	_ =	swait.ge @!p2 [sflag:s7], $0x6400  }
0xda: {  	s6 =	simm.s32 $0x20;
	s5 =	sadd.s32 $0x64000, s11;
	[sflag:s7] =	ssyncset.done @!p2 $0x0  }
.LBB2_9:
0xdb: {  	s8 =	simm.s32 @!p3 $0x0;
	s9 =	simm.s32 @!p3 $0x1;
	[sflag:s7] =	ssyncadd.s32 @!p2 $0xFFFF9C00  }
0xdc: {  	[tilespmem:s8], [sflag:$0x1] =	stream.linear.gather @!p3 [hbm4b:s1+s8], $0x640, $0x38;
	[tilespmem:$0x1F0E0] =	vst v63  }
0xdd: {  	s7 =	simm.s32 @!p3 $0x10;
	s11 =	simm.s32 @!p3 $0x80;
	s12 =	simm.s32 @!p3 $0x640  }
0xde: {  	[tilespmem:s12], [sflag:$0x2] =	stream.strided.gather @!p3 [hbm4b:s5+s7], $0x6400, s11, s7, $0x38;
	[tilespmem:$0x1F0E0] =	vst v63  }
0xdf: {  	s11 =	smov.u32 s6;
	s6 =	sadd.s32 $0x10, s6;
	_ =	swait.ge @!p3 [sflag:s9], $0x640  }
0xe0: {  	p2 =	por p3, p3;
	p4 =	seq.s32 s6, $0x80;
	[sflag:s9] =	ssyncset.done @!p3 $0x0  }
0xe1: {  	s7 =	simm.s32 @!p2 $0x2;
	[sflag:s9] =	ssyncadd.s32 @!p2 $0xFFFFF9C0  }
0xe2: {  	_ =	swait.ge @!p2 [sflag:s7], $0x6400  }
.Ltmp6:
0xe3: {  	[sflag:s7] =	ssyncset.done @!p2 $0x0;
	(pc) =	sbr.rel @!p4 .LBB2_9-.Ltmp6, $4  }
0xe4: {  	[sflag:s7] =	ssyncadd.s32 @!p2 $0xFFFF9C00;
	s7 =	simm.s32 @!p2 $0x3  }
0xe5: {  	[spmem:s3] =	stream.indirect.scatter.add.f32 @!p2 [tilespmem:s12], [sflag:$0x3], $0x10, s8, s12, $0xb8;
	[tilespmem:$0x1F0E0] =	vst v63  }
0xe6: {  	s5 =	sadd.s32 $0x64000, s5;
	s8 =	sadd.s32 s11, s0;
	_ =	swait.ge @!p2 [sflag:s7], $0x6400  }
0xe7: {  	s1 =	sadd.s32 $0xC80, s1;
	p3 =	sgt.u32 s8, $0x7C;
	[sflag:s7] =	ssyncset.done @!p2 $0x0  }
0xe8: {  	s6 =	simm.s32 @!p3 $0x0;
	s8 =	simm.s32 @!p3 $0x1;
	[sflag:s7] =	ssyncadd.s32 @!p2 $0xFFFF9C00  }
0xe9: {  	[tilespmem:s6], [sflag:$0x1] =	stream.linear.gather @!p3 [hbm4b:s1+s6], $0x640, $0x38;
	[tilespmem:$0x1F0E0] =	vst v63  }
0xea: {  	s7 =	simm.s32 @!p3 $0x80;
	s9 =	simm.s32 @!p3 $0x640;
	s1 =	simm.s32 @!p3 $0x10  }
0xeb: {  	[tilespmem:s9], [sflag:$0x2] =	stream.strided.gather @!p3 [hbm4b:s5+s1], $0x6400, s7, s1, $0x38;
	[tilespmem:$0x1F0E0] =	vst v63  }
0xec: {  	_ =	swait.ge @!p3 [sflag:s8], $0x640  }
0xed: {  	p2 =	por p3, p3;
	[sflag:s8] =	ssyncset.done @!p3 $0x0  }
0xee: {  	s1 =	simm.s32 @!p2 $0x2;
	[sflag:s8] =	ssyncadd.s32 @!p2 $0xFFFFF9C0  }
0xef: {  	_ =	swait.ge @!p2 [sflag:s1], $0x6400  }
0xf0: {  	[sflag:s1] =	ssyncset.done @!p2 $0x0  }
0xf1: {  	[sflag:s1] =	ssyncadd.s32 @!p2 $0xFFFF9C00;
	s1 =	simm.s32 @!p2 $0x3  }
0xf2: {  	[spmem:s3] =	stream.indirect.scatter.add.f32 @!p2 [tilespmem:s9], [sflag:$0x3], $0x10, s6, s9, $0xb8;
	[tilespmem:$0x1F0E0] =	vst v63  }
0xf3: {  	_ =	swait.ge @!p2 [sflag:s1], $0x6400  }
0xf4: {  	[sflag:s1] =	ssyncset.done @!p2 $0x0  }
0xf5: {  	[sflag:s1] =	ssyncadd.s32 @!p2 $0xFFFF9C00  }
0xf6: {  	[bflag:$0x0] =	sbarrier.arrive $0xFFFF  }
0xf7: {  	s12 =	rddreg [dreg:$0x8]  }
0xf8: {  	[hbm:s12], [sflag:s20] =	dma.local [spmem:s31], $0x30D4  }
0xf9: {  	_ =	swait.ge [sflag:s30], $0x30D4  }
0xfa: {  	[sflag:s30] =	ssyncset.done $0x0  }
0xfb: {  	[sflag:s30] =	ssyncadd.s32 $0xFFFFCF2C  }
0xfc: {  	[bflag:$0x0] =	sbarrier.arrive $0xFFFF  }
0xfd: {  	[spmem:s31], [sflag:s20] =	dma.local [hbm:s2], $0x30D4  }
0xfe: {  	_ =	swait.ge [sflag:s30], $0x30D4  }
0xff: {  	[sflag:s30] =	ssyncset.done $0x0  }
0x100: {  	s21 =	sadd.s32 $0x0, s0;
	[sflag:s30] =	ssyncadd.s32 $0xFFFFCF2C  }
0x101: {  	p2 =	sgt.u32 s21, $0x7C;
	[bflag:$0x0] =	sbarrier.arrive $0xFFFF  }
0x102: {  	s1 =	simm.s32 @!p2 $0x0;
	s5 =	simm.s32 @!p2 $0x1;
	s11 =	sld [smem:$0x7F7]  }
0x103: {  	[tilespmem:s1], [sflag:$0x1] =	stream.linear.gather @!p2 [hbm4b:s10+s1], $0x640, $0x38;
	[tilespmem:$0x1F0E0] =	vst v63  }
0x104: {  	s6 =	simm.s32 @!p2 $0x10;
	s7 =	simm.s32 @!p2 $0x80;
	s9 =	simm.s32 @!p2 $0x640  }
0x105: {  	[tilespmem:s9], [sflag:$0x2] =	stream.strided.gather @!p2 [hbm4b:s11+s6], $0x6400, s7, s6, $0x38;
	[tilespmem:$0x1F0E0] =	vst v63  }
0x106: {  	_ =	swait.ge @!p2 [sflag:s5], $0x640  }
0x107: {  	p3 =	por p2, p2;
	[sflag:s5] =	ssyncset.done @!p2 $0x0  }
0x108: {  	[sflag:s5] =	ssyncadd.s32 @!p3 $0xFFFFF9C0;
	s5 =	simm.s32 @!p3 $0x2  }
0x109: {  	_ =	swait.ge @!p3 [sflag:s5], $0x6400  }
0x10a: {  	[sflag:s5] =	ssyncset.done @!p3 $0x0  }
0x10b: {  	s8 =	simm.s32 @!p3 $0x3;
	s6 =	simm.s32 $0x20;
	[sflag:s5] =	ssyncadd.s32 @!p3 $0xFFFF9C00  }
0x10c: {  	[spmem:s3] =	stream.indirect.scatter.add.f32 @!p3 [tilespmem:s9], [sflag:$0x3], $0x10, s1, s9, $0xb8;
	[tilespmem:$0x1F0E0] =	vst v63  }
0x10d: {  	s7 =	sadd.s32 $0xC80, s10;
	s1 =	sadd.s32 $0x10, s0;
	_ =	swait.ge @!p3 [sflag:s8], $0x6400  }
0x10e: {  	s5 =	sadd.s32 $0x64000, s11;
	p4 =	sgt.u32 s1, $0x7C;
	[sflag:s8] =	ssyncset.done @!p3 $0x0  }
.LBB2_11:
0x10f: {  	s9 =	simm.s32 @!p4 $0x0;
	s11 =	simm.s32 @!p4 $0x1;
	[sflag:s8] =	ssyncadd.s32 @!p3 $0xFFFF9C00  }
0x110: {  	[tilespmem:s9], [sflag:$0x1] =	stream.linear.gather @!p4 [hbm4b:s7+s9], $0x640, $0x38;
	[tilespmem:$0x1F0E0] =	vst v63  }
0x111: {  	s8 =	simm.s32 @!p4 $0x10;
	s12 =	simm.s32 @!p4 $0x80;
	s21 =	simm.s32 @!p4 $0x640  }
0x112: {  	[tilespmem:s21], [sflag:$0x2] =	stream.strided.gather @!p4 [hbm4b:s5+s8], $0x6400, s12, s8, $0x38;
	[tilespmem:$0x1F0E0] =	vst v63  }
0x113: {  	s12 =	smov.u32 s6;
	s6 =	sadd.s32 $0x10, s6;
	_ =	swait.ge @!p4 [sflag:s11], $0x640  }
0x114: {  	p3 =	por p4, p4;
	p5 =	sne.s32 s6, $0x80;
	[sflag:s11] =	ssyncset.done @!p4 $0x0  }
0x115: {  	s8 =	simm.s32 @!p3 $0x2;
	[sflag:s11] =	ssyncadd.s32 @!p3 $0xFFFFF9C0  }
0x116: {  	_ =	swait.ge @!p3 [sflag:s8], $0x6400  }
.Ltmp7:
0x117: {  	[sflag:s8] =	ssyncset.done @!p3 $0x0;
	(pc) =	sbr.rel @p5 .LBB2_11-.Ltmp7, $4  }
0x118: {  	[sflag:s8] =	ssyncadd.s32 @!p3 $0xFFFF9C00;
	s8 =	simm.s32 @!p3 $0x3  }
0x119: {  	[spmem:s3] =	stream.indirect.scatter.add.f32 @!p3 [tilespmem:s21], [sflag:$0x3], $0x10, s9, s21, $0xb8;
	[tilespmem:$0x1F0E0] =	vst v63  }
0x11a: {  	s5 =	sadd.s32 $0x64000, s5;
	s9 =	sadd.s32 s12, s0;
	_ =	swait.ge @!p3 [sflag:s8], $0x6400  }
0x11b: {  	s7 =	sadd.s32 $0xC80, s7;
	p4 =	sgt.u32 s9, $0x7C;
	[sflag:s8] =	ssyncset.done @!p3 $0x0  }
0x11c: {  	s6 =	simm.s32 @!p4 $0x0;
	s9 =	simm.s32 @!p4 $0x1;
	[sflag:s8] =	ssyncadd.s32 @!p3 $0xFFFF9C00  }
0x11d: {  	[tilespmem:s6], [sflag:$0x1] =	stream.linear.gather @!p4 [hbm4b:s7+s6], $0x640, $0x38;
	[tilespmem:$0x1F0E0] =	vst v63  }
0x11e: {  	s8 =	simm.s32 @!p4 $0x80;
	s11 =	simm.s32 @!p4 $0x640;
	s7 =	simm.s32 @!p4 $0x10  }
0x11f: {  	[tilespmem:s11], [sflag:$0x2] =	stream.strided.gather @!p4 [hbm4b:s5+s7], $0x6400, s8, s7, $0x38;
	[tilespmem:$0x1F0E0] =	vst v63  }
0x120: {  	_ =	swait.ge @!p4 [sflag:s9], $0x640  }
0x121: {  	p3 =	por p4, p4;
	[sflag:s9] =	ssyncset.done @!p4 $0x0  }
0x122: {  	s5 =	simm.s32 @!p3 $0x2;
	[sflag:s9] =	ssyncadd.s32 @!p3 $0xFFFFF9C0  }
0x123: {  	_ =	swait.ge @!p3 [sflag:s5], $0x6400  }
0x124: {  	[sflag:s5] =	ssyncset.done @!p3 $0x0  }
0x125: {  	[sflag:s5] =	ssyncadd.s32 @!p3 $0xFFFF9C00;
	s5 =	simm.s32 @!p3 $0x3  }
0x126: {  	[spmem:s3] =	stream.indirect.scatter.add.f32 @!p3 [tilespmem:s11], [sflag:$0x3], $0x10, s6, s11, $0xb8;
	[tilespmem:$0x1F0E0] =	vst v63  }
0x127: {  	_ =	swait.ge @!p3 [sflag:s5], $0x6400  }
0x128: {  	s7 =	simm.s32 @!p2 $0x10;
	[sflag:s5] =	ssyncset.done @!p3 $0x0  }
0x129: {  	s11 =	sld [smem:$0x7F8];
	[sflag:s5] =	ssyncadd.s32 @!p3 $0xFFFF9C00;
	s5 =	simm.s32 @!p2 $0x0  }
0x12a: {  	[tilespmem:s5], [sflag:$0x1] =	stream.linear.gather @!p2 [hbm4b:s13+s5], $0x640, $0x38;
	[tilespmem:$0x1F0E0] =	vst v63  }
0x12b: {  	s8 =	simm.s32 @!p2 $0x80;
	s9 =	simm.s32 @!p2 $0x640;
	s6 =	simm.s32 @!p2 $0x1  }
0x12c: {  	[tilespmem:s9], [sflag:$0x2] =	stream.strided.gather @!p2 [hbm4b:s11+s7], $0x6400, s8, s7, $0x38;
	[tilespmem:$0x1F0E0] =	vst v63  }
0x12d: {  	_ =	swait.ge @!p2 [sflag:s6], $0x640  }
0x12e: {  	[sflag:s6] =	ssyncset.done @!p2 $0x0;
	p2 =	por p2, p2  }
0x12f: {  	[sflag:s6] =	ssyncadd.s32 @!p2 $0xFFFFF9C0;
	s6 =	simm.s32 @!p2 $0x2  }
0x130: {  	_ =	swait.ge @!p2 [sflag:s6], $0x6400  }
0x131: {  	[sflag:s6] =	ssyncset.done @!p2 $0x0  }
0x132: {  	s7 =	simm.s32 @!p2 $0x3;
	[sflag:s6] =	ssyncadd.s32 @!p2 $0xFFFF9C00  }
0x133: {  	[spmem:s3] =	stream.indirect.scatter.add.f32 @!p2 [tilespmem:s9], [sflag:$0x3], $0x10, s5, s9, $0xb8;
	[tilespmem:$0x1F0E0] =	vst v63  }
0x134: {  	p3 =	sgt.u32 s1, $0x7C;
	s1 =	sadd.s32 $0xC80, s13;
	_ =	swait.ge @!p2 [sflag:s7], $0x6400  }
0x135: {  	s6 =	simm.s32 $0x20;
	s5 =	sadd.s32 $0x64000, s11;
	[sflag:s7] =	ssyncset.done @!p2 $0x0  }
.LBB2_13:
0x136: {  	s8 =	simm.s32 @!p3 $0x0;
	s9 =	simm.s32 @!p3 $0x1;
	[sflag:s7] =	ssyncadd.s32 @!p2 $0xFFFF9C00  }
0x137: {  	[tilespmem:s8], [sflag:$0x1] =	stream.linear.gather @!p3 [hbm4b:s1+s8], $0x640, $0x38;
	[tilespmem:$0x1F0E0] =	vst v63  }
0x138: {  	s7 =	simm.s32 @!p3 $0x10;
	s11 =	simm.s32 @!p3 $0x80;
	s12 =	simm.s32 @!p3 $0x640  }
0x139: {  	[tilespmem:s12], [sflag:$0x2] =	stream.strided.gather @!p3 [hbm4b:s5+s7], $0x6400, s11, s7, $0x38;
	[tilespmem:$0x1F0E0] =	vst v63  }
0x13a: {  	s11 =	smov.u32 s6;
	s6 =	sadd.s32 $0x10, s6;
	_ =	swait.ge @!p3 [sflag:s9], $0x640  }
0x13b: {  	p2 =	por p3, p3;
	p4 =	sne.s32 s6, $0x80;
	[sflag:s9] =	ssyncset.done @!p3 $0x0  }
0x13c: {  	s7 =	simm.s32 @!p2 $0x2;
	[sflag:s9] =	ssyncadd.s32 @!p2 $0xFFFFF9C0  }
0x13d: {  	_ =	swait.ge @!p2 [sflag:s7], $0x6400  }
.Ltmp8:
0x13e: {  	[sflag:s7] =	ssyncset.done @!p2 $0x0;
	(pc) =	sbr.rel @p4 .LBB2_13-.Ltmp8, $4  }
0x13f: {  	[sflag:s7] =	ssyncadd.s32 @!p2 $0xFFFF9C00;
	s7 =	simm.s32 @!p2 $0x3  }
0x140: {  	[spmem:s3] =	stream.indirect.scatter.add.f32 @!p2 [tilespmem:s12], [sflag:$0x3], $0x10, s8, s12, $0xb8;
	[tilespmem:$0x1F0E0] =	vst v63  }
0x141: {  	s5 =	sadd.s32 $0x64000, s5;
	s8 =	sadd.s32 s11, s0;
	_ =	swait.ge @!p2 [sflag:s7], $0x6400  }
0x142: {  	s1 =	sadd.s32 $0xC80, s1;
	p3 =	sgt.u32 s8, $0x7C;
	[sflag:s7] =	ssyncset.done @!p2 $0x0  }
0x143: {  	s6 =	simm.s32 @!p3 $0x0;
	s8 =	simm.s32 @!p3 $0x1;
	[sflag:s7] =	ssyncadd.s32 @!p2 $0xFFFF9C00  }
0x144: {  	[tilespmem:s6], [sflag:$0x1] =	stream.linear.gather @!p3 [hbm4b:s1+s6], $0x640, $0x38;
	[tilespmem:$0x1F0E0] =	vst v63  }
0x145: {  	s7 =	simm.s32 @!p3 $0x80;
	s9 =	simm.s32 @!p3 $0x640;
	s1 =	simm.s32 @!p3 $0x10  }
0x146: {  	[tilespmem:s9], [sflag:$0x2] =	stream.strided.gather @!p3 [hbm4b:s5+s1], $0x6400, s7, s1, $0x38;
	[tilespmem:$0x1F0E0] =	vst v63  }
0x147: {  	_ =	swait.ge @!p3 [sflag:s8], $0x640  }
0x148: {  	p2 =	por p3, p3;
	[sflag:s8] =	ssyncset.done @!p3 $0x0  }
0x149: {  	s1 =	simm.s32 @!p2 $0x2;
	[sflag:s8] =	ssyncadd.s32 @!p2 $0xFFFFF9C0  }
0x14a: {  	_ =	swait.ge @!p2 [sflag:s1], $0x6400  }
0x14b: {  	[sflag:s1] =	ssyncset.done @!p2 $0x0  }
0x14c: {  	[sflag:s1] =	ssyncadd.s32 @!p2 $0xFFFF9C00;
	s1 =	simm.s32 @!p2 $0x3  }
0x14d: {  	[spmem:s3] =	stream.indirect.scatter.add.f32 @!p2 [tilespmem:s9], [sflag:$0x3], $0x10, s6, s9, $0xb8;
	[tilespmem:$0x1F0E0] =	vst v63  }
0x14e: {  	_ =	swait.ge @!p2 [sflag:s1], $0x6400  }
0x14f: {  	[sflag:s1] =	ssyncset.done @!p2 $0x0  }
0x150: {  	[sflag:s1] =	ssyncadd.s32 @!p2 $0xFFFF9C00  }
0x151: {  	[bflag:$0x0] =	sbarrier.arrive $0xFFFF  }
0x152: {  	s12 =	rddreg [dreg:$0xa]  }
0x153: {  	[hbm:s12], [sflag:s20] =	dma.local [spmem:s31], $0x30D4  }
0x154: {  	_ =	swait.ge [sflag:s30], $0x30D4  }
0x155: {  	[sflag:s30] =	ssyncset.done $0x0  }
0x156: {  	[sflag:s30] =	ssyncadd.s32 $0xFFFFCF2C  }
0x157: {  	[bflag:$0x0] =	sbarrier.arrive $0xFFFF  }
0x158: {  	[spmem:s31], [sflag:s20] =	dma.local [hbm:s2], $0x30D4  }
0x159: {  	_ =	swait.ge [sflag:s30], $0x30D4  }
0x15a: {  	[sflag:s30] =	ssyncset.done $0x0  }
0x15b: {  	s21 =	sadd.s32 $0x0, s0;
	[sflag:s30] =	ssyncadd.s32 $0xFFFFCF2C  }
0x15c: {  	p2 =	sgt.u32 s21, $0x7C;
	[bflag:$0x0] =	sbarrier.arrive $0xFFFF  }
0x15d: {  	s1 =	simm.s32 @!p2 $0x0;
	s5 =	simm.s32 @!p2 $0x1;
	s11 =	sld [smem:$0x7F9]  }
0x15e: {  	[tilespmem:s1], [sflag:$0x1] =	stream.linear.gather @!p2 [hbm4b:s10+s1], $0x640, $0x38;
	[tilespmem:$0x1F0E0] =	vst v63  }
0x15f: {  	s6 =	simm.s32 @!p2 $0x10;
	s7 =	simm.s32 @!p2 $0x80;
	s9 =	simm.s32 @!p2 $0x640  }
0x160: {  	[tilespmem:s9], [sflag:$0x2] =	stream.strided.gather @!p2 [hbm4b:s11+s6], $0x6400, s7, s6, $0x38;
	[tilespmem:$0x1F0E0] =	vst v63  }
0x161: {  	_ =	swait.ge @!p2 [sflag:s5], $0x640  }
0x162: {  	p3 =	por p2, p2;
	[sflag:s5] =	ssyncset.done @!p2 $0x0  }
0x163: {  	[sflag:s5] =	ssyncadd.s32 @!p3 $0xFFFFF9C0;
	s5 =	simm.s32 @!p3 $0x2  }
0x164: {  	_ =	swait.ge @!p3 [sflag:s5], $0x6400  }
0x165: {  	[sflag:s5] =	ssyncset.done @!p3 $0x0  }
0x166: {  	s8 =	simm.s32 @!p3 $0x3;
	s6 =	simm.s32 $0x20;
	[sflag:s5] =	ssyncadd.s32 @!p3 $0xFFFF9C00  }
0x167: {  	[spmem:s3] =	stream.indirect.scatter.add.f32 @!p3 [tilespmem:s9], [sflag:$0x3], $0x10, s1, s9, $0xb8;
	[tilespmem:$0x1F0E0] =	vst v63  }
0x168: {  	s7 =	sadd.s32 $0xC80, s10;
	s1 =	sadd.s32 $0x10, s0;
	_ =	swait.ge @!p3 [sflag:s8], $0x6400  }
0x169: {  	s5 =	sadd.s32 $0x64000, s11;
	p4 =	sgt.u32 s1, $0x7C;
	[sflag:s8] =	ssyncset.done @!p3 $0x0  }
.LBB2_15:
0x16a: {  	s9 =	simm.s32 @!p4 $0x0;
	s11 =	simm.s32 @!p4 $0x1;
	[sflag:s8] =	ssyncadd.s32 @!p3 $0xFFFF9C00  }
0x16b: {  	[tilespmem:s9], [sflag:$0x1] =	stream.linear.gather @!p4 [hbm4b:s7+s9], $0x640, $0x38;
	[tilespmem:$0x1F0E0] =	vst v63  }
0x16c: {  	s8 =	simm.s32 @!p4 $0x10;
	s12 =	simm.s32 @!p4 $0x80;
	s21 =	simm.s32 @!p4 $0x640  }
0x16d: {  	[tilespmem:s21], [sflag:$0x2] =	stream.strided.gather @!p4 [hbm4b:s5+s8], $0x6400, s12, s8, $0x38;
	[tilespmem:$0x1F0E0] =	vst v63  }
0x16e: {  	s12 =	smov.u32 s6;
	s6 =	sadd.s32 $0x10, s6;
	_ =	swait.ge @!p4 [sflag:s11], $0x640  }
0x16f: {  	p3 =	por p4, p4;
	p5 =	sne.s32 s6, $0x80;
	[sflag:s11] =	ssyncset.done @!p4 $0x0  }
0x170: {  	s8 =	simm.s32 @!p3 $0x2;
	[sflag:s11] =	ssyncadd.s32 @!p3 $0xFFFFF9C0  }
0x171: {  	_ =	swait.ge @!p3 [sflag:s8], $0x6400  }
.Ltmp9:
0x172: {  	[sflag:s8] =	ssyncset.done @!p3 $0x0;
	(pc) =	sbr.rel @p5 .LBB2_15-.Ltmp9, $4  }
0x173: {  	[sflag:s8] =	ssyncadd.s32 @!p3 $0xFFFF9C00;
	s8 =	simm.s32 @!p3 $0x3  }
0x174: {  	[spmem:s3] =	stream.indirect.scatter.add.f32 @!p3 [tilespmem:s21], [sflag:$0x3], $0x10, s9, s21, $0xb8;
	[tilespmem:$0x1F0E0] =	vst v63  }
0x175: {  	s5 =	sadd.s32 $0x64000, s5;
	s9 =	sadd.s32 s12, s0;
	_ =	swait.ge @!p3 [sflag:s8], $0x6400  }
0x176: {  	s7 =	sadd.s32 $0xC80, s7;
	p4 =	sgt.u32 s9, $0x7C;
	[sflag:s8] =	ssyncset.done @!p3 $0x0  }
0x177: {  	s6 =	simm.s32 @!p4 $0x0;
	s9 =	simm.s32 @!p4 $0x1;
	[sflag:s8] =	ssyncadd.s32 @!p3 $0xFFFF9C00  }
0x178: {  	[tilespmem:s6], [sflag:$0x1] =	stream.linear.gather @!p4 [hbm4b:s7+s6], $0x640, $0x38;
	[tilespmem:$0x1F0E0] =	vst v63  }
0x179: {  	s8 =	simm.s32 @!p4 $0x80;
	s11 =	simm.s32 @!p4 $0x640;
	s7 =	simm.s32 @!p4 $0x10  }
0x17a: {  	[tilespmem:s11], [sflag:$0x2] =	stream.strided.gather @!p4 [hbm4b:s5+s7], $0x6400, s8, s7, $0x38;
	[tilespmem:$0x1F0E0] =	vst v63  }
0x17b: {  	_ =	swait.ge @!p4 [sflag:s9], $0x640  }
0x17c: {  	p3 =	por p4, p4;
	[sflag:s9] =	ssyncset.done @!p4 $0x0  }
0x17d: {  	s5 =	simm.s32 @!p3 $0x2;
	[sflag:s9] =	ssyncadd.s32 @!p3 $0xFFFFF9C0  }
0x17e: {  	_ =	swait.ge @!p3 [sflag:s5], $0x6400  }
0x17f: {  	[sflag:s5] =	ssyncset.done @!p3 $0x0  }
0x180: {  	[sflag:s5] =	ssyncadd.s32 @!p3 $0xFFFF9C00;
	s5 =	simm.s32 @!p3 $0x3  }
0x181: {  	[spmem:s3] =	stream.indirect.scatter.add.f32 @!p3 [tilespmem:s11], [sflag:$0x3], $0x10, s6, s11, $0xb8;
	[tilespmem:$0x1F0E0] =	vst v63  }
0x182: {  	_ =	swait.ge @!p3 [sflag:s5], $0x6400  }
0x183: {  	s7 =	simm.s32 @!p2 $0x10;
	[sflag:s5] =	ssyncset.done @!p3 $0x0  }
0x184: {  	s11 =	sld [smem:$0x7FA];
	[sflag:s5] =	ssyncadd.s32 @!p3 $0xFFFF9C00;
	s5 =	simm.s32 @!p2 $0x0  }
0x185: {  	[tilespmem:s5], [sflag:$0x1] =	stream.linear.gather @!p2 [hbm4b:s13+s5], $0x640, $0x38;
	[tilespmem:$0x1F0E0] =	vst v63  }
0x186: {  	s8 =	simm.s32 @!p2 $0x80;
	s9 =	simm.s32 @!p2 $0x640;
	s6 =	simm.s32 @!p2 $0x1  }
0x187: {  	[tilespmem:s9], [sflag:$0x2] =	stream.strided.gather @!p2 [hbm4b:s11+s7], $0x6400, s8, s7, $0x38;
	[tilespmem:$0x1F0E0] =	vst v63  }
0x188: {  	_ =	swait.ge @!p2 [sflag:s6], $0x640  }
0x189: {  	[sflag:s6] =	ssyncset.done @!p2 $0x0;
	p2 =	por p2, p2  }
0x18a: {  	[sflag:s6] =	ssyncadd.s32 @!p2 $0xFFFFF9C0;
	s6 =	simm.s32 @!p2 $0x2  }
0x18b: {  	_ =	swait.ge @!p2 [sflag:s6], $0x6400  }
0x18c: {  	[sflag:s6] =	ssyncset.done @!p2 $0x0  }
0x18d: {  	s7 =	simm.s32 @!p2 $0x3;
	[sflag:s6] =	ssyncadd.s32 @!p2 $0xFFFF9C00  }
0x18e: {  	[spmem:s3] =	stream.indirect.scatter.add.f32 @!p2 [tilespmem:s9], [sflag:$0x3], $0x10, s5, s9, $0xb8;
	[tilespmem:$0x1F0E0] =	vst v63  }
0x18f: {  	p3 =	sgt.u32 s1, $0x7C;
	s1 =	sadd.s32 $0xC80, s13;
	_ =	swait.ge @!p2 [sflag:s7], $0x6400  }
0x190: {  	s6 =	simm.s32 $0x20;
	s5 =	sadd.s32 $0x64000, s11;
	[sflag:s7] =	ssyncset.done @!p2 $0x0  }
.LBB2_17:
0x191: {  	s8 =	simm.s32 @!p3 $0x0;
	s9 =	simm.s32 @!p3 $0x1;
	[sflag:s7] =	ssyncadd.s32 @!p2 $0xFFFF9C00  }
0x192: {  	[tilespmem:s8], [sflag:$0x1] =	stream.linear.gather @!p3 [hbm4b:s1+s8], $0x640, $0x38;
	[tilespmem:$0x1F0E0] =	vst v63  }
0x193: {  	s7 =	simm.s32 @!p3 $0x10;
	s11 =	simm.s32 @!p3 $0x80;
	s12 =	simm.s32 @!p3 $0x640  }
0x194: {  	[tilespmem:s12], [sflag:$0x2] =	stream.strided.gather @!p3 [hbm4b:s5+s7], $0x6400, s11, s7, $0x38;
	[tilespmem:$0x1F0E0] =	vst v63  }
0x195: {  	s11 =	smov.u32 s6;
	s6 =	sadd.s32 $0x10, s6;
	_ =	swait.ge @!p3 [sflag:s9], $0x640  }
0x196: {  	p2 =	por p3, p3;
	p4 =	sne.s32 s6, $0x80;
	[sflag:s9] =	ssyncset.done @!p3 $0x0  }
0x197: {  	s7 =	simm.s32 @!p2 $0x2;
	[sflag:s9] =	ssyncadd.s32 @!p2 $0xFFFFF9C0  }
0x198: {  	_ =	swait.ge @!p2 [sflag:s7], $0x6400  }
.Ltmp10:
0x199: {  	[sflag:s7] =	ssyncset.done @!p2 $0x0;
	(pc) =	sbr.rel @p4 .LBB2_17-.Ltmp10, $4  }
0x19a: {  	[sflag:s7] =	ssyncadd.s32 @!p2 $0xFFFF9C00;
	s7 =	simm.s32 @!p2 $0x3  }
0x19b: {  	[spmem:s3] =	stream.indirect.scatter.add.f32 @!p2 [tilespmem:s12], [sflag:$0x3], $0x10, s8, s12, $0xb8;
	[tilespmem:$0x1F0E0] =	vst v63  }
0x19c: {  	s5 =	sadd.s32 $0x64000, s5;
	s8 =	sadd.s32 s11, s0;
	_ =	swait.ge @!p2 [sflag:s7], $0x6400  }
0x19d: {  	s1 =	sadd.s32 $0xC80, s1;
	p3 =	sgt.u32 s8, $0x7C;
	[sflag:s7] =	ssyncset.done @!p2 $0x0  }
0x19e: {  	s6 =	simm.s32 @!p3 $0x0;
	s8 =	simm.s32 @!p3 $0x1;
	[sflag:s7] =	ssyncadd.s32 @!p2 $0xFFFF9C00  }
0x19f: {  	[tilespmem:s6], [sflag:$0x1] =	stream.linear.gather @!p3 [hbm4b:s1+s6], $0x640, $0x38;
	[tilespmem:$0x1F0E0] =	vst v63  }
0x1a0: {  	s7 =	simm.s32 @!p3 $0x80;
	s9 =	simm.s32 @!p3 $0x640;
	s1 =	simm.s32 @!p3 $0x10  }
0x1a1: {  	[tilespmem:s9], [sflag:$0x2] =	stream.strided.gather @!p3 [hbm4b:s5+s1], $0x6400, s7, s1, $0x38;
	[tilespmem:$0x1F0E0] =	vst v63  }
0x1a2: {  	_ =	swait.ge @!p3 [sflag:s8], $0x640  }
0x1a3: {  	p2 =	por p3, p3;
	[sflag:s8] =	ssyncset.done @!p3 $0x0  }
0x1a4: {  	s1 =	simm.s32 @!p2 $0x2;
	[sflag:s8] =	ssyncadd.s32 @!p2 $0xFFFFF9C0  }
0x1a5: {  	_ =	swait.ge @!p2 [sflag:s1], $0x6400  }
0x1a6: {  	[sflag:s1] =	ssyncset.done @!p2 $0x0  }
0x1a7: {  	[sflag:s1] =	ssyncadd.s32 @!p2 $0xFFFF9C00;
	s1 =	simm.s32 @!p2 $0x3  }
0x1a8: {  	[spmem:s3] =	stream.indirect.scatter.add.f32 @!p2 [tilespmem:s9], [sflag:$0x3], $0x10, s6, s9, $0xb8;
	[tilespmem:$0x1F0E0] =	vst v63  }
0x1a9: {  	_ =	swait.ge @!p2 [sflag:s1], $0x6400  }
0x1aa: {  	[sflag:s1] =	ssyncset.done @!p2 $0x0  }
0x1ab: {  	[sflag:s1] =	ssyncadd.s32 @!p2 $0xFFFF9C00  }
0x1ac: {  	[bflag:$0x0] =	sbarrier.arrive $0xFFFF  }
0x1ad: {  	s12 =	rddreg [dreg:$0xc]  }
0x1ae: {  	[hbm:s12], [sflag:s20] =	dma.local [spmem:s31], $0x30D4  }
0x1af: {  	_ =	swait.ge [sflag:s30], $0x30D4  }
0x1b0: {  	[sflag:s30] =	ssyncset.done $0x0  }
0x1b1: {  	[sflag:s30] =	ssyncadd.s32 $0xFFFFCF2C  }
0x1b2: {  	[bflag:$0x0] =	sbarrier.arrive $0xFFFF  }
0x1b3: {  	[spmem:s31], [sflag:s20] =	dma.local [hbm:s2], $0x30D4  }
0x1b4: {  	_ =	swait.ge [sflag:s30], $0x30D4  }
0x1b5: {  	[sflag:s30] =	ssyncset.done $0x0  }
0x1b6: {  	s21 =	sadd.s32 $0x0, s0;
	[sflag:s30] =	ssyncadd.s32 $0xFFFFCF2C  }
0x1b7: {  	p2 =	sgt.u32 s21, $0x7C;
	[bflag:$0x0] =	sbarrier.arrive $0xFFFF  }
0x1b8: {  	s1 =	simm.s32 @!p2 $0x0;
	s5 =	simm.s32 @!p2 $0x1;
	s11 =	sld [smem:$0x7FB]  }
0x1b9: {  	[tilespmem:s1], [sflag:$0x1] =	stream.linear.gather @!p2 [hbm4b:s10+s1], $0x640, $0x38;
	[tilespmem:$0x1F0E0] =	vst v63  }
0x1ba: {  	s6 =	simm.s32 @!p2 $0x10;
	s7 =	simm.s32 @!p2 $0x80;
	s9 =	simm.s32 @!p2 $0x640  }
0x1bb: {  	[tilespmem:s9], [sflag:$0x2] =	stream.strided.gather @!p2 [hbm4b:s11+s6], $0x6400, s7, s6, $0x38;
	[tilespmem:$0x1F0E0] =	vst v63  }
0x1bc: {  	_ =	swait.ge @!p2 [sflag:s5], $0x640  }
0x1bd: {  	p3 =	por p2, p2;
	[sflag:s5] =	ssyncset.done @!p2 $0x0  }
0x1be: {  	[sflag:s5] =	ssyncadd.s32 @!p3 $0xFFFFF9C0;
	s5 =	simm.s32 @!p3 $0x2  }
0x1bf: {  	_ =	swait.ge @!p3 [sflag:s5], $0x6400  }
0x1c0: {  	[sflag:s5] =	ssyncset.done @!p3 $0x0  }
0x1c1: {  	s8 =	simm.s32 @!p3 $0x3;
	s6 =	simm.s32 $0x20;
	[sflag:s5] =	ssyncadd.s32 @!p3 $0xFFFF9C00  }
0x1c2: {  	[spmem:s3] =	stream.indirect.scatter.add.f32 @!p3 [tilespmem:s9], [sflag:$0x3], $0x10, s1, s9, $0xb8;
	[tilespmem:$0x1F0E0] =	vst v63  }
0x1c3: {  	s7 =	sadd.s32 $0xC80, s10;
	s1 =	sadd.s32 $0x10, s0;
	_ =	swait.ge @!p3 [sflag:s8], $0x6400  }
0x1c4: {  	s5 =	sadd.s32 $0x64000, s11;
	p4 =	sgt.u32 s1, $0x7C;
	[sflag:s8] =	ssyncset.done @!p3 $0x0  }
.LBB2_19:
0x1c5: {  	s9 =	simm.s32 @!p4 $0x0;
	s11 =	simm.s32 @!p4 $0x1;
	[sflag:s8] =	ssyncadd.s32 @!p3 $0xFFFF9C00  }
0x1c6: {  	[tilespmem:s9], [sflag:$0x1] =	stream.linear.gather @!p4 [hbm4b:s7+s9], $0x640, $0x38;
	[tilespmem:$0x1F0E0] =	vst v63  }
0x1c7: {  	s8 =	simm.s32 @!p4 $0x10;
	s12 =	simm.s32 @!p4 $0x80;
	s21 =	simm.s32 @!p4 $0x640  }
0x1c8: {  	[tilespmem:s21], [sflag:$0x2] =	stream.strided.gather @!p4 [hbm4b:s5+s8], $0x6400, s12, s8, $0x38;
	[tilespmem:$0x1F0E0] =	vst v63  }
0x1c9: {  	s12 =	smov.u32 s6;
	s6 =	sadd.s32 $0x10, s6;
	_ =	swait.ge @!p4 [sflag:s11], $0x640  }
0x1ca: {  	p3 =	por p4, p4;
	p5 =	sne.s32 s6, $0x80;
	[sflag:s11] =	ssyncset.done @!p4 $0x0  }
0x1cb: {  	s8 =	simm.s32 @!p3 $0x2;
	[sflag:s11] =	ssyncadd.s32 @!p3 $0xFFFFF9C0  }
0x1cc: {  	_ =	swait.ge @!p3 [sflag:s8], $0x6400  }
.Ltmp11:
0x1cd: {  	[sflag:s8] =	ssyncset.done @!p3 $0x0;
	(pc) =	sbr.rel @p5 .LBB2_19-.Ltmp11, $4  }
0x1ce: {  	[sflag:s8] =	ssyncadd.s32 @!p3 $0xFFFF9C00;
	s8 =	simm.s32 @!p3 $0x3  }
0x1cf: {  	[spmem:s3] =	stream.indirect.scatter.add.f32 @!p3 [tilespmem:s21], [sflag:$0x3], $0x10, s9, s21, $0xb8;
	[tilespmem:$0x1F0E0] =	vst v63  }
0x1d0: {  	s5 =	sadd.s32 $0x64000, s5;
	s9 =	sadd.s32 s12, s0;
	_ =	swait.ge @!p3 [sflag:s8], $0x6400  }
0x1d1: {  	s7 =	sadd.s32 $0xC80, s7;
	p4 =	sgt.u32 s9, $0x7C;
	[sflag:s8] =	ssyncset.done @!p3 $0x0  }
0x1d2: {  	s6 =	simm.s32 @!p4 $0x0;
	s9 =	simm.s32 @!p4 $0x1;
	[sflag:s8] =	ssyncadd.s32 @!p3 $0xFFFF9C00  }
0x1d3: {  	[tilespmem:s6], [sflag:$0x1] =	stream.linear.gather @!p4 [hbm4b:s7+s6], $0x640, $0x38;
	[tilespmem:$0x1F0E0] =	vst v63  }
0x1d4: {  	s8 =	simm.s32 @!p4 $0x80;
	s11 =	simm.s32 @!p4 $0x640;
	s7 =	simm.s32 @!p4 $0x10  }
0x1d5: {  	[tilespmem:s11], [sflag:$0x2] =	stream.strided.gather @!p4 [hbm4b:s5+s7], $0x6400, s8, s7, $0x38;
	[tilespmem:$0x1F0E0] =	vst v63  }
0x1d6: {  	_ =	swait.ge @!p4 [sflag:s9], $0x640  }
0x1d7: {  	p3 =	por p4, p4;
	[sflag:s9] =	ssyncset.done @!p4 $0x0  }
0x1d8: {  	s5 =	simm.s32 @!p3 $0x2;
	[sflag:s9] =	ssyncadd.s32 @!p3 $0xFFFFF9C0  }
0x1d9: {  	_ =	swait.ge @!p3 [sflag:s5], $0x6400  }
0x1da: {  	[sflag:s5] =	ssyncset.done @!p3 $0x0  }
0x1db: {  	[sflag:s5] =	ssyncadd.s32 @!p3 $0xFFFF9C00;
	s5 =	simm.s32 @!p3 $0x3  }
0x1dc: {  	[spmem:s3] =	stream.indirect.scatter.add.f32 @!p3 [tilespmem:s11], [sflag:$0x3], $0x10, s6, s11, $0xb8;
	[tilespmem:$0x1F0E0] =	vst v63  }
0x1dd: {  	_ =	swait.ge @!p3 [sflag:s5], $0x6400  }
0x1de: {  	s7 =	simm.s32 @!p2 $0x10;
	[sflag:s5] =	ssyncset.done @!p3 $0x0  }
0x1df: {  	s11 =	sld [smem:$0x7FC];
	[sflag:s5] =	ssyncadd.s32 @!p3 $0xFFFF9C00;
	s5 =	simm.s32 @!p2 $0x0  }
0x1e0: {  	[tilespmem:s5], [sflag:$0x1] =	stream.linear.gather @!p2 [hbm4b:s13+s5], $0x640, $0x38;
	[tilespmem:$0x1F0E0] =	vst v63  }
0x1e1: {  	s8 =	simm.s32 @!p2 $0x80;
	s9 =	simm.s32 @!p2 $0x640;
	s6 =	simm.s32 @!p2 $0x1  }
0x1e2: {  	[tilespmem:s9], [sflag:$0x2] =	stream.strided.gather @!p2 [hbm4b:s11+s7], $0x6400, s8, s7, $0x38;
	[tilespmem:$0x1F0E0] =	vst v63  }
0x1e3: {  	_ =	swait.ge @!p2 [sflag:s6], $0x640  }
0x1e4: {  	[sflag:s6] =	ssyncset.done @!p2 $0x0;
	p2 =	por p2, p2  }
0x1e5: {  	[sflag:s6] =	ssyncadd.s32 @!p2 $0xFFFFF9C0;
	s6 =	simm.s32 @!p2 $0x2  }
0x1e6: {  	_ =	swait.ge @!p2 [sflag:s6], $0x6400  }
0x1e7: {  	[sflag:s6] =	ssyncset.done @!p2 $0x0  }
0x1e8: {  	s7 =	simm.s32 @!p2 $0x3;
	[sflag:s6] =	ssyncadd.s32 @!p2 $0xFFFF9C00  }
0x1e9: {  	[spmem:s3] =	stream.indirect.scatter.add.f32 @!p2 [tilespmem:s9], [sflag:$0x3], $0x10, s5, s9, $0xb8;
	[tilespmem:$0x1F0E0] =	vst v63  }
0x1ea: {  	p3 =	sgt.u32 s1, $0x7C;
	s1 =	sadd.s32 $0xC80, s13;
	_ =	swait.ge @!p2 [sflag:s7], $0x6400  }
0x1eb: {  	s6 =	simm.s32 $0x20;
	s5 =	sadd.s32 $0x64000, s11;
	[sflag:s7] =	ssyncset.done @!p2 $0x0  }
.LBB2_21:
0x1ec: {  	s8 =	simm.s32 @!p3 $0x0;
	s9 =	simm.s32 @!p3 $0x1;
	[sflag:s7] =	ssyncadd.s32 @!p2 $0xFFFF9C00  }
0x1ed: {  	[tilespmem:s8], [sflag:$0x1] =	stream.linear.gather @!p3 [hbm4b:s1+s8], $0x640, $0x38;
	[tilespmem:$0x1F0E0] =	vst v63  }
0x1ee: {  	s7 =	simm.s32 @!p3 $0x10;
	s11 =	simm.s32 @!p3 $0x80;
	s12 =	simm.s32 @!p3 $0x640  }
0x1ef: {  	[tilespmem:s12], [sflag:$0x2] =	stream.strided.gather @!p3 [hbm4b:s5+s7], $0x6400, s11, s7, $0x38;
	[tilespmem:$0x1F0E0] =	vst v63  }
0x1f0: {  	s11 =	smov.u32 s6;
	s6 =	sadd.s32 $0x10, s6;
	_ =	swait.ge @!p3 [sflag:s9], $0x640  }
0x1f1: {  	p2 =	por p3, p3;
	p4 =	sne.s32 s6, $0x80;
	[sflag:s9] =	ssyncset.done @!p3 $0x0  }
0x1f2: {  	s7 =	simm.s32 @!p2 $0x2;
	[sflag:s9] =	ssyncadd.s32 @!p2 $0xFFFFF9C0  }
0x1f3: {  	_ =	swait.ge @!p2 [sflag:s7], $0x6400  }
.Ltmp12:
0x1f4: {  	[sflag:s7] =	ssyncset.done @!p2 $0x0;
	(pc) =	sbr.rel @p4 .LBB2_21-.Ltmp12, $4  }
0x1f5: {  	[sflag:s7] =	ssyncadd.s32 @!p2 $0xFFFF9C00;
	s7 =	simm.s32 @!p2 $0x3  }
0x1f6: {  	[spmem:s3] =	stream.indirect.scatter.add.f32 @!p2 [tilespmem:s12], [sflag:$0x3], $0x10, s8, s12, $0xb8;
	[tilespmem:$0x1F0E0] =	vst v63  }
0x1f7: {  	s5 =	sadd.s32 $0x64000, s5;
	s8 =	sadd.s32 s11, s0;
	_ =	swait.ge @!p2 [sflag:s7], $0x6400  }
0x1f8: {  	s1 =	sadd.s32 $0xC80, s1;
	p3 =	sgt.u32 s8, $0x7C;
	[sflag:s7] =	ssyncset.done @!p2 $0x0  }
0x1f9: {  	s6 =	simm.s32 @!p3 $0x0;
	s8 =	simm.s32 @!p3 $0x1;
	[sflag:s7] =	ssyncadd.s32 @!p2 $0xFFFF9C00  }
0x1fa: {  	[tilespmem:s6], [sflag:$0x1] =	stream.linear.gather @!p3 [hbm4b:s1+s6], $0x640, $0x38;
	[tilespmem:$0x1F0E0] =	vst v63  }
0x1fb: {  	s7 =	simm.s32 @!p3 $0x80;
	s9 =	simm.s32 @!p3 $0x640;
	s1 =	simm.s32 @!p3 $0x10  }
0x1fc: {  	[tilespmem:s9], [sflag:$0x2] =	stream.strided.gather @!p3 [hbm4b:s5+s1], $0x6400, s7, s1, $0x38;
	[tilespmem:$0x1F0E0] =	vst v63  }
0x1fd: {  	_ =	swait.ge @!p3 [sflag:s8], $0x640  }
0x1fe: {  	p2 =	por p3, p3;
	[sflag:s8] =	ssyncset.done @!p3 $0x0  }
0x1ff: {  	s1 =	simm.s32 @!p2 $0x2;
	[sflag:s8] =	ssyncadd.s32 @!p2 $0xFFFFF9C0  }
0x200: {  	_ =	swait.ge @!p2 [sflag:s1], $0x6400  }
0x201: {  	[sflag:s1] =	ssyncset.done @!p2 $0x0  }
0x202: {  	[sflag:s1] =	ssyncadd.s32 @!p2 $0xFFFF9C00;
	s1 =	simm.s32 @!p2 $0x3  }
0x203: {  	[spmem:s3] =	stream.indirect.scatter.add.f32 @!p2 [tilespmem:s9], [sflag:$0x3], $0x10, s6, s9, $0xb8;
	[tilespmem:$0x1F0E0] =	vst v63  }
0x204: {  	_ =	swait.ge @!p2 [sflag:s1], $0x6400  }
0x205: {  	[sflag:s1] =	ssyncset.done @!p2 $0x0  }
0x206: {  	[sflag:s1] =	ssyncadd.s32 @!p2 $0xFFFF9C00  }
0x207: {  	[bflag:$0x0] =	sbarrier.arrive $0xFFFF  }
0x208: {  	s21 =	rddreg [dreg:$0xe]  }
0x209: {  	[hbm:s21], [sflag:s20] =	dma.local [spmem:s31], $0x30D4  }
.Ltmp13:
0x20a: {  	_ =	swait.ge [sflag:s30], $0x30D4;
	(pc) =	sbr.rel @p1 .LBB2_45-.Ltmp13, $4  }
.Ltmp14:
0x20b: {  	[sflag:s30] =	ssyncset.done $0x0;
	(pc) =	sbr.rel @!p1 .LBB2_40-.Ltmp14, $4  }
0x20c: {  	[sflag:s30] =	ssyncadd.s32 $0xFFFFCF2C  }
0x20d: {  	[bflag:$0x0] =	sbarrier.arrive $0xFFFF  }
0x20e: {  	_ = 	snop  }
0x20f: {  	_ = 	snop  }
.LBB2_23:
0x210: {  	s1 =	simm.s32 @!p2 $0x0;
	s5 =	simm.s32 @!p2 $0x1;
	s6 =	simm.s32 @!p2 $0x10  }
0x211: {  	[tilespmem:s1], [sflag:$0x1] =	stream.linear.gather @!p2 [hbm4b:s10+s1], $0x640, $0x38;
	[tilespmem:$0x1F0E0] =	vst v63  }
0x212: {  	s7 =	simm.s32 @!p2 $0x80;
	s8 =	simm.s32 @!p2 $0x640;
	s9 =	rddreg [dreg:$0x15]  }
0x213: {  	[tilespmem:s8], [sflag:$0x2] =	stream.strided.gather @!p2 [hbm4b:s9+s6], $0x6400, s7, s6, $0x38;
	[tilespmem:$0x1F0E0] =	vst v63  }
0x214: {  	_ =	swait.ge @!p2 [sflag:s5], $0x640  }
0x215: {  	[sflag:s5] =	ssyncset.done @!p2 $0x0;
	p2 =	por p2, p2  }
0x216: {  	[sflag:s5] =	ssyncadd.s32 @!p2 $0xFFFFF9C0;
	s6 =	simm.s32 @!p2 $0x2  }
0x217: {  	_ =	swait.ge @!p2 [sflag:s6], $0x6400  }
0x218: {  	[sflag:s6] =	ssyncset.done @!p2 $0x0  }
0x219: {  	s21 =	sadd.s32 $0x10, s0;
	s7 =	simm.s32 @!p2 $0x3;
	[sflag:s6] =	ssyncadd.s32 @!p2 $0xFFFF9C00  }
0x21a: {  	[spmem:s3] =	stream.indirect.scatter.add.f32 @!p2 [tilespmem:s8], [sflag:$0x3], $0x10, s1, s8, $0xb8;
	[tilespmem:$0x1F0E0] =	vst v63  }
0x21b: {  	p3 =	sgt.u32 s21, $0x7C;
	s5 =	simm.s32 $0x20;
	_ =	swait.ge @!p2 [sflag:s7], $0x6400  }
0x21c: {  	s6 =	sadd.s32 $0xC80, s10;
	s1 =	sadd.s32 $0x64000, s9;
	[sflag:s7] =	ssyncset.done @!p2 $0x0  }
.LBB2_24:
0x21d: {  	s8 =	simm.s32 @!p3 $0x0;
	s9 =	simm.s32 @!p3 $0x1;
	[sflag:s7] =	ssyncadd.s32 @!p2 $0xFFFF9C00  }
0x21e: {  	[tilespmem:s8], [sflag:$0x1] =	stream.linear.gather @!p3 [hbm4b:s6+s8], $0x640, $0x38;
	[tilespmem:$0x1F0E0] =	vst v63  }
0x21f: {  	s7 =	simm.s32 @!p3 $0x10;
	s11 =	simm.s32 @!p3 $0x80;
	s12 =	simm.s32 @!p3 $0x640  }
0x220: {  	[tilespmem:s12], [sflag:$0x2] =	stream.strided.gather @!p3 [hbm4b:s1+s7], $0x6400, s11, s7, $0x38;
	[tilespmem:$0x1F0E0] =	vst v63  }
0x221: {  	s11 =	smov.u32 s5;
	s5 =	sadd.s32 $0x10, s5;
	_ =	swait.ge @!p3 [sflag:s9], $0x640  }
0x222: {  	p2 =	por p3, p3;
	p4 =	sne.s32 s5, $0x80;
	[sflag:s9] =	ssyncset.done @!p3 $0x0  }
0x223: {  	s7 =	simm.s32 @!p2 $0x2;
	[sflag:s9] =	ssyncadd.s32 @!p2 $0xFFFFF9C0  }
0x224: {  	_ =	swait.ge @!p2 [sflag:s7], $0x6400  }
.Ltmp15:
0x225: {  	[sflag:s7] =	ssyncset.done @!p2 $0x0;
	(pc) =	sbr.rel @p4 .LBB2_24-.Ltmp15, $4  }
0x226: {  	[sflag:s7] =	ssyncadd.s32 @!p2 $0xFFFF9C00;
	s7 =	simm.s32 @!p2 $0x3  }
0x227: {  	[spmem:s3] =	stream.indirect.scatter.add.f32 @!p2 [tilespmem:s12], [sflag:$0x3], $0x10, s8, s12, $0xb8;
	[tilespmem:$0x1F0E0] =	vst v63  }
0x228: {  	s1 =	sadd.s32 $0x64000, s1;
	s8 =	sadd.s32 s11, s0;
	_ =	swait.ge @!p2 [sflag:s7], $0x6400  }
0x229: {  	s6 =	sadd.s32 $0xC80, s6;
	p3 =	sgt.u32 s8, $0x7C;
	[sflag:s7] =	ssyncset.done @!p2 $0x0  }
0x22a: {  	s5 =	simm.s32 @!p3 $0x0;
	s8 =	simm.s32 @!p3 $0x1;
	[sflag:s7] =	ssyncadd.s32 @!p2 $0xFFFF9C00  }
0x22b: {  	[tilespmem:s5], [sflag:$0x1] =	stream.linear.gather @!p3 [hbm4b:s6+s5], $0x640, $0x38;
	[tilespmem:$0x1F0E0] =	vst v63  }
0x22c: {  	s7 =	simm.s32 @!p3 $0x80;
	s9 =	simm.s32 @!p3 $0x640;
	s6 =	simm.s32 @!p3 $0x10  }
0x22d: {  	[tilespmem:s9], [sflag:$0x2] =	stream.strided.gather @!p3 [hbm4b:s1+s6], $0x6400, s7, s6, $0x38;
	[tilespmem:$0x1F0E0] =	vst v63  }
0x22e: {  	_ =	swait.ge @!p3 [sflag:s8], $0x640  }
0x22f: {  	p2 =	por p3, p3;
	[sflag:s8] =	ssyncset.done @!p3 $0x0  }
0x230: {  	s1 =	simm.s32 @!p2 $0x2;
	[sflag:s8] =	ssyncadd.s32 @!p2 $0xFFFFF9C0  }
0x231: {  	_ =	swait.ge @!p2 [sflag:s1], $0x6400  }
0x232: {  	[sflag:s1] =	ssyncset.done @!p2 $0x0  }
0x233: {  	s12 =	sadd.s32 $0x0, s0;
	[sflag:s1] =	ssyncadd.s32 @!p2 $0xFFFF9C00;
	s1 =	simm.s32 @!p2 $0x3  }
0x234: {  	[spmem:s3] =	stream.indirect.scatter.add.f32 @!p2 [tilespmem:s9], [sflag:$0x3], $0x10, s5, s9, $0xb8;
	[tilespmem:$0x1F0E0] =	vst v63  }
0x235: {  	p3 =	sgt.u32 s12, $0x7C;
	_ =	swait.ge @!p2 [sflag:s1], $0x6400  }
0x236: {  	s6 =	simm.s32 @!p3 $0x10;
	[sflag:s1] =	ssyncset.done @!p2 $0x0  }
0x237: {  	s7 =	simm.s32 @!p3 $0x80;
	[sflag:s1] =	ssyncadd.s32 @!p2 $0xFFFF9C00;
	s1 =	simm.s32 @!p3 $0x0  }
0x238: {  	[tilespmem:s1], [sflag:$0x1] =	stream.linear.gather @!p3 [hbm4b:s13+s1], $0x640, $0x38;
	[tilespmem:$0x1F0E0] =	vst v63  }
0x239: {  	s8 =	simm.s32 @!p3 $0x640;
	s5 =	simm.s32 @!p3 $0x1;
	s9 =	rddreg [dreg:$0x17]  }
0x23a: {  	[tilespmem:s8], [sflag:$0x2] =	stream.strided.gather @!p3 [hbm4b:s9+s6], $0x6400, s7, s6, $0x38;
	[tilespmem:$0x1F0E0] =	vst v63  }
0x23b: {  	_ =	swait.ge @!p3 [sflag:s5], $0x640  }
0x23c: {  	p2 =	por p3, p3;
	[sflag:s5] =	ssyncset.done @!p3 $0x0  }
0x23d: {  	s6 =	simm.s32 @!p2 $0x2;
	[sflag:s5] =	ssyncadd.s32 @!p2 $0xFFFFF9C0  }
0x23e: {  	_ =	swait.ge @!p2 [sflag:s6], $0x6400  }
0x23f: {  	[sflag:s6] =	ssyncset.done @!p2 $0x0  }
0x240: {  	s21 =	sadd.s32 $0x10, s0;
	s7 =	simm.s32 @!p2 $0x3;
	[sflag:s6] =	ssyncadd.s32 @!p2 $0xFFFF9C00  }
0x241: {  	[spmem:s3] =	stream.indirect.scatter.add.f32 @!p2 [tilespmem:s8], [sflag:$0x3], $0x10, s1, s8, $0xb8;
	[tilespmem:$0x1F0E0] =	vst v63  }
0x242: {  	p3 =	sgt.u32 s21, $0x7C;
	s5 =	simm.s32 $0x20;
	_ =	swait.ge @!p2 [sflag:s7], $0x6400  }
0x243: {  	s6 =	sadd.s32 $0xC80, s13;
	s1 =	sadd.s32 $0x64000, s9;
	[sflag:s7] =	ssyncset.done @!p2 $0x0  }
.LBB2_26:
0x244: {  	s8 =	simm.s32 @!p3 $0x0;
	s9 =	simm.s32 @!p3 $0x1;
	[sflag:s7] =	ssyncadd.s32 @!p2 $0xFFFF9C00  }
0x245: {  	[tilespmem:s8], [sflag:$0x1] =	stream.linear.gather @!p3 [hbm4b:s6+s8], $0x640, $0x38;
	[tilespmem:$0x1F0E0] =	vst v63  }
0x246: {  	s7 =	simm.s32 @!p3 $0x10;
	s11 =	simm.s32 @!p3 $0x80;
	s12 =	simm.s32 @!p3 $0x640  }
0x247: {  	[tilespmem:s12], [sflag:$0x2] =	stream.strided.gather @!p3 [hbm4b:s1+s7], $0x6400, s11, s7, $0x38;
	[tilespmem:$0x1F0E0] =	vst v63  }
0x248: {  	s11 =	smov.u32 s5;
	s5 =	sadd.s32 $0x10, s5;
	_ =	swait.ge @!p3 [sflag:s9], $0x640  }
0x249: {  	p2 =	por p3, p3;
	p4 =	seq.s32 s5, $0x80;
	[sflag:s9] =	ssyncset.done @!p3 $0x0  }
0x24a: {  	s7 =	simm.s32 @!p2 $0x2;
	[sflag:s9] =	ssyncadd.s32 @!p2 $0xFFFFF9C0  }
0x24b: {  	_ =	swait.ge @!p2 [sflag:s7], $0x6400  }
.Ltmp16:
0x24c: {  	[sflag:s7] =	ssyncset.done @!p2 $0x0;
	(pc) =	sbr.rel @!p4 .LBB2_26-.Ltmp16, $4  }
0x24d: {  	[sflag:s7] =	ssyncadd.s32 @!p2 $0xFFFF9C00;
	s7 =	simm.s32 @!p2 $0x3  }
0x24e: {  	[spmem:s3] =	stream.indirect.scatter.add.f32 @!p2 [tilespmem:s12], [sflag:$0x3], $0x10, s8, s12, $0xb8;
	[tilespmem:$0x1F0E0] =	vst v63  }
0x24f: {  	s1 =	sadd.s32 $0x64000, s1;
	s8 =	sadd.s32 s11, s0;
	_ =	swait.ge @!p2 [sflag:s7], $0x6400  }
0x250: {  	s6 =	sadd.s32 $0xC80, s6;
	p3 =	sgt.u32 s8, $0x7C;
	[sflag:s7] =	ssyncset.done @!p2 $0x0  }
0x251: {  	s5 =	simm.s32 @!p3 $0x0;
	s8 =	simm.s32 @!p3 $0x1;
	[sflag:s7] =	ssyncadd.s32 @!p2 $0xFFFF9C00  }
0x252: {  	[tilespmem:s5], [sflag:$0x1] =	stream.linear.gather @!p3 [hbm4b:s6+s5], $0x640, $0x38;
	[tilespmem:$0x1F0E0] =	vst v63  }
0x253: {  	s7 =	simm.s32 @!p3 $0x80;
	s9 =	simm.s32 @!p3 $0x640;
	s6 =	simm.s32 @!p3 $0x10  }
0x254: {  	[tilespmem:s9], [sflag:$0x2] =	stream.strided.gather @!p3 [hbm4b:s1+s6], $0x6400, s7, s6, $0x38;
	[tilespmem:$0x1F0E0] =	vst v63  }
0x255: {  	_ =	swait.ge @!p3 [sflag:s8], $0x640  }
0x256: {  	p2 =	por p3, p3;
	[sflag:s8] =	ssyncset.done @!p3 $0x0  }
0x257: {  	s1 =	simm.s32 @!p2 $0x2;
	[sflag:s8] =	ssyncadd.s32 @!p2 $0xFFFFF9C0  }
0x258: {  	_ =	swait.ge @!p2 [sflag:s1], $0x6400  }
0x259: {  	[sflag:s1] =	ssyncset.done @!p2 $0x0  }
0x25a: {  	[sflag:s1] =	ssyncadd.s32 @!p2 $0xFFFF9C00;
	s1 =	simm.s32 @!p2 $0x3  }
0x25b: {  	[spmem:s3] =	stream.indirect.scatter.add.f32 @!p2 [tilespmem:s9], [sflag:$0x3], $0x10, s5, s9, $0xb8;
	[tilespmem:$0x1F0E0] =	vst v63  }
0x25c: {  	_ =	swait.ge @!p2 [sflag:s1], $0x6400  }
0x25d: {  	[sflag:s1] =	ssyncset.done @!p2 $0x0  }
0x25e: {  	[sflag:s1] =	ssyncadd.s32 @!p2 $0xFFFF9C00  }
0x25f: {  	[bflag:$0x0] =	sbarrier.arrive $0xFFFF  }
0x260: {  	s12 =	rddreg [dreg:$0x6]  }
0x261: {  	[hbm:s12], [sflag:s20] =	dma.local [spmem:s31], $0x30D4  }
0x262: {  	_ =	swait.ge [sflag:s30], $0x30D4  }
0x263: {  	[sflag:s30] =	ssyncset.done $0x0  }
0x264: {  	[sflag:s30] =	ssyncadd.s32 $0xFFFFCF2C  }
0x265: {  	[bflag:$0x0] =	sbarrier.arrive $0xFFFF  }
0x266: {  	[spmem:s31], [sflag:s20] =	dma.local [hbm:s2], $0x30D4  }
0x267: {  	s21 =	sadd.s32 $0x0, s0;
	_ =	swait.ge [sflag:s30], $0x30D4  }
0x268: {  	p2 =	sgt.u32 s21, $0x7C;
	[sflag:s30] =	ssyncset.done $0x0  }
0x269: {  	s1 =	simm.s32 @!p2 $0x0;
	[sflag:s30] =	ssyncadd.s32 $0xFFFFCF2C  }
0x26a: {  	s5 =	simm.s32 @!p2 $0x1;
	s6 =	simm.s32 @!p2 $0x10;
	[bflag:$0x0] =	sbarrier.arrive $0xFFFF  }
0x26b: {  	[tilespmem:s1], [sflag:$0x1] =	stream.linear.gather @!p2 [hbm4b:s10+s1], $0x640, $0x38;
	[tilespmem:$0x1F0E0] =	vst v63  }
0x26c: {  	s7 =	simm.s32 @!p2 $0x80;
	s9 =	simm.s32 @!p2 $0x640;
	s11 =	rddreg [dreg:$0x18]  }
0x26d: {  	[tilespmem:s9], [sflag:$0x2] =	stream.strided.gather @!p2 [hbm4b:s11+s6], $0x6400, s7, s6, $0x38;
	[tilespmem:$0x1F0E0] =	vst v63  }
0x26e: {  	_ =	swait.ge @!p2 [sflag:s5], $0x640  }
0x26f: {  	p3 =	por p2, p2;
	[sflag:s5] =	ssyncset.done @!p2 $0x0  }
0x270: {  	[sflag:s5] =	ssyncadd.s32 @!p3 $0xFFFFF9C0;
	s5 =	simm.s32 @!p3 $0x2  }
0x271: {  	_ =	swait.ge @!p3 [sflag:s5], $0x6400  }
0x272: {  	[sflag:s5] =	ssyncset.done @!p3 $0x0  }
0x273: {  	s8 =	simm.s32 @!p3 $0x3;
	s6 =	simm.s32 $0x20;
	[sflag:s5] =	ssyncadd.s32 @!p3 $0xFFFF9C00  }
0x274: {  	[spmem:s3] =	stream.indirect.scatter.add.f32 @!p3 [tilespmem:s9], [sflag:$0x3], $0x10, s1, s9, $0xb8;
	[tilespmem:$0x1F0E0] =	vst v63  }
0x275: {  	s7 =	sadd.s32 $0xC80, s10;
	s1 =	sadd.s32 $0x10, s0;
	_ =	swait.ge @!p3 [sflag:s8], $0x6400  }
0x276: {  	s5 =	sadd.s32 $0x64000, s11;
	p4 =	sgt.u32 s1, $0x7C;
	[sflag:s8] =	ssyncset.done @!p3 $0x0  }
.LBB2_28:
0x277: {  	s9 =	simm.s32 @!p4 $0x0;
	s11 =	simm.s32 @!p4 $0x1;
	[sflag:s8] =	ssyncadd.s32 @!p3 $0xFFFF9C00  }
0x278: {  	[tilespmem:s9], [sflag:$0x1] =	stream.linear.gather @!p4 [hbm4b:s7+s9], $0x640, $0x38;
	[tilespmem:$0x1F0E0] =	vst v63  }
0x279: {  	s8 =	simm.s32 @!p4 $0x10;
	s12 =	simm.s32 @!p4 $0x80;
	s21 =	simm.s32 @!p4 $0x640  }
0x27a: {  	[tilespmem:s21], [sflag:$0x2] =	stream.strided.gather @!p4 [hbm4b:s5+s8], $0x6400, s12, s8, $0x38;
	[tilespmem:$0x1F0E0] =	vst v63  }
0x27b: {  	s12 =	smov.u32 s6;
	s6 =	sadd.s32 $0x10, s6;
	_ =	swait.ge @!p4 [sflag:s11], $0x640  }
0x27c: {  	p3 =	por p4, p4;
	p5 =	sne.s32 s6, $0x80;
	[sflag:s11] =	ssyncset.done @!p4 $0x0  }
0x27d: {  	s8 =	simm.s32 @!p3 $0x2;
	[sflag:s11] =	ssyncadd.s32 @!p3 $0xFFFFF9C0  }
0x27e: {  	_ =	swait.ge @!p3 [sflag:s8], $0x6400  }
.Ltmp17:
0x27f: {  	[sflag:s8] =	ssyncset.done @!p3 $0x0;
	(pc) =	sbr.rel @p5 .LBB2_28-.Ltmp17, $4  }
0x280: {  	[sflag:s8] =	ssyncadd.s32 @!p3 $0xFFFF9C00;
	s8 =	simm.s32 @!p3 $0x3  }
0x281: {  	[spmem:s3] =	stream.indirect.scatter.add.f32 @!p3 [tilespmem:s21], [sflag:$0x3], $0x10, s9, s21, $0xb8;
	[tilespmem:$0x1F0E0] =	vst v63  }
0x282: {  	s5 =	sadd.s32 $0x64000, s5;
	s9 =	sadd.s32 s12, s0;
	_ =	swait.ge @!p3 [sflag:s8], $0x6400  }
0x283: {  	s7 =	sadd.s32 $0xC80, s7;
	p4 =	sgt.u32 s9, $0x7C;
	[sflag:s8] =	ssyncset.done @!p3 $0x0  }
0x284: {  	s6 =	simm.s32 @!p4 $0x0;
	s9 =	simm.s32 @!p4 $0x1;
	[sflag:s8] =	ssyncadd.s32 @!p3 $0xFFFF9C00  }
0x285: {  	[tilespmem:s6], [sflag:$0x1] =	stream.linear.gather @!p4 [hbm4b:s7+s6], $0x640, $0x38;
	[tilespmem:$0x1F0E0] =	vst v63  }
0x286: {  	s8 =	simm.s32 @!p4 $0x80;
	s11 =	simm.s32 @!p4 $0x640;
	s7 =	simm.s32 @!p4 $0x10  }
0x287: {  	[tilespmem:s11], [sflag:$0x2] =	stream.strided.gather @!p4 [hbm4b:s5+s7], $0x6400, s8, s7, $0x38;
	[tilespmem:$0x1F0E0] =	vst v63  }
0x288: {  	_ =	swait.ge @!p4 [sflag:s9], $0x640  }
0x289: {  	p3 =	por p4, p4;
	[sflag:s9] =	ssyncset.done @!p4 $0x0  }
0x28a: {  	s5 =	simm.s32 @!p3 $0x2;
	[sflag:s9] =	ssyncadd.s32 @!p3 $0xFFFFF9C0  }
0x28b: {  	_ =	swait.ge @!p3 [sflag:s5], $0x6400  }
0x28c: {  	[sflag:s5] =	ssyncset.done @!p3 $0x0  }
0x28d: {  	[sflag:s5] =	ssyncadd.s32 @!p3 $0xFFFF9C00;
	s5 =	simm.s32 @!p3 $0x3  }
0x28e: {  	[spmem:s3] =	stream.indirect.scatter.add.f32 @!p3 [tilespmem:s11], [sflag:$0x3], $0x10, s6, s11, $0xb8;
	[tilespmem:$0x1F0E0] =	vst v63  }
0x28f: {  	_ =	swait.ge @!p3 [sflag:s5], $0x6400  }
0x290: {  	s7 =	simm.s32 @!p2 $0x10;
	[sflag:s5] =	ssyncset.done @!p3 $0x0  }
0x291: {  	s8 =	simm.s32 @!p2 $0x80;
	[sflag:s5] =	ssyncadd.s32 @!p3 $0xFFFF9C00;
	s5 =	simm.s32 @!p2 $0x0  }
0x292: {  	[tilespmem:s5], [sflag:$0x1] =	stream.linear.gather @!p2 [hbm4b:s13+s5], $0x640, $0x38;
	[tilespmem:$0x1F0E0] =	vst v63  }
0x293: {  	s9 =	simm.s32 @!p2 $0x640;
	s6 =	simm.s32 @!p2 $0x1;
	s11 =	rddreg [dreg:$0x19]  }
0x294: {  	[tilespmem:s9], [sflag:$0x2] =	stream.strided.gather @!p2 [hbm4b:s11+s7], $0x6400, s8, s7, $0x38;
	[tilespmem:$0x1F0E0] =	vst v63  }
0x295: {  	_ =	swait.ge @!p2 [sflag:s6], $0x640  }
0x296: {  	[sflag:s6] =	ssyncset.done @!p2 $0x0;
	p2 =	por p2, p2  }
0x297: {  	[sflag:s6] =	ssyncadd.s32 @!p2 $0xFFFFF9C0;
	s6 =	simm.s32 @!p2 $0x2  }
0x298: {  	_ =	swait.ge @!p2 [sflag:s6], $0x6400  }
0x299: {  	[sflag:s6] =	ssyncset.done @!p2 $0x0  }
0x29a: {  	s7 =	simm.s32 @!p2 $0x3;
	[sflag:s6] =	ssyncadd.s32 @!p2 $0xFFFF9C00  }
0x29b: {  	[spmem:s3] =	stream.indirect.scatter.add.f32 @!p2 [tilespmem:s9], [sflag:$0x3], $0x10, s5, s9, $0xb8;
	[tilespmem:$0x1F0E0] =	vst v63  }
0x29c: {  	p3 =	sgt.u32 s1, $0x7C;
	s1 =	sadd.s32 $0xC80, s13;
	_ =	swait.ge @!p2 [sflag:s7], $0x6400  }
0x29d: {  	s6 =	simm.s32 $0x20;
	s5 =	sadd.s32 $0x64000, s11;
	[sflag:s7] =	ssyncset.done @!p2 $0x0  }
.LBB2_30:
0x29e: {  	s8 =	simm.s32 @!p3 $0x0;
	s9 =	simm.s32 @!p3 $0x1;
	[sflag:s7] =	ssyncadd.s32 @!p2 $0xFFFF9C00  }
0x29f: {  	[tilespmem:s8], [sflag:$0x1] =	stream.linear.gather @!p3 [hbm4b:s1+s8], $0x640, $0x38;
	[tilespmem:$0x1F0E0] =	vst v63  }
0x2a0: {  	s7 =	simm.s32 @!p3 $0x10;
	s11 =	simm.s32 @!p3 $0x80;
	s12 =	simm.s32 @!p3 $0x640  }
0x2a1: {  	[tilespmem:s12], [sflag:$0x2] =	stream.strided.gather @!p3 [hbm4b:s5+s7], $0x6400, s11, s7, $0x38;
	[tilespmem:$0x1F0E0] =	vst v63  }
0x2a2: {  	s11 =	smov.u32 s6;
	s6 =	sadd.s32 $0x10, s6;
	_ =	swait.ge @!p3 [sflag:s9], $0x640  }
0x2a3: {  	p2 =	por p3, p3;
	p4 =	sne.s32 s6, $0x80;
	[sflag:s9] =	ssyncset.done @!p3 $0x0  }
0x2a4: {  	s7 =	simm.s32 @!p2 $0x2;
	[sflag:s9] =	ssyncadd.s32 @!p2 $0xFFFFF9C0  }
0x2a5: {  	_ =	swait.ge @!p2 [sflag:s7], $0x6400  }
.Ltmp18:
0x2a6: {  	[sflag:s7] =	ssyncset.done @!p2 $0x0;
	(pc) =	sbr.rel @p4 .LBB2_30-.Ltmp18, $4  }
0x2a7: {  	[sflag:s7] =	ssyncadd.s32 @!p2 $0xFFFF9C00;
	s7 =	simm.s32 @!p2 $0x3  }
0x2a8: {  	[spmem:s3] =	stream.indirect.scatter.add.f32 @!p2 [tilespmem:s12], [sflag:$0x3], $0x10, s8, s12, $0xb8;
	[tilespmem:$0x1F0E0] =	vst v63  }
0x2a9: {  	s5 =	sadd.s32 $0x64000, s5;
	s8 =	sadd.s32 s11, s0;
	_ =	swait.ge @!p2 [sflag:s7], $0x6400  }
0x2aa: {  	s1 =	sadd.s32 $0xC80, s1;
	p3 =	sgt.u32 s8, $0x7C;
	[sflag:s7] =	ssyncset.done @!p2 $0x0  }
0x2ab: {  	s6 =	simm.s32 @!p3 $0x0;
	s8 =	simm.s32 @!p3 $0x1;
	[sflag:s7] =	ssyncadd.s32 @!p2 $0xFFFF9C00  }
0x2ac: {  	[tilespmem:s6], [sflag:$0x1] =	stream.linear.gather @!p3 [hbm4b:s1+s6], $0x640, $0x38;
	[tilespmem:$0x1F0E0] =	vst v63  }
0x2ad: {  	s7 =	simm.s32 @!p3 $0x80;
	s9 =	simm.s32 @!p3 $0x640;
	s1 =	simm.s32 @!p3 $0x10  }
0x2ae: {  	[tilespmem:s9], [sflag:$0x2] =	stream.strided.gather @!p3 [hbm4b:s5+s1], $0x6400, s7, s1, $0x38;
	[tilespmem:$0x1F0E0] =	vst v63  }
0x2af: {  	_ =	swait.ge @!p3 [sflag:s8], $0x640  }
0x2b0: {  	p2 =	por p3, p3;
	[sflag:s8] =	ssyncset.done @!p3 $0x0  }
0x2b1: {  	s1 =	simm.s32 @!p2 $0x2;
	[sflag:s8] =	ssyncadd.s32 @!p2 $0xFFFFF9C0  }
0x2b2: {  	_ =	swait.ge @!p2 [sflag:s1], $0x6400  }
0x2b3: {  	[sflag:s1] =	ssyncset.done @!p2 $0x0  }
0x2b4: {  	[sflag:s1] =	ssyncadd.s32 @!p2 $0xFFFF9C00;
	s1 =	simm.s32 @!p2 $0x3  }
0x2b5: {  	[spmem:s3] =	stream.indirect.scatter.add.f32 @!p2 [tilespmem:s9], [sflag:$0x3], $0x10, s6, s9, $0xb8;
	[tilespmem:$0x1F0E0] =	vst v63  }
0x2b6: {  	_ =	swait.ge @!p2 [sflag:s1], $0x6400  }
0x2b7: {  	[sflag:s1] =	ssyncset.done @!p2 $0x0  }
0x2b8: {  	[sflag:s1] =	ssyncadd.s32 @!p2 $0xFFFF9C00  }
0x2b9: {  	[bflag:$0x0] =	sbarrier.arrive $0xFFFF  }
0x2ba: {  	s12 =	rddreg [dreg:$0x9]  }
0x2bb: {  	[hbm:s12], [sflag:s20] =	dma.local [spmem:s31], $0x30D4  }
0x2bc: {  	_ =	swait.ge [sflag:s30], $0x30D4  }
0x2bd: {  	[sflag:s30] =	ssyncset.done $0x0  }
0x2be: {  	[sflag:s30] =	ssyncadd.s32 $0xFFFFCF2C  }
0x2bf: {  	[bflag:$0x0] =	sbarrier.arrive $0xFFFF  }
0x2c0: {  	[spmem:s31], [sflag:s20] =	dma.local [hbm:s2], $0x30D4  }
0x2c1: {  	s21 =	sadd.s32 $0x0, s0;
	_ =	swait.ge [sflag:s30], $0x30D4  }
0x2c2: {  	p2 =	sgt.u32 s21, $0x7C;
	[sflag:s30] =	ssyncset.done $0x0  }
0x2c3: {  	s1 =	simm.s32 @!p2 $0x0;
	[sflag:s30] =	ssyncadd.s32 $0xFFFFCF2C  }
0x2c4: {  	s5 =	simm.s32 @!p2 $0x1;
	s6 =	simm.s32 @!p2 $0x10;
	[bflag:$0x0] =	sbarrier.arrive $0xFFFF  }
0x2c5: {  	[tilespmem:s1], [sflag:$0x1] =	stream.linear.gather @!p2 [hbm4b:s10+s1], $0x640, $0x38;
	[tilespmem:$0x1F0E0] =	vst v63  }
0x2c6: {  	s7 =	simm.s32 @!p2 $0x80;
	s9 =	simm.s32 @!p2 $0x640;
	s11 =	rddreg [dreg:$0x1a]  }
0x2c7: {  	[tilespmem:s9], [sflag:$0x2] =	stream.strided.gather @!p2 [hbm4b:s11+s6], $0x6400, s7, s6, $0x38;
	[tilespmem:$0x1F0E0] =	vst v63  }
0x2c8: {  	_ =	swait.ge @!p2 [sflag:s5], $0x640  }
0x2c9: {  	p3 =	por p2, p2;
	[sflag:s5] =	ssyncset.done @!p2 $0x0  }
0x2ca: {  	[sflag:s5] =	ssyncadd.s32 @!p3 $0xFFFFF9C0;
	s5 =	simm.s32 @!p3 $0x2  }
0x2cb: {  	_ =	swait.ge @!p3 [sflag:s5], $0x6400  }
0x2cc: {  	[sflag:s5] =	ssyncset.done @!p3 $0x0  }
0x2cd: {  	s8 =	simm.s32 @!p3 $0x3;
	s6 =	simm.s32 $0x20;
	[sflag:s5] =	ssyncadd.s32 @!p3 $0xFFFF9C00  }
0x2ce: {  	[spmem:s3] =	stream.indirect.scatter.add.f32 @!p3 [tilespmem:s9], [sflag:$0x3], $0x10, s1, s9, $0xb8;
	[tilespmem:$0x1F0E0] =	vst v63  }
0x2cf: {  	s7 =	sadd.s32 $0xC80, s10;
	s1 =	sadd.s32 $0x10, s0;
	_ =	swait.ge @!p3 [sflag:s8], $0x6400  }
0x2d0: {  	s5 =	sadd.s32 $0x64000, s11;
	p4 =	sgt.u32 s1, $0x7C;
	[sflag:s8] =	ssyncset.done @!p3 $0x0  }
.LBB2_32:
0x2d1: {  	s9 =	simm.s32 @!p4 $0x0;
	s11 =	simm.s32 @!p4 $0x1;
	[sflag:s8] =	ssyncadd.s32 @!p3 $0xFFFF9C00  }
0x2d2: {  	[tilespmem:s9], [sflag:$0x1] =	stream.linear.gather @!p4 [hbm4b:s7+s9], $0x640, $0x38;
	[tilespmem:$0x1F0E0] =	vst v63  }
0x2d3: {  	s8 =	simm.s32 @!p4 $0x10;
	s12 =	simm.s32 @!p4 $0x80;
	s21 =	simm.s32 @!p4 $0x640  }
0x2d4: {  	[tilespmem:s21], [sflag:$0x2] =	stream.strided.gather @!p4 [hbm4b:s5+s8], $0x6400, s12, s8, $0x38;
	[tilespmem:$0x1F0E0] =	vst v63  }
0x2d5: {  	s12 =	smov.u32 s6;
	s6 =	sadd.s32 $0x10, s6;
	_ =	swait.ge @!p4 [sflag:s11], $0x640  }
0x2d6: {  	p3 =	por p4, p4;
	p5 =	sne.s32 s6, $0x80;
	[sflag:s11] =	ssyncset.done @!p4 $0x0  }
0x2d7: {  	s8 =	simm.s32 @!p3 $0x2;
	[sflag:s11] =	ssyncadd.s32 @!p3 $0xFFFFF9C0  }
0x2d8: {  	_ =	swait.ge @!p3 [sflag:s8], $0x6400  }
.Ltmp19:
0x2d9: {  	[sflag:s8] =	ssyncset.done @!p3 $0x0;
	(pc) =	sbr.rel @p5 .LBB2_32-.Ltmp19, $4  }
0x2da: {  	[sflag:s8] =	ssyncadd.s32 @!p3 $0xFFFF9C00;
	s8 =	simm.s32 @!p3 $0x3  }
0x2db: {  	[spmem:s3] =	stream.indirect.scatter.add.f32 @!p3 [tilespmem:s21], [sflag:$0x3], $0x10, s9, s21, $0xb8;
	[tilespmem:$0x1F0E0] =	vst v63  }
0x2dc: {  	s5 =	sadd.s32 $0x64000, s5;
	s9 =	sadd.s32 s12, s0;
	_ =	swait.ge @!p3 [sflag:s8], $0x6400  }
0x2dd: {  	s7 =	sadd.s32 $0xC80, s7;
	p4 =	sgt.u32 s9, $0x7C;
	[sflag:s8] =	ssyncset.done @!p3 $0x0  }
0x2de: {  	s6 =	simm.s32 @!p4 $0x0;
	s9 =	simm.s32 @!p4 $0x1;
	[sflag:s8] =	ssyncadd.s32 @!p3 $0xFFFF9C00  }
0x2df: {  	[tilespmem:s6], [sflag:$0x1] =	stream.linear.gather @!p4 [hbm4b:s7+s6], $0x640, $0x38;
	[tilespmem:$0x1F0E0] =	vst v63  }
0x2e0: {  	s8 =	simm.s32 @!p4 $0x80;
	s11 =	simm.s32 @!p4 $0x640;
	s7 =	simm.s32 @!p4 $0x10  }
0x2e1: {  	[tilespmem:s11], [sflag:$0x2] =	stream.strided.gather @!p4 [hbm4b:s5+s7], $0x6400, s8, s7, $0x38;
	[tilespmem:$0x1F0E0] =	vst v63  }
0x2e2: {  	_ =	swait.ge @!p4 [sflag:s9], $0x640  }
0x2e3: {  	p3 =	por p4, p4;
	[sflag:s9] =	ssyncset.done @!p4 $0x0  }
0x2e4: {  	s5 =	simm.s32 @!p3 $0x2;
	[sflag:s9] =	ssyncadd.s32 @!p3 $0xFFFFF9C0  }
0x2e5: {  	_ =	swait.ge @!p3 [sflag:s5], $0x6400  }
0x2e6: {  	[sflag:s5] =	ssyncset.done @!p3 $0x0  }
0x2e7: {  	[sflag:s5] =	ssyncadd.s32 @!p3 $0xFFFF9C00;
	s5 =	simm.s32 @!p3 $0x3  }
0x2e8: {  	[spmem:s3] =	stream.indirect.scatter.add.f32 @!p3 [tilespmem:s11], [sflag:$0x3], $0x10, s6, s11, $0xb8;
	[tilespmem:$0x1F0E0] =	vst v63  }
0x2e9: {  	_ =	swait.ge @!p3 [sflag:s5], $0x6400  }
0x2ea: {  	s7 =	simm.s32 @!p2 $0x10;
	[sflag:s5] =	ssyncset.done @!p3 $0x0  }
0x2eb: {  	s8 =	simm.s32 @!p2 $0x80;
	[sflag:s5] =	ssyncadd.s32 @!p3 $0xFFFF9C00;
	s5 =	simm.s32 @!p2 $0x0  }
0x2ec: {  	[tilespmem:s5], [sflag:$0x1] =	stream.linear.gather @!p2 [hbm4b:s13+s5], $0x640, $0x38;
	[tilespmem:$0x1F0E0] =	vst v63  }
0x2ed: {  	s9 =	simm.s32 @!p2 $0x640;
	s6 =	simm.s32 @!p2 $0x1;
	s11 =	rddreg [dreg:$0x1b]  }
0x2ee: {  	[tilespmem:s9], [sflag:$0x2] =	stream.strided.gather @!p2 [hbm4b:s11+s7], $0x6400, s8, s7, $0x38;
	[tilespmem:$0x1F0E0] =	vst v63  }
0x2ef: {  	_ =	swait.ge @!p2 [sflag:s6], $0x640  }
0x2f0: {  	[sflag:s6] =	ssyncset.done @!p2 $0x0;
	p2 =	por p2, p2  }
0x2f1: {  	[sflag:s6] =	ssyncadd.s32 @!p2 $0xFFFFF9C0;
	s6 =	simm.s32 @!p2 $0x2  }
0x2f2: {  	_ =	swait.ge @!p2 [sflag:s6], $0x6400  }
0x2f3: {  	[sflag:s6] =	ssyncset.done @!p2 $0x0  }
0x2f4: {  	s7 =	simm.s32 @!p2 $0x3;
	[sflag:s6] =	ssyncadd.s32 @!p2 $0xFFFF9C00  }
0x2f5: {  	[spmem:s3] =	stream.indirect.scatter.add.f32 @!p2 [tilespmem:s9], [sflag:$0x3], $0x10, s5, s9, $0xb8;
	[tilespmem:$0x1F0E0] =	vst v63  }
0x2f6: {  	p3 =	sgt.u32 s1, $0x7C;
	s1 =	sadd.s32 $0xC80, s13;
	_ =	swait.ge @!p2 [sflag:s7], $0x6400  }
0x2f7: {  	s6 =	simm.s32 $0x20;
	s5 =	sadd.s32 $0x64000, s11;
	[sflag:s7] =	ssyncset.done @!p2 $0x0  }
.LBB2_34:
0x2f8: {  	s8 =	simm.s32 @!p3 $0x0;
	s9 =	simm.s32 @!p3 $0x1;
	[sflag:s7] =	ssyncadd.s32 @!p2 $0xFFFF9C00  }
0x2f9: {  	[tilespmem:s8], [sflag:$0x1] =	stream.linear.gather @!p3 [hbm4b:s1+s8], $0x640, $0x38;
	[tilespmem:$0x1F0E0] =	vst v63  }
0x2fa: {  	s7 =	simm.s32 @!p3 $0x10;
	s11 =	simm.s32 @!p3 $0x80;
	s12 =	simm.s32 @!p3 $0x640  }
0x2fb: {  	[tilespmem:s12], [sflag:$0x2] =	stream.strided.gather @!p3 [hbm4b:s5+s7], $0x6400, s11, s7, $0x38;
	[tilespmem:$0x1F0E0] =	vst v63  }
0x2fc: {  	s11 =	smov.u32 s6;
	s6 =	sadd.s32 $0x10, s6;
	_ =	swait.ge @!p3 [sflag:s9], $0x640  }
0x2fd: {  	p2 =	por p3, p3;
	p4 =	sne.s32 s6, $0x80;
	[sflag:s9] =	ssyncset.done @!p3 $0x0  }
0x2fe: {  	s7 =	simm.s32 @!p2 $0x2;
	[sflag:s9] =	ssyncadd.s32 @!p2 $0xFFFFF9C0  }
0x2ff: {  	_ =	swait.ge @!p2 [sflag:s7], $0x6400  }
.Ltmp20:
0x300: {  	[sflag:s7] =	ssyncset.done @!p2 $0x0;
	(pc) =	sbr.rel @p4 .LBB2_34-.Ltmp20, $4  }
0x301: {  	[sflag:s7] =	ssyncadd.s32 @!p2 $0xFFFF9C00;
	s7 =	simm.s32 @!p2 $0x3  }
0x302: {  	[spmem:s3] =	stream.indirect.scatter.add.f32 @!p2 [tilespmem:s12], [sflag:$0x3], $0x10, s8, s12, $0xb8;
	[tilespmem:$0x1F0E0] =	vst v63  }
0x303: {  	s5 =	sadd.s32 $0x64000, s5;
	s8 =	sadd.s32 s11, s0;
	_ =	swait.ge @!p2 [sflag:s7], $0x6400  }
0x304: {  	s1 =	sadd.s32 $0xC80, s1;
	p3 =	sgt.u32 s8, $0x7C;
	[sflag:s7] =	ssyncset.done @!p2 $0x0  }
0x305: {  	s6 =	simm.s32 @!p3 $0x0;
	s8 =	simm.s32 @!p3 $0x1;
	[sflag:s7] =	ssyncadd.s32 @!p2 $0xFFFF9C00  }
0x306: {  	[tilespmem:s6], [sflag:$0x1] =	stream.linear.gather @!p3 [hbm4b:s1+s6], $0x640, $0x38;
	[tilespmem:$0x1F0E0] =	vst v63  }
0x307: {  	s7 =	simm.s32 @!p3 $0x80;
	s9 =	simm.s32 @!p3 $0x640;
	s1 =	simm.s32 @!p3 $0x10  }
0x308: {  	[tilespmem:s9], [sflag:$0x2] =	stream.strided.gather @!p3 [hbm4b:s5+s1], $0x6400, s7, s1, $0x38;
	[tilespmem:$0x1F0E0] =	vst v63  }
0x309: {  	_ =	swait.ge @!p3 [sflag:s8], $0x640  }
0x30a: {  	p2 =	por p3, p3;
	[sflag:s8] =	ssyncset.done @!p3 $0x0  }
0x30b: {  	s1 =	simm.s32 @!p2 $0x2;
	[sflag:s8] =	ssyncadd.s32 @!p2 $0xFFFFF9C0  }
0x30c: {  	_ =	swait.ge @!p2 [sflag:s1], $0x6400  }
0x30d: {  	[sflag:s1] =	ssyncset.done @!p2 $0x0  }
0x30e: {  	[sflag:s1] =	ssyncadd.s32 @!p2 $0xFFFF9C00;
	s1 =	simm.s32 @!p2 $0x3  }
0x30f: {  	[spmem:s3] =	stream.indirect.scatter.add.f32 @!p2 [tilespmem:s9], [sflag:$0x3], $0x10, s6, s9, $0xb8;
	[tilespmem:$0x1F0E0] =	vst v63  }
0x310: {  	_ =	swait.ge @!p2 [sflag:s1], $0x6400  }
0x311: {  	[sflag:s1] =	ssyncset.done @!p2 $0x0  }
0x312: {  	[sflag:s1] =	ssyncadd.s32 @!p2 $0xFFFF9C00  }
0x313: {  	[bflag:$0x0] =	sbarrier.arrive $0xFFFF  }
0x314: {  	s12 =	rddreg [dreg:$0xb]  }
0x315: {  	[hbm:s12], [sflag:s20] =	dma.local [spmem:s31], $0x30D4  }
0x316: {  	_ =	swait.ge [sflag:s30], $0x30D4  }
0x317: {  	[sflag:s30] =	ssyncset.done $0x0  }
0x318: {  	[sflag:s30] =	ssyncadd.s32 $0xFFFFCF2C  }
0x319: {  	[bflag:$0x0] =	sbarrier.arrive $0xFFFF  }
0x31a: {  	[spmem:s31], [sflag:s20] =	dma.local [hbm:s2], $0x30D4  }
0x31b: {  	s21 =	sadd.s32 $0x0, s0;
	_ =	swait.ge [sflag:s30], $0x30D4  }
0x31c: {  	p2 =	sgt.u32 s21, $0x7C;
	[sflag:s30] =	ssyncset.done $0x0  }
0x31d: {  	s1 =	simm.s32 @!p2 $0x0;
	[sflag:s30] =	ssyncadd.s32 $0xFFFFCF2C  }
0x31e: {  	s5 =	simm.s32 @!p2 $0x1;
	s6 =	simm.s32 @!p2 $0x10;
	[bflag:$0x0] =	sbarrier.arrive $0xFFFF  }
0x31f: {  	[tilespmem:s1], [sflag:$0x1] =	stream.linear.gather @!p2 [hbm4b:s10+s1], $0x640, $0x38;
	[tilespmem:$0x1F0E0] =	vst v63  }
0x320: {  	s7 =	simm.s32 @!p2 $0x80;
	s9 =	simm.s32 @!p2 $0x640;
	s11 =	rddreg [dreg:$0x1d]  }
0x321: {  	[tilespmem:s9], [sflag:$0x2] =	stream.strided.gather @!p2 [hbm4b:s11+s6], $0x6400, s7, s6, $0x38;
	[tilespmem:$0x1F0E0] =	vst v63  }
0x322: {  	_ =	swait.ge @!p2 [sflag:s5], $0x640  }
0x323: {  	p3 =	por p2, p2;
	[sflag:s5] =	ssyncset.done @!p2 $0x0  }
0x324: {  	[sflag:s5] =	ssyncadd.s32 @!p3 $0xFFFFF9C0;
	s5 =	simm.s32 @!p3 $0x2  }
0x325: {  	_ =	swait.ge @!p3 [sflag:s5], $0x6400  }
0x326: {  	[sflag:s5] =	ssyncset.done @!p3 $0x0  }
0x327: {  	s8 =	simm.s32 @!p3 $0x3;
	s6 =	simm.s32 $0x20;
	[sflag:s5] =	ssyncadd.s32 @!p3 $0xFFFF9C00  }
0x328: {  	[spmem:s3] =	stream.indirect.scatter.add.f32 @!p3 [tilespmem:s9], [sflag:$0x3], $0x10, s1, s9, $0xb8;
	[tilespmem:$0x1F0E0] =	vst v63  }
0x329: {  	s7 =	sadd.s32 $0xC80, s10;
	s1 =	sadd.s32 $0x10, s0;
	_ =	swait.ge @!p3 [sflag:s8], $0x6400  }
0x32a: {  	s5 =	sadd.s32 $0x64000, s11;
	p4 =	sgt.u32 s1, $0x7C;
	[sflag:s8] =	ssyncset.done @!p3 $0x0  }
.LBB2_36:
0x32b: {  	s9 =	simm.s32 @!p4 $0x0;
	s11 =	simm.s32 @!p4 $0x1;
	[sflag:s8] =	ssyncadd.s32 @!p3 $0xFFFF9C00  }
0x32c: {  	[tilespmem:s9], [sflag:$0x1] =	stream.linear.gather @!p4 [hbm4b:s7+s9], $0x640, $0x38;
	[tilespmem:$0x1F0E0] =	vst v63  }
0x32d: {  	s8 =	simm.s32 @!p4 $0x10;
	s12 =	simm.s32 @!p4 $0x80;
	s21 =	simm.s32 @!p4 $0x640  }
0x32e: {  	[tilespmem:s21], [sflag:$0x2] =	stream.strided.gather @!p4 [hbm4b:s5+s8], $0x6400, s12, s8, $0x38;
	[tilespmem:$0x1F0E0] =	vst v63  }
0x32f: {  	s12 =	smov.u32 s6;
	s6 =	sadd.s32 $0x10, s6;
	_ =	swait.ge @!p4 [sflag:s11], $0x640  }
0x330: {  	p3 =	por p4, p4;
	p5 =	sne.s32 s6, $0x80;
	[sflag:s11] =	ssyncset.done @!p4 $0x0  }
0x331: {  	s8 =	simm.s32 @!p3 $0x2;
	[sflag:s11] =	ssyncadd.s32 @!p3 $0xFFFFF9C0  }
0x332: {  	_ =	swait.ge @!p3 [sflag:s8], $0x6400  }
.Ltmp21:
0x333: {  	[sflag:s8] =	ssyncset.done @!p3 $0x0;
	(pc) =	sbr.rel @p5 .LBB2_36-.Ltmp21, $4  }
0x334: {  	[sflag:s8] =	ssyncadd.s32 @!p3 $0xFFFF9C00;
	s8 =	simm.s32 @!p3 $0x3  }
0x335: {  	[spmem:s3] =	stream.indirect.scatter.add.f32 @!p3 [tilespmem:s21], [sflag:$0x3], $0x10, s9, s21, $0xb8;
	[tilespmem:$0x1F0E0] =	vst v63  }
0x336: {  	s5 =	sadd.s32 $0x64000, s5;
	s9 =	sadd.s32 s12, s0;
	_ =	swait.ge @!p3 [sflag:s8], $0x6400  }
0x337: {  	s7 =	sadd.s32 $0xC80, s7;
	p4 =	sgt.u32 s9, $0x7C;
	[sflag:s8] =	ssyncset.done @!p3 $0x0  }
0x338: {  	s6 =	simm.s32 @!p4 $0x0;
	s9 =	simm.s32 @!p4 $0x1;
	[sflag:s8] =	ssyncadd.s32 @!p3 $0xFFFF9C00  }
0x339: {  	[tilespmem:s6], [sflag:$0x1] =	stream.linear.gather @!p4 [hbm4b:s7+s6], $0x640, $0x38;
	[tilespmem:$0x1F0E0] =	vst v63  }
0x33a: {  	s8 =	simm.s32 @!p4 $0x80;
	s11 =	simm.s32 @!p4 $0x640;
	s7 =	simm.s32 @!p4 $0x10  }
0x33b: {  	[tilespmem:s11], [sflag:$0x2] =	stream.strided.gather @!p4 [hbm4b:s5+s7], $0x6400, s8, s7, $0x38;
	[tilespmem:$0x1F0E0] =	vst v63  }
0x33c: {  	_ =	swait.ge @!p4 [sflag:s9], $0x640  }
0x33d: {  	p3 =	por p4, p4;
	[sflag:s9] =	ssyncset.done @!p4 $0x0  }
0x33e: {  	s5 =	simm.s32 @!p3 $0x2;
	[sflag:s9] =	ssyncadd.s32 @!p3 $0xFFFFF9C0  }
0x33f: {  	_ =	swait.ge @!p3 [sflag:s5], $0x6400  }
0x340: {  	[sflag:s5] =	ssyncset.done @!p3 $0x0  }
0x341: {  	[sflag:s5] =	ssyncadd.s32 @!p3 $0xFFFF9C00;
	s5 =	simm.s32 @!p3 $0x3  }
0x342: {  	[spmem:s3] =	stream.indirect.scatter.add.f32 @!p3 [tilespmem:s11], [sflag:$0x3], $0x10, s6, s11, $0xb8;
	[tilespmem:$0x1F0E0] =	vst v63  }
0x343: {  	_ =	swait.ge @!p3 [sflag:s5], $0x6400  }
0x344: {  	s7 =	simm.s32 @!p2 $0x10;
	[sflag:s5] =	ssyncset.done @!p3 $0x0  }
0x345: {  	s8 =	simm.s32 @!p2 $0x80;
	[sflag:s5] =	ssyncadd.s32 @!p3 $0xFFFF9C00;
	s5 =	simm.s32 @!p2 $0x0  }
0x346: {  	[tilespmem:s5], [sflag:$0x1] =	stream.linear.gather @!p2 [hbm4b:s13+s5], $0x640, $0x38;
	[tilespmem:$0x1F0E0] =	vst v63  }
0x347: {  	s9 =	simm.s32 @!p2 $0x640;
	s6 =	simm.s32 @!p2 $0x1;
	s11 =	rddreg [dreg:$0x1e]  }
0x348: {  	[tilespmem:s9], [sflag:$0x2] =	stream.strided.gather @!p2 [hbm4b:s11+s7], $0x6400, s8, s7, $0x38;
	[tilespmem:$0x1F0E0] =	vst v63  }
0x349: {  	_ =	swait.ge @!p2 [sflag:s6], $0x640  }
0x34a: {  	[sflag:s6] =	ssyncset.done @!p2 $0x0;
	p2 =	por p2, p2  }
0x34b: {  	[sflag:s6] =	ssyncadd.s32 @!p2 $0xFFFFF9C0;
	s6 =	simm.s32 @!p2 $0x2  }
0x34c: {  	_ =	swait.ge @!p2 [sflag:s6], $0x6400  }
0x34d: {  	[sflag:s6] =	ssyncset.done @!p2 $0x0  }
0x34e: {  	s7 =	simm.s32 @!p2 $0x3;
	[sflag:s6] =	ssyncadd.s32 @!p2 $0xFFFF9C00  }
0x34f: {  	[spmem:s3] =	stream.indirect.scatter.add.f32 @!p2 [tilespmem:s9], [sflag:$0x3], $0x10, s5, s9, $0xb8;
	[tilespmem:$0x1F0E0] =	vst v63  }
0x350: {  	p3 =	sgt.u32 s1, $0x7C;
	s1 =	sadd.s32 $0xC80, s13;
	_ =	swait.ge @!p2 [sflag:s7], $0x6400  }
0x351: {  	s6 =	simm.s32 $0x20;
	s5 =	sadd.s32 $0x64000, s11;
	[sflag:s7] =	ssyncset.done @!p2 $0x0  }
.LBB2_38:
0x352: {  	s8 =	simm.s32 @!p3 $0x0;
	s9 =	simm.s32 @!p3 $0x1;
	[sflag:s7] =	ssyncadd.s32 @!p2 $0xFFFF9C00  }
0x353: {  	[tilespmem:s8], [sflag:$0x1] =	stream.linear.gather @!p3 [hbm4b:s1+s8], $0x640, $0x38;
	[tilespmem:$0x1F0E0] =	vst v63  }
0x354: {  	s7 =	simm.s32 @!p3 $0x10;
	s11 =	simm.s32 @!p3 $0x80;
	s12 =	simm.s32 @!p3 $0x640  }
0x355: {  	[tilespmem:s12], [sflag:$0x2] =	stream.strided.gather @!p3 [hbm4b:s5+s7], $0x6400, s11, s7, $0x38;
	[tilespmem:$0x1F0E0] =	vst v63  }
0x356: {  	s11 =	smov.u32 s6;
	s6 =	sadd.s32 $0x10, s6;
	_ =	swait.ge @!p3 [sflag:s9], $0x640  }
0x357: {  	p2 =	por p3, p3;
	p4 =	sne.s32 s6, $0x80;
	[sflag:s9] =	ssyncset.done @!p3 $0x0  }
0x358: {  	s7 =	simm.s32 @!p2 $0x2;
	[sflag:s9] =	ssyncadd.s32 @!p2 $0xFFFFF9C0  }
0x359: {  	_ =	swait.ge @!p2 [sflag:s7], $0x6400  }
.Ltmp22:
0x35a: {  	[sflag:s7] =	ssyncset.done @!p2 $0x0;
	(pc) =	sbr.rel @p4 .LBB2_38-.Ltmp22, $4  }
0x35b: {  	[sflag:s7] =	ssyncadd.s32 @!p2 $0xFFFF9C00;
	s7 =	simm.s32 @!p2 $0x3  }
0x35c: {  	[spmem:s3] =	stream.indirect.scatter.add.f32 @!p2 [tilespmem:s12], [sflag:$0x3], $0x10, s8, s12, $0xb8;
	[tilespmem:$0x1F0E0] =	vst v63  }
0x35d: {  	s5 =	sadd.s32 $0x64000, s5;
	s8 =	sadd.s32 s11, s0;
	_ =	swait.ge @!p2 [sflag:s7], $0x6400  }
0x35e: {  	s1 =	sadd.s32 $0xC80, s1;
	p3 =	sgt.u32 s8, $0x7C;
	[sflag:s7] =	ssyncset.done @!p2 $0x0  }
0x35f: {  	s6 =	simm.s32 @!p3 $0x0;
	s8 =	simm.s32 @!p3 $0x1;
	[sflag:s7] =	ssyncadd.s32 @!p2 $0xFFFF9C00  }
0x360: {  	[tilespmem:s6], [sflag:$0x1] =	stream.linear.gather @!p3 [hbm4b:s1+s6], $0x640, $0x38;
	[tilespmem:$0x1F0E0] =	vst v63  }
0x361: {  	s7 =	simm.s32 @!p3 $0x80;
	s9 =	simm.s32 @!p3 $0x640;
	s1 =	simm.s32 @!p3 $0x10  }
0x362: {  	[tilespmem:s9], [sflag:$0x2] =	stream.strided.gather @!p3 [hbm4b:s5+s1], $0x6400, s7, s1, $0x38;
	[tilespmem:$0x1F0E0] =	vst v63  }
0x363: {  	_ =	swait.ge @!p3 [sflag:s8], $0x640  }
0x364: {  	p2 =	por p3, p3;
	[sflag:s8] =	ssyncset.done @!p3 $0x0  }
0x365: {  	s1 =	simm.s32 @!p2 $0x2;
	[sflag:s8] =	ssyncadd.s32 @!p2 $0xFFFFF9C0  }
0x366: {  	_ =	swait.ge @!p2 [sflag:s1], $0x6400  }
0x367: {  	[sflag:s1] =	ssyncset.done @!p2 $0x0  }
0x368: {  	[sflag:s1] =	ssyncadd.s32 @!p2 $0xFFFF9C00;
	s1 =	simm.s32 @!p2 $0x3  }
0x369: {  	[spmem:s3] =	stream.indirect.scatter.add.f32 @!p2 [tilespmem:s9], [sflag:$0x3], $0x10, s6, s9, $0xb8;
	[tilespmem:$0x1F0E0] =	vst v63  }
0x36a: {  	_ =	swait.ge @!p2 [sflag:s1], $0x6400  }
0x36b: {  	[sflag:s1] =	ssyncset.done @!p2 $0x0  }
0x36c: {  	[sflag:s1] =	ssyncadd.s32 @!p2 $0xFFFF9C00  }
0x36d: {  	[bflag:$0x0] =	sbarrier.arrive $0xFFFF  }
0x36e: {  	s21 =	rddreg [dreg:$0xd]  }
0x36f: {  	[hbm:s21], [sflag:s20] =	dma.local [spmem:s31], $0x30D4  }
0x370: {  	_ =	swait.ge [sflag:s30], $0x30D4  }
0x371: {  	[sflag:s30] =	ssyncset.done $0x0  }
0x372: {  	[sflag:s30] =	ssyncadd.s32 $0xFFFFCF2C  }
0x373: {  	[bflag:$0x0] =	sbarrier.arrive $0xFFFF  }
.LBB2_40:
0x374: {  	[spmem:s31], [sflag:s20] =	dma.local [hbm:s2], $0x30D4  }
0x375: {  	_ =	swait.ge [sflag:s30], $0x30D4  }
0x376: {  	s1 =	sadd.s32 $0x0, s0;
	[sflag:s30] =	ssyncset.done $0x0  }
0x377: {  	p2 =	sgt.u32 s1, $0x7C;
	[sflag:s30] =	ssyncadd.s32 $0xFFFFCF2C  }
0x378: {  	s1 =	simm.s32 @!p2 $0x0;
	s5 =	simm.s32 @!p2 $0x1;
	[bflag:$0x0] =	sbarrier.arrive $0xFFFF  }
0x379: {  	[tilespmem:s1], [sflag:$0x1] =	stream.linear.gather @!p2 [hbm4b:s10+s1], $0x640, $0x38;
	[tilespmem:$0x1F0E0] =	vst v63  }
0x37a: {  	s6 =	simm.s32 @!p2 $0x10;
	s7 =	simm.s32 @!p2 $0x80;
	s9 =	simm.s32 @!p2 $0x640  }
0x37b: {  	[tilespmem:s9], [sflag:$0x2] =	stream.strided.gather @!p2 [hbm4b:s15+s6], $0x6400, s7, s6, $0x38;
	[tilespmem:$0x1F0E0] =	vst v63  }
0x37c: {  	_ =	swait.ge @!p2 [sflag:s5], $0x640  }
0x37d: {  	p3 =	por p2, p2;
	[sflag:s5] =	ssyncset.done @!p2 $0x0  }
0x37e: {  	[sflag:s5] =	ssyncadd.s32 @!p3 $0xFFFFF9C0;
	s5 =	simm.s32 @!p3 $0x2  }
0x37f: {  	_ =	swait.ge @!p3 [sflag:s5], $0x6400  }
0x380: {  	[sflag:s5] =	ssyncset.done @!p3 $0x0  }
0x381: {  	s8 =	simm.s32 @!p3 $0x3;
	s6 =	simm.s32 $0x20;
	[sflag:s5] =	ssyncadd.s32 @!p3 $0xFFFF9C00  }
0x382: {  	[spmem:s3] =	stream.indirect.scatter.add.f32 @!p3 [tilespmem:s9], [sflag:$0x3], $0x10, s1, s9, $0xb8;
	[tilespmem:$0x1F0E0] =	vst v63  }
0x383: {  	s7 =	sadd.s32 $0xC80, s10;
	s1 =	sadd.s32 $0x10, s0;
	_ =	swait.ge @!p3 [sflag:s8], $0x6400  }
0x384: {  	s5 =	sadd.s32 $0x64000, s15;
	p4 =	sgt.u32 s1, $0x7C;
	[sflag:s8] =	ssyncset.done @!p3 $0x0  }
.LBB2_41:
0x385: {  	s9 =	simm.s32 @!p4 $0x0;
	s11 =	simm.s32 @!p4 $0x1;
	[sflag:s8] =	ssyncadd.s32 @!p3 $0xFFFF9C00  }
0x386: {  	[tilespmem:s9], [sflag:$0x1] =	stream.linear.gather @!p4 [hbm4b:s7+s9], $0x640, $0x38;
	[tilespmem:$0x1F0E0] =	vst v63  }
0x387: {  	s8 =	simm.s32 @!p4 $0x10;
	s12 =	simm.s32 @!p4 $0x80;
	s21 =	simm.s32 @!p4 $0x640  }
0x388: {  	[tilespmem:s21], [sflag:$0x2] =	stream.strided.gather @!p4 [hbm4b:s5+s8], $0x6400, s12, s8, $0x38;
	[tilespmem:$0x1F0E0] =	vst v63  }
0x389: {  	s12 =	smov.u32 s6;
	s6 =	sadd.s32 $0x10, s6;
	_ =	swait.ge @!p4 [sflag:s11], $0x640  }
0x38a: {  	p3 =	por p4, p4;
	p5 =	sne.s32 s6, $0x80;
	[sflag:s11] =	ssyncset.done @!p4 $0x0  }
0x38b: {  	s8 =	simm.s32 @!p3 $0x2;
	[sflag:s11] =	ssyncadd.s32 @!p3 $0xFFFFF9C0  }
0x38c: {  	_ =	swait.ge @!p3 [sflag:s8], $0x6400  }
.Ltmp23:
0x38d: {  	[sflag:s8] =	ssyncset.done @!p3 $0x0;
	(pc) =	sbr.rel @p5 .LBB2_41-.Ltmp23, $4  }
0x38e: {  	[sflag:s8] =	ssyncadd.s32 @!p3 $0xFFFF9C00;
	s8 =	simm.s32 @!p3 $0x3  }
0x38f: {  	[spmem:s3] =	stream.indirect.scatter.add.f32 @!p3 [tilespmem:s21], [sflag:$0x3], $0x10, s9, s21, $0xb8;
	[tilespmem:$0x1F0E0] =	vst v63  }
0x390: {  	s5 =	sadd.s32 $0x64000, s5;
	s9 =	sadd.s32 s12, s0;
	_ =	swait.ge @!p3 [sflag:s8], $0x6400  }
0x391: {  	s7 =	sadd.s32 $0xC80, s7;
	p4 =	sgt.u32 s9, $0x7C;
	[sflag:s8] =	ssyncset.done @!p3 $0x0  }
0x392: {  	s6 =	simm.s32 @!p4 $0x0;
	s9 =	simm.s32 @!p4 $0x1;
	[sflag:s8] =	ssyncadd.s32 @!p3 $0xFFFF9C00  }
0x393: {  	[tilespmem:s6], [sflag:$0x1] =	stream.linear.gather @!p4 [hbm4b:s7+s6], $0x640, $0x38;
	[tilespmem:$0x1F0E0] =	vst v63  }
0x394: {  	s8 =	simm.s32 @!p4 $0x80;
	s11 =	simm.s32 @!p4 $0x640;
	s7 =	simm.s32 @!p4 $0x10  }
0x395: {  	[tilespmem:s11], [sflag:$0x2] =	stream.strided.gather @!p4 [hbm4b:s5+s7], $0x6400, s8, s7, $0x38;
	[tilespmem:$0x1F0E0] =	vst v63  }
0x396: {  	_ =	swait.ge @!p4 [sflag:s9], $0x640  }
0x397: {  	p3 =	por p4, p4;
	[sflag:s9] =	ssyncset.done @!p4 $0x0  }
0x398: {  	s5 =	simm.s32 @!p3 $0x2;
	[sflag:s9] =	ssyncadd.s32 @!p3 $0xFFFFF9C0  }
0x399: {  	_ =	swait.ge @!p3 [sflag:s5], $0x6400  }
0x39a: {  	[sflag:s5] =	ssyncset.done @!p3 $0x0  }
0x39b: {  	[sflag:s5] =	ssyncadd.s32 @!p3 $0xFFFF9C00;
	s5 =	simm.s32 @!p3 $0x3  }
0x39c: {  	[spmem:s3] =	stream.indirect.scatter.add.f32 @!p3 [tilespmem:s11], [sflag:$0x3], $0x10, s6, s11, $0xb8;
	[tilespmem:$0x1F0E0] =	vst v63  }
0x39d: {  	_ =	swait.ge @!p3 [sflag:s5], $0x6400  }
0x39e: {  	[sflag:s5] =	ssyncset.done @!p3 $0x0  }
0x39f: {  	s7 =	simm.s32 @!p2 $0x10;
	[sflag:s5] =	ssyncadd.s32 @!p3 $0xFFFF9C00;
	s5 =	simm.s32 @!p2 $0x0  }
0x3a0: {  	[tilespmem:s5], [sflag:$0x1] =	stream.linear.gather @!p2 [hbm4b:s13+s5], $0x640, $0x38;
	[tilespmem:$0x1F0E0] =	vst v63  }
0x3a1: {  	s8 =	simm.s32 @!p2 $0x80;
	s9 =	simm.s32 @!p2 $0x640;
	s6 =	simm.s32 @!p2 $0x1  }
0x3a2: {  	[tilespmem:s9], [sflag:$0x2] =	stream.strided.gather @!p2 [hbm4b:s17+s7], $0x6400, s8, s7, $0x38;
	[tilespmem:$0x1F0E0] =	vst v63  }
0x3a3: {  	_ =	swait.ge @!p2 [sflag:s6], $0x640  }
0x3a4: {  	[sflag:s6] =	ssyncset.done @!p2 $0x0;
	p2 =	por p2, p2  }
0x3a5: {  	[sflag:s6] =	ssyncadd.s32 @!p2 $0xFFFFF9C0;
	s6 =	simm.s32 @!p2 $0x2  }
0x3a6: {  	_ =	swait.ge @!p2 [sflag:s6], $0x6400  }
0x3a7: {  	[sflag:s6] =	ssyncset.done @!p2 $0x0  }
0x3a8: {  	s7 =	simm.s32 @!p2 $0x3;
	[sflag:s6] =	ssyncadd.s32 @!p2 $0xFFFF9C00  }
0x3a9: {  	[spmem:s3] =	stream.indirect.scatter.add.f32 @!p2 [tilespmem:s9], [sflag:$0x3], $0x10, s5, s9, $0xb8;
	[tilespmem:$0x1F0E0] =	vst v63  }
0x3aa: {  	p3 =	sgt.u32 s1, $0x7C;
	s1 =	sadd.s32 $0xC80, s13;
	_ =	swait.ge @!p2 [sflag:s7], $0x6400  }
0x3ab: {  	s6 =	simm.s32 $0x20;
	s5 =	sadd.s32 $0x64000, s17;
	[sflag:s7] =	ssyncset.done @!p2 $0x0  }
.LBB2_43:
0x3ac: {  	s8 =	simm.s32 @!p3 $0x0;
	s9 =	simm.s32 @!p3 $0x1;
	[sflag:s7] =	ssyncadd.s32 @!p2 $0xFFFF9C00  }
0x3ad: {  	[tilespmem:s8], [sflag:$0x1] =	stream.linear.gather @!p3 [hbm4b:s1+s8], $0x640, $0x38;
	[tilespmem:$0x1F0E0] =	vst v63  }
0x3ae: {  	s7 =	simm.s32 @!p3 $0x10;
	s11 =	simm.s32 @!p3 $0x80;
	s12 =	simm.s32 @!p3 $0x640  }
0x3af: {  	[tilespmem:s12], [sflag:$0x2] =	stream.strided.gather @!p3 [hbm4b:s5+s7], $0x6400, s11, s7, $0x38;
	[tilespmem:$0x1F0E0] =	vst v63  }
0x3b0: {  	s11 =	smov.u32 s6;
	s6 =	sadd.s32 $0x10, s6;
	_ =	swait.ge @!p3 [sflag:s9], $0x640  }
0x3b1: {  	p2 =	por p3, p3;
	p4 =	sne.s32 s6, $0x80;
	[sflag:s9] =	ssyncset.done @!p3 $0x0  }
0x3b2: {  	s7 =	simm.s32 @!p2 $0x2;
	[sflag:s9] =	ssyncadd.s32 @!p2 $0xFFFFF9C0  }
0x3b3: {  	_ =	swait.ge @!p2 [sflag:s7], $0x6400  }
.Ltmp24:
0x3b4: {  	[sflag:s7] =	ssyncset.done @!p2 $0x0;
	(pc) =	sbr.rel @p4 .LBB2_43-.Ltmp24, $4  }
0x3b5: {  	[sflag:s7] =	ssyncadd.s32 @!p2 $0xFFFF9C00;
	s7 =	simm.s32 @!p2 $0x3  }
0x3b6: {  	[spmem:s3] =	stream.indirect.scatter.add.f32 @!p2 [tilespmem:s12], [sflag:$0x3], $0x10, s8, s12, $0xb8;
	[tilespmem:$0x1F0E0] =	vst v63  }
0x3b7: {  	s5 =	sadd.s32 $0x64000, s5;
	s8 =	sadd.s32 s11, s0;
	_ =	swait.ge @!p2 [sflag:s7], $0x6400  }
0x3b8: {  	s1 =	sadd.s32 $0xC80, s1;
	p3 =	sgt.u32 s8, $0x7C;
	[sflag:s7] =	ssyncset.done @!p2 $0x0  }
0x3b9: {  	s6 =	simm.s32 @!p3 $0x0;
	s8 =	simm.s32 @!p3 $0x1;
	[sflag:s7] =	ssyncadd.s32 @!p2 $0xFFFF9C00  }
0x3ba: {  	[tilespmem:s6], [sflag:$0x1] =	stream.linear.gather @!p3 [hbm4b:s1+s6], $0x640, $0x38;
	[tilespmem:$0x1F0E0] =	vst v63  }
0x3bb: {  	s7 =	simm.s32 @!p3 $0x80;
	s9 =	simm.s32 @!p3 $0x640;
	s1 =	simm.s32 @!p3 $0x10  }
0x3bc: {  	[tilespmem:s9], [sflag:$0x2] =	stream.strided.gather @!p3 [hbm4b:s5+s1], $0x6400, s7, s1, $0x38;
	[tilespmem:$0x1F0E0] =	vst v63  }
0x3bd: {  	_ =	swait.ge @!p3 [sflag:s8], $0x640  }
0x3be: {  	p2 =	por p3, p3;
	[sflag:s8] =	ssyncset.done @!p3 $0x0  }
0x3bf: {  	s1 =	simm.s32 @!p2 $0x2;
	[sflag:s8] =	ssyncadd.s32 @!p2 $0xFFFFF9C0  }
0x3c0: {  	_ =	swait.ge @!p2 [sflag:s1], $0x6400  }
0x3c1: {  	[sflag:s1] =	ssyncset.done @!p2 $0x0  }
0x3c2: {  	[sflag:s1] =	ssyncadd.s32 @!p2 $0xFFFF9C00;
	s1 =	simm.s32 @!p2 $0x3  }
0x3c3: {  	[spmem:s3] =	stream.indirect.scatter.add.f32 @!p2 [tilespmem:s9], [sflag:$0x3], $0x10, s6, s9, $0xb8;
	[tilespmem:$0x1F0E0] =	vst v63  }
0x3c4: {  	_ =	swait.ge @!p2 [sflag:s1], $0x6400  }
0x3c5: {  	[sflag:s1] =	ssyncset.done @!p2 $0x0  }
0x3c6: {  	[sflag:s1] =	ssyncadd.s32 @!p2 $0xFFFF9C00  }
0x3c7: {  	[bflag:$0x0] =	sbarrier.arrive $0xFFFF  }
0x3c8: {  	s21 =	rddreg [dreg:$0xf]  }
0x3c9: {  	[hbm:s21], [sflag:s20] =	dma.local [spmem:s31], $0x30D4  }
.Ltmp25:
0x3ca: {  	_ =	swait.ge [sflag:s30], $0x30D4;
	(pc) =	sbr.rel @p0 .LBB2_50-.Ltmp25, $3  }
0x3cb: {  	[sflag:s30] =	ssyncset.done $0x0  }
0x3cc: {  	[sflag:s30] =	ssyncadd.s32 $0xFFFFCF2C  }
0x3cd: {  	[bflag:$0x0] =	sbarrier.arrive $0xFFFF;
	_ =	sdelay $0x1  }
.LBB2_45:
0x3ce: {  	[spmem:s31], [sflag:s20] =	dma.local [hbm:s2], $0x30D4  }
0x3cf: {  	_ =	swait.ge [sflag:s30], $0x30D4  }
0x3d0: {  	s1 =	sadd.s32 $0x0, s0;
	[sflag:s30] =	ssyncset.done $0x0  }
0x3d1: {  	p2 =	sgt.u32 s1, $0x7C;
	[sflag:s30] =	ssyncadd.s32 $0xFFFFCF2C  }
0x3d2: {  	s1 =	simm.s32 @!p2 $0x0;
	s5 =	simm.s32 @!p2 $0x1;
	[bflag:$0x0] =	sbarrier.arrive $0xFFFF  }
0x3d3: {  	[tilespmem:s1], [sflag:$0x1] =	stream.linear.gather @!p2 [hbm4b:s10+s1], $0x640, $0x38;
	[tilespmem:$0x1F0E0] =	vst v63  }
0x3d4: {  	s6 =	simm.s32 @!p2 $0x10;
	s7 =	simm.s32 @!p2 $0x80;
	s9 =	simm.s32 @!p2 $0x640  }
0x3d5: {  	[tilespmem:s9], [sflag:$0x2] =	stream.strided.gather @!p2 [hbm4b:s19+s6], $0x6400, s7, s6, $0x38;
	[tilespmem:$0x1F0E0] =	vst v63  }
0x3d6: {  	_ =	swait.ge @!p2 [sflag:s5], $0x640  }
0x3d7: {  	p3 =	por p2, p2;
	[sflag:s5] =	ssyncset.done @!p2 $0x0  }
0x3d8: {  	[sflag:s5] =	ssyncadd.s32 @!p3 $0xFFFFF9C0;
	s5 =	simm.s32 @!p3 $0x2  }
0x3d9: {  	_ =	swait.ge @!p3 [sflag:s5], $0x6400  }
0x3da: {  	[sflag:s5] =	ssyncset.done @!p3 $0x0  }
0x3db: {  	s8 =	simm.s32 @!p3 $0x3;
	s6 =	simm.s32 $0x20;
	[sflag:s5] =	ssyncadd.s32 @!p3 $0xFFFF9C00  }
0x3dc: {  	[spmem:s3] =	stream.indirect.scatter.add.f32 @!p3 [tilespmem:s9], [sflag:$0x3], $0x10, s1, s9, $0xb8;
	[tilespmem:$0x1F0E0] =	vst v63  }
0x3dd: {  	s7 =	sadd.s32 $0xC80, s10;
	s1 =	sadd.s32 $0x10, s0;
	_ =	swait.ge @!p3 [sflag:s8], $0x6400  }
0x3de: {  	s5 =	sadd.s32 $0x64000, s19;
	p4 =	sgt.u32 s1, $0x7C;
	[sflag:s8] =	ssyncset.done @!p3 $0x0  }
.LBB2_46:
0x3df: {  	s9 =	simm.s32 @!p4 $0x0;
	s11 =	simm.s32 @!p4 $0x1;
	[sflag:s8] =	ssyncadd.s32 @!p3 $0xFFFF9C00  }
0x3e0: {  	[tilespmem:s9], [sflag:$0x1] =	stream.linear.gather @!p4 [hbm4b:s7+s9], $0x640, $0x38;
	[tilespmem:$0x1F0E0] =	vst v63  }
0x3e1: {  	s8 =	simm.s32 @!p4 $0x10;
	s12 =	simm.s32 @!p4 $0x80;
	s21 =	simm.s32 @!p4 $0x640  }
0x3e2: {  	[tilespmem:s21], [sflag:$0x2] =	stream.strided.gather @!p4 [hbm4b:s5+s8], $0x6400, s12, s8, $0x38;
	[tilespmem:$0x1F0E0] =	vst v63  }
0x3e3: {  	s12 =	smov.u32 s6;
	s6 =	sadd.s32 $0x10, s6;
	_ =	swait.ge @!p4 [sflag:s11], $0x640  }
0x3e4: {  	p3 =	por p4, p4;
	p5 =	sne.s32 s6, $0x80;
	[sflag:s11] =	ssyncset.done @!p4 $0x0  }
0x3e5: {  	s8 =	simm.s32 @!p3 $0x2;
	[sflag:s11] =	ssyncadd.s32 @!p3 $0xFFFFF9C0  }
0x3e6: {  	_ =	swait.ge @!p3 [sflag:s8], $0x6400  }
.Ltmp26:
0x3e7: {  	[sflag:s8] =	ssyncset.done @!p3 $0x0;
	(pc) =	sbr.rel @p5 .LBB2_46-.Ltmp26, $4  }
0x3e8: {  	[sflag:s8] =	ssyncadd.s32 @!p3 $0xFFFF9C00;
	s8 =	simm.s32 @!p3 $0x3  }
0x3e9: {  	[spmem:s3] =	stream.indirect.scatter.add.f32 @!p3 [tilespmem:s21], [sflag:$0x3], $0x10, s9, s21, $0xb8;
	[tilespmem:$0x1F0E0] =	vst v63  }
0x3ea: {  	s5 =	sadd.s32 $0x64000, s5;
	s9 =	sadd.s32 s12, s0;
	_ =	swait.ge @!p3 [sflag:s8], $0x6400  }
0x3eb: {  	s7 =	sadd.s32 $0xC80, s7;
	p4 =	sgt.u32 s9, $0x7C;
	[sflag:s8] =	ssyncset.done @!p3 $0x0  }
0x3ec: {  	s6 =	simm.s32 @!p4 $0x0;
	s9 =	simm.s32 @!p4 $0x1;
	[sflag:s8] =	ssyncadd.s32 @!p3 $0xFFFF9C00  }
0x3ed: {  	[tilespmem:s6], [sflag:$0x1] =	stream.linear.gather @!p4 [hbm4b:s7+s6], $0x640, $0x38;
	[tilespmem:$0x1F0E0] =	vst v63  }
0x3ee: {  	s8 =	simm.s32 @!p4 $0x80;
	s11 =	simm.s32 @!p4 $0x640;
	s7 =	simm.s32 @!p4 $0x10  }
0x3ef: {  	[tilespmem:s11], [sflag:$0x2] =	stream.strided.gather @!p4 [hbm4b:s5+s7], $0x6400, s8, s7, $0x38;
	[tilespmem:$0x1F0E0] =	vst v63  }
0x3f0: {  	_ =	swait.ge @!p4 [sflag:s9], $0x640  }
0x3f1: {  	p3 =	por p4, p4;
	[sflag:s9] =	ssyncset.done @!p4 $0x0  }
0x3f2: {  	s5 =	simm.s32 @!p3 $0x2;
	[sflag:s9] =	ssyncadd.s32 @!p3 $0xFFFFF9C0  }
0x3f3: {  	_ =	swait.ge @!p3 [sflag:s5], $0x6400  }
0x3f4: {  	[sflag:s5] =	ssyncset.done @!p3 $0x0  }
0x3f5: {  	[sflag:s5] =	ssyncadd.s32 @!p3 $0xFFFF9C00;
	s5 =	simm.s32 @!p3 $0x3  }
0x3f6: {  	[spmem:s3] =	stream.indirect.scatter.add.f32 @!p3 [tilespmem:s11], [sflag:$0x3], $0x10, s6, s11, $0xb8;
	[tilespmem:$0x1F0E0] =	vst v63  }
0x3f7: {  	_ =	swait.ge @!p3 [sflag:s5], $0x6400  }
0x3f8: {  	[sflag:s5] =	ssyncset.done @!p3 $0x0  }
0x3f9: {  	s7 =	simm.s32 @!p2 $0x10;
	[sflag:s5] =	ssyncadd.s32 @!p3 $0xFFFF9C00;
	s5 =	simm.s32 @!p2 $0x0  }
0x3fa: {  	[tilespmem:s5], [sflag:$0x1] =	stream.linear.gather @!p2 [hbm4b:s13+s5], $0x640, $0x38;
	[tilespmem:$0x1F0E0] =	vst v63  }
0x3fb: {  	s8 =	simm.s32 @!p2 $0x80;
	s9 =	simm.s32 @!p2 $0x640;
	s6 =	simm.s32 @!p2 $0x1  }
0x3fc: {  	[tilespmem:s9], [sflag:$0x2] =	stream.strided.gather @!p2 [hbm4b:s18+s7], $0x6400, s8, s7, $0x38;
	[tilespmem:$0x1F0E0] =	vst v63  }
0x3fd: {  	_ =	swait.ge @!p2 [sflag:s6], $0x640  }
0x3fe: {  	[sflag:s6] =	ssyncset.done @!p2 $0x0;
	p2 =	por p2, p2  }
0x3ff: {  	[sflag:s6] =	ssyncadd.s32 @!p2 $0xFFFFF9C0;
	s6 =	simm.s32 @!p2 $0x2  }
0x400: {  	_ =	swait.ge @!p2 [sflag:s6], $0x6400  }
0x401: {  	[sflag:s6] =	ssyncset.done @!p2 $0x0  }
0x402: {  	s7 =	simm.s32 @!p2 $0x3;
	[sflag:s6] =	ssyncadd.s32 @!p2 $0xFFFF9C00  }
0x403: {  	[spmem:s3] =	stream.indirect.scatter.add.f32 @!p2 [tilespmem:s9], [sflag:$0x3], $0x10, s5, s9, $0xb8;
	[tilespmem:$0x1F0E0] =	vst v63  }
0x404: {  	p3 =	sgt.u32 s1, $0x7C;
	s1 =	sadd.s32 $0xC80, s13;
	_ =	swait.ge @!p2 [sflag:s7], $0x6400  }
0x405: {  	s6 =	simm.s32 $0x20;
	s5 =	sadd.s32 $0x64000, s18;
	[sflag:s7] =	ssyncset.done @!p2 $0x0  }
.LBB2_48:
0x406: {  	s8 =	simm.s32 @!p3 $0x0;
	s9 =	simm.s32 @!p3 $0x1;
	[sflag:s7] =	ssyncadd.s32 @!p2 $0xFFFF9C00  }
0x407: {  	[tilespmem:s8], [sflag:$0x1] =	stream.linear.gather @!p3 [hbm4b:s1+s8], $0x640, $0x38;
	[tilespmem:$0x1F0E0] =	vst v63  }
0x408: {  	s7 =	simm.s32 @!p3 $0x10;
	s11 =	simm.s32 @!p3 $0x80;
	s12 =	simm.s32 @!p3 $0x640  }
0x409: {  	[tilespmem:s12], [sflag:$0x2] =	stream.strided.gather @!p3 [hbm4b:s5+s7], $0x6400, s11, s7, $0x38;
	[tilespmem:$0x1F0E0] =	vst v63  }
0x40a: {  	s11 =	smov.u32 s6;
	s6 =	sadd.s32 $0x10, s6;
	_ =	swait.ge @!p3 [sflag:s9], $0x640  }
0x40b: {  	p2 =	por p3, p3;
	p4 =	sne.s32 s6, $0x80;
	[sflag:s9] =	ssyncset.done @!p3 $0x0  }
0x40c: {  	s7 =	simm.s32 @!p2 $0x2;
	[sflag:s9] =	ssyncadd.s32 @!p2 $0xFFFFF9C0  }
0x40d: {  	_ =	swait.ge @!p2 [sflag:s7], $0x6400  }
.Ltmp27:
0x40e: {  	[sflag:s7] =	ssyncset.done @!p2 $0x0;
	(pc) =	sbr.rel @p4 .LBB2_48-.Ltmp27, $4  }
0x40f: {  	[sflag:s7] =	ssyncadd.s32 @!p2 $0xFFFF9C00;
	s7 =	simm.s32 @!p2 $0x3  }
0x410: {  	[spmem:s3] =	stream.indirect.scatter.add.f32 @!p2 [tilespmem:s12], [sflag:$0x3], $0x10, s8, s12, $0xb8;
	[tilespmem:$0x1F0E0] =	vst v63  }
0x411: {  	s5 =	sadd.s32 $0x64000, s5;
	s8 =	sadd.s32 s11, s0;
	_ =	swait.ge @!p2 [sflag:s7], $0x6400  }
0x412: {  	s1 =	sadd.s32 $0xC80, s1;
	p3 =	sgt.u32 s8, $0x7C;
	[sflag:s7] =	ssyncset.done @!p2 $0x0  }
0x413: {  	s6 =	simm.s32 @!p3 $0x0;
	s8 =	simm.s32 @!p3 $0x1;
	[sflag:s7] =	ssyncadd.s32 @!p2 $0xFFFF9C00  }
0x414: {  	[tilespmem:s6], [sflag:$0x1] =	stream.linear.gather @!p3 [hbm4b:s1+s6], $0x640, $0x38;
	[tilespmem:$0x1F0E0] =	vst v63  }
0x415: {  	s7 =	simm.s32 @!p3 $0x80;
	s9 =	simm.s32 @!p3 $0x640;
	s1 =	simm.s32 @!p3 $0x10  }
0x416: {  	[tilespmem:s9], [sflag:$0x2] =	stream.strided.gather @!p3 [hbm4b:s5+s1], $0x6400, s7, s1, $0x38;
	[tilespmem:$0x1F0E0] =	vst v63  }
0x417: {  	_ =	swait.ge @!p3 [sflag:s8], $0x640  }
0x418: {  	p2 =	por p3, p3;
	[sflag:s8] =	ssyncset.done @!p3 $0x0  }
0x419: {  	s1 =	simm.s32 @!p2 $0x2;
	[sflag:s8] =	ssyncadd.s32 @!p2 $0xFFFFF9C0  }
0x41a: {  	_ =	swait.ge @!p2 [sflag:s1], $0x6400  }
0x41b: {  	[sflag:s1] =	ssyncset.done @!p2 $0x0  }
0x41c: {  	[sflag:s1] =	ssyncadd.s32 @!p2 $0xFFFF9C00;
	s1 =	simm.s32 @!p2 $0x3  }
0x41d: {  	[spmem:s3] =	stream.indirect.scatter.add.f32 @!p2 [tilespmem:s9], [sflag:$0x3], $0x10, s6, s9, $0xb8;
	[tilespmem:$0x1F0E0] =	vst v63  }
0x41e: {  	_ =	swait.ge @!p2 [sflag:s1], $0x6400  }
0x41f: {  	[sflag:s1] =	ssyncset.done @!p2 $0x0  }
0x420: {  	[sflag:s1] =	ssyncadd.s32 @!p2 $0xFFFF9C00  }
0x421: {  	[bflag:$0x0] =	sbarrier.arrive $0xFFFF  }
0x422: {  	s21 =	rddreg [dreg:$0x10]  }
0x423: {  	[hbm:s21], [sflag:s20] =	dma.local [spmem:s31], $0x30D4  }
.Ltmp28:
0x424: {  	_ =	swait.ge [sflag:s30], $0x30D4;
	(pc) =	sbr.rel @p1 .LBB2_55-.Ltmp28, $3  }
0x425: {  	[sflag:s30] =	ssyncset.done $0x0  }
0x426: {  	[sflag:s30] =	ssyncadd.s32 $0xFFFFCF2C  }
0x427: {  	[bflag:$0x0] =	sbarrier.arrive $0xFFFF;
	_ =	sdelay $0x1  }
.LBB2_50:
0x428: {  	[spmem:s31], [sflag:s20] =	dma.local [hbm:s2], $0x30D4  }
0x429: {  	_ =	swait.ge [sflag:s30], $0x30D4  }
0x42a: {  	s1 =	sadd.s32 $0x0, s0;
	[sflag:s30] =	ssyncset.done $0x0  }
0x42b: {  	p2 =	sgt.u32 s1, $0x7C;
	[sflag:s30] =	ssyncadd.s32 $0xFFFFCF2C  }
0x42c: {  	s1 =	simm.s32 @!p2 $0x0;
	s5 =	simm.s32 @!p2 $0x1;
	[bflag:$0x0] =	sbarrier.arrive $0xFFFF  }
0x42d: {  	[tilespmem:s1], [sflag:$0x1] =	stream.linear.gather @!p2 [hbm4b:s10+s1], $0x640, $0x38;
	[tilespmem:$0x1F0E0] =	vst v63  }
0x42e: {  	s6 =	simm.s32 @!p2 $0x10;
	s7 =	simm.s32 @!p2 $0x80;
	s9 =	simm.s32 @!p2 $0x640  }
0x42f: {  	[tilespmem:s9], [sflag:$0x2] =	stream.strided.gather @!p2 [hbm4b:s16+s6], $0x6400, s7, s6, $0x38;
	[tilespmem:$0x1F0E0] =	vst v63  }
0x430: {  	_ =	swait.ge @!p2 [sflag:s5], $0x640  }
0x431: {  	p3 =	por p2, p2;
	[sflag:s5] =	ssyncset.done @!p2 $0x0  }
0x432: {  	[sflag:s5] =	ssyncadd.s32 @!p3 $0xFFFFF9C0;
	s5 =	simm.s32 @!p3 $0x2  }
0x433: {  	_ =	swait.ge @!p3 [sflag:s5], $0x6400  }
0x434: {  	[sflag:s5] =	ssyncset.done @!p3 $0x0  }
0x435: {  	s8 =	simm.s32 @!p3 $0x3;
	s6 =	simm.s32 $0x20;
	[sflag:s5] =	ssyncadd.s32 @!p3 $0xFFFF9C00  }
0x436: {  	[spmem:s3] =	stream.indirect.scatter.add.f32 @!p3 [tilespmem:s9], [sflag:$0x3], $0x10, s1, s9, $0xb8;
	[tilespmem:$0x1F0E0] =	vst v63  }
0x437: {  	s7 =	sadd.s32 $0xC80, s10;
	s1 =	sadd.s32 $0x10, s0;
	_ =	swait.ge @!p3 [sflag:s8], $0x6400  }
0x438: {  	s5 =	sadd.s32 $0x64000, s16;
	p4 =	sgt.u32 s1, $0x7C;
	[sflag:s8] =	ssyncset.done @!p3 $0x0  }
.LBB2_51:
0x439: {  	s9 =	simm.s32 @!p4 $0x0;
	s11 =	simm.s32 @!p4 $0x1;
	[sflag:s8] =	ssyncadd.s32 @!p3 $0xFFFF9C00  }
0x43a: {  	[tilespmem:s9], [sflag:$0x1] =	stream.linear.gather @!p4 [hbm4b:s7+s9], $0x640, $0x38;
	[tilespmem:$0x1F0E0] =	vst v63  }
0x43b: {  	s8 =	simm.s32 @!p4 $0x10;
	s12 =	simm.s32 @!p4 $0x80;
	s21 =	simm.s32 @!p4 $0x640  }
0x43c: {  	[tilespmem:s21], [sflag:$0x2] =	stream.strided.gather @!p4 [hbm4b:s5+s8], $0x6400, s12, s8, $0x38;
	[tilespmem:$0x1F0E0] =	vst v63  }
0x43d: {  	s12 =	smov.u32 s6;
	s6 =	sadd.s32 $0x10, s6;
	_ =	swait.ge @!p4 [sflag:s11], $0x640  }
0x43e: {  	p3 =	por p4, p4;
	p5 =	sne.s32 s6, $0x80;
	[sflag:s11] =	ssyncset.done @!p4 $0x0  }
0x43f: {  	s8 =	simm.s32 @!p3 $0x2;
	[sflag:s11] =	ssyncadd.s32 @!p3 $0xFFFFF9C0  }
0x440: {  	_ =	swait.ge @!p3 [sflag:s8], $0x6400  }
.Ltmp29:
0x441: {  	[sflag:s8] =	ssyncset.done @!p3 $0x0;
	(pc) =	sbr.rel @p5 .LBB2_51-.Ltmp29, $4  }
0x442: {  	[sflag:s8] =	ssyncadd.s32 @!p3 $0xFFFF9C00;
	s8 =	simm.s32 @!p3 $0x3  }
0x443: {  	[spmem:s3] =	stream.indirect.scatter.add.f32 @!p3 [tilespmem:s21], [sflag:$0x3], $0x10, s9, s21, $0xb8;
	[tilespmem:$0x1F0E0] =	vst v63  }
0x444: {  	s5 =	sadd.s32 $0x64000, s5;
	s9 =	sadd.s32 s12, s0;
	_ =	swait.ge @!p3 [sflag:s8], $0x6400  }
0x445: {  	s7 =	sadd.s32 $0xC80, s7;
	p4 =	sgt.u32 s9, $0x7C;
	[sflag:s8] =	ssyncset.done @!p3 $0x0  }
0x446: {  	s6 =	simm.s32 @!p4 $0x0;
	s9 =	simm.s32 @!p4 $0x1;
	[sflag:s8] =	ssyncadd.s32 @!p3 $0xFFFF9C00  }
0x447: {  	[tilespmem:s6], [sflag:$0x1] =	stream.linear.gather @!p4 [hbm4b:s7+s6], $0x640, $0x38;
	[tilespmem:$0x1F0E0] =	vst v63  }
0x448: {  	s8 =	simm.s32 @!p4 $0x80;
	s11 =	simm.s32 @!p4 $0x640;
	s7 =	simm.s32 @!p4 $0x10  }
0x449: {  	[tilespmem:s11], [sflag:$0x2] =	stream.strided.gather @!p4 [hbm4b:s5+s7], $0x6400, s8, s7, $0x38;
	[tilespmem:$0x1F0E0] =	vst v63  }
0x44a: {  	_ =	swait.ge @!p4 [sflag:s9], $0x640  }
0x44b: {  	p3 =	por p4, p4;
	[sflag:s9] =	ssyncset.done @!p4 $0x0  }
0x44c: {  	s5 =	simm.s32 @!p3 $0x2;
	[sflag:s9] =	ssyncadd.s32 @!p3 $0xFFFFF9C0  }
0x44d: {  	_ =	swait.ge @!p3 [sflag:s5], $0x6400  }
0x44e: {  	[sflag:s5] =	ssyncset.done @!p3 $0x0  }
0x44f: {  	[sflag:s5] =	ssyncadd.s32 @!p3 $0xFFFF9C00;
	s5 =	simm.s32 @!p3 $0x3  }
0x450: {  	[spmem:s3] =	stream.indirect.scatter.add.f32 @!p3 [tilespmem:s11], [sflag:$0x3], $0x10, s6, s11, $0xb8;
	[tilespmem:$0x1F0E0] =	vst v63  }
0x451: {  	_ =	swait.ge @!p3 [sflag:s5], $0x6400  }
0x452: {  	[sflag:s5] =	ssyncset.done @!p3 $0x0  }
0x453: {  	s7 =	simm.s32 @!p2 $0x10;
	[sflag:s5] =	ssyncadd.s32 @!p3 $0xFFFF9C00;
	s5 =	simm.s32 @!p2 $0x0  }
0x454: {  	[tilespmem:s5], [sflag:$0x1] =	stream.linear.gather @!p2 [hbm4b:s13+s5], $0x640, $0x38;
	[tilespmem:$0x1F0E0] =	vst v63  }
0x455: {  	s8 =	simm.s32 @!p2 $0x80;
	s9 =	simm.s32 @!p2 $0x640;
	s6 =	simm.s32 @!p2 $0x1  }
0x456: {  	[tilespmem:s9], [sflag:$0x2] =	stream.strided.gather @!p2 [hbm4b:s14+s7], $0x6400, s8, s7, $0x38;
	[tilespmem:$0x1F0E0] =	vst v63  }
0x457: {  	_ =	swait.ge @!p2 [sflag:s6], $0x640  }
0x458: {  	[sflag:s6] =	ssyncset.done @!p2 $0x0;
	p2 =	por p2, p2  }
0x459: {  	[sflag:s6] =	ssyncadd.s32 @!p2 $0xFFFFF9C0;
	s6 =	simm.s32 @!p2 $0x2  }
0x45a: {  	_ =	swait.ge @!p2 [sflag:s6], $0x6400  }
0x45b: {  	[sflag:s6] =	ssyncset.done @!p2 $0x0  }
0x45c: {  	s7 =	simm.s32 @!p2 $0x3;
	[sflag:s6] =	ssyncadd.s32 @!p2 $0xFFFF9C00  }
0x45d: {  	[spmem:s3] =	stream.indirect.scatter.add.f32 @!p2 [tilespmem:s9], [sflag:$0x3], $0x10, s5, s9, $0xb8;
	[tilespmem:$0x1F0E0] =	vst v63  }
0x45e: {  	p3 =	sgt.u32 s1, $0x7C;
	s1 =	sadd.s32 $0xC80, s13;
	_ =	swait.ge @!p2 [sflag:s7], $0x6400  }
0x45f: {  	s6 =	simm.s32 $0x20;
	s5 =	sadd.s32 $0x64000, s14;
	[sflag:s7] =	ssyncset.done @!p2 $0x0  }
.LBB2_53:
0x460: {  	s8 =	simm.s32 @!p3 $0x0;
	s9 =	simm.s32 @!p3 $0x1;
	[sflag:s7] =	ssyncadd.s32 @!p2 $0xFFFF9C00  }
0x461: {  	[tilespmem:s8], [sflag:$0x1] =	stream.linear.gather @!p3 [hbm4b:s1+s8], $0x640, $0x38;
	[tilespmem:$0x1F0E0] =	vst v63  }
0x462: {  	s7 =	simm.s32 @!p3 $0x10;
	s11 =	simm.s32 @!p3 $0x80;
	s12 =	simm.s32 @!p3 $0x640  }
0x463: {  	[tilespmem:s12], [sflag:$0x2] =	stream.strided.gather @!p3 [hbm4b:s5+s7], $0x6400, s11, s7, $0x38;
	[tilespmem:$0x1F0E0] =	vst v63  }
0x464: {  	s11 =	smov.u32 s6;
	s6 =	sadd.s32 $0x10, s6;
	_ =	swait.ge @!p3 [sflag:s9], $0x640  }
0x465: {  	p2 =	por p3, p3;
	p4 =	sne.s32 s6, $0x80;
	[sflag:s9] =	ssyncset.done @!p3 $0x0  }
0x466: {  	s7 =	simm.s32 @!p2 $0x2;
	[sflag:s9] =	ssyncadd.s32 @!p2 $0xFFFFF9C0  }
0x467: {  	_ =	swait.ge @!p2 [sflag:s7], $0x6400  }
.Ltmp30:
0x468: {  	[sflag:s7] =	ssyncset.done @!p2 $0x0;
	(pc) =	sbr.rel @p4 .LBB2_53-.Ltmp30, $4  }
0x469: {  	[sflag:s7] =	ssyncadd.s32 @!p2 $0xFFFF9C00;
	s7 =	simm.s32 @!p2 $0x3  }
0x46a: {  	[spmem:s3] =	stream.indirect.scatter.add.f32 @!p2 [tilespmem:s12], [sflag:$0x3], $0x10, s8, s12, $0xb8;
	[tilespmem:$0x1F0E0] =	vst v63  }
0x46b: {  	s5 =	sadd.s32 $0x64000, s5;
	s8 =	sadd.s32 s11, s0;
	_ =	swait.ge @!p2 [sflag:s7], $0x6400  }
0x46c: {  	s1 =	sadd.s32 $0xC80, s1;
	p3 =	sgt.u32 s8, $0x7C;
	[sflag:s7] =	ssyncset.done @!p2 $0x0  }
0x46d: {  	s6 =	simm.s32 @!p3 $0x0;
	s8 =	simm.s32 @!p3 $0x1;
	[sflag:s7] =	ssyncadd.s32 @!p2 $0xFFFF9C00  }
0x46e: {  	[tilespmem:s6], [sflag:$0x1] =	stream.linear.gather @!p3 [hbm4b:s1+s6], $0x640, $0x38;
	[tilespmem:$0x1F0E0] =	vst v63  }
0x46f: {  	s7 =	simm.s32 @!p3 $0x80;
	s9 =	simm.s32 @!p3 $0x640;
	s1 =	simm.s32 @!p3 $0x10  }
0x470: {  	[tilespmem:s9], [sflag:$0x2] =	stream.strided.gather @!p3 [hbm4b:s5+s1], $0x6400, s7, s1, $0x38;
	[tilespmem:$0x1F0E0] =	vst v63  }
0x471: {  	_ =	swait.ge @!p3 [sflag:s8], $0x640  }
0x472: {  	p2 =	por p3, p3;
	[sflag:s8] =	ssyncset.done @!p3 $0x0  }
0x473: {  	s1 =	simm.s32 @!p2 $0x2;
	[sflag:s8] =	ssyncadd.s32 @!p2 $0xFFFFF9C0  }
0x474: {  	_ =	swait.ge @!p2 [sflag:s1], $0x6400  }
0x475: {  	[sflag:s1] =	ssyncset.done @!p2 $0x0  }
0x476: {  	[sflag:s1] =	ssyncadd.s32 @!p2 $0xFFFF9C00;
	s1 =	simm.s32 @!p2 $0x3  }
0x477: {  	[spmem:s3] =	stream.indirect.scatter.add.f32 @!p2 [tilespmem:s9], [sflag:$0x3], $0x10, s6, s9, $0xb8;
	[tilespmem:$0x1F0E0] =	vst v63  }
0x478: {  	_ =	swait.ge @!p2 [sflag:s1], $0x6400  }
0x479: {  	[sflag:s1] =	ssyncset.done @!p2 $0x0  }
0x47a: {  	[sflag:s1] =	ssyncadd.s32 @!p2 $0xFFFF9C00  }
0x47b: {  	[bflag:$0x0] =	sbarrier.arrive $0xFFFF  }
0x47c: {  	s21 =	rddreg [dreg:$0x11]  }
0x47d: {  	[hbm:s21], [sflag:s20] =	dma.local [spmem:s31], $0x30D4  }
.Ltmp31:
0x47e: {  	_ =	swait.ge [sflag:s30], $0x30D4;
	(pc) =	sbr.rel @p0 .LBB2_60-.Ltmp31, $3  }
0x47f: {  	[sflag:s30] =	ssyncset.done $0x0  }
0x480: {  	[sflag:s30] =	ssyncadd.s32 $0xFFFFCF2C  }
0x481: {  	[bflag:$0x0] =	sbarrier.arrive $0xFFFF;
	_ =	sdelay $0x1  }
.LBB2_55:
0x482: {  	[spmem:s31], [sflag:s20] =	dma.local [hbm:s2], $0x30D4  }
0x483: {  	_ =	swait.ge [sflag:s30], $0x30D4  }
0x484: {  	s1 =	sadd.s32 $0x0, s0;
	[sflag:s30] =	ssyncset.done $0x0  }
0x485: {  	p2 =	sgt.u32 s1, $0x7C;
	[sflag:s30] =	ssyncadd.s32 $0xFFFFCF2C  }
0x486: {  	s1 =	simm.s32 @!p2 $0x0;
	s5 =	simm.s32 @!p2 $0x1;
	[bflag:$0x0] =	sbarrier.arrive $0xFFFF  }
0x487: {  	[tilespmem:s1], [sflag:$0x1] =	stream.linear.gather @!p2 [hbm4b:s10+s1], $0x640, $0x38;
	[tilespmem:$0x1F0E0] =	vst v63  }
0x488: {  	s6 =	simm.s32 @!p2 $0x10;
	s7 =	simm.s32 @!p2 $0x80;
	s9 =	simm.s32 @!p2 $0x640  }
0x489: {  	[tilespmem:s9], [sflag:$0x2] =	stream.strided.gather @!p2 [hbm4b:s22+s6], $0x6400, s7, s6, $0x38;
	[tilespmem:$0x1F0E0] =	vst v63  }
0x48a: {  	_ =	swait.ge @!p2 [sflag:s5], $0x640  }
0x48b: {  	p3 =	por p2, p2;
	[sflag:s5] =	ssyncset.done @!p2 $0x0  }
0x48c: {  	[sflag:s5] =	ssyncadd.s32 @!p3 $0xFFFFF9C0;
	s5 =	simm.s32 @!p3 $0x2  }
0x48d: {  	_ =	swait.ge @!p3 [sflag:s5], $0x6400  }
0x48e: {  	[sflag:s5] =	ssyncset.done @!p3 $0x0  }
0x48f: {  	s8 =	simm.s32 @!p3 $0x3;
	s6 =	simm.s32 $0x20;
	[sflag:s5] =	ssyncadd.s32 @!p3 $0xFFFF9C00  }
0x490: {  	[spmem:s3] =	stream.indirect.scatter.add.f32 @!p3 [tilespmem:s9], [sflag:$0x3], $0x10, s1, s9, $0xb8;
	[tilespmem:$0x1F0E0] =	vst v63  }
0x491: {  	s7 =	sadd.s32 $0xC80, s10;
	s1 =	sadd.s32 $0x10, s0;
	_ =	swait.ge @!p3 [sflag:s8], $0x6400  }
0x492: {  	s5 =	sadd.s32 $0x64000, s22;
	p4 =	sgt.u32 s1, $0x7C;
	[sflag:s8] =	ssyncset.done @!p3 $0x0  }
.LBB2_56:
0x493: {  	s9 =	simm.s32 @!p4 $0x0;
	s11 =	simm.s32 @!p4 $0x1;
	[sflag:s8] =	ssyncadd.s32 @!p3 $0xFFFF9C00  }
0x494: {  	[tilespmem:s9], [sflag:$0x1] =	stream.linear.gather @!p4 [hbm4b:s7+s9], $0x640, $0x38;
	[tilespmem:$0x1F0E0] =	vst v63  }
0x495: {  	s8 =	simm.s32 @!p4 $0x10;
	s12 =	simm.s32 @!p4 $0x80;
	s21 =	simm.s32 @!p4 $0x640  }
0x496: {  	[tilespmem:s21], [sflag:$0x2] =	stream.strided.gather @!p4 [hbm4b:s5+s8], $0x6400, s12, s8, $0x38;
	[tilespmem:$0x1F0E0] =	vst v63  }
0x497: {  	s12 =	smov.u32 s6;
	s6 =	sadd.s32 $0x10, s6;
	_ =	swait.ge @!p4 [sflag:s11], $0x640  }
0x498: {  	p3 =	por p4, p4;
	p5 =	sne.s32 s6, $0x80;
	[sflag:s11] =	ssyncset.done @!p4 $0x0  }
0x499: {  	s8 =	simm.s32 @!p3 $0x2;
	[sflag:s11] =	ssyncadd.s32 @!p3 $0xFFFFF9C0  }
0x49a: {  	_ =	swait.ge @!p3 [sflag:s8], $0x6400  }
.Ltmp32:
0x49b: {  	[sflag:s8] =	ssyncset.done @!p3 $0x0;
	(pc) =	sbr.rel @p5 .LBB2_56-.Ltmp32, $4  }
0x49c: {  	[sflag:s8] =	ssyncadd.s32 @!p3 $0xFFFF9C00;
	s8 =	simm.s32 @!p3 $0x3  }
0x49d: {  	[spmem:s3] =	stream.indirect.scatter.add.f32 @!p3 [tilespmem:s21], [sflag:$0x3], $0x10, s9, s21, $0xb8;
	[tilespmem:$0x1F0E0] =	vst v63  }
0x49e: {  	s5 =	sadd.s32 $0x64000, s5;
	s9 =	sadd.s32 s12, s0;
	_ =	swait.ge @!p3 [sflag:s8], $0x6400  }
0x49f: {  	s7 =	sadd.s32 $0xC80, s7;
	p4 =	sgt.u32 s9, $0x7C;
	[sflag:s8] =	ssyncset.done @!p3 $0x0  }
0x4a0: {  	s6 =	simm.s32 @!p4 $0x0;
	s9 =	simm.s32 @!p4 $0x1;
	[sflag:s8] =	ssyncadd.s32 @!p3 $0xFFFF9C00  }
0x4a1: {  	[tilespmem:s6], [sflag:$0x1] =	stream.linear.gather @!p4 [hbm4b:s7+s6], $0x640, $0x38;
	[tilespmem:$0x1F0E0] =	vst v63  }
0x4a2: {  	s8 =	simm.s32 @!p4 $0x80;
	s11 =	simm.s32 @!p4 $0x640;
	s7 =	simm.s32 @!p4 $0x10  }
0x4a3: {  	[tilespmem:s11], [sflag:$0x2] =	stream.strided.gather @!p4 [hbm4b:s5+s7], $0x6400, s8, s7, $0x38;
	[tilespmem:$0x1F0E0] =	vst v63  }
0x4a4: {  	_ =	swait.ge @!p4 [sflag:s9], $0x640  }
0x4a5: {  	p3 =	por p4, p4;
	[sflag:s9] =	ssyncset.done @!p4 $0x0  }
0x4a6: {  	s5 =	simm.s32 @!p3 $0x2;
	[sflag:s9] =	ssyncadd.s32 @!p3 $0xFFFFF9C0  }
0x4a7: {  	_ =	swait.ge @!p3 [sflag:s5], $0x6400  }
0x4a8: {  	[sflag:s5] =	ssyncset.done @!p3 $0x0  }
0x4a9: {  	[sflag:s5] =	ssyncadd.s32 @!p3 $0xFFFF9C00;
	s5 =	simm.s32 @!p3 $0x3  }
0x4aa: {  	[spmem:s3] =	stream.indirect.scatter.add.f32 @!p3 [tilespmem:s11], [sflag:$0x3], $0x10, s6, s11, $0xb8;
	[tilespmem:$0x1F0E0] =	vst v63  }
0x4ab: {  	_ =	swait.ge @!p3 [sflag:s5], $0x6400  }
0x4ac: {  	[sflag:s5] =	ssyncset.done @!p3 $0x0  }
0x4ad: {  	s7 =	simm.s32 @!p2 $0x10;
	[sflag:s5] =	ssyncadd.s32 @!p3 $0xFFFF9C00;
	s5 =	simm.s32 @!p2 $0x0  }
0x4ae: {  	[tilespmem:s5], [sflag:$0x1] =	stream.linear.gather @!p2 [hbm4b:s13+s5], $0x640, $0x38;
	[tilespmem:$0x1F0E0] =	vst v63  }
0x4af: {  	s8 =	simm.s32 @!p2 $0x80;
	s9 =	simm.s32 @!p2 $0x640;
	s6 =	simm.s32 @!p2 $0x1  }
0x4b0: {  	[tilespmem:s9], [sflag:$0x2] =	stream.strided.gather @!p2 [hbm4b:s23+s7], $0x6400, s8, s7, $0x38;
	[tilespmem:$0x1F0E0] =	vst v63  }
0x4b1: {  	_ =	swait.ge @!p2 [sflag:s6], $0x640  }
0x4b2: {  	[sflag:s6] =	ssyncset.done @!p2 $0x0;
	p2 =	por p2, p2  }
0x4b3: {  	[sflag:s6] =	ssyncadd.s32 @!p2 $0xFFFFF9C0;
	s6 =	simm.s32 @!p2 $0x2  }
0x4b4: {  	_ =	swait.ge @!p2 [sflag:s6], $0x6400  }
0x4b5: {  	[sflag:s6] =	ssyncset.done @!p2 $0x0  }
0x4b6: {  	s7 =	simm.s32 @!p2 $0x3;
	[sflag:s6] =	ssyncadd.s32 @!p2 $0xFFFF9C00  }
0x4b7: {  	[spmem:s3] =	stream.indirect.scatter.add.f32 @!p2 [tilespmem:s9], [sflag:$0x3], $0x10, s5, s9, $0xb8;
	[tilespmem:$0x1F0E0] =	vst v63  }
0x4b8: {  	p3 =	sgt.u32 s1, $0x7C;
	s1 =	sadd.s32 $0xC80, s13;
	_ =	swait.ge @!p2 [sflag:s7], $0x6400  }
0x4b9: {  	s6 =	simm.s32 $0x20;
	s5 =	sadd.s32 $0x64000, s23;
	[sflag:s7] =	ssyncset.done @!p2 $0x0  }
.LBB2_58:
0x4ba: {  	s8 =	simm.s32 @!p3 $0x0;
	s9 =	simm.s32 @!p3 $0x1;
	[sflag:s7] =	ssyncadd.s32 @!p2 $0xFFFF9C00  }
0x4bb: {  	[tilespmem:s8], [sflag:$0x1] =	stream.linear.gather @!p3 [hbm4b:s1+s8], $0x640, $0x38;
	[tilespmem:$0x1F0E0] =	vst v63  }
0x4bc: {  	s7 =	simm.s32 @!p3 $0x10;
	s11 =	simm.s32 @!p3 $0x80;
	s12 =	simm.s32 @!p3 $0x640  }
0x4bd: {  	[tilespmem:s12], [sflag:$0x2] =	stream.strided.gather @!p3 [hbm4b:s5+s7], $0x6400, s11, s7, $0x38;
	[tilespmem:$0x1F0E0] =	vst v63  }
0x4be: {  	s11 =	smov.u32 s6;
	s6 =	sadd.s32 $0x10, s6;
	_ =	swait.ge @!p3 [sflag:s9], $0x640  }
0x4bf: {  	p2 =	por p3, p3;
	p4 =	sne.s32 s6, $0x80;
	[sflag:s9] =	ssyncset.done @!p3 $0x0  }
0x4c0: {  	s7 =	simm.s32 @!p2 $0x2;
	[sflag:s9] =	ssyncadd.s32 @!p2 $0xFFFFF9C0  }
0x4c1: {  	_ =	swait.ge @!p2 [sflag:s7], $0x6400  }
.Ltmp33:
0x4c2: {  	[sflag:s7] =	ssyncset.done @!p2 $0x0;
	(pc) =	sbr.rel @p4 .LBB2_58-.Ltmp33, $4  }
0x4c3: {  	[sflag:s7] =	ssyncadd.s32 @!p2 $0xFFFF9C00;
	s7 =	simm.s32 @!p2 $0x3  }
0x4c4: {  	[spmem:s3] =	stream.indirect.scatter.add.f32 @!p2 [tilespmem:s12], [sflag:$0x3], $0x10, s8, s12, $0xb8;
	[tilespmem:$0x1F0E0] =	vst v63  }
0x4c5: {  	s5 =	sadd.s32 $0x64000, s5;
	s8 =	sadd.s32 s11, s0;
	_ =	swait.ge @!p2 [sflag:s7], $0x6400  }
0x4c6: {  	s1 =	sadd.s32 $0xC80, s1;
	p3 =	sgt.u32 s8, $0x7C;
	[sflag:s7] =	ssyncset.done @!p2 $0x0  }
0x4c7: {  	s6 =	simm.s32 @!p3 $0x0;
	s8 =	simm.s32 @!p3 $0x1;
	[sflag:s7] =	ssyncadd.s32 @!p2 $0xFFFF9C00  }
0x4c8: {  	[tilespmem:s6], [sflag:$0x1] =	stream.linear.gather @!p3 [hbm4b:s1+s6], $0x640, $0x38;
	[tilespmem:$0x1F0E0] =	vst v63  }
0x4c9: {  	s7 =	simm.s32 @!p3 $0x80;
	s9 =	simm.s32 @!p3 $0x640;
	s1 =	simm.s32 @!p3 $0x10  }
0x4ca: {  	[tilespmem:s9], [sflag:$0x2] =	stream.strided.gather @!p3 [hbm4b:s5+s1], $0x6400, s7, s1, $0x38;
	[tilespmem:$0x1F0E0] =	vst v63  }
0x4cb: {  	_ =	swait.ge @!p3 [sflag:s8], $0x640  }
0x4cc: {  	p2 =	por p3, p3;
	[sflag:s8] =	ssyncset.done @!p3 $0x0  }
0x4cd: {  	s1 =	simm.s32 @!p2 $0x2;
	[sflag:s8] =	ssyncadd.s32 @!p2 $0xFFFFF9C0  }
0x4ce: {  	_ =	swait.ge @!p2 [sflag:s1], $0x6400  }
0x4cf: {  	[sflag:s1] =	ssyncset.done @!p2 $0x0  }
0x4d0: {  	[sflag:s1] =	ssyncadd.s32 @!p2 $0xFFFF9C00;
	s1 =	simm.s32 @!p2 $0x3  }
0x4d1: {  	[spmem:s3] =	stream.indirect.scatter.add.f32 @!p2 [tilespmem:s9], [sflag:$0x3], $0x10, s6, s9, $0xb8;
	[tilespmem:$0x1F0E0] =	vst v63  }
0x4d2: {  	_ =	swait.ge @!p2 [sflag:s1], $0x6400  }
0x4d3: {  	[sflag:s1] =	ssyncset.done @!p2 $0x0  }
0x4d4: {  	[sflag:s1] =	ssyncadd.s32 @!p2 $0xFFFF9C00  }
0x4d5: {  	[bflag:$0x0] =	sbarrier.arrive $0xFFFF  }
0x4d6: {  	s21 =	rddreg [dreg:$0x12]  }
0x4d7: {  	[hbm:s21], [sflag:s20] =	dma.local [spmem:s31], $0x30D4  }
.Ltmp34:
0x4d8: {  	_ =	swait.ge [sflag:s30], $0x30D4;
	(pc) =	sbr.rel @p1 .LBB2_65-.Ltmp34, $3  }
0x4d9: {  	[sflag:s30] =	ssyncset.done $0x0  }
0x4da: {  	[sflag:s30] =	ssyncadd.s32 $0xFFFFCF2C  }
0x4db: {  	[bflag:$0x0] =	sbarrier.arrive $0xFFFF;
	_ =	sdelay $0x1  }
.LBB2_60:
0x4dc: {  	[spmem:s31], [sflag:s20] =	dma.local [hbm:s2], $0x30D4  }
0x4dd: {  	_ =	swait.ge [sflag:s30], $0x30D4  }
0x4de: {  	s1 =	sadd.s32 $0x0, s0;
	[sflag:s30] =	ssyncset.done $0x0  }
0x4df: {  	p2 =	sgt.u32 s1, $0x7C;
	[sflag:s30] =	ssyncadd.s32 $0xFFFFCF2C  }
0x4e0: {  	s1 =	simm.s32 @!p2 $0x0;
	s5 =	simm.s32 @!p2 $0x1;
	[bflag:$0x0] =	sbarrier.arrive $0xFFFF  }
0x4e1: {  	[tilespmem:s1], [sflag:$0x1] =	stream.linear.gather @!p2 [hbm4b:s10+s1], $0x640, $0x38;
	[tilespmem:$0x1F0E0] =	vst v63  }
0x4e2: {  	s6 =	simm.s32 @!p2 $0x10;
	s7 =	simm.s32 @!p2 $0x80;
	s9 =	simm.s32 @!p2 $0x640  }
0x4e3: {  	[tilespmem:s9], [sflag:$0x2] =	stream.strided.gather @!p2 [hbm4b:s25+s6], $0x6400, s7, s6, $0x38;
	[tilespmem:$0x1F0E0] =	vst v63  }
0x4e4: {  	_ =	swait.ge @!p2 [sflag:s5], $0x640  }
0x4e5: {  	p3 =	por p2, p2;
	[sflag:s5] =	ssyncset.done @!p2 $0x0  }
0x4e6: {  	[sflag:s5] =	ssyncadd.s32 @!p3 $0xFFFFF9C0;
	s5 =	simm.s32 @!p3 $0x2  }
0x4e7: {  	_ =	swait.ge @!p3 [sflag:s5], $0x6400  }
0x4e8: {  	[sflag:s5] =	ssyncset.done @!p3 $0x0  }
0x4e9: {  	s8 =	simm.s32 @!p3 $0x3;
	s6 =	simm.s32 $0x20;
	[sflag:s5] =	ssyncadd.s32 @!p3 $0xFFFF9C00  }
0x4ea: {  	[spmem:s3] =	stream.indirect.scatter.add.f32 @!p3 [tilespmem:s9], [sflag:$0x3], $0x10, s1, s9, $0xb8;
	[tilespmem:$0x1F0E0] =	vst v63  }
0x4eb: {  	s7 =	sadd.s32 $0xC80, s10;
	s1 =	sadd.s32 $0x10, s0;
	_ =	swait.ge @!p3 [sflag:s8], $0x6400  }
0x4ec: {  	s5 =	sadd.s32 $0x64000, s25;
	p4 =	sgt.u32 s1, $0x7C;
	[sflag:s8] =	ssyncset.done @!p3 $0x0  }
.LBB2_61:
0x4ed: {  	s9 =	simm.s32 @!p4 $0x0;
	s11 =	simm.s32 @!p4 $0x1;
	[sflag:s8] =	ssyncadd.s32 @!p3 $0xFFFF9C00  }
0x4ee: {  	[tilespmem:s9], [sflag:$0x1] =	stream.linear.gather @!p4 [hbm4b:s7+s9], $0x640, $0x38;
	[tilespmem:$0x1F0E0] =	vst v63  }
0x4ef: {  	s8 =	simm.s32 @!p4 $0x10;
	s12 =	simm.s32 @!p4 $0x80;
	s21 =	simm.s32 @!p4 $0x640  }
0x4f0: {  	[tilespmem:s21], [sflag:$0x2] =	stream.strided.gather @!p4 [hbm4b:s5+s8], $0x6400, s12, s8, $0x38;
	[tilespmem:$0x1F0E0] =	vst v63  }
0x4f1: {  	s12 =	smov.u32 s6;
	s6 =	sadd.s32 $0x10, s6;
	_ =	swait.ge @!p4 [sflag:s11], $0x640  }
0x4f2: {  	p3 =	por p4, p4;
	p5 =	sne.s32 s6, $0x80;
	[sflag:s11] =	ssyncset.done @!p4 $0x0  }
0x4f3: {  	s8 =	simm.s32 @!p3 $0x2;
	[sflag:s11] =	ssyncadd.s32 @!p3 $0xFFFFF9C0  }
0x4f4: {  	_ =	swait.ge @!p3 [sflag:s8], $0x6400  }
.Ltmp35:
0x4f5: {  	[sflag:s8] =	ssyncset.done @!p3 $0x0;
	(pc) =	sbr.rel @p5 .LBB2_61-.Ltmp35, $4  }
0x4f6: {  	[sflag:s8] =	ssyncadd.s32 @!p3 $0xFFFF9C00;
	s8 =	simm.s32 @!p3 $0x3  }
0x4f7: {  	[spmem:s3] =	stream.indirect.scatter.add.f32 @!p3 [tilespmem:s21], [sflag:$0x3], $0x10, s9, s21, $0xb8;
	[tilespmem:$0x1F0E0] =	vst v63  }
0x4f8: {  	s5 =	sadd.s32 $0x64000, s5;
	s9 =	sadd.s32 s12, s0;
	_ =	swait.ge @!p3 [sflag:s8], $0x6400  }
0x4f9: {  	s7 =	sadd.s32 $0xC80, s7;
	p4 =	sgt.u32 s9, $0x7C;
	[sflag:s8] =	ssyncset.done @!p3 $0x0  }
0x4fa: {  	s6 =	simm.s32 @!p4 $0x0;
	s9 =	simm.s32 @!p4 $0x1;
	[sflag:s8] =	ssyncadd.s32 @!p3 $0xFFFF9C00  }
0x4fb: {  	[tilespmem:s6], [sflag:$0x1] =	stream.linear.gather @!p4 [hbm4b:s7+s6], $0x640, $0x38;
	[tilespmem:$0x1F0E0] =	vst v63  }
0x4fc: {  	s8 =	simm.s32 @!p4 $0x80;
	s11 =	simm.s32 @!p4 $0x640;
	s7 =	simm.s32 @!p4 $0x10  }
0x4fd: {  	[tilespmem:s11], [sflag:$0x2] =	stream.strided.gather @!p4 [hbm4b:s5+s7], $0x6400, s8, s7, $0x38;
	[tilespmem:$0x1F0E0] =	vst v63  }
0x4fe: {  	_ =	swait.ge @!p4 [sflag:s9], $0x640  }
0x4ff: {  	p3 =	por p4, p4;
	[sflag:s9] =	ssyncset.done @!p4 $0x0  }
0x500: {  	s5 =	simm.s32 @!p3 $0x2;
	[sflag:s9] =	ssyncadd.s32 @!p3 $0xFFFFF9C0  }
0x501: {  	_ =	swait.ge @!p3 [sflag:s5], $0x6400  }
0x502: {  	[sflag:s5] =	ssyncset.done @!p3 $0x0  }
0x503: {  	[sflag:s5] =	ssyncadd.s32 @!p3 $0xFFFF9C00;
	s5 =	simm.s32 @!p3 $0x3  }
0x504: {  	[spmem:s3] =	stream.indirect.scatter.add.f32 @!p3 [tilespmem:s11], [sflag:$0x3], $0x10, s6, s11, $0xb8;
	[tilespmem:$0x1F0E0] =	vst v63  }
0x505: {  	_ =	swait.ge @!p3 [sflag:s5], $0x6400  }
0x506: {  	[sflag:s5] =	ssyncset.done @!p3 $0x0  }
0x507: {  	s7 =	simm.s32 @!p2 $0x10;
	[sflag:s5] =	ssyncadd.s32 @!p3 $0xFFFF9C00;
	s5 =	simm.s32 @!p2 $0x0  }
0x508: {  	[tilespmem:s5], [sflag:$0x1] =	stream.linear.gather @!p2 [hbm4b:s13+s5], $0x640, $0x38;
	[tilespmem:$0x1F0E0] =	vst v63  }
0x509: {  	s8 =	simm.s32 @!p2 $0x80;
	s9 =	simm.s32 @!p2 $0x640;
	s6 =	simm.s32 @!p2 $0x1  }
0x50a: {  	[tilespmem:s9], [sflag:$0x2] =	stream.strided.gather @!p2 [hbm4b:s26+s7], $0x6400, s8, s7, $0x38;
	[tilespmem:$0x1F0E0] =	vst v63  }
0x50b: {  	_ =	swait.ge @!p2 [sflag:s6], $0x640  }
0x50c: {  	[sflag:s6] =	ssyncset.done @!p2 $0x0;
	p2 =	por p2, p2  }
0x50d: {  	[sflag:s6] =	ssyncadd.s32 @!p2 $0xFFFFF9C0;
	s6 =	simm.s32 @!p2 $0x2  }
0x50e: {  	_ =	swait.ge @!p2 [sflag:s6], $0x6400  }
0x50f: {  	[sflag:s6] =	ssyncset.done @!p2 $0x0  }
0x510: {  	s7 =	simm.s32 @!p2 $0x3;
	[sflag:s6] =	ssyncadd.s32 @!p2 $0xFFFF9C00  }
0x511: {  	[spmem:s3] =	stream.indirect.scatter.add.f32 @!p2 [tilespmem:s9], [sflag:$0x3], $0x10, s5, s9, $0xb8;
	[tilespmem:$0x1F0E0] =	vst v63  }
0x512: {  	p3 =	sgt.u32 s1, $0x7C;
	s1 =	sadd.s32 $0xC80, s13;
	_ =	swait.ge @!p2 [sflag:s7], $0x6400  }
0x513: {  	s6 =	simm.s32 $0x20;
	s5 =	sadd.s32 $0x64000, s26;
	[sflag:s7] =	ssyncset.done @!p2 $0x0  }
.LBB2_63:
0x514: {  	s8 =	simm.s32 @!p3 $0x0;
	s9 =	simm.s32 @!p3 $0x1;
	[sflag:s7] =	ssyncadd.s32 @!p2 $0xFFFF9C00  }
0x515: {  	[tilespmem:s8], [sflag:$0x1] =	stream.linear.gather @!p3 [hbm4b:s1+s8], $0x640, $0x38;
	[tilespmem:$0x1F0E0] =	vst v63  }
0x516: {  	s7 =	simm.s32 @!p3 $0x10;
	s11 =	simm.s32 @!p3 $0x80;
	s12 =	simm.s32 @!p3 $0x640  }
0x517: {  	[tilespmem:s12], [sflag:$0x2] =	stream.strided.gather @!p3 [hbm4b:s5+s7], $0x6400, s11, s7, $0x38;
	[tilespmem:$0x1F0E0] =	vst v63  }
0x518: {  	s11 =	smov.u32 s6;
	s6 =	sadd.s32 $0x10, s6;
	_ =	swait.ge @!p3 [sflag:s9], $0x640  }
0x519: {  	p2 =	por p3, p3;
	p4 =	sne.s32 s6, $0x80;
	[sflag:s9] =	ssyncset.done @!p3 $0x0  }
0x51a: {  	s7 =	simm.s32 @!p2 $0x2;
	[sflag:s9] =	ssyncadd.s32 @!p2 $0xFFFFF9C0  }
0x51b: {  	_ =	swait.ge @!p2 [sflag:s7], $0x6400  }
.Ltmp36:
0x51c: {  	[sflag:s7] =	ssyncset.done @!p2 $0x0;
	(pc) =	sbr.rel @p4 .LBB2_63-.Ltmp36, $4  }
0x51d: {  	[sflag:s7] =	ssyncadd.s32 @!p2 $0xFFFF9C00;
	s7 =	simm.s32 @!p2 $0x3  }
0x51e: {  	[spmem:s3] =	stream.indirect.scatter.add.f32 @!p2 [tilespmem:s12], [sflag:$0x3], $0x10, s8, s12, $0xb8;
	[tilespmem:$0x1F0E0] =	vst v63  }
0x51f: {  	s5 =	sadd.s32 $0x64000, s5;
	s8 =	sadd.s32 s11, s0;
	_ =	swait.ge @!p2 [sflag:s7], $0x6400  }
0x520: {  	s1 =	sadd.s32 $0xC80, s1;
	p3 =	sgt.u32 s8, $0x7C;
	[sflag:s7] =	ssyncset.done @!p2 $0x0  }
0x521: {  	s6 =	simm.s32 @!p3 $0x0;
	s8 =	simm.s32 @!p3 $0x1;
	[sflag:s7] =	ssyncadd.s32 @!p2 $0xFFFF9C00  }
0x522: {  	[tilespmem:s6], [sflag:$0x1] =	stream.linear.gather @!p3 [hbm4b:s1+s6], $0x640, $0x38;
	[tilespmem:$0x1F0E0] =	vst v63  }
0x523: {  	s7 =	simm.s32 @!p3 $0x80;
	s9 =	simm.s32 @!p3 $0x640;
	s1 =	simm.s32 @!p3 $0x10  }
0x524: {  	[tilespmem:s9], [sflag:$0x2] =	stream.strided.gather @!p3 [hbm4b:s5+s1], $0x6400, s7, s1, $0x38;
	[tilespmem:$0x1F0E0] =	vst v63  }
0x525: {  	_ =	swait.ge @!p3 [sflag:s8], $0x640  }
0x526: {  	p2 =	por p3, p3;
	[sflag:s8] =	ssyncset.done @!p3 $0x0  }
0x527: {  	s1 =	simm.s32 @!p2 $0x2;
	[sflag:s8] =	ssyncadd.s32 @!p2 $0xFFFFF9C0  }
0x528: {  	_ =	swait.ge @!p2 [sflag:s1], $0x6400  }
0x529: {  	[sflag:s1] =	ssyncset.done @!p2 $0x0  }
0x52a: {  	[sflag:s1] =	ssyncadd.s32 @!p2 $0xFFFF9C00;
	s1 =	simm.s32 @!p2 $0x3  }
0x52b: {  	[spmem:s3] =	stream.indirect.scatter.add.f32 @!p2 [tilespmem:s9], [sflag:$0x3], $0x10, s6, s9, $0xb8;
	[tilespmem:$0x1F0E0] =	vst v63  }
0x52c: {  	_ =	swait.ge @!p2 [sflag:s1], $0x6400  }
0x52d: {  	[sflag:s1] =	ssyncset.done @!p2 $0x0  }
0x52e: {  	[sflag:s1] =	ssyncadd.s32 @!p2 $0xFFFF9C00  }
0x52f: {  	[bflag:$0x0] =	sbarrier.arrive $0xFFFF  }
0x530: {  	s21 =	rddreg [dreg:$0x13]  }
0x531: {  	[hbm:s21], [sflag:s20] =	dma.local [spmem:s31], $0x30D4  }
.Ltmp37:
0x532: {  	_ =	swait.ge [sflag:s30], $0x30D4;
	(pc) =	sbr.rel @p0 .LBB2_70-.Ltmp37, $3  }
0x533: {  	[sflag:s30] =	ssyncset.done $0x0  }
0x534: {  	[sflag:s30] =	ssyncadd.s32 $0xFFFFCF2C  }
0x535: {  	[bflag:$0x0] =	sbarrier.arrive $0xFFFF;
	_ =	sdelay $0x1  }
.LBB2_65:
0x536: {  	[spmem:s31], [sflag:s20] =	dma.local [hbm:s2], $0x30D4  }
0x537: {  	_ =	swait.ge [sflag:s30], $0x30D4  }
0x538: {  	s1 =	sadd.s32 $0x0, s0;
	[sflag:s30] =	ssyncset.done $0x0  }
0x539: {  	p2 =	sgt.u32 s1, $0x7C;
	[sflag:s30] =	ssyncadd.s32 $0xFFFFCF2C  }
0x53a: {  	s1 =	simm.s32 @!p2 $0x0;
	s5 =	simm.s32 @!p2 $0x1;
	[bflag:$0x0] =	sbarrier.arrive $0xFFFF  }
0x53b: {  	[tilespmem:s1], [sflag:$0x1] =	stream.linear.gather @!p2 [hbm4b:s10+s1], $0x640, $0x38;
	[tilespmem:$0x1F0E0] =	vst v63  }
0x53c: {  	s6 =	simm.s32 @!p2 $0x10;
	s7 =	simm.s32 @!p2 $0x80;
	s9 =	simm.s32 @!p2 $0x640  }
0x53d: {  	[tilespmem:s9], [sflag:$0x2] =	stream.strided.gather @!p2 [hbm4b:s28+s6], $0x6400, s7, s6, $0x38;
	[tilespmem:$0x1F0E0] =	vst v63  }
0x53e: {  	_ =	swait.ge @!p2 [sflag:s5], $0x640  }
0x53f: {  	p3 =	por p2, p2;
	[sflag:s5] =	ssyncset.done @!p2 $0x0  }
0x540: {  	[sflag:s5] =	ssyncadd.s32 @!p3 $0xFFFFF9C0;
	s5 =	simm.s32 @!p3 $0x2  }
0x541: {  	_ =	swait.ge @!p3 [sflag:s5], $0x6400  }
0x542: {  	[sflag:s5] =	ssyncset.done @!p3 $0x0  }
0x543: {  	s8 =	simm.s32 @!p3 $0x3;
	s6 =	simm.s32 $0x20;
	[sflag:s5] =	ssyncadd.s32 @!p3 $0xFFFF9C00  }
0x544: {  	[spmem:s3] =	stream.indirect.scatter.add.f32 @!p3 [tilespmem:s9], [sflag:$0x3], $0x10, s1, s9, $0xb8;
	[tilespmem:$0x1F0E0] =	vst v63  }
0x545: {  	s7 =	sadd.s32 $0xC80, s10;
	s1 =	sadd.s32 $0x10, s0;
	_ =	swait.ge @!p3 [sflag:s8], $0x6400  }
0x546: {  	s5 =	sadd.s32 $0x64000, s28;
	p4 =	sgt.u32 s1, $0x7C;
	[sflag:s8] =	ssyncset.done @!p3 $0x0  }
.LBB2_66:
0x547: {  	s9 =	simm.s32 @!p4 $0x0;
	s11 =	simm.s32 @!p4 $0x1;
	[sflag:s8] =	ssyncadd.s32 @!p3 $0xFFFF9C00  }
0x548: {  	[tilespmem:s9], [sflag:$0x1] =	stream.linear.gather @!p4 [hbm4b:s7+s9], $0x640, $0x38;
	[tilespmem:$0x1F0E0] =	vst v63  }
0x549: {  	s8 =	simm.s32 @!p4 $0x10;
	s12 =	simm.s32 @!p4 $0x80;
	s21 =	simm.s32 @!p4 $0x640  }
0x54a: {  	[tilespmem:s21], [sflag:$0x2] =	stream.strided.gather @!p4 [hbm4b:s5+s8], $0x6400, s12, s8, $0x38;
	[tilespmem:$0x1F0E0] =	vst v63  }
0x54b: {  	s12 =	smov.u32 s6;
	s6 =	sadd.s32 $0x10, s6;
	_ =	swait.ge @!p4 [sflag:s11], $0x640  }
0x54c: {  	p3 =	por p4, p4;
	p5 =	sne.s32 s6, $0x80;
	[sflag:s11] =	ssyncset.done @!p4 $0x0  }
0x54d: {  	s8 =	simm.s32 @!p3 $0x2;
	[sflag:s11] =	ssyncadd.s32 @!p3 $0xFFFFF9C0  }
0x54e: {  	_ =	swait.ge @!p3 [sflag:s8], $0x6400  }
.Ltmp38:
0x54f: {  	[sflag:s8] =	ssyncset.done @!p3 $0x0;
	(pc) =	sbr.rel @p5 .LBB2_66-.Ltmp38, $4  }
0x550: {  	[sflag:s8] =	ssyncadd.s32 @!p3 $0xFFFF9C00;
	s8 =	simm.s32 @!p3 $0x3  }
0x551: {  	[spmem:s3] =	stream.indirect.scatter.add.f32 @!p3 [tilespmem:s21], [sflag:$0x3], $0x10, s9, s21, $0xb8;
	[tilespmem:$0x1F0E0] =	vst v63  }
0x552: {  	s5 =	sadd.s32 $0x64000, s5;
	s9 =	sadd.s32 s12, s0;
	_ =	swait.ge @!p3 [sflag:s8], $0x6400  }
0x553: {  	s7 =	sadd.s32 $0xC80, s7;
	p4 =	sgt.u32 s9, $0x7C;
	[sflag:s8] =	ssyncset.done @!p3 $0x0  }
0x554: {  	s6 =	simm.s32 @!p4 $0x0;
	s9 =	simm.s32 @!p4 $0x1;
	[sflag:s8] =	ssyncadd.s32 @!p3 $0xFFFF9C00  }
0x555: {  	[tilespmem:s6], [sflag:$0x1] =	stream.linear.gather @!p4 [hbm4b:s7+s6], $0x640, $0x38;
	[tilespmem:$0x1F0E0] =	vst v63  }
0x556: {  	s8 =	simm.s32 @!p4 $0x80;
	s11 =	simm.s32 @!p4 $0x640;
	s7 =	simm.s32 @!p4 $0x10  }
0x557: {  	[tilespmem:s11], [sflag:$0x2] =	stream.strided.gather @!p4 [hbm4b:s5+s7], $0x6400, s8, s7, $0x38;
	[tilespmem:$0x1F0E0] =	vst v63  }
0x558: {  	_ =	swait.ge @!p4 [sflag:s9], $0x640  }
0x559: {  	p3 =	por p4, p4;
	[sflag:s9] =	ssyncset.done @!p4 $0x0  }
0x55a: {  	s5 =	simm.s32 @!p3 $0x2;
	[sflag:s9] =	ssyncadd.s32 @!p3 $0xFFFFF9C0  }
0x55b: {  	_ =	swait.ge @!p3 [sflag:s5], $0x6400  }
0x55c: {  	[sflag:s5] =	ssyncset.done @!p3 $0x0  }
0x55d: {  	[sflag:s5] =	ssyncadd.s32 @!p3 $0xFFFF9C00;
	s5 =	simm.s32 @!p3 $0x3  }
0x55e: {  	[spmem:s3] =	stream.indirect.scatter.add.f32 @!p3 [tilespmem:s11], [sflag:$0x3], $0x10, s6, s11, $0xb8;
	[tilespmem:$0x1F0E0] =	vst v63  }
0x55f: {  	_ =	swait.ge @!p3 [sflag:s5], $0x6400  }
0x560: {  	[sflag:s5] =	ssyncset.done @!p3 $0x0  }
0x561: {  	s7 =	simm.s32 @!p2 $0x10;
	[sflag:s5] =	ssyncadd.s32 @!p3 $0xFFFF9C00;
	s5 =	simm.s32 @!p2 $0x0  }
0x562: {  	[tilespmem:s5], [sflag:$0x1] =	stream.linear.gather @!p2 [hbm4b:s13+s5], $0x640, $0x38;
	[tilespmem:$0x1F0E0] =	vst v63  }
0x563: {  	s8 =	simm.s32 @!p2 $0x80;
	s9 =	simm.s32 @!p2 $0x640;
	s6 =	simm.s32 @!p2 $0x1  }
0x564: {  	[tilespmem:s9], [sflag:$0x2] =	stream.strided.gather @!p2 [hbm4b:s29+s7], $0x6400, s8, s7, $0x38;
	[tilespmem:$0x1F0E0] =	vst v63  }
0x565: {  	_ =	swait.ge @!p2 [sflag:s6], $0x640  }
0x566: {  	[sflag:s6] =	ssyncset.done @!p2 $0x0;
	p2 =	por p2, p2  }
0x567: {  	[sflag:s6] =	ssyncadd.s32 @!p2 $0xFFFFF9C0;
	s6 =	simm.s32 @!p2 $0x2  }
0x568: {  	_ =	swait.ge @!p2 [sflag:s6], $0x6400  }
0x569: {  	[sflag:s6] =	ssyncset.done @!p2 $0x0  }
0x56a: {  	s7 =	simm.s32 @!p2 $0x3;
	[sflag:s6] =	ssyncadd.s32 @!p2 $0xFFFF9C00  }
0x56b: {  	[spmem:s3] =	stream.indirect.scatter.add.f32 @!p2 [tilespmem:s9], [sflag:$0x3], $0x10, s5, s9, $0xb8;
	[tilespmem:$0x1F0E0] =	vst v63  }
0x56c: {  	p3 =	sgt.u32 s1, $0x7C;
	s1 =	sadd.s32 $0xC80, s13;
	_ =	swait.ge @!p2 [sflag:s7], $0x6400  }
0x56d: {  	s6 =	simm.s32 $0x20;
	s5 =	sadd.s32 $0x64000, s29;
	[sflag:s7] =	ssyncset.done @!p2 $0x0  }
.LBB2_68:
0x56e: {  	s8 =	simm.s32 @!p3 $0x0;
	s9 =	simm.s32 @!p3 $0x1;
	[sflag:s7] =	ssyncadd.s32 @!p2 $0xFFFF9C00  }
0x56f: {  	[tilespmem:s8], [sflag:$0x1] =	stream.linear.gather @!p3 [hbm4b:s1+s8], $0x640, $0x38;
	[tilespmem:$0x1F0E0] =	vst v63  }
0x570: {  	s7 =	simm.s32 @!p3 $0x10;
	s11 =	simm.s32 @!p3 $0x80;
	s12 =	simm.s32 @!p3 $0x640  }
0x571: {  	[tilespmem:s12], [sflag:$0x2] =	stream.strided.gather @!p3 [hbm4b:s5+s7], $0x6400, s11, s7, $0x38;
	[tilespmem:$0x1F0E0] =	vst v63  }
0x572: {  	s11 =	smov.u32 s6;
	s6 =	sadd.s32 $0x10, s6;
	_ =	swait.ge @!p3 [sflag:s9], $0x640  }
0x573: {  	p2 =	por p3, p3;
	p4 =	sne.s32 s6, $0x80;
	[sflag:s9] =	ssyncset.done @!p3 $0x0  }
0x574: {  	s7 =	simm.s32 @!p2 $0x2;
	[sflag:s9] =	ssyncadd.s32 @!p2 $0xFFFFF9C0  }
0x575: {  	_ =	swait.ge @!p2 [sflag:s7], $0x6400  }
.Ltmp39:
0x576: {  	[sflag:s7] =	ssyncset.done @!p2 $0x0;
	(pc) =	sbr.rel @p4 .LBB2_68-.Ltmp39, $4  }
0x577: {  	[sflag:s7] =	ssyncadd.s32 @!p2 $0xFFFF9C00;
	s7 =	simm.s32 @!p2 $0x3  }
0x578: {  	[spmem:s3] =	stream.indirect.scatter.add.f32 @!p2 [tilespmem:s12], [sflag:$0x3], $0x10, s8, s12, $0xb8;
	[tilespmem:$0x1F0E0] =	vst v63  }
0x579: {  	s5 =	sadd.s32 $0x64000, s5;
	s8 =	sadd.s32 s11, s0;
	_ =	swait.ge @!p2 [sflag:s7], $0x6400  }
0x57a: {  	s1 =	sadd.s32 $0xC80, s1;
	p3 =	sgt.u32 s8, $0x7C;
	[sflag:s7] =	ssyncset.done @!p2 $0x0  }
.Ltmp40:
0x57b: {  	_ = 	snop;
	(pc) =	sbr.rel .LBB2_69-.Ltmp40, $1  }
0x57c: {  	_ =	sdelay $0x3  }
.LBB2_71:
0x57d: {  	_ =	sfence.sel $0x180000  }
0x57e: {  	[bflag:$0x0] =	sbarrier.arrive $0xFFFF  }
0x57f: {  	_ =	strace $0x9000004A  }
0x580: {  	[bflag:$0x2] =	sbarrier.arrive $0xFFFF  }
0x581: {  	p0 =	sne.s32 s0, $0x0;
	s0 =	rddreg [dreg:$0x5]  }
0x582: {  	s0 =	sadd.s32 @!p0 $0x100000, s0  }
0x583: {  	[sflag:s0] =	ssyncadd.tile.s32 @!p0 $0x1;
	_ =	shalt  }
.Lfunc_end2:
_tile_overlayer_lowered:
.L_overlay_start_2:
0x584: {  	(tag) =	ssettag $0x2  }
0x585: {  	s0 =	rddreg [dreg:$0x0];
	s2 =	stileid.u32  }
0x586: {  	s1 =	rddreg [dreg:$0x1];
	p0 =	sne.s32 s2, $0x0  }
0x587: {  	s3 =	rddreg [dreg:$0x2];
	[bflag:$0x3] =	sbarrier.arrive $0xFFFF;
	s2 =	simm.s32 @!p0 $0x1C03  }
0x588: {  	[timem:s3], [sflag:s2] =	dma.local @!p0 [hbm:s0], s1  }
0x589: {  	s0 =	simm.s32 @!p0 $0x3  }
0x58a: {  	_ =	swait.ge @!p0 [sflag:s0], s1  }
0x58b: {  	s1 =	ssub.s32 @!p0 $0x0, s1;
	[sflag:s0] =	ssyncset.done @!p0 $0x0  }
0x58c: {  	[sflag:s0] =	ssyncadd.s32 @!p0 s1  }
0x58d: {  	[bflag:$0x3] =	sbarrier.arrive $0xFFFF  }
0x58e: {  	_ =	shalt  }

</sc_bundles>
